<compile_context>
chip_gen: v7x
topology: tpu7x:2x2x1
jax: 0.10.2.dev20260603
libtpu: 0.0.44.dev20260713+nightly
codegen_flags: <defaults>
</compile_context>

<pallas_src>
import functools

import jax
import jax.numpy as jnp
from jax import lax
from jax.experimental import pallas as pl
from jax.experimental.pallas import tpu as pltpu
from jax.experimental.pallas import tpu_sc as plsc

B, N, D = 4, 4096, 1024
NC, NS = 2, 16
NW = NC * NS
NPW = N // NW
C = 16
NCH = NPW // C
TOT = NCH * B
CW = C * D
NSLOT = 5
P = 3

_mesh = plsc.VectorSubcoreMesh(core_axis_name="c", subcore_axis_name="s")


@functools.partial(
    pl.kernel,
    mesh=_mesh,
    out_type=jax.ShapeDtypeStruct((B * N, D), jnp.float32),
    scratch_types=(
        [pltpu.VMEM((C, D), jnp.float32)] * 2
        + [pltpu.VMEM((C, D), jnp.float32)] * NSLOT
        + [pltpu.SemaphoreType.DMA] * 2
        + [pltpu.SemaphoreType.DMA] * NSLOT
        + [pltpu.SemaphoreType.DMA] * NSLOT
    ),
)
def _pos_add(x_hbm, t_hbm, o_hbm, *rest):
    tbufs = rest[:2]
    xbufs = rest[2:2 + NSLOT]
    tsems = rest[2 + NSLOT:4 + NSLOT]
    ldsems = rest[4 + NSLOT:4 + 2 * NSLOT]
    stsems = rest[4 + 2 * NSLOT:4 + 3 * NSLOT]

    wid = lax.axis_index("s") * NC + lax.axis_index("c")
    nbase = wid * NPW

    def x_slice(k):
        nc_, b_ = k // B, k % B
        return pl.ds(b_ * N + nbase + nc_ * C, C)

    def t_slice(nc_):
        return pl.ds(nbase + nc_ * C, C)

    t_h = [None, None]
    t_h[0] = pltpu.async_copy(t_hbm.at[t_slice(0)], tbufs[0], tsems[0])
    ld_h = [None] * NSLOT
    st_h = [None] * NSLOT
    for k in range(min(P, TOT)):
        ld_h[k % NSLOT] = pltpu.async_copy(
            x_hbm.at[x_slice(k)], xbufs[k % NSLOT], ldsems[k % NSLOT])

    tbuf = tbufs[0]
    for k in range(TOT):
        s = k % NSLOT
        nc_, b_ = k // B, k % B
        if b_ == 0:
            tbuf = tbufs[nc_ % 2]
            t_h[nc_ % 2].wait()
        if b_ == 1 and nc_ + 1 < NCH:
            nn = nc_ + 1
            t_h[nn % 2] = pltpu.async_copy(
                t_hbm.at[t_slice(nn)], tbufs[nn % 2], tsems[nn % 2])
        ld_h[s].wait()
        xb = xbufs[s]
        kn = k + P
        if kn < TOT:
            sn = kn % NSLOT
            if st_h[sn] is not None:
                st_h[sn].wait()
                st_h[sn] = None
            ld_h[sn] = pltpu.async_copy(x_hbm.at[x_slice(kn)], xbufs[sn], ldsems[sn])

        @plsc.parallel_loop(0, CW, step=16, unroll=8)
        def add_body(i, xb=xb, tbuf=tbuf):
            r = i >> 10
            c = pl.multiple_of(i & (D - 1), 16)
            sl = pl.ds(c, 16)
            plsc.addupdate(xb.at[r, sl], tbuf[r, sl])

        st_h[s] = pltpu.async_copy(xb, o_hbm.at[x_slice(k)], stsems[s])

    for h in st_h:
        if h is not None:
            h.wait()


def kernel(x, table):
    out = _pos_add(x.reshape(B * N, D), table)
    return out.reshape(x.shape)

# --- scband reference (transcript-rebuilt; emitter-appended) ---
"""Pipeline reference for scband-position-embedding-15375982920057 (READ-ONLY COPY).

The authoritative reference and input builder live on the scoring server;
editing this copy changes nothing except your own understanding.
"""

import jax, jax.numpy as jnp
import numpy as np

HIDDEN_DIM = 1024
MAX_LEN = 8192
B, N = 4, 4096

def setup_inputs(seed: int = 0) -> dict:
    key = jax.random.key(seed)
    k1, k2 = jax.random.split(key)
    x = jax.random.normal(k1, (B, N, HIDDEN_DIM), dtype=jnp.float32)
    # nn.Embedding default init: N(0, 1)
    table = jax.random.normal(k2, (MAX_LEN, HIDDEN_DIM), dtype=jnp.float32)
    return {"x": x, "table": table}

def reference(x, table):
    b, n, _ = x.shape
    if n >= table.shape[0]:
        raise ValueError(f"Sequence length {n} exceeds max_len {table.shape[0]}")
    pos = jnp.broadcast_to(jnp.arange(n)[None, :], (b, n))
    emb = jnp.take(table, pos, axis=0)  # [b, n, hidden_dim]
    return x + emb

if __name__ == "__main__":
    import jax
    _d = setup_inputs()
    print(jax.jit(kernel)(*tuple(_d.values())))

</pallas_src>

<mosaic_0001>
#map = affine_map<(d0, d1) -> (0, 0)>
module attributes {stable_mosaic.version = 14 : i64} {
  func.func @_pos_add(%arg0: i32, %arg1: i32, %arg2: memref<16384x1024xf32, #tpu.memory_space<hbm>>, %arg3: memref<8192x1024xf32, #tpu.memory_space<hbm>>, %arg4: memref<16384x1024xf32, #tpu.memory_space<hbm>>, %arg5: memref<16x1024xf32, #tpu.memory_space<vmem>>, %arg6: memref<16x1024xf32, #tpu.memory_space<vmem>>, %arg7: memref<16x1024xf32, #tpu.memory_space<vmem>>, %arg8: memref<16x1024xf32, #tpu.memory_space<vmem>>, %arg9: memref<16x1024xf32, #tpu.memory_space<vmem>>, %arg10: memref<16x1024xf32, #tpu.memory_space<vmem>>, %arg11: memref<16x1024xf32, #tpu.memory_space<vmem>>, %arg12: memref<!tpu.dma_semaphore, #tpu.memory_space<semaphore_mem>>, %arg13: memref<!tpu.dma_semaphore, #tpu.memory_space<semaphore_mem>>, %arg14: memref<!tpu.dma_semaphore, #tpu.memory_space<semaphore_mem>>, %arg15: memref<!tpu.dma_semaphore, #tpu.memory_space<semaphore_mem>>, %arg16: memref<!tpu.dma_semaphore, #tpu.memory_space<semaphore_mem>>, %arg17: memref<!tpu.dma_semaphore, #tpu.memory_space<semaphore_mem>>, %arg18: memref<!tpu.dma_semaphore, #tpu.memory_space<semaphore_mem>>, %arg19: memref<!tpu.dma_semaphore, #tpu.memory_space<semaphore_mem>>, %arg20: memref<!tpu.dma_semaphore, #tpu.memory_space<semaphore_mem>>, %arg21: memref<!tpu.dma_semaphore, #tpu.memory_space<semaphore_mem>>, %arg22: memref<!tpu.dma_semaphore, #tpu.memory_space<semaphore_mem>>, %arg23: memref<!tpu.dma_semaphore, #tpu.memory_space<semaphore_mem>>) attributes {dimension_semantics = [#tpu.dimension_semantics<core_parallel>, #tpu.dimension_semantics<subcore_parallel>], iteration_bounds = array<i64: 2, 16>, scalar_prefetch = 0 : i64, scratch_operands = 19 : i64, tpu.core_type = #tpu.core_type<sc_vector_subcore>, window_params = [{transform_indices = #map}, {transform_indices = #map}, {transform_indices = #map}]} {
    %mul3A = arith.constant 2 : i32
    %mul3A_0 = arith.muli %arg1, %mul3A : i32
    %add3A = arith.addi %mul3A_0, %arg0 : i32
    %mul3A_1 = arith.constant 128 : i32
    %mul3A_2 = arith.muli %add3A, %mul3A_1 : i32
    %add3A_3 = arith.constant 0 : i32
    %add3A_4 = arith.addi %mul3A_2, %add3A_3 : i32
    %dma_start3A = arith.constant 0 : i32
    %dma_start3A_5 = tpu.memref_slice %arg3[%add3A_4, %dma_start3A] : memref<8192x1024xf32, #tpu.memory_space<hbm>> -> memref<16x1024xf32, #tpu.memory_space<hbm>>
    %dma_start3A_6 = arith.constant 0 : i32
    %dma_start3A_7 = tpu.memref_slice %arg3[%add3A_4, %dma_start3A_6] : memref<8192x1024xf32, #tpu.memory_space<hbm>> -> memref<16x1024xf32, #tpu.memory_space<hbm>>
    tpu.enqueue_dma source(%dma_start3A_7 : memref<16x1024xf32, #tpu.memory_space<hbm>>) target(%arg5 : memref<16x1024xf32, #tpu.memory_space<vmem>>) target_semaphore(%arg12 : memref<!tpu.dma_semaphore, #tpu.memory_space<semaphore_mem>>)
    %add3A_8 = arith.constant 0 : i32
    %add3A_9 = arith.addi %add3A_8, %mul3A_2 : i32
    %add3A_10 = arith.constant 0 : i32
    %add3A_11 = arith.addi %add3A_9, %add3A_10 : i32
    %dma_start3A_12 = arith.constant 0 : i32
    %dma_start3A_13 = tpu.memref_slice %arg2[%add3A_11, %dma_start3A_12] : memref<16384x1024xf32, #tpu.memory_space<hbm>> -> memref<16x1024xf32, #tpu.memory_space<hbm>>
    %dma_start3A_14 = arith.constant 0 : i32
    %dma_start3A_15 = tpu.memref_slice %arg2[%add3A_11, %dma_start3A_14] : memref<16384x1024xf32, #tpu.memory_space<hbm>> -> memref<16x1024xf32, #tpu.memory_space<hbm>>
    tpu.enqueue_dma source(%dma_start3A_15 : memref<16x1024xf32, #tpu.memory_space<hbm>>) target(%arg7 : memref<16x1024xf32, #tpu.memory_space<vmem>>) target_semaphore(%arg14 : memref<!tpu.dma_semaphore, #tpu.memory_space<semaphore_mem>>)
    %add3A_16 = arith.constant 4096 : i32
    %add3A_17 = arith.addi %add3A_16, %mul3A_2 : i32
    %add3A_18 = arith.constant 0 : i32
    %add3A_19 = arith.addi %add3A_17, %add3A_18 : i32
    %dma_start3A_20 = arith.constant 0 : i32
    %dma_start3A_21 = tpu.memref_slice %arg2[%add3A_19, %dma_start3A_20] : memref<16384x1024xf32, #tpu.memory_space<hbm>> -> memref<16x1024xf32, #tpu.memory_space<hbm>>
    %dma_start3A_22 = arith.constant 0 : i32
    %dma_start3A_23 = tpu.memref_slice %arg2[%add3A_19, %dma_start3A_22] : memref<16384x1024xf32, #tpu.memory_space<hbm>> -> memref<16x1024xf32, #tpu.memory_space<hbm>>
    tpu.enqueue_dma source(%dma_start3A_23 : memref<16x1024xf32, #tpu.memory_space<hbm>>) target(%arg8 : memref<16x1024xf32, #tpu.memory_space<vmem>>) target_semaphore(%arg15 : memref<!tpu.dma_semaphore, #tpu.memory_space<semaphore_mem>>)
    %add3A_24 = arith.constant 8192 : i32
    %add3A_25 = arith.addi %add3A_24, %mul3A_2 : i32
    %add3A_26 = arith.constant 0 : i32
    %add3A_27 = arith.addi %add3A_25, %add3A_26 : i32
    %dma_start3A_28 = arith.constant 0 : i32
    %dma_start3A_29 = tpu.memref_slice %arg2[%add3A_27, %dma_start3A_28] : memref<16384x1024xf32, #tpu.memory_space<hbm>> -> memref<16x1024xf32, #tpu.memory_space<hbm>>
    %dma_start3A_30 = arith.constant 0 : i32
    %dma_start3A_31 = tpu.memref_slice %arg2[%add3A_27, %dma_start3A_30] : memref<16384x1024xf32, #tpu.memory_space<hbm>> -> memref<16x1024xf32, #tpu.memory_space<hbm>>
    tpu.enqueue_dma source(%dma_start3A_31 : memref<16x1024xf32, #tpu.memory_space<hbm>>) target(%arg9 : memref<16x1024xf32, #tpu.memory_space<vmem>>) target_semaphore(%arg16 : memref<!tpu.dma_semaphore, #tpu.memory_space<semaphore_mem>>)
    %dma_wait3A = arith.constant 0 : i32
    %dma_wait3A_32 = tpu.memref_slice %arg3[%add3A_4, %dma_wait3A] : memref<8192x1024xf32, #tpu.memory_space<hbm>> -> memref<16x1024xf32, #tpu.memory_space<hbm>>
    %dma_wait3A_33 = arith.constant 0 : i32
    %dma_wait3A_34 = tpu.memref_slice %arg3[%add3A_4, %dma_wait3A_33] : memref<8192x1024xf32, #tpu.memory_space<hbm>> -> memref<16x1024xf32, #tpu.memory_space<hbm>>
    tpu.wait_dma2 semaphore(%arg12 : memref<!tpu.dma_semaphore, #tpu.memory_space<semaphore_mem>>) src(%dma_wait3A_34 : memref<16x1024xf32, #tpu.memory_space<hbm>>) dst(%arg5 : memref<16x1024xf32, #tpu.memory_space<vmem>>)
    %dma_wait3A_35 = arith.constant 0 : i32
    %dma_wait3A_36 = tpu.memref_slice %arg2[%add3A_11, %dma_wait3A_35] : memref<16384x1024xf32, #tpu.memory_space<hbm>> -> memref<16x1024xf32, #tpu.memory_space<hbm>>
    %dma_wait3A_37 = arith.constant 0 : i32
    %dma_wait3A_38 = tpu.memref_slice %arg2[%add3A_11, %dma_wait3A_37] : memref<16384x1024xf32, #tpu.memory_space<hbm>> -> memref<16x1024xf32, #tpu.memory_space<hbm>>
    tpu.wait_dma2 semaphore(%arg14 : memref<!tpu.dma_semaphore, #tpu.memory_space<semaphore_mem>>) src(%dma_wait3A_38 : memref<16x1024xf32, #tpu.memory_space<hbm>>) dst(%arg7 : memref<16x1024xf32, #tpu.memory_space<vmem>>)
    %add3A_39 = arith.constant 12288 : i32
    %add3A_40 = arith.addi %add3A_39, %mul3A_2 : i32
    %add3A_41 = arith.constant 0 : i32
    %add3A_42 = arith.addi %add3A_40, %add3A_41 : i32
    %dma_start3A_43 = arith.constant 0 : i32
    %dma_start3A_44 = tpu.memref_slice %arg2[%add3A_42, %dma_start3A_43] : memref<16384x1024xf32, #tpu.memory_space<hbm>> -> memref<16x1024xf32, #tpu.memory_space<hbm>>
    %dma_start3A_45 = arith.constant 0 : i32
    %dma_start3A_46 = tpu.memref_slice %arg2[%add3A_42, %dma_start3A_45] : memref<16384x1024xf32, #tpu.memory_space<hbm>> -> memref<16x1024xf32, #tpu.memory_space<hbm>>
    tpu.enqueue_dma source(%dma_start3A_46 : memref<16x1024xf32, #tpu.memory_space<hbm>>) target(%arg10 : memref<16x1024xf32, #tpu.memory_space<vmem>>) target_semaphore(%arg17 : memref<!tpu.dma_semaphore, #tpu.memory_space<semaphore_mem>>)
    %parallel_loop3A = arith.constant 0 : i32
    %parallel_loop3A_47 = arith.constant 16384 : i32
    %parallel_loop3A_48 = arith.constant 16 : i32
    scf.for %parallel_loop3A_944 = %parallel_loop3A to %parallel_loop3A_47 step %parallel_loop3A_48  : i32 {
      %parallel_loop3A_945 = arith.constant 10 : i32
      %parallel_loop3A_946 = arith.shrsi %parallel_loop3A_944, %parallel_loop3A_945 : i32
      %parallel_loop3A_947 = arith.constant 1023 : i32
      %parallel_loop3A_948 = arith.andi %parallel_loop3A_944, %parallel_loop3A_947 : i32
      %parallel_loop3A_949 = tpu.assume_multiple %parallel_loop3A_948, 16 : i32
      %parallel_loop3A_950 = arith.index_cast %parallel_loop3A_946 : i32 to index
      %parallel_loop3A_951 = arith.index_cast %parallel_loop3A_949 : i32 to index
      %parallel_loop3A_952 = tpu.vector_load %arg5[%parallel_loop3A_950, %parallel_loop3A_951] {strides = array<i32>} : memref<16x1024xf32, #tpu.memory_space<vmem>>, vector<1x16xf32>,
      %parallel_loop3A_953 = vector.shape_cast %parallel_loop3A_952 : vector<1x16xf32> to vector<16xf32>
      %parallel_loop3A_954 = arith.index_cast %parallel_loop3A_946 : i32 to index
      %parallel_loop3A_955 = arith.index_cast %parallel_loop3A_949 : i32 to index
      %parallel_loop3A_956 = tpu.vector_load %arg7[%parallel_loop3A_954, %parallel_loop3A_955] {strides = array<i32>} : memref<16x1024xf32, #tpu.memory_space<vmem>>, vector<1x16xf32>,
      %parallel_loop3A_957 = vector.shape_cast %parallel_loop3A_956 : vector<1x16xf32> to vector<16xf32>
      %parallel_loop3A_958 = vector.shape_cast %parallel_loop3A_953 : vector<16xf32> to vector<1x16xf32>
      tpu.vector_store %arg7[%parallel_loop3A_954, %parallel_loop3A_955], %parallel_loop3A_958 {add = true, strides = array<i32>} : memref<16x1024xf32, #tpu.memory_space<vmem>>, vector<1x16xf32>,
    } {sc.loop_unroll_factor = 8 : i64, sc.parallel_access}
    %add3A_49 = arith.constant 0 : i32
    %add3A_50 = arith.addi %add3A_49, %mul3A_2 : i32
    %add3A_51 = arith.constant 0 : i32
    %add3A_52 = arith.addi %add3A_50, %add3A_51 : i32
    %dma_start3A_53 = arith.constant 0 : i32
    %dma_start3A_54 = tpu.memref_slice %arg4[%add3A_52, %dma_start3A_53] : memref<16384x1024xf32, #tpu.memory_space<hbm>> -> memref<16x1024xf32, #tpu.memory_space<hbm>>
    %dma_start3A_55 = arith.constant 0 : i32
    %dma_start3A_56 = tpu.memref_slice %arg4[%add3A_52, %dma_start3A_55] : memref<16384x1024xf32, #tpu.memory_space<hbm>> -> memref<16x1024xf32, #tpu.memory_space<hbm>>
    tpu.enqueue_dma source(%arg7 : memref<16x1024xf32, #tpu.memory_space<vmem>>) target(%dma_start3A_56 : memref<16x1024xf32, #tpu.memory_space<hbm>>) target_semaphore(%arg19 : memref<!tpu.dma_semaphore, #tpu.memory_space<semaphore_mem>>)
    %add3A_57 = arith.constant 16 : i32
    %add3A_58 = arith.addi %mul3A_2, %add3A_57 : i32
    %dma_start3A_59 = arith.constant 0 : i32
    %dma_start3A_60 = tpu.memref_slice %arg3[%add3A_58, %dma_start3A_59] : memref<8192x1024xf32, #tpu.memory_space<hbm>> -> memref<16x1024xf32, #tpu.memory_space<hbm>>
    %dma_start3A_61 = arith.constant 0 : i32
    %dma_start3A_62 = tpu.memref_slice %arg3[%add3A_58, %dma_start3A_61] : memref<8192x1024xf32, #tpu.memory_space<hbm>> -> memref<16x1024xf32, #tpu.memory_space<hbm>>
    tpu.enqueue_dma source(%dma_start3A_62 : memref<16x1024xf32, #tpu.memory_space<hbm>>) target(%arg6 : memref<16x1024xf32, #tpu.memory_space<vmem>>) target_semaphore(%arg13 : memref<!tpu.dma_semaphore, #tpu.memory_space<semaphore_mem>>)
    %dma_wait3A_63 = arith.constant 0 : i32
    %dma_wait3A_64 = tpu.memref_slice %arg2[%add3A_19, %dma_wait3A_63] : memref<16384x1024xf32, #tpu.memory_space<hbm>> -> memref<16x1024xf32, #tpu.memory_space<hbm>>
    %dma_wait3A_65 = arith.constant 0 : i32
    %dma_wait3A_66 = tpu.memref_slice %arg2[%add3A_19, %dma_wait3A_65] : memref<16384x1024xf32, #tpu.memory_space<hbm>> -> memref<16x1024xf32, #tpu.memory_space<hbm>>
    tpu.wait_dma2 semaphore(%arg15 : memref<!tpu.dma_semaphore, #tpu.memory_space<semaphore_mem>>) src(%dma_wait3A_66 : memref<16x1024xf32, #tpu.memory_space<hbm>>) dst(%arg8 : memref<16x1024xf32, #tpu.memory_space<vmem>>)
    %add3A_67 = arith.constant 0 : i32
    %add3A_68 = arith.addi %add3A_67, %mul3A_2 : i32
    %add3A_69 = arith.constant 16 : i32
    %add3A_70 = arith.addi %add3A_68, %add3A_69 : i32
    %dma_start3A_71 = arith.constant 0 : i32
    %dma_start3A_72 = tpu.memref_slice %arg2[%add3A_70, %dma_start3A_71] : memref<16384x1024xf32, #tpu.memory_space<hbm>> -> memref<16x1024xf32, #tpu.memory_space<hbm>>
    %dma_start3A_73 = arith.constant 0 : i32
    %dma_start3A_74 = tpu.memref_slice %arg2[%add3A_70, %dma_start3A_73] : memref<16384x1024xf32, #tpu.memory_space<hbm>> -> memref<16x1024xf32, #tpu.memory_space<hbm>>
    tpu.enqueue_dma source(%dma_start3A_74 : memref<16x1024xf32, #tpu.memory_space<hbm>>) target(%arg11 : memref<16x1024xf32, #tpu.memory_space<vmem>>) target_semaphore(%arg18 : memref<!tpu.dma_semaphore, #tpu.memory_space<semaphore_mem>>)
    %parallel_loop3A_75 = arith.constant 0 : i32
    %parallel_loop3A_76 = arith.constant 16384 : i32
    %parallel_loop3A_77 = arith.constant 16 : i32
    scf.for %parallel_loop3A_944 = %parallel_loop3A_75 to %parallel_loop3A_76 step %parallel_loop3A_77  : i32 {
      %parallel_loop3A_945 = arith.constant 10 : i32
      %parallel_loop3A_946 = arith.shrsi %parallel_loop3A_944, %parallel_loop3A_945 : i32
      %parallel_loop3A_947 = arith.constant 1023 : i32
      %parallel_loop3A_948 = arith.andi %parallel_loop3A_944, %parallel_loop3A_947 : i32
      %parallel_loop3A_949 = tpu.assume_multiple %parallel_loop3A_948, 16 : i32
      %parallel_loop3A_950 = arith.index_cast %parallel_loop3A_946 : i32 to index
      %parallel_loop3A_951 = arith.index_cast %parallel_loop3A_949 : i32 to index
      %parallel_loop3A_952 = tpu.vector_load %arg5[%parallel_loop3A_950, %parallel_loop3A_951] {strides = array<i32>} : memref<16x1024xf32, #tpu.memory_space<vmem>>, vector<1x16xf32>,
      %parallel_loop3A_953 = vector.shape_cast %parallel_loop3A_952 : vector<1x16xf32> to vector<16xf32>
      %parallel_loop3A_954 = arith.index_cast %parallel_loop3A_946 : i32 to index
      %parallel_loop3A_955 = arith.index_cast %parallel_loop3A_949 : i32 to index
      %parallel_loop3A_956 = tpu.vector_load %arg8[%parallel_loop3A_954, %parallel_loop3A_955] {strides = array<i32>} : memref<16x1024xf32, #tpu.memory_space<vmem>>, vector<1x16xf32>,
      %parallel_loop3A_957 = vector.shape_cast %parallel_loop3A_956 : vector<1x16xf32> to vector<16xf32>
      %parallel_loop3A_958 = vector.shape_cast %parallel_loop3A_953 : vector<16xf32> to vector<1x16xf32>
      tpu.vector_store %arg8[%parallel_loop3A_954, %parallel_loop3A_955], %parallel_loop3A_958 {add = true, strides = array<i32>} : memref<16x1024xf32, #tpu.memory_space<vmem>>, vector<1x16xf32>,
    } {sc.loop_unroll_factor = 8 : i64, sc.parallel_access}
    %add3A_78 = arith.constant 4096 : i32
    %add3A_79 = arith.addi %add3A_78, %mul3A_2 : i32
    %add3A_80 = arith.constant 0 : i32
    %add3A_81 = arith.addi %add3A_79, %add3A_80 : i32
    %dma_start3A_82 = arith.constant 0 : i32
    %dma_start3A_83 = tpu.memref_slice %arg4[%add3A_81, %dma_start3A_82] : memref<16384x1024xf32, #tpu.memory_space<hbm>> -> memref<16x1024xf32, #tpu.memory_space<hbm>>
    %dma_start3A_84 = arith.constant 0 : i32
    %dma_start3A_85 = tpu.memref_slice %arg4[%add3A_81, %dma_start3A_84] : memref<16384x1024xf32, #tpu.memory_space<hbm>> -> memref<16x1024xf32, #tpu.memory_space<hbm>>
    tpu.enqueue_dma source(%arg8 : memref<16x1024xf32, #tpu.memory_space<vmem>>) target(%dma_start3A_85 : memref<16x1024xf32, #tpu.memory_space<hbm>>) target_semaphore(%arg20 : memref<!tpu.dma_semaphore, #tpu.memory_space<semaphore_mem>>)
    %dma_wait3A_86 = arith.constant 0 : i32
    %dma_wait3A_87 = tpu.memref_slice %arg2[%add3A_27, %dma_wait3A_86] : memref<16384x1024xf32, #tpu.memory_space<hbm>> -> memref<16x1024xf32, #tpu.memory_space<hbm>>
    %dma_wait3A_88 = arith.constant 0 : i32
    %dma_wait3A_89 = tpu.memref_slice %arg2[%add3A_27, %dma_wait3A_88] : memref<16384x1024xf32, #tpu.memory_space<hbm>> -> memref<16x1024xf32, #tpu.memory_space<hbm>>
    tpu.wait_dma2 semaphore(%arg16 : memref<!tpu.dma_semaphore, #tpu.memory_space<semaphore_mem>>) src(%dma_wait3A_89 : memref<16x1024xf32, #tpu.memory_space<hbm>>) dst(%arg9 : memref<16x1024xf32, #tpu.memory_space<vmem>>)
    %dma_wait3A_90 = arith.constant 0 : i32
    %dma_wait3A_91 = tpu.memref_slice %arg4[%add3A_52, %dma_wait3A_90] : memref<16384x1024xf32, #tpu.memory_space<hbm>> -> memref<16x1024xf32, #tpu.memory_space<hbm>>
    %dma_wait3A_92 = arith.constant 0 : i32
    %dma_wait3A_93 = tpu.memref_slice %arg4[%add3A_52, %dma_wait3A_92] : memref<16384x1024xf32, #tpu.memory_space<hbm>> -> memref<16x1024xf32, #tpu.memory_space<hbm>>
    tpu.wait_dma2 semaphore(%arg19 : memref<!tpu.dma_semaphore, #tpu.memory_space<semaphore_mem>>) src(%arg7 : memref<16x1024xf32, #tpu.memory_space<vmem>>) dst(%dma_wait3A_93 : memref<16x1024xf32, #tpu.memory_space<hbm>>)
    %add3A_94 = arith.constant 4096 : i32
    %add3A_95 = arith.addi %add3A_94, %mul3A_2 : i32
    %add3A_96 = arith.constant 16 : i32
    %add3A_97 = arith.addi %add3A_95, %add3A_96 : i32
    %dma_start3A_98 = arith.constant 0 : i32
    %dma_start3A_99 = tpu.memref_slice %arg2[%add3A_97, %dma_start3A_98] : memref<16384x1024xf32, #tpu.memory_space<hbm>> -> memref<16x1024xf32, #tpu.memory_space<hbm>>
    %dma_start3A_100 = arith.constant 0 : i32
    %dma_start3A_101 = tpu.memref_slice %arg2[%add3A_97, %dma_start3A_100] : memref<16384x1024xf32, #tpu.memory_space<hbm>> -> memref<16x1024xf32, #tpu.memory_space<hbm>>
    tpu.enqueue_dma source(%dma_start3A_101 : memref<16x1024xf32, #tpu.memory_space<hbm>>) target(%arg7 : memref<16x1024xf32, #tpu.memory_space<vmem>>) target_semaphore(%arg14 : memref<!tpu.dma_semaphore, #tpu.memory_space<semaphore_mem>>)
    %parallel_loop3A_102 = arith.constant 0 : i32
    %parallel_loop3A_103 = arith.constant 16384 : i32
    %parallel_loop3A_104 = arith.constant 16 : i32
    scf.for %parallel_loop3A_944 = %parallel_loop3A_102 to %parallel_loop3A_103 step %parallel_loop3A_104  : i32 {
      %parallel_loop3A_945 = arith.constant 10 : i32
      %parallel_loop3A_946 = arith.shrsi %parallel_loop3A_944, %parallel_loop3A_945 : i32
      %parallel_loop3A_947 = arith.constant 1023 : i32
      %parallel_loop3A_948 = arith.andi %parallel_loop3A_944, %parallel_loop3A_947 : i32
      %parallel_loop3A_949 = tpu.assume_multiple %parallel_loop3A_948, 16 : i32
      %parallel_loop3A_950 = arith.index_cast %parallel_loop3A_946 : i32 to index
      %parallel_loop3A_951 = arith.index_cast %parallel_loop3A_949 : i32 to index
      %parallel_loop3A_952 = tpu.vector_load %arg5[%parallel_loop3A_950, %parallel_loop3A_951] {strides = array<i32>} : memref<16x1024xf32, #tpu.memory_space<vmem>>, vector<1x16xf32>,
      %parallel_loop3A_953 = vector.shape_cast %parallel_loop3A_952 : vector<1x16xf32> to vector<16xf32>
      %parallel_loop3A_954 = arith.index_cast %parallel_loop3A_946 : i32 to index
      %parallel_loop3A_955 = arith.index_cast %parallel_loop3A_949 : i32 to index
      %parallel_loop3A_956 = tpu.vector_load %arg9[%parallel_loop3A_954, %parallel_loop3A_955] {strides = array<i32>} : memref<16x1024xf32, #tpu.memory_space<vmem>>, vector<1x16xf32>,
      %parallel_loop3A_957 = vector.shape_cast %parallel_loop3A_956 : vector<1x16xf32> to vector<16xf32>
      %parallel_loop3A_958 = vector.shape_cast %parallel_loop3A_953 : vector<16xf32> to vector<1x16xf32>
      tpu.vector_store %arg9[%parallel_loop3A_954, %parallel_loop3A_955], %parallel_loop3A_958 {add = true, strides = array<i32>} : memref<16x1024xf32, #tpu.memory_space<vmem>>, vector<1x16xf32>,
    } {sc.loop_unroll_factor = 8 : i64, sc.parallel_access}
    %add3A_105 = arith.constant 8192 : i32
    %add3A_106 = arith.addi %add3A_105, %mul3A_2 : i32
    %add3A_107 = arith.constant 0 : i32
    %add3A_108 = arith.addi %add3A_106, %add3A_107 : i32
    %dma_start3A_109 = arith.constant 0 : i32
    %dma_start3A_110 = tpu.memref_slice %arg4[%add3A_108, %dma_start3A_109] : memref<16384x1024xf32, #tpu.memory_space<hbm>> -> memref<16x1024xf32, #tpu.memory_space<hbm>>
    %dma_start3A_111 = arith.constant 0 : i32
    %dma_start3A_112 = tpu.memref_slice %arg4[%add3A_108, %dma_start3A_111] : memref<16384x1024xf32, #tpu.memory_space<hbm>> -> memref<16x1024xf32, #tpu.memory_space<hbm>>
    tpu.enqueue_dma source(%arg9 : memref<16x1024xf32, #tpu.memory_space<vmem>>) target(%dma_start3A_112 : memref<16x1024xf32, #tpu.memory_space<hbm>>) target_semaphore(%arg21 : memref<!tpu.dma_semaphore, #tpu.memory_space<semaphore_mem>>)
    %dma_wait3A_113 = arith.constant 0 : i32
    %dma_wait3A_114 = tpu.memref_slice %arg2[%add3A_42, %dma_wait3A_113] : memref<16384x1024xf32, #tpu.memory_space<hbm>> -> memref<16x1024xf32, #tpu.memory_space<hbm>>
    %dma_wait3A_115 = arith.constant 0 : i32
    %dma_wait3A_116 = tpu.memref_slice %arg2[%add3A_42, %dma_wait3A_115] : memref<16384x1024xf32, #tpu.memory_space<hbm>> -> memref<16x1024xf32, #tpu.memory_space<hbm>>
    tpu.wait_dma2 semaphore(%arg17 : memref<!tpu.dma_semaphore, #tpu.memory_space<semaphore_mem>>) src(%dma_wait3A_116 : memref<16x1024xf32, #tpu.memory_space<hbm>>) dst(%arg10 : memref<16x1024xf32, #tpu.memory_space<vmem>>)
    %dma_wait3A_117 = arith.constant 0 : i32
    %dma_wait3A_118 = tpu.memref_slice %arg4[%add3A_81, %dma_wait3A_117] : memref<16384x1024xf32, #tpu.memory_space<hbm>> -> memref<16x1024xf32, #tpu.memory_space<hbm>>
    %dma_wait3A_119 = arith.constant 0 : i32
    %dma_wait3A_120 = tpu.memref_slice %arg4[%add3A_81, %dma_wait3A_119] : memref<16384x1024xf32, #tpu.memory_space<hbm>> -> memref<16x1024xf32, #tpu.memory_space<hbm>>
    tpu.wait_dma2 semaphore(%arg20 : memref<!tpu.dma_semaphore, #tpu.memory_space<semaphore_mem>>) src(%arg8 : memref<16x1024xf32, #tpu.memory_space<vmem>>) dst(%dma_wait3A_120 : memref<16x1024xf32, #tpu.memory_space<hbm>>)
    %add3A_121 = arith.constant 8192 : i32
    %add3A_122 = arith.addi %add3A_121, %mul3A_2 : i32
    %add3A_123 = arith.constant 16 : i32
    %add3A_124 = arith.addi %add3A_122, %add3A_123 : i32
    %dma_start3A_125 = arith.constant 0 : i32
    %dma_start3A_126 = tpu.memref_slice %arg2[%add3A_124, %dma_start3A_125] : memref<16384x1024xf32, #tpu.memory_space<hbm>> -> memref<16x1024xf32, #tpu.memory_space<hbm>>
    %dma_start3A_127 = arith.constant 0 : i32
    %dma_start3A_128 = tpu.memref_slice %arg2[%add3A_124, %dma_start3A_127] : memref<16384x1024xf32, #tpu.memory_space<hbm>> -> memref<16x1024xf32, #tpu.memory_space<hbm>>
    tpu.enqueue_dma source(%dma_start3A_128 : memref<16x1024xf32, #tpu.memory_space<hbm>>) target(%arg8 : memref<16x1024xf32, #tpu.memory_space<vmem>>) target_semaphore(%arg15 : memref<!tpu.dma_semaphore, #tpu.memory_space<semaphore_mem>>)
    %parallel_loop3A_129 = arith.constant 0 : i32
    %parallel_loop3A_130 = arith.constant 16384 : i32
    %parallel_loop3A_131 = arith.constant 16 : i32
    scf.for %parallel_loop3A_944 = %parallel_loop3A_129 to %parallel_loop3A_130 step %parallel_loop3A_131  : i32 {
      %parallel_loop3A_945 = arith.constant 10 : i32
      %parallel_loop3A_946 = arith.shrsi %parallel_loop3A_944, %parallel_loop3A_945 : i32
      %parallel_loop3A_947 = arith.constant 1023 : i32
      %parallel_loop3A_948 = arith.andi %parallel_loop3A_944, %parallel_loop3A_947 : i32
      %parallel_loop3A_949 = tpu.assume_multiple %parallel_loop3A_948, 16 : i32
      %parallel_loop3A_950 = arith.index_cast %parallel_loop3A_946 : i32 to index
      %parallel_loop3A_951 = arith.index_cast %parallel_loop3A_949 : i32 to index
      %parallel_loop3A_952 = tpu.vector_load %arg5[%parallel_loop3A_950, %parallel_loop3A_951] {strides = array<i32>} : memref<16x1024xf32, #tpu.memory_space<vmem>>, vector<1x16xf32>,
      %parallel_loop3A_953 = vector.shape_cast %parallel_loop3A_952 : vector<1x16xf32> to vector<16xf32>
      %parallel_loop3A_954 = arith.index_cast %parallel_loop3A_946 : i32 to index
      %parallel_loop3A_955 = arith.index_cast %parallel_loop3A_949 : i32 to index
      %parallel_loop3A_956 = tpu.vector_load %arg10[%parallel_loop3A_954, %parallel_loop3A_955] {strides = array<i32>} : memref<16x1024xf32, #tpu.memory_space<vmem>>, vector<1x16xf32>,
      %parallel_loop3A_957 = vector.shape_cast %parallel_loop3A_956 : vector<1x16xf32> to vector<16xf32>
      %parallel_loop3A_958 = vector.shape_cast %parallel_loop3A_953 : vector<16xf32> to vector<1x16xf32>
      tpu.vector_store %arg10[%parallel_loop3A_954, %parallel_loop3A_955], %parallel_loop3A_958 {add = true, strides = array<i32>} : memref<16x1024xf32, #tpu.memory_space<vmem>>, vector<1x16xf32>,
    } {sc.loop_unroll_factor = 8 : i64, sc.parallel_access}
    %add3A_132 = arith.constant 12288 : i32
    %add3A_133 = arith.addi %add3A_132, %mul3A_2 : i32
    %add3A_134 = arith.constant 0 : i32
    %add3A_135 = arith.addi %add3A_133, %add3A_134 : i32
    %dma_start3A_136 = arith.constant 0 : i32
    %dma_start3A_137 = tpu.memref_slice %arg4[%add3A_135, %dma_start3A_136] : memref<16384x1024xf32, #tpu.memory_space<hbm>> -> memref<16x1024xf32, #tpu.memory_space<hbm>>
    %dma_start3A_138 = arith.constant 0 : i32
    %dma_start3A_139 = tpu.memref_slice %arg4[%add3A_135, %dma_start3A_138] : memref<16384x1024xf32, #tpu.memory_space<hbm>> -> memref<16x1024xf32, #tpu.memory_space<hbm>>
    tpu.enqueue_dma source(%arg10 : memref<16x1024xf32, #tpu.memory_space<vmem>>) target(%dma_start3A_139 : memref<16x1024xf32, #tpu.memory_space<hbm>>) target_semaphore(%arg22 : memref<!tpu.dma_semaphore, #tpu.memory_space<semaphore_mem>>)
    %dma_wait3A_140 = arith.constant 0 : i32
    %dma_wait3A_141 = tpu.memref_slice %arg3[%add3A_58, %dma_wait3A_140] : memref<8192x1024xf32, #tpu.memory_space<hbm>> -> memref<16x1024xf32, #tpu.memory_space<hbm>>
    %dma_wait3A_142 = arith.constant 0 : i32
    %dma_wait3A_143 = tpu.memref_slice %arg3[%add3A_58, %dma_wait3A_142] : memref<8192x1024xf32, #tpu.memory_space<hbm>> -> memref<16x1024xf32, #tpu.memory_space<hbm>>
    tpu.wait_dma2 semaphore(%arg13 : memref<!tpu.dma_semaphore, #tpu.memory_space<semaphore_mem>>) src(%dma_wait3A_143 : memref<16x1024xf32, #tpu.memory_space<hbm>>) dst(%arg6 : memref<16x1024xf32, #tpu.memory_space<vmem>>)
    %dma_wait3A_144 = arith.constant 0 : i32
    %dma_wait3A_145 = tpu.memref_slice %arg2[%add3A_70, %dma_wait3A_144] : memref<16384x1024xf32, #tpu.memory_space<hbm>> -> memref<16x1024xf32, #tpu.memory_space<hbm>>
    %dma_wait3A_146 = arith.constant 0 : i32
    %dma_wait3A_147 = tpu.memref_slice %arg2[%add3A_70, %dma_wait3A_146] : memref<16384x1024xf32, #tpu.memory_space<hbm>> -> memref<16x1024xf32, #tpu.memory_space<hbm>>
    tpu.wait_dma2 semaphore(%arg18 : memref<!tpu.dma_semaphore, #tpu.memory_space<semaphore_mem>>) src(%dma_wait3A_147 : memref<16x1024xf32, #tpu.memory_space<hbm>>) dst(%arg11 : memref<16x1024xf32, #tpu.memory_space<vmem>>)
    %dma_wait3A_148 = arith.constant 0 : i32
    %dma_wait3A_149 = tpu.memref_slice %arg4[%add3A_108, %dma_wait3A_148] : memref<16384x1024xf32, #tpu.memory_space<hbm>> -> memref<16x1024xf32, #tpu.memory_space<hbm>>
    %dma_wait3A_150 = arith.constant 0 : i32
    %dma_wait3A_151 = tpu.memref_slice %arg4[%add3A_108, %dma_wait3A_150] : memref<16384x1024xf32, #tpu.memory_space<hbm>> -> memref<16x1024xf32, #tpu.memory_space<hbm>>
    tpu.wait_dma2 semaphore(%arg21 : memref<!tpu.dma_semaphore, #tpu.memory_space<semaphore_mem>>) src(%arg9 : memref<16x1024xf32, #tpu.memory_space<vmem>>) dst(%dma_wait3A_151 : memref<16x1024xf32, #tpu.memory_space<hbm>>)
    %add3A_152 = arith.constant 12288 : i32
    %add3A_153 = arith.addi %add3A_152, %mul3A_2 : i32
    %add3A_154 = arith.constant 16 : i32
    %add3A_155 = arith.addi %add3A_153, %add3A_154 : i32
    %dma_start3A_156 = arith.constant 0 : i32
    %dma_start3A_157 = tpu.memref_slice %arg2[%add3A_155, %dma_start3A_156] : memref<16384x1024xf32, #tpu.memory_space<hbm>> -> memref<16x1024xf32, #tpu.memory_space<hbm>>
    %dma_start3A_158 = arith.constant 0 : i32
    %dma_start3A_159 = tpu.memref_slice %arg2[%add3A_155, %dma_start3A_158] : memref<16384x1024xf32, #tpu.memory_space<hbm>> -> memref<16x1024xf32, #tpu.memory_space<hbm>>
    tpu.enqueue_dma source(%dma_start3A_159 : memref<16x1024xf32, #tpu.memory_space<hbm>>) target(%arg9 : memref<16x1024xf32, #tpu.memory_space<vmem>>) target_semaphore(%arg16 : memref<!tpu.dma_semaphore, #tpu.memory_space<semaphore_mem>>)
    %parallel_loop3A_160 = arith.constant 0 : i32
    %parallel_loop3A_161 = arith.constant 16384 : i32
    %parallel_loop3A_162 = arith.constant 16 : i32
    scf.for %parallel_loop3A_944 = %parallel_loop3A_160 to %parallel_loop3A_161 step %parallel_loop3A_162  : i32 {
      %parallel_loop3A_945 = arith.constant 10 : i32
      %parallel_loop3A_946 = arith.shrsi %parallel_loop3A_944, %parallel_loop3A_945 : i32
      %parallel_loop3A_947 = arith.constant 1023 : i32
      %parallel_loop3A_948 = arith.andi %parallel_loop3A_944, %parallel_loop3A_947 : i32
      %parallel_loop3A_949 = tpu.assume_multiple %parallel_loop3A_948, 16 : i32
      %parallel_loop3A_950 = arith.index_cast %parallel_loop3A_946 : i32 to index
      %parallel_loop3A_951 = arith.index_cast %parallel_loop3A_949 : i32 to index
      %parallel_loop3A_952 = tpu.vector_load %arg6[%parallel_loop3A_950, %parallel_loop3A_951] {strides = array<i32>} : memref<16x1024xf32, #tpu.memory_space<vmem>>, vector<1x16xf32>,
      %parallel_loop3A_953 = vector.shape_cast %parallel_loop3A_952 : vector<1x16xf32> to vector<16xf32>
      %parallel_loop3A_954 = arith.index_cast %parallel_loop3A_946 : i32 to index
      %parallel_loop3A_955 = arith.index_cast %parallel_loop3A_949 : i32 to index
      %parallel_loop3A_956 = tpu.vector_load %arg11[%parallel_loop3A_954, %parallel_loop3A_955] {strides = array<i32>} : memref<16x1024xf32, #tpu.memory_space<vmem>>, vector<1x16xf32>,
      %parallel_loop3A_957 = vector.shape_cast %parallel_loop3A_956 : vector<1x16xf32> to vector<16xf32>
      %parallel_loop3A_958 = vector.shape_cast %parallel_loop3A_953 : vector<16xf32> to vector<1x16xf32>
      tpu.vector_store %arg11[%parallel_loop3A_954, %parallel_loop3A_955], %parallel_loop3A_958 {add = true, strides = array<i32>} : memref<16x1024xf32, #tpu.memory_space<vmem>>, vector<1x16xf32>,
    } {sc.loop_unroll_factor = 8 : i64, sc.parallel_access}
    %add3A_163 = arith.constant 0 : i32
    %add3A_164 = arith.addi %add3A_163, %mul3A_2 : i32
    %add3A_165 = arith.constant 16 : i32
    %add3A_166 = arith.addi %add3A_164, %add3A_165 : i32
    %dma_start3A_167 = arith.constant 0 : i32
    %dma_start3A_168 = tpu.memref_slice %arg4[%add3A_166, %dma_start3A_167] : memref<16384x1024xf32, #tpu.memory_space<hbm>> -> memref<16x1024xf32, #tpu.memory_space<hbm>>
    %dma_start3A_169 = arith.constant 0 : i32
    %dma_start3A_170 = tpu.memref_slice %arg4[%add3A_166, %dma_start3A_169] : memref<16384x1024xf32, #tpu.memory_space<hbm>> -> memref<16x1024xf32, #tpu.memory_space<hbm>>
    tpu.enqueue_dma source(%arg11 : memref<16x1024xf32, #tpu.memory_space<vmem>>) target(%dma_start3A_170 : memref<16x1024xf32, #tpu.memory_space<hbm>>) target_semaphore(%arg23 : memref<!tpu.dma_semaphore, #tpu.memory_space<semaphore_mem>>)
    %add3A_171 = arith.constant 32 : i32
    %add3A_172 = arith.addi %mul3A_2, %add3A_171 : i32
    %dma_start3A_173 = arith.constant 0 : i32
    %dma_start3A_174 = tpu.memref_slice %arg3[%add3A_172, %dma_start3A_173] : memref<8192x1024xf32, #tpu.memory_space<hbm>> -> memref<16x1024xf32, #tpu.memory_space<hbm>>
    %dma_start3A_175 = arith.constant 0 : i32
    %dma_start3A_176 = tpu.memref_slice %arg3[%add3A_172, %dma_start3A_175] : memref<8192x1024xf32, #tpu.memory_space<hbm>> -> memref<16x1024xf32, #tpu.memory_space<hbm>>
    tpu.enqueue_dma source(%dma_start3A_176 : memref<16x1024xf32, #tpu.memory_space<hbm>>) target(%arg5 : memref<16x1024xf32, #tpu.memory_space<vmem>>) target_semaphore(%arg12 : memref<!tpu.dma_semaphore, #tpu.memory_space<semaphore_mem>>)
    %dma_wait3A_177 = arith.constant 0 : i32
    %dma_wait3A_178 = tpu.memref_slice %arg2[%add3A_97, %dma_wait3A_177] : memref<16384x1024xf32, #tpu.memory_space<hbm>> -> memref<16x1024xf32, #tpu.memory_space<hbm>>
    %dma_wait3A_179 = arith.constant 0 : i32
    %dma_wait3A_180 = tpu.memref_slice %arg2[%add3A_97, %dma_wait3A_179] : memref<16384x1024xf32, #tpu.memory_space<hbm>> -> memref<16x1024xf32, #tpu.memory_space<hbm>>
    tpu.wait_dma2 semaphore(%arg14 : memref<!tpu.dma_semaphore, #tpu.memory_space<semaphore_mem>>) src(%dma_wait3A_180 : memref<16x1024xf32, #tpu.memory_space<hbm>>) dst(%arg7 : memref<16x1024xf32, #tpu.memory_space<vmem>>)
    %dma_wait3A_181 = arith.constant 0 : i32
    %dma_wait3A_182 = tpu.memref_slice %arg4[%add3A_135, %dma_wait3A_181] : memref<16384x1024xf32, #tpu.memory_space<hbm>> -> memref<16x1024xf32, #tpu.memory_space<hbm>>
    %dma_wait3A_183 = arith.constant 0 : i32
    %dma_wait3A_184 = tpu.memref_slice %arg4[%add3A_135, %dma_wait3A_183] : memref<16384x1024xf32, #tpu.memory_space<hbm>> -> memref<16x1024xf32, #tpu.memory_space<hbm>>
    tpu.wait_dma2 semaphore(%arg22 : memref<!tpu.dma_semaphore, #tpu.memory_space<semaphore_mem>>) src(%arg10 : memref<16x1024xf32, #tpu.memory_space<vmem>>) dst(%dma_wait3A_184 : memref<16x1024xf32, #tpu.memory_space<hbm>>)
    %add3A_185 = arith.constant 0 : i32
    %add3A_186 = arith.addi %add3A_185, %mul3A_2 : i32
    %add3A_187 = arith.constant 32 : i32
    %add3A_188 = arith.addi %add3A_186, %add3A_187 : i32
    %dma_start3A_189 = arith.constant 0 : i32
    %dma_start3A_190 = tpu.memref_slice %arg2[%add3A_188, %dma_start3A_189] : memref<16384x1024xf32, #tpu.memory_space<hbm>> -> memref<16x1024xf32, #tpu.memory_space<hbm>>
    %dma_start3A_191 = arith.constant 0 : i32
    %dma_start3A_192 = tpu.memref_slice %arg2[%add3A_188, %dma_start3A_191] : memref<16384x1024xf32, #tpu.memory_space<hbm>> -> memref<16x1024xf32, #tpu.memory_space<hbm>>
    tpu.enqueue_dma source(%dma_start3A_192 : memref<16x1024xf32, #tpu.memory_space<hbm>>) target(%arg10 : memref<16x1024xf32, #tpu.memory_space<vmem>>) target_semaphore(%arg17 : memref<!tpu.dma_semaphore, #tpu.memory_space<semaphore_mem>>)
    %parallel_loop3A_193 = arith.constant 0 : i32
    %parallel_loop3A_194 = arith.constant 16384 : i32
    %parallel_loop3A_195 = arith.constant 16 : i32
    scf.for %parallel_loop3A_944 = %parallel_loop3A_193 to %parallel_loop3A_194 step %parallel_loop3A_195  : i32 {
      %parallel_loop3A_945 = arith.constant 10 : i32
      %parallel_loop3A_946 = arith.shrsi %parallel_loop3A_944, %parallel_loop3A_945 : i32
      %parallel_loop3A_947 = arith.constant 1023 : i32
      %parallel_loop3A_948 = arith.andi %parallel_loop3A_944, %parallel_loop3A_947 : i32
      %parallel_loop3A_949 = tpu.assume_multiple %parallel_loop3A_948, 16 : i32
      %parallel_loop3A_950 = arith.index_cast %parallel_loop3A_946 : i32 to index
      %parallel_loop3A_951 = arith.index_cast %parallel_loop3A_949 : i32 to index
      %parallel_loop3A_952 = tpu.vector_load %arg6[%parallel_loop3A_950, %parallel_loop3A_951] {strides = array<i32>} : memref<16x1024xf32, #tpu.memory_space<vmem>>, vector<1x16xf32>,
      %parallel_loop3A_953 = vector.shape_cast %parallel_loop3A_952 : vector<1x16xf32> to vector<16xf32>
      %parallel_loop3A_954 = arith.index_cast %parallel_loop3A_946 : i32 to index
      %parallel_loop3A_955 = arith.index_cast %parallel_loop3A_949 : i32 to index
      %parallel_loop3A_956 = tpu.vector_load %arg7[%parallel_loop3A_954, %parallel_loop3A_955] {strides = array<i32>} : memref<16x1024xf32, #tpu.memory_space<vmem>>, vector<1x16xf32>,
      %parallel_loop3A_957 = vector.shape_cast %parallel_loop3A_956 : vector<1x16xf32> to vector<16xf32>
      %parallel_loop3A_958 = vector.shape_cast %parallel_loop3A_953 : vector<16xf32> to vector<1x16xf32>
      tpu.vector_store %arg7[%parallel_loop3A_954, %parallel_loop3A_955], %parallel_loop3A_958 {add = true, strides = array<i32>} : memref<16x1024xf32, #tpu.memory_space<vmem>>, vector<1x16xf32>,
    } {sc.loop_unroll_factor = 8 : i64, sc.parallel_access}
    %add3A_196 = arith.constant 4096 : i32
    %add3A_197 = arith.addi %add3A_196, %mul3A_2 : i32
    %add3A_198 = arith.constant 16 : i32
    %add3A_199 = arith.addi %add3A_197, %add3A_198 : i32
    %dma_start3A_200 = arith.constant 0 : i32
    %dma_start3A_201 = tpu.memref_slice %arg4[%add3A_199, %dma_start3A_200] : memref<16384x1024xf32, #tpu.memory_space<hbm>> -> memref<16x1024xf32, #tpu.memory_space<hbm>>
    %dma_start3A_202 = arith.constant 0 : i32
    %dma_start3A_203 = tpu.memref_slice %arg4[%add3A_199, %dma_start3A_202] : memref<16384x1024xf32, #tpu.memory_space<hbm>> -> memref<16x1024xf32, #tpu.memory_space<hbm>>
    tpu.enqueue_dma source(%arg7 : memref<16x1024xf32, #tpu.memory_space<vmem>>) target(%dma_start3A_203 : memref<16x1024xf32, #tpu.memory_space<hbm>>) target_semaphore(%arg19 : memref<!tpu.dma_semaphore, #tpu.memory_space<semaphore_mem>>)
    %dma_wait3A_204 = arith.constant 0 : i32
    %dma_wait3A_205 = tpu.memref_slice %arg2[%add3A_124, %dma_wait3A_204] : memref<16384x1024xf32, #tpu.memory_space<hbm>> -> memref<16x1024xf32, #tpu.memory_space<hbm>>
    %dma_wait3A_206 = arith.constant 0 : i32
    %dma_wait3A_207 = tpu.memref_slice %arg2[%add3A_124, %dma_wait3A_206] : memref<16384x1024xf32, #tpu.memory_space<hbm>> -> memref<16x1024xf32, #tpu.memory_space<hbm>>
    tpu.wait_dma2 semaphore(%arg15 : memref<!tpu.dma_semaphore, #tpu.memory_space<semaphore_mem>>) src(%dma_wait3A_207 : memref<16x1024xf32, #tpu.memory_space<hbm>>) dst(%arg8 : memref<16x1024xf32, #tpu.memory_space<vmem>>)
    %dma_wait3A_208 = arith.constant 0 : i32
    %dma_wait3A_209 = tpu.memref_slice %arg4[%add3A_166, %dma_wait3A_208] : memref<16384x1024xf32, #tpu.memory_space<hbm>> -> memref<16x1024xf32, #tpu.memory_space<hbm>>
    %dma_wait3A_210 = arith.constant 0 : i32
    %dma_wait3A_211 = tpu.memref_slice %arg4[%add3A_166, %dma_wait3A_210] : memref<16384x1024xf32, #tpu.memory_space<hbm>> -> memref<16x1024xf32, #tpu.memory_space<hbm>>
    tpu.wait_dma2 semaphore(%arg23 : memref<!tpu.dma_semaphore, #tpu.memory_space<semaphore_mem>>) src(%arg11 : memref<16x1024xf32, #tpu.memory_space<vmem>>) dst(%dma_wait3A_211 : memref<16x1024xf32, #tpu.memory_space<hbm>>)
    %add3A_212 = arith.constant 4096 : i32
    %add3A_213 = arith.addi %add3A_212, %mul3A_2 : i32
    %add3A_214 = arith.constant 32 : i32
    %add3A_215 = arith.addi %add3A_213, %add3A_214 : i32
    %dma_start3A_216 = arith.constant 0 : i32
    %dma_start3A_217 = tpu.memref_slice %arg2[%add3A_215, %dma_start3A_216] : memref<16384x1024xf32, #tpu.memory_space<hbm>> -> memref<16x1024xf32, #tpu.memory_space<hbm>>
    %dma_start3A_218 = arith.constant 0 : i32
    %dma_start3A_219 = tpu.memref_slice %arg2[%add3A_215, %dma_start3A_218] : memref<16384x1024xf32, #tpu.memory_space<hbm>> -> memref<16x1024xf32, #tpu.memory_space<hbm>>
    tpu.enqueue_dma source(%dma_start3A_219 : memref<16x1024xf32, #tpu.memory_space<hbm>>) target(%arg11 : memref<16x1024xf32, #tpu.memory_space<vmem>>) target_semaphore(%arg18 : memref<!tpu.dma_semaphore, #tpu.memory_space<semaphore_mem>>)
    %parallel_loop3A_220 = arith.constant 0 : i32
    %parallel_loop3A_221 = arith.constant 16384 : i32
    %parallel_loop3A_222 = arith.constant 16 : i32
    scf.for %parallel_loop3A_944 = %parallel_loop3A_220 to %parallel_loop3A_221 step %parallel_loop3A_222  : i32 {
      %parallel_loop3A_945 = arith.constant 10 : i32
      %parallel_loop3A_946 = arith.shrsi %parallel_loop3A_944, %parallel_loop3A_945 : i32
      %parallel_loop3A_947 = arith.constant 1023 : i32
      %parallel_loop3A_948 = arith.andi %parallel_loop3A_944, %parallel_loop3A_947 : i32
      %parallel_loop3A_949 = tpu.assume_multiple %parallel_loop3A_948, 16 : i32
      %parallel_loop3A_950 = arith.index_cast %parallel_loop3A_946 : i32 to index
      %parallel_loop3A_951 = arith.index_cast %parallel_loop3A_949 : i32 to index
      %parallel_loop3A_952 = tpu.vector_load %arg6[%parallel_loop3A_950, %parallel_loop3A_951] {strides = array<i32>} : memref<16x1024xf32, #tpu.memory_space<vmem>>, vector<1x16xf32>,
      %parallel_loop3A_953 = vector.shape_cast %parallel_loop3A_952 : vector<1x16xf32> to vector<16xf32>
      %parallel_loop3A_954 = arith.index_cast %parallel_loop3A_946 : i32 to index
      %parallel_loop3A_955 = arith.index_cast %parallel_loop3A_949 : i32 to index
      %parallel_loop3A_956 = tpu.vector_load %arg8[%parallel_loop3A_954, %parallel_loop3A_955] {strides = array<i32>} : memref<16x1024xf32, #tpu.memory_space<vmem>>, vector<1x16xf32>,
      %parallel_loop3A_957 = vector.shape_cast %parallel_loop3A_956 : vector<1x16xf32> to vector<16xf32>
      %parallel_loop3A_958 = vector.shape_cast %parallel_loop3A_953 : vector<16xf32> to vector<1x16xf32>
      tpu.vector_store %arg8[%parallel_loop3A_954, %parallel_loop3A_955], %parallel_loop3A_958 {add = true, strides = array<i32>} : memref<16x1024xf32, #tpu.memory_space<vmem>>, vector<1x16xf32>,
    } {sc.loop_unroll_factor = 8 : i64, sc.parallel_access}
    %add3A_223 = arith.constant 8192 : i32
    %add3A_224 = arith.addi %add3A_223, %mul3A_2 : i32
    %add3A_225 = arith.constant 16 : i32
    %add3A_226 = arith.addi %add3A_224, %add3A_225 : i32
    %dma_start3A_227 = arith.constant 0 : i32
    %dma_start3A_228 = tpu.memref_slice %arg4[%add3A_226, %dma_start3A_227] : memref<16384x1024xf32, #tpu.memory_space<hbm>> -> memref<16x1024xf32, #tpu.memory_space<hbm>>
    %dma_start3A_229 = arith.constant 0 : i32
    %dma_start3A_230 = tpu.memref_slice %arg4[%add3A_226, %dma_start3A_229] : memref<16384x1024xf32, #tpu.memory_space<hbm>> -> memref<16x1024xf32, #tpu.memory_space<hbm>>
    tpu.enqueue_dma source(%arg8 : memref<16x1024xf32, #tpu.memory_space<vmem>>) target(%dma_start3A_230 : memref<16x1024xf32, #tpu.memory_space<hbm>>) target_semaphore(%arg20 : memref<!tpu.dma_semaphore, #tpu.memory_space<semaphore_mem>>)
    %dma_wait3A_231 = arith.constant 0 : i32
    %dma_wait3A_232 = tpu.memref_slice %arg2[%add3A_155, %dma_wait3A_231] : memref<16384x1024xf32, #tpu.memory_space<hbm>> -> memref<16x1024xf32, #tpu.memory_space<hbm>>
    %dma_wait3A_233 = arith.constant 0 : i32
    %dma_wait3A_234 = tpu.memref_slice %arg2[%add3A_155, %dma_wait3A_233] : memref<16384x1024xf32, #tpu.memory_space<hbm>> -> memref<16x1024xf32, #tpu.memory_space<hbm>>
    tpu.wait_dma2 semaphore(%arg16 : memref<!tpu.dma_semaphore, #tpu.memory_space<semaphore_mem>>) src(%dma_wait3A_234 : memref<16x1024xf32, #tpu.memory_space<hbm>>) dst(%arg9 : memref<16x1024xf32, #tpu.memory_space<vmem>>)
    %dma_wait3A_235 = arith.constant 0 : i32
    %dma_wait3A_236 = tpu.memref_slice %arg4[%add3A_199, %dma_wait3A_235] : memref<16384x1024xf32, #tpu.memory_space<hbm>> -> memref<16x1024xf32, #tpu.memory_space<hbm>>
    %dma_wait3A_237 = arith.constant 0 : i32
    %dma_wait3A_238 = tpu.memref_slice %arg4[%add3A_199, %dma_wait3A_237] : memref<16384x1024xf32, #tpu.memory_space<hbm>> -> memref<16x1024xf32, #tpu.memory_space<hbm>>
    tpu.wait_dma2 semaphore(%arg19 : memref<!tpu.dma_semaphore, #tpu.memory_space<semaphore_mem>>) src(%arg7 : memref<16x1024xf32, #tpu.memory_space<vmem>>) dst(%dma_wait3A_238 : memref<16x1024xf32, #tpu.memory_space<hbm>>)
    %add3A_239 = arith.constant 8192 : i32
    %add3A_240 = arith.addi %add3A_239, %mul3A_2 : i32
    %add3A_241 = arith.constant 32 : i32
    %add3A_242 = arith.addi %add3A_240, %add3A_241 : i32
    %dma_start3A_243 = arith.constant 0 : i32
    %dma_start3A_244 = tpu.memref_slice %arg2[%add3A_242, %dma_start3A_243] : memref<16384x1024xf32, #tpu.memory_space<hbm>> -> memref<16x1024xf32, #tpu.memory_space<hbm>>
    %dma_start3A_245 = arith.constant 0 : i32
    %dma_start3A_246 = tpu.memref_slice %arg2[%add3A_242, %dma_start3A_245] : memref<16384x1024xf32, #tpu.memory_space<hbm>> -> memref<16x1024xf32, #tpu.memory_space<hbm>>
    tpu.enqueue_dma source(%dma_start3A_246 : memref<16x1024xf32, #tpu.memory_space<hbm>>) target(%arg7 : memref<16x1024xf32, #tpu.memory_space<vmem>>) target_semaphore(%arg14 : memref<!tpu.dma_semaphore, #tpu.memory_space<semaphore_mem>>)
    %parallel_loop3A_247 = arith.constant 0 : i32
    %parallel_loop3A_248 = arith.constant 16384 : i32
    %parallel_loop3A_249 = arith.constant 16 : i32
    scf.for %parallel_loop3A_944 = %parallel_loop3A_247 to %parallel_loop3A_248 step %parallel_loop3A_249  : i32 {
      %parallel_loop3A_945 = arith.constant 10 : i32
      %parallel_loop3A_946 = arith.shrsi %parallel_loop3A_944, %parallel_loop3A_945 : i32
      %parallel_loop3A_947 = arith.constant 1023 : i32
      %parallel_loop3A_948 = arith.andi %parallel_loop3A_944, %parallel_loop3A_947 : i32
      %parallel_loop3A_949 = tpu.assume_multiple %parallel_loop3A_948, 16 : i32
      %parallel_loop3A_950 = arith.index_cast %parallel_loop3A_946 : i32 to index
      %parallel_loop3A_951 = arith.index_cast %parallel_loop3A_949 : i32 to index
      %parallel_loop3A_952 = tpu.vector_load %arg6[%parallel_loop3A_950, %parallel_loop3A_951] {strides = array<i32>} : memref<16x1024xf32, #tpu.memory_space<vmem>>, vector<1x16xf32>,
      %parallel_loop3A_953 = vector.shape_cast %parallel_loop3A_952 : vector<1x16xf32> to vector<16xf32>
      %parallel_loop3A_954 = arith.index_cast %parallel_loop3A_946 : i32 to index
      %parallel_loop3A_955 = arith.index_cast %parallel_loop3A_949 : i32 to index
      %parallel_loop3A_956 = tpu.vector_load %arg9[%parallel_loop3A_954, %parallel_loop3A_955] {strides = array<i32>} : memref<16x1024xf32, #tpu.memory_space<vmem>>, vector<1x16xf32>,
      %parallel_loop3A_957 = vector.shape_cast %parallel_loop3A_956 : vector<1x16xf32> to vector<16xf32>
      %parallel_loop3A_958 = vector.shape_cast %parallel_loop3A_953 : vector<16xf32> to vector<1x16xf32>
      tpu.vector_store %arg9[%parallel_loop3A_954, %parallel_loop3A_955], %parallel_loop3A_958 {add = true, strides = array<i32>} : memref<16x1024xf32, #tpu.memory_space<vmem>>, vector<1x16xf32>,
    } {sc.loop_unroll_factor = 8 : i64, sc.parallel_access}
    %add3A_250 = arith.constant 12288 : i32
    %add3A_251 = arith.addi %add3A_250, %mul3A_2 : i32
    %add3A_252 = arith.constant 16 : i32
    %add3A_253 = arith.addi %add3A_251, %add3A_252 : i32
    %dma_start3A_254 = arith.constant 0 : i32
    %dma_start3A_255 = tpu.memref_slice %arg4[%add3A_253, %dma_start3A_254] : memref<16384x1024xf32, #tpu.memory_space<hbm>> -> memref<16x1024xf32, #tpu.memory_space<hbm>>
    %dma_start3A_256 = arith.constant 0 : i32
    %dma_start3A_257 = tpu.memref_slice %arg4[%add3A_253, %dma_start3A_256] : memref<16384x1024xf32, #tpu.memory_space<hbm>> -> memref<16x1024xf32, #tpu.memory_space<hbm>>
    tpu.enqueue_dma source(%arg9 : memref<16x1024xf32, #tpu.memory_space<vmem>>) target(%dma_start3A_257 : memref<16x1024xf32, #tpu.memory_space<hbm>>) target_semaphore(%arg21 : memref<!tpu.dma_semaphore, #tpu.memory_space<semaphore_mem>>)
    %dma_wait3A_258 = arith.constant 0 : i32
    %dma_wait3A_259 = tpu.memref_slice %arg3[%add3A_172, %dma_wait3A_258] : memref<8192x1024xf32, #tpu.memory_space<hbm>> -> memref<16x1024xf32, #tpu.memory_space<hbm>>
    %dma_wait3A_260 = arith.constant 0 : i32
    %dma_wait3A_261 = tpu.memref_slice %arg3[%add3A_172, %dma_wait3A_260] : memref<8192x1024xf32, #tpu.memory_space<hbm>> -> memref<16x1024xf32, #tpu.memory_space<hbm>>
    tpu.wait_dma2 semaphore(%arg12 : memref<!tpu.dma_semaphore, #tpu.memory_space<semaphore_mem>>) src(%dma_wait3A_261 : memref<16x1024xf32, #tpu.memory_space<hbm>>) dst(%arg5 : memref<16x1024xf32, #tpu.memory_space<vmem>>)
    %dma_wait3A_262 = arith.constant 0 : i32
    %dma_wait3A_263 = tpu.memref_slice %arg2[%add3A_188, %dma_wait3A_262] : memref<16384x1024xf32, #tpu.memory_space<hbm>> -> memref<16x1024xf32, #tpu.memory_space<hbm>>
    %dma_wait3A_264 = arith.constant 0 : i32
    %dma_wait3A_265 = tpu.memref_slice %arg2[%add3A_188, %dma_wait3A_264] : memref<16384x1024xf32, #tpu.memory_space<hbm>> -> memref<16x1024xf32, #tpu.memory_space<hbm>>
    tpu.wait_dma2 semaphore(%arg17 : memref<!tpu.dma_semaphore, #tpu.memory_space<semaphore_mem>>) src(%dma_wait3A_265 : memref<16x1024xf32, #tpu.memory_space<hbm>>) dst(%arg10 : memref<16x1024xf32, #tpu.memory_space<vmem>>)
    %dma_wait3A_266 = arith.constant 0 : i32
    %dma_wait3A_267 = tpu.memref_slice %arg4[%add3A_226, %dma_wait3A_266] : memref<16384x1024xf32, #tpu.memory_space<hbm>> -> memref<16x1024xf32, #tpu.memory_space<hbm>>
    %dma_wait3A_268 = arith.constant 0 : i32
    %dma_wait3A_269 = tpu.memref_slice %arg4[%add3A_226, %dma_wait3A_268] : memref<16384x1024xf32, #tpu.memory_space<hbm>> -> memref<16x1024xf32, #tpu.memory_space<hbm>>
    tpu.wait_dma2 semaphore(%arg20 : memref<!tpu.dma_semaphore, #tpu.memory_space<semaphore_mem>>) src(%arg8 : memref<16x1024xf32, #tpu.memory_space<vmem>>) dst(%dma_wait3A_269 : memref<16x1024xf32, #tpu.memory_space<hbm>>)
    %add3A_270 = arith.constant 12288 : i32
    %add3A_271 = arith.addi %add3A_270, %mul3A_2 : i32
    %add3A_272 = arith.constant 32 : i32
    %add3A_273 = arith.addi %add3A_271, %add3A_272 : i32
    %dma_start3A_274 = arith.constant 0 : i32
    %dma_start3A_275 = tpu.memref_slice %arg2[%add3A_273, %dma_start3A_274] : memref<16384x1024xf32, #tpu.memory_space<hbm>> -> memref<16x1024xf32, #tpu.memory_space<hbm>>
    %dma_start3A_276 = arith.constant 0 : i32
    %dma_start3A_277 = tpu.memref_slice %arg2[%add3A_273, %dma_start3A_276] : memref<16384x1024xf32, #tpu.memory_space<hbm>> -> memref<16x1024xf32, #tpu.memory_space<hbm>>
    tpu.enqueue_dma source(%dma_start3A_277 : memref<16x1024xf32, #tpu.memory_space<hbm>>) target(%arg8 : memref<16x1024xf32, #tpu.memory_space<vmem>>) target_semaphore(%arg15 : memref<!tpu.dma_semaphore, #tpu.memory_space<semaphore_mem>>)
    %parallel_loop3A_278 = arith.constant 0 : i32
    %parallel_loop3A_279 = arith.constant 16384 : i32
    %parallel_loop3A_280 = arith.constant 16 : i32
    scf.for %parallel_loop3A_944 = %parallel_loop3A_278 to %parallel_loop3A_279 step %parallel_loop3A_280  : i32 {
      %parallel_loop3A_945 = arith.constant 10 : i32
      %parallel_loop3A_946 = arith.shrsi %parallel_loop3A_944, %parallel_loop3A_945 : i32
      %parallel_loop3A_947 = arith.constant 1023 : i32
      %parallel_loop3A_948 = arith.andi %parallel_loop3A_944, %parallel_loop3A_947 : i32
      %parallel_loop3A_949 = tpu.assume_multiple %parallel_loop3A_948, 16 : i32
      %parallel_loop3A_950 = arith.index_cast %parallel_loop3A_946 : i32 to index
      %parallel_loop3A_951 = arith.index_cast %parallel_loop3A_949 : i32 to index
      %parallel_loop3A_952 = tpu.vector_load %arg5[%parallel_loop3A_950, %parallel_loop3A_951] {strides = array<i32>} : memref<16x1024xf32, #tpu.memory_space<vmem>>, vector<1x16xf32>,
      %parallel_loop3A_953 = vector.shape_cast %parallel_loop3A_952 : vector<1x16xf32> to vector<16xf32>
      %parallel_loop3A_954 = arith.index_cast %parallel_loop3A_946 : i32 to index
      %parallel_loop3A_955 = arith.index_cast %parallel_loop3A_949 : i32 to index
      %parallel_loop3A_956 = tpu.vector_load %arg10[%parallel_loop3A_954, %parallel_loop3A_955] {strides = array<i32>} : memref<16x1024xf32, #tpu.memory_space<vmem>>, vector<1x16xf32>,
      %parallel_loop3A_957 = vector.shape_cast %parallel_loop3A_956 : vector<1x16xf32> to vector<16xf32>
      %parallel_loop3A_958 = vector.shape_cast %parallel_loop3A_953 : vector<16xf32> to vector<1x16xf32>
      tpu.vector_store %arg10[%parallel_loop3A_954, %parallel_loop3A_955], %parallel_loop3A_958 {add = true, strides = array<i32>} : memref<16x1024xf32, #tpu.memory_space<vmem>>, vector<1x16xf32>,
    } {sc.loop_unroll_factor = 8 : i64, sc.parallel_access}
    %add3A_281 = arith.constant 0 : i32
    %add3A_282 = arith.addi %add3A_281, %mul3A_2 : i32
    %add3A_283 = arith.constant 32 : i32
    %add3A_284 = arith.addi %add3A_282, %add3A_283 : i32
    %dma_start3A_285 = arith.constant 0 : i32
    %dma_start3A_286 = tpu.memref_slice %arg4[%add3A_284, %dma_start3A_285] : memref<16384x1024xf32, #tpu.memory_space<hbm>> -> memref<16x1024xf32, #tpu.memory_space<hbm>>
    %dma_start3A_287 = arith.constant 0 : i32
    %dma_start3A_288 = tpu.memref_slice %arg4[%add3A_284, %dma_start3A_287] : memref<16384x1024xf32, #tpu.memory_space<hbm>> -> memref<16x1024xf32, #tpu.memory_space<hbm>>
    tpu.enqueue_dma source(%arg10 : memref<16x1024xf32, #tpu.memory_space<vmem>>) target(%dma_start3A_288 : memref<16x1024xf32, #tpu.memory_space<hbm>>) target_semaphore(%arg22 : memref<!tpu.dma_semaphore, #tpu.memory_space<semaphore_mem>>)
    %add3A_289 = arith.constant 48 : i32
    %add3A_290 = arith.addi %mul3A_2, %add3A_289 : i32
    %dma_start3A_291 = arith.constant 0 : i32
    %dma_start3A_292 = tpu.memref_slice %arg3[%add3A_290, %dma_start3A_291] : memref<8192x1024xf32, #tpu.memory_space<hbm>> -> memref<16x1024xf32, #tpu.memory_space<hbm>>
    %dma_start3A_293 = arith.constant 0 : i32
    %dma_start3A_294 = tpu.memref_slice %arg3[%add3A_290, %dma_start3A_293] : memref<8192x1024xf32, #tpu.memory_space<hbm>> -> memref<16x1024xf32, #tpu.memory_space<hbm>>
    tpu.enqueue_dma source(%dma_start3A_294 : memref<16x1024xf32, #tpu.memory_space<hbm>>) target(%arg6 : memref<16x1024xf32, #tpu.memory_space<vmem>>) target_semaphore(%arg13 : memref<!tpu.dma_semaphore, #tpu.memory_space<semaphore_mem>>)
    %dma_wait3A_295 = arith.constant 0 : i32
    %dma_wait3A_296 = tpu.memref_slice %arg2[%add3A_215, %dma_wait3A_295] : memref<16384x1024xf32, #tpu.memory_space<hbm>> -> memref<16x1024xf32, #tpu.memory_space<hbm>>
    %dma_wait3A_297 = arith.constant 0 : i32
    %dma_wait3A_298 = tpu.memref_slice %arg2[%add3A_215, %dma_wait3A_297] : memref<16384x1024xf32, #tpu.memory_space<hbm>> -> memref<16x1024xf32, #tpu.memory_space<hbm>>
    tpu.wait_dma2 semaphore(%arg18 : memref<!tpu.dma_semaphore, #tpu.memory_space<semaphore_mem>>) src(%dma_wait3A_298 : memref<16x1024xf32, #tpu.memory_space<hbm>>) dst(%arg11 : memref<16x1024xf32, #tpu.memory_space<vmem>>)
    %dma_wait3A_299 = arith.constant 0 : i32
    %dma_wait3A_300 = tpu.memref_slice %arg4[%add3A_253, %dma_wait3A_299] : memref<16384x1024xf32, #tpu.memory_space<hbm>> -> memref<16x1024xf32, #tpu.memory_space<hbm>>
    %dma_wait3A_301 = arith.constant 0 : i32
    %dma_wait3A_302 = tpu.memref_slice %arg4[%add3A_253, %dma_wait3A_301] : memref<16384x1024xf32, #tpu.memory_space<hbm>> -> memref<16x1024xf32, #tpu.memory_space<hbm>>
    tpu.wait_dma2 semaphore(%arg21 : memref<!tpu.dma_semaphore, #tpu.memory_space<semaphore_mem>>) src(%arg9 : memref<16x1024xf32, #tpu.memory_space<vmem>>) dst(%dma_wait3A_302 : memref<16x1024xf32, #tpu.memory_space<hbm>>)
    %add3A_303 = arith.constant 0 : i32
    %add3A_304 = arith.addi %add3A_303, %mul3A_2 : i32
    %add3A_305 = arith.constant 48 : i32
    %add3A_306 = arith.addi %add3A_304, %add3A_305 : i32
    %dma_start3A_307 = arith.constant 0 : i32
    %dma_start3A_308 = tpu.memref_slice %arg2[%add3A_306, %dma_start3A_307] : memref<16384x1024xf32, #tpu.memory_space<hbm>> -> memref<16x1024xf32, #tpu.memory_space<hbm>>
    %dma_start3A_309 = arith.constant 0 : i32
    %dma_start3A_310 = tpu.memref_slice %arg2[%add3A_306, %dma_start3A_309] : memref<16384x1024xf32, #tpu.memory_space<hbm>> -> memref<16x1024xf32, #tpu.memory_space<hbm>>
    tpu.enqueue_dma source(%dma_start3A_310 : memref<16x1024xf32, #tpu.memory_space<hbm>>) target(%arg9 : memref<16x1024xf32, #tpu.memory_space<vmem>>) target_semaphore(%arg16 : memref<!tpu.dma_semaphore, #tpu.memory_space<semaphore_mem>>)
    %parallel_loop3A_311 = arith.constant 0 : i32
    %parallel_loop3A_312 = arith.constant 16384 : i32
    %parallel_loop3A_313 = arith.constant 16 : i32
    scf.for %parallel_loop3A_944 = %parallel_loop3A_311 to %parallel_loop3A_312 step %parallel_loop3A_313  : i32 {
      %parallel_loop3A_945 = arith.constant 10 : i32
      %parallel_loop3A_946 = arith.shrsi %parallel_loop3A_944, %parallel_loop3A_945 : i32
      %parallel_loop3A_947 = arith.constant 1023 : i32
      %parallel_loop3A_948 = arith.andi %parallel_loop3A_944, %parallel_loop3A_947 : i32
      %parallel_loop3A_949 = tpu.assume_multiple %parallel_loop3A_948, 16 : i32
      %parallel_loop3A_950 = arith.index_cast %parallel_loop3A_946 : i32 to index
      %parallel_loop3A_951 = arith.index_cast %parallel_loop3A_949 : i32 to index
      %parallel_loop3A_952 = tpu.vector_load %arg5[%parallel_loop3A_950, %parallel_loop3A_951] {strides = array<i32>} : memref<16x1024xf32, #tpu.memory_space<vmem>>, vector<1x16xf32>,
      %parallel_loop3A_953 = vector.shape_cast %parallel_loop3A_952 : vector<1x16xf32> to vector<16xf32>
      %parallel_loop3A_954 = arith.index_cast %parallel_loop3A_946 : i32 to index
      %parallel_loop3A_955 = arith.index_cast %parallel_loop3A_949 : i32 to index
      %parallel_loop3A_956 = tpu.vector_load %arg11[%parallel_loop3A_954, %parallel_loop3A_955] {strides = array<i32>} : memref<16x1024xf32, #tpu.memory_space<vmem>>, vector<1x16xf32>,
      %parallel_loop3A_957 = vector.shape_cast %parallel_loop3A_956 : vector<1x16xf32> to vector<16xf32>
      %parallel_loop3A_958 = vector.shape_cast %parallel_loop3A_953 : vector<16xf32> to vector<1x16xf32>
      tpu.vector_store %arg11[%parallel_loop3A_954, %parallel_loop3A_955], %parallel_loop3A_958 {add = true, strides = array<i32>} : memref<16x1024xf32, #tpu.memory_space<vmem>>, vector<1x16xf32>,
    } {sc.loop_unroll_factor = 8 : i64, sc.parallel_access}
    %add3A_314 = arith.constant 4096 : i32
    %add3A_315 = arith.addi %add3A_314, %mul3A_2 : i32
    %add3A_316 = arith.constant 32 : i32
    %add3A_317 = arith.addi %add3A_315, %add3A_316 : i32
    %dma_start3A_318 = arith.constant 0 : i32
    %dma_start3A_319 = tpu.memref_slice %arg4[%add3A_317, %dma_start3A_318] : memref<16384x1024xf32, #tpu.memory_space<hbm>> -> memref<16x1024xf32, #tpu.memory_space<hbm>>
    %dma_start3A_320 = arith.constant 0 : i32
    %dma_start3A_321 = tpu.memref_slice %arg4[%add3A_317, %dma_start3A_320] : memref<16384x1024xf32, #tpu.memory_space<hbm>> -> memref<16x1024xf32, #tpu.memory_space<hbm>>
    tpu.enqueue_dma source(%arg11 : memref<16x1024xf32, #tpu.memory_space<vmem>>) target(%dma_start3A_321 : memref<16x1024xf32, #tpu.memory_space<hbm>>) target_semaphore(%arg23 : memref<!tpu.dma_semaphore, #tpu.memory_space<semaphore_mem>>)
    %dma_wait3A_322 = arith.constant 0 : i32
    %dma_wait3A_323 = tpu.memref_slice %arg2[%add3A_242, %dma_wait3A_322] : memref<16384x1024xf32, #tpu.memory_space<hbm>> -> memref<16x1024xf32, #tpu.memory_space<hbm>>
    %dma_wait3A_324 = arith.constant 0 : i32
    %dma_wait3A_325 = tpu.memref_slice %arg2[%add3A_242, %dma_wait3A_324] : memref<16384x1024xf32, #tpu.memory_space<hbm>> -> memref<16x1024xf32, #tpu.memory_space<hbm>>
    tpu.wait_dma2 semaphore(%arg14 : memref<!tpu.dma_semaphore, #tpu.memory_space<semaphore_mem>>) src(%dma_wait3A_325 : memref<16x1024xf32, #tpu.memory_space<hbm>>) dst(%arg7 : memref<16x1024xf32, #tpu.memory_space<vmem>>)
    %dma_wait3A_326 = arith.constant 0 : i32
    %dma_wait3A_327 = tpu.memref_slice %arg4[%add3A_284, %dma_wait3A_326] : memref<16384x1024xf32, #tpu.memory_space<hbm>> -> memref<16x1024xf32, #tpu.memory_space<hbm>>
    %dma_wait3A_328 = arith.constant 0 : i32
    %dma_wait3A_329 = tpu.memref_slice %arg4[%add3A_284, %dma_wait3A_328] : memref<16384x1024xf32, #tpu.memory_space<hbm>> -> memref<16x1024xf32, #tpu.memory_space<hbm>>
    tpu.wait_dma2 semaphore(%arg22 : memref<!tpu.dma_semaphore, #tpu.memory_space<semaphore_mem>>) src(%arg10 : memref<16x1024xf32, #tpu.memory_space<vmem>>) dst(%dma_wait3A_329 : memref<16x1024xf32, #tpu.memory_space<hbm>>)
    %add3A_330 = arith.constant 4096 : i32
    %add3A_331 = arith.addi %add3A_330, %mul3A_2 : i32
    %add3A_332 = arith.constant 48 : i32
    %add3A_333 = arith.addi %add3A_331, %add3A_332 : i32
    %dma_start3A_334 = arith.constant 0 : i32
    %dma_start3A_335 = tpu.memref_slice %arg2[%add3A_333, %dma_start3A_334] : memref<16384x1024xf32, #tpu.memory_space<hbm>> -> memref<16x1024xf32, #tpu.memory_space<hbm>>
    %dma_start3A_336 = arith.constant 0 : i32
    %dma_start3A_337 = tpu.memref_slice %arg2[%add3A_333, %dma_start3A_336] : memref<16384x1024xf32, #tpu.memory_space<hbm>> -> memref<16x1024xf32, #tpu.memory_space<hbm>>
    tpu.enqueue_dma source(%dma_start3A_337 : memref<16x1024xf32, #tpu.memory_space<hbm>>) target(%arg10 : memref<16x1024xf32, #tpu.memory_space<vmem>>) target_semaphore(%arg17 : memref<!tpu.dma_semaphore, #tpu.memory_space<semaphore_mem>>)
    %parallel_loop3A_338 = arith.constant 0 : i32
    %parallel_loop3A_339 = arith.constant 16384 : i32
    %parallel_loop3A_340 = arith.constant 16 : i32
    scf.for %parallel_loop3A_944 = %parallel_loop3A_338 to %parallel_loop3A_339 step %parallel_loop3A_340  : i32 {
      %parallel_loop3A_945 = arith.constant 10 : i32
      %parallel_loop3A_946 = arith.shrsi %parallel_loop3A_944, %parallel_loop3A_945 : i32
      %parallel_loop3A_947 = arith.constant 1023 : i32
      %parallel_loop3A_948 = arith.andi %parallel_loop3A_944, %parallel_loop3A_947 : i32
      %parallel_loop3A_949 = tpu.assume_multiple %parallel_loop3A_948, 16 : i32
      %parallel_loop3A_950 = arith.index_cast %parallel_loop3A_946 : i32 to index
      %parallel_loop3A_951 = arith.index_cast %parallel_loop3A_949 : i32 to index
      %parallel_loop3A_952 = tpu.vector_load %arg5[%parallel_loop3A_950, %parallel_loop3A_951] {strides = array<i32>} : memref<16x1024xf32, #tpu.memory_space<vmem>>, vector<1x16xf32>,
      %parallel_loop3A_953 = vector.shape_cast %parallel_loop3A_952 : vector<1x16xf32> to vector<16xf32>
      %parallel_loop3A_954 = arith.index_cast %parallel_loop3A_946 : i32 to index
      %parallel_loop3A_955 = arith.index_cast %parallel_loop3A_949 : i32 to index
      %parallel_loop3A_956 = tpu.vector_load %arg7[%parallel_loop3A_954, %parallel_loop3A_955] {strides = array<i32>} : memref<16x1024xf32, #tpu.memory_space<vmem>>, vector<1x16xf32>,
      %parallel_loop3A_957 = vector.shape_cast %parallel_loop3A_956 : vector<1x16xf32> to vector<16xf32>
      %parallel_loop3A_958 = vector.shape_cast %parallel_loop3A_953 : vector<16xf32> to vector<1x16xf32>
      tpu.vector_store %arg7[%parallel_loop3A_954, %parallel_loop3A_955], %parallel_loop3A_958 {add = true, strides = array<i32>} : memref<16x1024xf32, #tpu.memory_space<vmem>>, vector<1x16xf32>,
    } {sc.loop_unroll_factor = 8 : i64, sc.parallel_access}
    %add3A_341 = arith.constant 8192 : i32
    %add3A_342 = arith.addi %add3A_341, %mul3A_2 : i32
    %add3A_343 = arith.constant 32 : i32
    %add3A_344 = arith.addi %add3A_342, %add3A_343 : i32
    %dma_start3A_345 = arith.constant 0 : i32
    %dma_start3A_346 = tpu.memref_slice %arg4[%add3A_344, %dma_start3A_345] : memref<16384x1024xf32, #tpu.memory_space<hbm>> -> memref<16x1024xf32, #tpu.memory_space<hbm>>
    %dma_start3A_347 = arith.constant 0 : i32
    %dma_start3A_348 = tpu.memref_slice %arg4[%add3A_344, %dma_start3A_347] : memref<16384x1024xf32, #tpu.memory_space<hbm>> -> memref<16x1024xf32, #tpu.memory_space<hbm>>
    tpu.enqueue_dma source(%arg7 : memref<16x1024xf32, #tpu.memory_space<vmem>>) target(%dma_start3A_348 : memref<16x1024xf32, #tpu.memory_space<hbm>>) target_semaphore(%arg19 : memref<!tpu.dma_semaphore, #tpu.memory_space<semaphore_mem>>)
    %dma_wait3A_349 = arith.constant 0 : i32
    %dma_wait3A_350 = tpu.memref_slice %arg2[%add3A_273, %dma_wait3A_349] : memref<16384x1024xf32, #tpu.memory_space<hbm>> -> memref<16x1024xf32, #tpu.memory_space<hbm>>
    %dma_wait3A_351 = arith.constant 0 : i32
    %dma_wait3A_352 = tpu.memref_slice %arg2[%add3A_273, %dma_wait3A_351] : memref<16384x1024xf32, #tpu.memory_space<hbm>> -> memref<16x1024xf32, #tpu.memory_space<hbm>>
    tpu.wait_dma2 semaphore(%arg15 : memref<!tpu.dma_semaphore, #tpu.memory_space<semaphore_mem>>) src(%dma_wait3A_352 : memref<16x1024xf32, #tpu.memory_space<hbm>>) dst(%arg8 : memref<16x1024xf32, #tpu.memory_space<vmem>>)
    %dma_wait3A_353 = arith.constant 0 : i32
    %dma_wait3A_354 = tpu.memref_slice %arg4[%add3A_317, %dma_wait3A_353] : memref<16384x1024xf32, #tpu.memory_space<hbm>> -> memref<16x1024xf32, #tpu.memory_space<hbm>>
    %dma_wait3A_355 = arith.constant 0 : i32
    %dma_wait3A_356 = tpu.memref_slice %arg4[%add3A_317, %dma_wait3A_355] : memref<16384x1024xf32, #tpu.memory_space<hbm>> -> memref<16x1024xf32, #tpu.memory_space<hbm>>
    tpu.wait_dma2 semaphore(%arg23 : memref<!tpu.dma_semaphore, #tpu.memory_space<semaphore_mem>>) src(%arg11 : memref<16x1024xf32, #tpu.memory_space<vmem>>) dst(%dma_wait3A_356 : memref<16x1024xf32, #tpu.memory_space<hbm>>)
    %add3A_357 = arith.constant 8192 : i32
    %add3A_358 = arith.addi %add3A_357, %mul3A_2 : i32
    %add3A_359 = arith.constant 48 : i32
    %add3A_360 = arith.addi %add3A_358, %add3A_359 : i32
    %dma_start3A_361 = arith.constant 0 : i32
    %dma_start3A_362 = tpu.memref_slice %arg2[%add3A_360, %dma_start3A_361] : memref<16384x1024xf32, #tpu.memory_space<hbm>> -> memref<16x1024xf32, #tpu.memory_space<hbm>>
    %dma_start3A_363 = arith.constant 0 : i32
    %dma_start3A_364 = tpu.memref_slice %arg2[%add3A_360, %dma_start3A_363] : memref<16384x1024xf32, #tpu.memory_space<hbm>> -> memref<16x1024xf32, #tpu.memory_space<hbm>>
    tpu.enqueue_dma source(%dma_start3A_364 : memref<16x1024xf32, #tpu.memory_space<hbm>>) target(%arg11 : memref<16x1024xf32, #tpu.memory_space<vmem>>) target_semaphore(%arg18 : memref<!tpu.dma_semaphore, #tpu.memory_space<semaphore_mem>>)
    %parallel_loop3A_365 = arith.constant 0 : i32
    %parallel_loop3A_366 = arith.constant 16384 : i32
    %parallel_loop3A_367 = arith.constant 16 : i32
    scf.for %parallel_loop3A_944 = %parallel_loop3A_365 to %parallel_loop3A_366 step %parallel_loop3A_367  : i32 {
      %parallel_loop3A_945 = arith.constant 10 : i32
      %parallel_loop3A_946 = arith.shrsi %parallel_loop3A_944, %parallel_loop3A_945 : i32
      %parallel_loop3A_947 = arith.constant 1023 : i32
      %parallel_loop3A_948 = arith.andi %parallel_loop3A_944, %parallel_loop3A_947 : i32
      %parallel_loop3A_949 = tpu.assume_multiple %parallel_loop3A_948, 16 : i32
      %parallel_loop3A_950 = arith.index_cast %parallel_loop3A_946 : i32 to index
      %parallel_loop3A_951 = arith.index_cast %parallel_loop3A_949 : i32 to index
      %parallel_loop3A_952 = tpu.vector_load %arg5[%parallel_loop3A_950, %parallel_loop3A_951] {strides = array<i32>} : memref<16x1024xf32, #tpu.memory_space<vmem>>, vector<1x16xf32>,
      %parallel_loop3A_953 = vector.shape_cast %parallel_loop3A_952 : vector<1x16xf32> to vector<16xf32>
      %parallel_loop3A_954 = arith.index_cast %parallel_loop3A_946 : i32 to index
      %parallel_loop3A_955 = arith.index_cast %parallel_loop3A_949 : i32 to index
      %parallel_loop3A_956 = tpu.vector_load %arg8[%parallel_loop3A_954, %parallel_loop3A_955] {strides = array<i32>} : memref<16x1024xf32, #tpu.memory_space<vmem>>, vector<1x16xf32>,
      %parallel_loop3A_957 = vector.shape_cast %parallel_loop3A_956 : vector<1x16xf32> to vector<16xf32>
      %parallel_loop3A_958 = vector.shape_cast %parallel_loop3A_953 : vector<16xf32> to vector<1x16xf32>
      tpu.vector_store %arg8[%parallel_loop3A_954, %parallel_loop3A_955], %parallel_loop3A_958 {add = true, strides = array<i32>} : memref<16x1024xf32, #tpu.memory_space<vmem>>, vector<1x16xf32>,
    } {sc.loop_unroll_factor = 8 : i64, sc.parallel_access}
    %add3A_368 = arith.constant 12288 : i32
    %add3A_369 = arith.addi %add3A_368, %mul3A_2 : i32
    %add3A_370 = arith.constant 32 : i32
    %add3A_371 = arith.addi %add3A_369, %add3A_370 : i32
    %dma_start3A_372 = arith.constant 0 : i32
    %dma_start3A_373 = tpu.memref_slice %arg4[%add3A_371, %dma_start3A_372] : memref<16384x1024xf32, #tpu.memory_space<hbm>> -> memref<16x1024xf32, #tpu.memory_space<hbm>>
    %dma_start3A_374 = arith.constant 0 : i32
    %dma_start3A_375 = tpu.memref_slice %arg4[%add3A_371, %dma_start3A_374] : memref<16384x1024xf32, #tpu.memory_space<hbm>> -> memref<16x1024xf32, #tpu.memory_space<hbm>>
    tpu.enqueue_dma source(%arg8 : memref<16x1024xf32, #tpu.memory_space<vmem>>) target(%dma_start3A_375 : memref<16x1024xf32, #tpu.memory_space<hbm>>) target_semaphore(%arg20 : memref<!tpu.dma_semaphore, #tpu.memory_space<semaphore_mem>>)
    %dma_wait3A_376 = arith.constant 0 : i32
    %dma_wait3A_377 = tpu.memref_slice %arg3[%add3A_290, %dma_wait3A_376] : memref<8192x1024xf32, #tpu.memory_space<hbm>> -> memref<16x1024xf32, #tpu.memory_space<hbm>>
    %dma_wait3A_378 = arith.constant 0 : i32
    %dma_wait3A_379 = tpu.memref_slice %arg3[%add3A_290, %dma_wait3A_378] : memref<8192x1024xf32, #tpu.memory_space<hbm>> -> memref<16x1024xf32, #tpu.memory_space<hbm>>
    tpu.wait_dma2 semaphore(%arg13 : memref<!tpu.dma_semaphore, #tpu.memory_space<semaphore_mem>>) src(%dma_wait3A_379 : memref<16x1024xf32, #tpu.memory_space<hbm>>) dst(%arg6 : memref<16x1024xf32, #tpu.memory_space<vmem>>)
    %dma_wait3A_380 = arith.constant 0 : i32
    %dma_wait3A_381 = tpu.memref_slice %arg2[%add3A_306, %dma_wait3A_380] : memref<16384x1024xf32, #tpu.memory_space<hbm>> -> memref<16x1024xf32, #tpu.memory_space<hbm>>
    %dma_wait3A_382 = arith.constant 0 : i32
    %dma_wait3A_383 = tpu.memref_slice %arg2[%add3A_306, %dma_wait3A_382] : memref<16384x1024xf32, #tpu.memory_space<hbm>> -> memref<16x1024xf32, #tpu.memory_space<hbm>>
    tpu.wait_dma2 semaphore(%arg16 : memref<!tpu.dma_semaphore, #tpu.memory_space<semaphore_mem>>) src(%dma_wait3A_383 : memref<16x1024xf32, #tpu.memory_space<hbm>>) dst(%arg9 : memref<16x1024xf32, #tpu.memory_space<vmem>>)
    %dma_wait3A_384 = arith.constant 0 : i32
    %dma_wait3A_385 = tpu.memref_slice %arg4[%add3A_344, %dma_wait3A_384] : memref<16384x1024xf32, #tpu.memory_space<hbm>> -> memref<16x1024xf32, #tpu.memory_space<hbm>>
    %dma_wait3A_386 = arith.constant 0 : i32
    %dma_wait3A_387 = tpu.memref_slice %arg4[%add3A_344, %dma_wait3A_386] : memref<16384x1024xf32, #tpu.memory_space<hbm>> -> memref<16x1024xf32, #tpu.memory_space<hbm>>
    tpu.wait_dma2 semaphore(%arg19 : memref<!tpu.dma_semaphore, #tpu.memory_space<semaphore_mem>>) src(%arg7 : memref<16x1024xf32, #tpu.memory_space<vmem>>) dst(%dma_wait3A_387 : memref<16x1024xf32, #tpu.memory_space<hbm>>)
    %add3A_388 = arith.constant 12288 : i32
    %add3A_389 = arith.addi %add3A_388, %mul3A_2 : i32
    %add3A_390 = arith.constant 48 : i32
    %add3A_391 = arith.addi %add3A_389, %add3A_390 : i32
    %dma_start3A_392 = arith.constant 0 : i32
    %dma_start3A_393 = tpu.memref_slice %arg2[%add3A_391, %dma_start3A_392] : memref<16384x1024xf32, #tpu.memory_space<hbm>> -> memref<16x1024xf32, #tpu.memory_space<hbm>>
    %dma_start3A_394 = arith.constant 0 : i32
    %dma_start3A_395 = tpu.memref_slice %arg2[%add3A_391, %dma_start3A_394] : memref<16384x1024xf32, #tpu.memory_space<hbm>> -> memref<16x1024xf32, #tpu.memory_space<hbm>>
    tpu.enqueue_dma source(%dma_start3A_395 : memref<16x1024xf32, #tpu.memory_space<hbm>>) target(%arg7 : memref<16x1024xf32, #tpu.memory_space<vmem>>) target_semaphore(%arg14 : memref<!tpu.dma_semaphore, #tpu.memory_space<semaphore_mem>>)
    %parallel_loop3A_396 = arith.constant 0 : i32
    %parallel_loop3A_397 = arith.constant 16384 : i32
    %parallel_loop3A_398 = arith.constant 16 : i32
    scf.for %parallel_loop3A_944 = %parallel_loop3A_396 to %parallel_loop3A_397 step %parallel_loop3A_398  : i32 {
      %parallel_loop3A_945 = arith.constant 10 : i32
      %parallel_loop3A_946 = arith.shrsi %parallel_loop3A_944, %parallel_loop3A_945 : i32
      %parallel_loop3A_947 = arith.constant 1023 : i32
      %parallel_loop3A_948 = arith.andi %parallel_loop3A_944, %parallel_loop3A_947 : i32
      %parallel_loop3A_949 = tpu.assume_multiple %parallel_loop3A_948, 16 : i32
      %parallel_loop3A_950 = arith.index_cast %parallel_loop3A_946 : i32 to index
      %parallel_loop3A_951 = arith.index_cast %parallel_loop3A_949 : i32 to index
      %parallel_loop3A_952 = tpu.vector_load %arg6[%parallel_loop3A_950, %parallel_loop3A_951] {strides = array<i32>} : memref<16x1024xf32, #tpu.memory_space<vmem>>, vector<1x16xf32>,
      %parallel_loop3A_953 = vector.shape_cast %parallel_loop3A_952 : vector<1x16xf32> to vector<16xf32>
      %parallel_loop3A_954 = arith.index_cast %parallel_loop3A_946 : i32 to index
      %parallel_loop3A_955 = arith.index_cast %parallel_loop3A_949 : i32 to index
      %parallel_loop3A_956 = tpu.vector_load %arg9[%parallel_loop3A_954, %parallel_loop3A_955] {strides = array<i32>} : memref<16x1024xf32, #tpu.memory_space<vmem>>, vector<1x16xf32>,
      %parallel_loop3A_957 = vector.shape_cast %parallel_loop3A_956 : vector<1x16xf32> to vector<16xf32>
      %parallel_loop3A_958 = vector.shape_cast %parallel_loop3A_953 : vector<16xf32> to vector<1x16xf32>
      tpu.vector_store %arg9[%parallel_loop3A_954, %parallel_loop3A_955], %parallel_loop3A_958 {add = true, strides = array<i32>} : memref<16x1024xf32, #tpu.memory_space<vmem>>, vector<1x16xf32>,
    } {sc.loop_unroll_factor = 8 : i64, sc.parallel_access}
    %add3A_399 = arith.constant 0 : i32
    %add3A_400 = arith.addi %add3A_399, %mul3A_2 : i32
    %add3A_401 = arith.constant 48 : i32
    %add3A_402 = arith.addi %add3A_400, %add3A_401 : i32
    %dma_start3A_403 = arith.constant 0 : i32
    %dma_start3A_404 = tpu.memref_slice %arg4[%add3A_402, %dma_start3A_403] : memref<16384x1024xf32, #tpu.memory_space<hbm>> -> memref<16x1024xf32, #tpu.memory_space<hbm>>
    %dma_start3A_405 = arith.constant 0 : i32
    %dma_start3A_406 = tpu.memref_slice %arg4[%add3A_402, %dma_start3A_405] : memref<16384x1024xf32, #tpu.memory_space<hbm>> -> memref<16x1024xf32, #tpu.memory_space<hbm>>
    tpu.enqueue_dma source(%arg9 : memref<16x1024xf32, #tpu.memory_space<vmem>>) target(%dma_start3A_406 : memref<16x1024xf32, #tpu.memory_space<hbm>>) target_semaphore(%arg21 : memref<!tpu.dma_semaphore, #tpu.memory_space<semaphore_mem>>)
    %add3A_407 = arith.constant 64 : i32
    %add3A_408 = arith.addi %mul3A_2, %add3A_407 : i32
    %dma_start3A_409 = arith.constant 0 : i32
    %dma_start3A_410 = tpu.memref_slice %arg3[%add3A_408, %dma_start3A_409] : memref<8192x1024xf32, #tpu.memory_space<hbm>> -> memref<16x1024xf32, #tpu.memory_space<hbm>>
    %dma_start3A_411 = arith.constant 0 : i32
    %dma_start3A_412 = tpu.memref_slice %arg3[%add3A_408, %dma_start3A_411] : memref<8192x1024xf32, #tpu.memory_space<hbm>> -> memref<16x1024xf32, #tpu.memory_space<hbm>>
    tpu.enqueue_dma source(%dma_start3A_412 : memref<16x1024xf32, #tpu.memory_space<hbm>>) target(%arg5 : memref<16x1024xf32, #tpu.memory_space<vmem>>) target_semaphore(%arg12 : memref<!tpu.dma_semaphore, #tpu.memory_space<semaphore_mem>>)
    %dma_wait3A_413 = arith.constant 0 : i32
    %dma_wait3A_414 = tpu.memref_slice %arg2[%add3A_333, %dma_wait3A_413] : memref<16384x1024xf32, #tpu.memory_space<hbm>> -> memref<16x1024xf32, #tpu.memory_space<hbm>>
    %dma_wait3A_415 = arith.constant 0 : i32
    %dma_wait3A_416 = tpu.memref_slice %arg2[%add3A_333, %dma_wait3A_415] : memref<16384x1024xf32, #tpu.memory_space<hbm>> -> memref<16x1024xf32, #tpu.memory_space<hbm>>
    tpu.wait_dma2 semaphore(%arg17 : memref<!tpu.dma_semaphore, #tpu.memory_space<semaphore_mem>>) src(%dma_wait3A_416 : memref<16x1024xf32, #tpu.memory_space<hbm>>) dst(%arg10 : memref<16x1024xf32, #tpu.memory_space<vmem>>)
    %dma_wait3A_417 = arith.constant 0 : i32
    %dma_wait3A_418 = tpu.memref_slice %arg4[%add3A_371, %dma_wait3A_417] : memref<16384x1024xf32, #tpu.memory_space<hbm>> -> memref<16x1024xf32, #tpu.memory_space<hbm>>
    %dma_wait3A_419 = arith.constant 0 : i32
    %dma_wait3A_420 = tpu.memref_slice %arg4[%add3A_371, %dma_wait3A_419] : memref<16384x1024xf32, #tpu.memory_space<hbm>> -> memref<16x1024xf32, #tpu.memory_space<hbm>>
    tpu.wait_dma2 semaphore(%arg20 : memref<!tpu.dma_semaphore, #tpu.memory_space<semaphore_mem>>) src(%arg8 : memref<16x1024xf32, #tpu.memory_space<vmem>>) dst(%dma_wait3A_420 : memref<16x1024xf32, #tpu.memory_space<hbm>>)
    %add3A_421 = arith.constant 0 : i32
    %add3A_422 = arith.addi %add3A_421, %mul3A_2 : i32
    %add3A_423 = arith.constant 64 : i32
    %add3A_424 = arith.addi %add3A_422, %add3A_423 : i32
    %dma_start3A_425 = arith.constant 0 : i32
    %dma_start3A_426 = tpu.memref_slice %arg2[%add3A_424, %dma_start3A_425] : memref<16384x1024xf32, #tpu.memory_space<hbm>> -> memref<16x1024xf32, #tpu.memory_space<hbm>>
    %dma_start3A_427 = arith.constant 0 : i32
    %dma_start3A_428 = tpu.memref_slice %arg2[%add3A_424, %dma_start3A_427] : memref<16384x1024xf32, #tpu.memory_space<hbm>> -> memref<16x1024xf32, #tpu.memory_space<hbm>>
    tpu.enqueue_dma source(%dma_start3A_428 : memref<16x1024xf32, #tpu.memory_space<hbm>>) target(%arg8 : memref<16x1024xf32, #tpu.memory_space<vmem>>) target_semaphore(%arg15 : memref<!tpu.dma_semaphore, #tpu.memory_space<semaphore_mem>>)
    %parallel_loop3A_429 = arith.constant 0 : i32
    %parallel_loop3A_430 = arith.constant 16384 : i32
    %parallel_loop3A_431 = arith.constant 16 : i32
    scf.for %parallel_loop3A_944 = %parallel_loop3A_429 to %parallel_loop3A_430 step %parallel_loop3A_431  : i32 {
      %parallel_loop3A_945 = arith.constant 10 : i32
      %parallel_loop3A_946 = arith.shrsi %parallel_loop3A_944, %parallel_loop3A_945 : i32
      %parallel_loop3A_947 = arith.constant 1023 : i32
      %parallel_loop3A_948 = arith.andi %parallel_loop3A_944, %parallel_loop3A_947 : i32
      %parallel_loop3A_949 = tpu.assume_multiple %parallel_loop3A_948, 16 : i32
      %parallel_loop3A_950 = arith.index_cast %parallel_loop3A_946 : i32 to index
      %parallel_loop3A_951 = arith.index_cast %parallel_loop3A_949 : i32 to index
      %parallel_loop3A_952 = tpu.vector_load %arg6[%parallel_loop3A_950, %parallel_loop3A_951] {strides = array<i32>} : memref<16x1024xf32, #tpu.memory_space<vmem>>, vector<1x16xf32>,
      %parallel_loop3A_953 = vector.shape_cast %parallel_loop3A_952 : vector<1x16xf32> to vector<16xf32>
      %parallel_loop3A_954 = arith.index_cast %parallel_loop3A_946 : i32 to index
      %parallel_loop3A_955 = arith.index_cast %parallel_loop3A_949 : i32 to index
      %parallel_loop3A_956 = tpu.vector_load %arg10[%parallel_loop3A_954, %parallel_loop3A_955] {strides = array<i32>} : memref<16x1024xf32, #tpu.memory_space<vmem>>, vector<1x16xf32>,
      %parallel_loop3A_957 = vector.shape_cast %parallel_loop3A_956 : vector<1x16xf32> to vector<16xf32>
      %parallel_loop3A_958 = vector.shape_cast %parallel_loop3A_953 : vector<16xf32> to vector<1x16xf32>
      tpu.vector_store %arg10[%parallel_loop3A_954, %parallel_loop3A_955], %parallel_loop3A_958 {add = true, strides = array<i32>} : memref<16x1024xf32, #tpu.memory_space<vmem>>, vector<1x16xf32>,
    } {sc.loop_unroll_factor = 8 : i64, sc.parallel_access}
    %add3A_432 = arith.constant 4096 : i32
    %add3A_433 = arith.addi %add3A_432, %mul3A_2 : i32
    %add3A_434 = arith.constant 48 : i32
    %add3A_435 = arith.addi %add3A_433, %add3A_434 : i32
    %dma_start3A_436 = arith.constant 0 : i32
    %dma_start3A_437 = tpu.memref_slice %arg4[%add3A_435, %dma_start3A_436] : memref<16384x1024xf32, #tpu.memory_space<hbm>> -> memref<16x1024xf32, #tpu.memory_space<hbm>>
    %dma_start3A_438 = arith.constant 0 : i32
    %dma_start3A_439 = tpu.memref_slice %arg4[%add3A_435, %dma_start3A_438] : memref<16384x1024xf32, #tpu.memory_space<hbm>> -> memref<16x1024xf32, #tpu.memory_space<hbm>>
    tpu.enqueue_dma source(%arg10 : memref<16x1024xf32, #tpu.memory_space<vmem>>) target(%dma_start3A_439 : memref<16x1024xf32, #tpu.memory_space<hbm>>) target_semaphore(%arg22 : memref<!tpu.dma_semaphore, #tpu.memory_space<semaphore_mem>>)
    %dma_wait3A_440 = arith.constant 0 : i32
    %dma_wait3A_441 = tpu.memref_slice %arg2[%add3A_360, %dma_wait3A_440] : memref<16384x1024xf32, #tpu.memory_space<hbm>> -> memref<16x1024xf32, #tpu.memory_space<hbm>>
    %dma_wait3A_442 = arith.constant 0 : i32
    %dma_wait3A_443 = tpu.memref_slice %arg2[%add3A_360, %dma_wait3A_442] : memref<16384x1024xf32, #tpu.memory_space<hbm>> -> memref<16x1024xf32, #tpu.memory_space<hbm>>
    tpu.wait_dma2 semaphore(%arg18 : memref<!tpu.dma_semaphore, #tpu.memory_space<semaphore_mem>>) src(%dma_wait3A_443 : memref<16x1024xf32, #tpu.memory_space<hbm>>) dst(%arg11 : memref<16x1024xf32, #tpu.memory_space<vmem>>)
    %dma_wait3A_444 = arith.constant 0 : i32
    %dma_wait3A_445 = tpu.memref_slice %arg4[%add3A_402, %dma_wait3A_444] : memref<16384x1024xf32, #tpu.memory_space<hbm>> -> memref<16x1024xf32, #tpu.memory_space<hbm>>
    %dma_wait3A_446 = arith.constant 0 : i32
    %dma_wait3A_447 = tpu.memref_slice %arg4[%add3A_402, %dma_wait3A_446] : memref<16384x1024xf32, #tpu.memory_space<hbm>> -> memref<16x1024xf32, #tpu.memory_space<hbm>>
    tpu.wait_dma2 semaphore(%arg21 : memref<!tpu.dma_semaphore, #tpu.memory_space<semaphore_mem>>) src(%arg9 : memref<16x1024xf32, #tpu.memory_space<vmem>>) dst(%dma_wait3A_447 : memref<16x1024xf32, #tpu.memory_space<hbm>>)
    %add3A_448 = arith.constant 4096 : i32
    %add3A_449 = arith.addi %add3A_448, %mul3A_2 : i32
    %add3A_450 = arith.constant 64 : i32
    %add3A_451 = arith.addi %add3A_449, %add3A_450 : i32
    %dma_start3A_452 = arith.constant 0 : i32
    %dma_start3A_453 = tpu.memref_slice %arg2[%add3A_451, %dma_start3A_452] : memref<16384x1024xf32, #tpu.memory_space<hbm>> -> memref<16x1024xf32, #tpu.memory_space<hbm>>
    %dma_start3A_454 = arith.constant 0 : i32
    %dma_start3A_455 = tpu.memref_slice %arg2[%add3A_451, %dma_start3A_454] : memref<16384x1024xf32, #tpu.memory_space<hbm>> -> memref<16x1024xf32, #tpu.memory_space<hbm>>
    tpu.enqueue_dma source(%dma_start3A_455 : memref<16x1024xf32, #tpu.memory_space<hbm>>) target(%arg9 : memref<16x1024xf32, #tpu.memory_space<vmem>>) target_semaphore(%arg16 : memref<!tpu.dma_semaphore, #tpu.memory_space<semaphore_mem>>)
    %parallel_loop3A_456 = arith.constant 0 : i32
    %parallel_loop3A_457 = arith.constant 16384 : i32
    %parallel_loop3A_458 = arith.constant 16 : i32
    scf.for %parallel_loop3A_944 = %parallel_loop3A_456 to %parallel_loop3A_457 step %parallel_loop3A_458  : i32 {
      %parallel_loop3A_945 = arith.constant 10 : i32
      %parallel_loop3A_946 = arith.shrsi %parallel_loop3A_944, %parallel_loop3A_945 : i32
      %parallel_loop3A_947 = arith.constant 1023 : i32
      %parallel_loop3A_948 = arith.andi %parallel_loop3A_944, %parallel_loop3A_947 : i32
      %parallel_loop3A_949 = tpu.assume_multiple %parallel_loop3A_948, 16 : i32
      %parallel_loop3A_950 = arith.index_cast %parallel_loop3A_946 : i32 to index
      %parallel_loop3A_951 = arith.index_cast %parallel_loop3A_949 : i32 to index
      %parallel_loop3A_952 = tpu.vector_load %arg6[%parallel_loop3A_950, %parallel_loop3A_951] {strides = array<i32>} : memref<16x1024xf32, #tpu.memory_space<vmem>>, vector<1x16xf32>,
      %parallel_loop3A_953 = vector.shape_cast %parallel_loop3A_952 : vector<1x16xf32> to vector<16xf32>
      %parallel_loop3A_954 = arith.index_cast %parallel_loop3A_946 : i32 to index
      %parallel_loop3A_955 = arith.index_cast %parallel_loop3A_949 : i32 to index
      %parallel_loop3A_956 = tpu.vector_load %arg11[%parallel_loop3A_954, %parallel_loop3A_955] {strides = array<i32>} : memref<16x1024xf32, #tpu.memory_space<vmem>>, vector<1x16xf32>,
      %parallel_loop3A_957 = vector.shape_cast %parallel_loop3A_956 : vector<1x16xf32> to vector<16xf32>
      %parallel_loop3A_958 = vector.shape_cast %parallel_loop3A_953 : vector<16xf32> to vector<1x16xf32>
      tpu.vector_store %arg11[%parallel_loop3A_954, %parallel_loop3A_955], %parallel_loop3A_958 {add = true, strides = array<i32>} : memref<16x1024xf32, #tpu.memory_space<vmem>>, vector<1x16xf32>,
    } {sc.loop_unroll_factor = 8 : i64, sc.parallel_access}
    %add3A_459 = arith.constant 8192 : i32
    %add3A_460 = arith.addi %add3A_459, %mul3A_2 : i32
    %add3A_461 = arith.constant 48 : i32
    %add3A_462 = arith.addi %add3A_460, %add3A_461 : i32
    %dma_start3A_463 = arith.constant 0 : i32
    %dma_start3A_464 = tpu.memref_slice %arg4[%add3A_462, %dma_start3A_463] : memref<16384x1024xf32, #tpu.memory_space<hbm>> -> memref<16x1024xf32, #tpu.memory_space<hbm>>
    %dma_start3A_465 = arith.constant 0 : i32
    %dma_start3A_466 = tpu.memref_slice %arg4[%add3A_462, %dma_start3A_465] : memref<16384x1024xf32, #tpu.memory_space<hbm>> -> memref<16x1024xf32, #tpu.memory_space<hbm>>
    tpu.enqueue_dma source(%arg11 : memref<16x1024xf32, #tpu.memory_space<vmem>>) target(%dma_start3A_466 : memref<16x1024xf32, #tpu.memory_space<hbm>>) target_semaphore(%arg23 : memref<!tpu.dma_semaphore, #tpu.memory_space<semaphore_mem>>)
    %dma_wait3A_467 = arith.constant 0 : i32
    %dma_wait3A_468 = tpu.memref_slice %arg2[%add3A_391, %dma_wait3A_467] : memref<16384x1024xf32, #tpu.memory_space<hbm>> -> memref<16x1024xf32, #tpu.memory_space<hbm>>
    %dma_wait3A_469 = arith.constant 0 : i32
    %dma_wait3A_470 = tpu.memref_slice %arg2[%add3A_391, %dma_wait3A_469] : memref<16384x1024xf32, #tpu.memory_space<hbm>> -> memref<16x1024xf32, #tpu.memory_space<hbm>>
    tpu.wait_dma2 semaphore(%arg14 : memref<!tpu.dma_semaphore, #tpu.memory_space<semaphore_mem>>) src(%dma_wait3A_470 : memref<16x1024xf32, #tpu.memory_space<hbm>>) dst(%arg7 : memref<16x1024xf32, #tpu.memory_space<vmem>>)
    %dma_wait3A_471 = arith.constant 0 : i32
    %dma_wait3A_472 = tpu.memref_slice %arg4[%add3A_435, %dma_wait3A_471] : memref<16384x1024xf32, #tpu.memory_space<hbm>> -> memref<16x1024xf32, #tpu.memory_space<hbm>>
    %dma_wait3A_473 = arith.constant 0 : i32
    %dma_wait3A_474 = tpu.memref_slice %arg4[%add3A_435, %dma_wait3A_473] : memref<16384x1024xf32, #tpu.memory_space<hbm>> -> memref<16x1024xf32, #tpu.memory_space<hbm>>
    tpu.wait_dma2 semaphore(%arg22 : memref<!tpu.dma_semaphore, #tpu.memory_space<semaphore_mem>>) src(%arg10 : memref<16x1024xf32, #tpu.memory_space<vmem>>) dst(%dma_wait3A_474 : memref<16x1024xf32, #tpu.memory_space<hbm>>)
    %add3A_475 = arith.constant 8192 : i32
    %add3A_476 = arith.addi %add3A_475, %mul3A_2 : i32
    %add3A_477 = arith.constant 64 : i32
    %add3A_478 = arith.addi %add3A_476, %add3A_477 : i32
    %dma_start3A_479 = arith.constant 0 : i32
    %dma_start3A_480 = tpu.memref_slice %arg2[%add3A_478, %dma_start3A_479] : memref<16384x1024xf32, #tpu.memory_space<hbm>> -> memref<16x1024xf32, #tpu.memory_space<hbm>>
    %dma_start3A_481 = arith.constant 0 : i32
    %dma_start3A_482 = tpu.memref_slice %arg2[%add3A_478, %dma_start3A_481] : memref<16384x1024xf32, #tpu.memory_space<hbm>> -> memref<16x1024xf32, #tpu.memory_space<hbm>>
    tpu.enqueue_dma source(%dma_start3A_482 : memref<16x1024xf32, #tpu.memory_space<hbm>>) target(%arg10 : memref<16x1024xf32, #tpu.memory_space<vmem>>) target_semaphore(%arg17 : memref<!tpu.dma_semaphore, #tpu.memory_space<semaphore_mem>>)
    %parallel_loop3A_483 = arith.constant 0 : i32
    %parallel_loop3A_484 = arith.constant 16384 : i32
    %parallel_loop3A_485 = arith.constant 16 : i32
    scf.for %parallel_loop3A_944 = %parallel_loop3A_483 to %parallel_loop3A_484 step %parallel_loop3A_485  : i32 {
      %parallel_loop3A_945 = arith.constant 10 : i32
      %parallel_loop3A_946 = arith.shrsi %parallel_loop3A_944, %parallel_loop3A_945 : i32
      %parallel_loop3A_947 = arith.constant 1023 : i32
      %parallel_loop3A_948 = arith.andi %parallel_loop3A_944, %parallel_loop3A_947 : i32
      %parallel_loop3A_949 = tpu.assume_multiple %parallel_loop3A_948, 16 : i32
      %parallel_loop3A_950 = arith.index_cast %parallel_loop3A_946 : i32 to index
      %parallel_loop3A_951 = arith.index_cast %parallel_loop3A_949 : i32 to index
      %parallel_loop3A_952 = tpu.vector_load %arg6[%parallel_loop3A_950, %parallel_loop3A_951] {strides = array<i32>} : memref<16x1024xf32, #tpu.memory_space<vmem>>, vector<1x16xf32>,
      %parallel_loop3A_953 = vector.shape_cast %parallel_loop3A_952 : vector<1x16xf32> to vector<16xf32>
      %parallel_loop3A_954 = arith.index_cast %parallel_loop3A_946 : i32 to index
      %parallel_loop3A_955 = arith.index_cast %parallel_loop3A_949 : i32 to index
      %parallel_loop3A_956 = tpu.vector_load %arg7[%parallel_loop3A_954, %parallel_loop3A_955] {strides = array<i32>} : memref<16x1024xf32, #tpu.memory_space<vmem>>, vector<1x16xf32>,
      %parallel_loop3A_957 = vector.shape_cast %parallel_loop3A_956 : vector<1x16xf32> to vector<16xf32>
      %parallel_loop3A_958 = vector.shape_cast %parallel_loop3A_953 : vector<16xf32> to vector<1x16xf32>
      tpu.vector_store %arg7[%parallel_loop3A_954, %parallel_loop3A_955], %parallel_loop3A_958 {add = true, strides = array<i32>} : memref<16x1024xf32, #tpu.memory_space<vmem>>, vector<1x16xf32>,
    } {sc.loop_unroll_factor = 8 : i64, sc.parallel_access}
    %add3A_486 = arith.constant 12288 : i32
    %add3A_487 = arith.addi %add3A_486, %mul3A_2 : i32
    %add3A_488 = arith.constant 48 : i32
    %add3A_489 = arith.addi %add3A_487, %add3A_488 : i32
    %dma_start3A_490 = arith.constant 0 : i32
    %dma_start3A_491 = tpu.memref_slice %arg4[%add3A_489, %dma_start3A_490] : memref<16384x1024xf32, #tpu.memory_space<hbm>> -> memref<16x1024xf32, #tpu.memory_space<hbm>>
    %dma_start3A_492 = arith.constant 0 : i32
    %dma_start3A_493 = tpu.memref_slice %arg4[%add3A_489, %dma_start3A_492] : memref<16384x1024xf32, #tpu.memory_space<hbm>> -> memref<16x1024xf32, #tpu.memory_space<hbm>>
    tpu.enqueue_dma source(%arg7 : memref<16x1024xf32, #tpu.memory_space<vmem>>) target(%dma_start3A_493 : memref<16x1024xf32, #tpu.memory_space<hbm>>) target_semaphore(%arg19 : memref<!tpu.dma_semaphore, #tpu.memory_space<semaphore_mem>>)
    %dma_wait3A_494 = arith.constant 0 : i32
    %dma_wait3A_495 = tpu.memref_slice %arg3[%add3A_408, %dma_wait3A_494] : memref<8192x1024xf32, #tpu.memory_space<hbm>> -> memref<16x1024xf32, #tpu.memory_space<hbm>>
    %dma_wait3A_496 = arith.constant 0 : i32
    %dma_wait3A_497 = tpu.memref_slice %arg3[%add3A_408, %dma_wait3A_496] : memref<8192x1024xf32, #tpu.memory_space<hbm>> -> memref<16x1024xf32, #tpu.memory_space<hbm>>
    tpu.wait_dma2 semaphore(%arg12 : memref<!tpu.dma_semaphore, #tpu.memory_space<semaphore_mem>>) src(%dma_wait3A_497 : memref<16x1024xf32, #tpu.memory_space<hbm>>) dst(%arg5 : memref<16x1024xf32, #tpu.memory_space<vmem>>)
    %dma_wait3A_498 = arith.constant 0 : i32
    %dma_wait3A_499 = tpu.memref_slice %arg2[%add3A_424, %dma_wait3A_498] : memref<16384x1024xf32, #tpu.memory_space<hbm>> -> memref<16x1024xf32, #tpu.memory_space<hbm>>
    %dma_wait3A_500 = arith.constant 0 : i32
    %dma_wait3A_501 = tpu.memref_slice %arg2[%add3A_424, %dma_wait3A_500] : memref<16384x1024xf32, #tpu.memory_space<hbm>> -> memref<16x1024xf32, #tpu.memory_space<hbm>>
    tpu.wait_dma2 semaphore(%arg15 : memref<!tpu.dma_semaphore, #tpu.memory_space<semaphore_mem>>) src(%dma_wait3A_501 : memref<16x1024xf32, #tpu.memory_space<hbm>>) dst(%arg8 : memref<16x1024xf32, #tpu.memory_space<vmem>>)
    %dma_wait3A_502 = arith.constant 0 : i32
    %dma_wait3A_503 = tpu.memref_slice %arg4[%add3A_462, %dma_wait3A_502] : memref<16384x1024xf32, #tpu.memory_space<hbm>> -> memref<16x1024xf32, #tpu.memory_space<hbm>>
    %dma_wait3A_504 = arith.constant 0 : i32
    %dma_wait3A_505 = tpu.memref_slice %arg4[%add3A_462, %dma_wait3A_504] : memref<16384x1024xf32, #tpu.memory_space<hbm>> -> memref<16x1024xf32, #tpu.memory_space<hbm>>
    tpu.wait_dma2 semaphore(%arg23 : memref<!tpu.dma_semaphore, #tpu.memory_space<semaphore_mem>>) src(%arg11 : memref<16x1024xf32, #tpu.memory_space<vmem>>) dst(%dma_wait3A_505 : memref<16x1024xf32, #tpu.memory_space<hbm>>)
    %add3A_506 = arith.constant 12288 : i32
    %add3A_507 = arith.addi %add3A_506, %mul3A_2 : i32
    %add3A_508 = arith.constant 64 : i32
    %add3A_509 = arith.addi %add3A_507, %add3A_508 : i32
    %dma_start3A_510 = arith.constant 0 : i32
    %dma_start3A_511 = tpu.memref_slice %arg2[%add3A_509, %dma_start3A_510] : memref<16384x1024xf32, #tpu.memory_space<hbm>> -> memref<16x1024xf32, #tpu.memory_space<hbm>>
    %dma_start3A_512 = arith.constant 0 : i32
    %dma_start3A_513 = tpu.memref_slice %arg2[%add3A_509, %dma_start3A_512] : memref<16384x1024xf32, #tpu.memory_space<hbm>> -> memref<16x1024xf32, #tpu.memory_space<hbm>>
    tpu.enqueue_dma source(%dma_start3A_513 : memref<16x1024xf32, #tpu.memory_space<hbm>>) target(%arg11 : memref<16x1024xf32, #tpu.memory_space<vmem>>) target_semaphore(%arg18 : memref<!tpu.dma_semaphore, #tpu.memory_space<semaphore_mem>>)
    %parallel_loop3A_514 = arith.constant 0 : i32
    %parallel_loop3A_515 = arith.constant 16384 : i32
    %parallel_loop3A_516 = arith.constant 16 : i32
    scf.for %parallel_loop3A_944 = %parallel_loop3A_514 to %parallel_loop3A_515 step %parallel_loop3A_516  : i32 {
      %parallel_loop3A_945 = arith.constant 10 : i32
      %parallel_loop3A_946 = arith.shrsi %parallel_loop3A_944, %parallel_loop3A_945 : i32
      %parallel_loop3A_947 = arith.constant 1023 : i32
      %parallel_loop3A_948 = arith.andi %parallel_loop3A_944, %parallel_loop3A_947 : i32
      %parallel_loop3A_949 = tpu.assume_multiple %parallel_loop3A_948, 16 : i32
      %parallel_loop3A_950 = arith.index_cast %parallel_loop3A_946 : i32 to index
      %parallel_loop3A_951 = arith.index_cast %parallel_loop3A_949 : i32 to index
      %parallel_loop3A_952 = tpu.vector_load %arg5[%parallel_loop3A_950, %parallel_loop3A_951] {strides = array<i32>} : memref<16x1024xf32, #tpu.memory_space<vmem>>, vector<1x16xf32>,
      %parallel_loop3A_953 = vector.shape_cast %parallel_loop3A_952 : vector<1x16xf32> to vector<16xf32>
      %parallel_loop3A_954 = arith.index_cast %parallel_loop3A_946 : i32 to index
      %parallel_loop3A_955 = arith.index_cast %parallel_loop3A_949 : i32 to index
      %parallel_loop3A_956 = tpu.vector_load %arg8[%parallel_loop3A_954, %parallel_loop3A_955] {strides = array<i32>} : memref<16x1024xf32, #tpu.memory_space<vmem>>, vector<1x16xf32>,
      %parallel_loop3A_957 = vector.shape_cast %parallel_loop3A_956 : vector<1x16xf32> to vector<16xf32>
      %parallel_loop3A_958 = vector.shape_cast %parallel_loop3A_953 : vector<16xf32> to vector<1x16xf32>
      tpu.vector_store %arg8[%parallel_loop3A_954, %parallel_loop3A_955], %parallel_loop3A_958 {add = true, strides = array<i32>} : memref<16x1024xf32, #tpu.memory_space<vmem>>, vector<1x16xf32>,
    } {sc.loop_unroll_factor = 8 : i64, sc.parallel_access}
    %add3A_517 = arith.constant 0 : i32
    %add3A_518 = arith.addi %add3A_517, %mul3A_2 : i32
    %add3A_519 = arith.constant 64 : i32
    %add3A_520 = arith.addi %add3A_518, %add3A_519 : i32
    %dma_start3A_521 = arith.constant 0 : i32
    %dma_start3A_522 = tpu.memref_slice %arg4[%add3A_520, %dma_start3A_521] : memref<16384x1024xf32, #tpu.memory_space<hbm>> -> memref<16x1024xf32, #tpu.memory_space<hbm>>
    %dma_start3A_523 = arith.constant 0 : i32
    %dma_start3A_524 = tpu.memref_slice %arg4[%add3A_520, %dma_start3A_523] : memref<16384x1024xf32, #tpu.memory_space<hbm>> -> memref<16x1024xf32, #tpu.memory_space<hbm>>
    tpu.enqueue_dma source(%arg8 : memref<16x1024xf32, #tpu.memory_space<vmem>>) target(%dma_start3A_524 : memref<16x1024xf32, #tpu.memory_space<hbm>>) target_semaphore(%arg20 : memref<!tpu.dma_semaphore, #tpu.memory_space<semaphore_mem>>)
    %add3A_525 = arith.constant 80 : i32
    %add3A_526 = arith.addi %mul3A_2, %add3A_525 : i32
    %dma_start3A_527 = arith.constant 0 : i32
    %dma_start3A_528 = tpu.memref_slice %arg3[%add3A_526, %dma_start3A_527] : memref<8192x1024xf32, #tpu.memory_space<hbm>> -> memref<16x1024xf32, #tpu.memory_space<hbm>>
    %dma_start3A_529 = arith.constant 0 : i32
    %dma_start3A_530 = tpu.memref_slice %arg3[%add3A_526, %dma_start3A_529] : memref<8192x1024xf32, #tpu.memory_space<hbm>> -> memref<16x1024xf32, #tpu.memory_space<hbm>>
    tpu.enqueue_dma source(%dma_start3A_530 : memref<16x1024xf32, #tpu.memory_space<hbm>>) target(%arg6 : memref<16x1024xf32, #tpu.memory_space<vmem>>) target_semaphore(%arg13 : memref<!tpu.dma_semaphore, #tpu.memory_space<semaphore_mem>>)
    %dma_wait3A_531 = arith.constant 0 : i32
    %dma_wait3A_532 = tpu.memref_slice %arg2[%add3A_451, %dma_wait3A_531] : memref<16384x1024xf32, #tpu.memory_space<hbm>> -> memref<16x1024xf32, #tpu.memory_space<hbm>>
    %dma_wait3A_533 = arith.constant 0 : i32
    %dma_wait3A_534 = tpu.memref_slice %arg2[%add3A_451, %dma_wait3A_533] : memref<16384x1024xf32, #tpu.memory_space<hbm>> -> memref<16x1024xf32, #tpu.memory_space<hbm>>
    tpu.wait_dma2 semaphore(%arg16 : memref<!tpu.dma_semaphore, #tpu.memory_space<semaphore_mem>>) src(%dma_wait3A_534 : memref<16x1024xf32, #tpu.memory_space<hbm>>) dst(%arg9 : memref<16x1024xf32, #tpu.memory_space<vmem>>)
    %dma_wait3A_535 = arith.constant 0 : i32
    %dma_wait3A_536 = tpu.memref_slice %arg4[%add3A_489, %dma_wait3A_535] : memref<16384x1024xf32, #tpu.memory_space<hbm>> -> memref<16x1024xf32, #tpu.memory_space<hbm>>
    %dma_wait3A_537 = arith.constant 0 : i32
    %dma_wait3A_538 = tpu.memref_slice %arg4[%add3A_489, %dma_wait3A_537] : memref<16384x1024xf32, #tpu.memory_space<hbm>> -> memref<16x1024xf32, #tpu.memory_space<hbm>>
    tpu.wait_dma2 semaphore(%arg19 : memref<!tpu.dma_semaphore, #tpu.memory_space<semaphore_mem>>) src(%arg7 : memref<16x1024xf32, #tpu.memory_space<vmem>>) dst(%dma_wait3A_538 : memref<16x1024xf32, #tpu.memory_space<hbm>>)
    %add3A_539 = arith.constant 0 : i32
    %add3A_540 = arith.addi %add3A_539, %mul3A_2 : i32
    %add3A_541 = arith.constant 80 : i32
    %add3A_542 = arith.addi %add3A_540, %add3A_541 : i32
    %dma_start3A_543 = arith.constant 0 : i32
    %dma_start3A_544 = tpu.memref_slice %arg2[%add3A_542, %dma_start3A_543] : memref<16384x1024xf32, #tpu.memory_space<hbm>> -> memref<16x1024xf32, #tpu.memory_space<hbm>>
    %dma_start3A_545 = arith.constant 0 : i32
    %dma_start3A_546 = tpu.memref_slice %arg2[%add3A_542, %dma_start3A_545] : memref<16384x1024xf32, #tpu.memory_space<hbm>> -> memref<16x1024xf32, #tpu.memory_space<hbm>>
    tpu.enqueue_dma source(%dma_start3A_546 : memref<16x1024xf32, #tpu.memory_space<hbm>>) target(%arg7 : memref<16x1024xf32, #tpu.memory_space<vmem>>) target_semaphore(%arg14 : memref<!tpu.dma_semaphore, #tpu.memory_space<semaphore_mem>>)
    %parallel_loop3A_547 = arith.constant 0 : i32
    %parallel_loop3A_548 = arith.constant 16384 : i32
    %parallel_loop3A_549 = arith.constant 16 : i32
    scf.for %parallel_loop3A_944 = %parallel_loop3A_547 to %parallel_loop3A_548 step %parallel_loop3A_549  : i32 {
      %parallel_loop3A_945 = arith.constant 10 : i32
      %parallel_loop3A_946 = arith.shrsi %parallel_loop3A_944, %parallel_loop3A_945 : i32
      %parallel_loop3A_947 = arith.constant 1023 : i32
      %parallel_loop3A_948 = arith.andi %parallel_loop3A_944, %parallel_loop3A_947 : i32
      %parallel_loop3A_949 = tpu.assume_multiple %parallel_loop3A_948, 16 : i32
      %parallel_loop3A_950 = arith.index_cast %parallel_loop3A_946 : i32 to index
      %parallel_loop3A_951 = arith.index_cast %parallel_loop3A_949 : i32 to index
      %parallel_loop3A_952 = tpu.vector_load %arg5[%parallel_loop3A_950, %parallel_loop3A_951] {strides = array<i32>} : memref<16x1024xf32, #tpu.memory_space<vmem>>, vector<1x16xf32>,
      %parallel_loop3A_953 = vector.shape_cast %parallel_loop3A_952 : vector<1x16xf32> to vector<16xf32>
      %parallel_loop3A_954 = arith.index_cast %parallel_loop3A_946 : i32 to index
      %parallel_loop3A_955 = arith.index_cast %parallel_loop3A_949 : i32 to index
      %parallel_loop3A_956 = tpu.vector_load %arg9[%parallel_loop3A_954, %parallel_loop3A_955] {strides = array<i32>} : memref<16x1024xf32, #tpu.memory_space<vmem>>, vector<1x16xf32>,
      %parallel_loop3A_957 = vector.shape_cast %parallel_loop3A_956 : vector<1x16xf32> to vector<16xf32>
      %parallel_loop3A_958 = vector.shape_cast %parallel_loop3A_953 : vector<16xf32> to vector<1x16xf32>
      tpu.vector_store %arg9[%parallel_loop3A_954, %parallel_loop3A_955], %parallel_loop3A_958 {add = true, strides = array<i32>} : memref<16x1024xf32, #tpu.memory_space<vmem>>, vector<1x16xf32>,
    } {sc.loop_unroll_factor = 8 : i64, sc.parallel_access}
    %add3A_550 = arith.constant 4096 : i32
    %add3A_551 = arith.addi %add3A_550, %mul3A_2 : i32
    %add3A_552 = arith.constant 64 : i32
    %add3A_553 = arith.addi %add3A_551, %add3A_552 : i32
    %dma_start3A_554 = arith.constant 0 : i32
    %dma_start3A_555 = tpu.memref_slice %arg4[%add3A_553, %dma_start3A_554] : memref<16384x1024xf32, #tpu.memory_space<hbm>> -> memref<16x1024xf32, #tpu.memory_space<hbm>>
    %dma_start3A_556 = arith.constant 0 : i32
    %dma_start3A_557 = tpu.memref_slice %arg4[%add3A_553, %dma_start3A_556] : memref<16384x1024xf32, #tpu.memory_space<hbm>> -> memref<16x1024xf32, #tpu.memory_space<hbm>>
    tpu.enqueue_dma source(%arg9 : memref<16x1024xf32, #tpu.memory_space<vmem>>) target(%dma_start3A_557 : memref<16x1024xf32, #tpu.memory_space<hbm>>) target_semaphore(%arg21 : memref<!tpu.dma_semaphore, #tpu.memory_space<semaphore_mem>>)
    %dma_wait3A_558 = arith.constant 0 : i32
    %dma_wait3A_559 = tpu.memref_slice %arg2[%add3A_478, %dma_wait3A_558] : memref<16384x1024xf32, #tpu.memory_space<hbm>> -> memref<16x1024xf32, #tpu.memory_space<hbm>>
    %dma_wait3A_560 = arith.constant 0 : i32
    %dma_wait3A_561 = tpu.memref_slice %arg2[%add3A_478, %dma_wait3A_560] : memref<16384x1024xf32, #tpu.memory_space<hbm>> -> memref<16x1024xf32, #tpu.memory_space<hbm>>
    tpu.wait_dma2 semaphore(%arg17 : memref<!tpu.dma_semaphore, #tpu.memory_space<semaphore_mem>>) src(%dma_wait3A_561 : memref<16x1024xf32, #tpu.memory_space<hbm>>) dst(%arg10 : memref<16x1024xf32, #tpu.memory_space<vmem>>)
    %dma_wait3A_562 = arith.constant 0 : i32
    %dma_wait3A_563 = tpu.memref_slice %arg4[%add3A_520, %dma_wait3A_562] : memref<16384x1024xf32, #tpu.memory_space<hbm>> -> memref<16x1024xf32, #tpu.memory_space<hbm>>
    %dma_wait3A_564 = arith.constant 0 : i32
    %dma_wait3A_565 = tpu.memref_slice %arg4[%add3A_520, %dma_wait3A_564] : memref<16384x1024xf32, #tpu.memory_space<hbm>> -> memref<16x1024xf32, #tpu.memory_space<hbm>>
    tpu.wait_dma2 semaphore(%arg20 : memref<!tpu.dma_semaphore, #tpu.memory_space<semaphore_mem>>) src(%arg8 : memref<16x1024xf32, #tpu.memory_space<vmem>>) dst(%dma_wait3A_565 : memref<16x1024xf32, #tpu.memory_space<hbm>>)
    %add3A_566 = arith.constant 4096 : i32
    %add3A_567 = arith.addi %add3A_566, %mul3A_2 : i32
    %add3A_568 = arith.constant 80 : i32
    %add3A_569 = arith.addi %add3A_567, %add3A_568 : i32
    %dma_start3A_570 = arith.constant 0 : i32
    %dma_start3A_571 = tpu.memref_slice %arg2[%add3A_569, %dma_start3A_570] : memref<16384x1024xf32, #tpu.memory_space<hbm>> -> memref<16x1024xf32, #tpu.memory_space<hbm>>
    %dma_start3A_572 = arith.constant 0 : i32
    %dma_start3A_573 = tpu.memref_slice %arg2[%add3A_569, %dma_start3A_572] : memref<16384x1024xf32, #tpu.memory_space<hbm>> -> memref<16x1024xf32, #tpu.memory_space<hbm>>
    tpu.enqueue_dma source(%dma_start3A_573 : memref<16x1024xf32, #tpu.memory_space<hbm>>) target(%arg8 : memref<16x1024xf32, #tpu.memory_space<vmem>>) target_semaphore(%arg15 : memref<!tpu.dma_semaphore, #tpu.memory_space<semaphore_mem>>)
    %parallel_loop3A_574 = arith.constant 0 : i32
    %parallel_loop3A_575 = arith.constant 16384 : i32
    %parallel_loop3A_576 = arith.constant 16 : i32
    scf.for %parallel_loop3A_944 = %parallel_loop3A_574 to %parallel_loop3A_575 step %parallel_loop3A_576  : i32 {
      %parallel_loop3A_945 = arith.constant 10 : i32
      %parallel_loop3A_946 = arith.shrsi %parallel_loop3A_944, %parallel_loop3A_945 : i32
      %parallel_loop3A_947 = arith.constant 1023 : i32
      %parallel_loop3A_948 = arith.andi %parallel_loop3A_944, %parallel_loop3A_947 : i32
      %parallel_loop3A_949 = tpu.assume_multiple %parallel_loop3A_948, 16 : i32
      %parallel_loop3A_950 = arith.index_cast %parallel_loop3A_946 : i32 to index
      %parallel_loop3A_951 = arith.index_cast %parallel_loop3A_949 : i32 to index
      %parallel_loop3A_952 = tpu.vector_load %arg5[%parallel_loop3A_950, %parallel_loop3A_951] {strides = array<i32>} : memref<16x1024xf32, #tpu.memory_space<vmem>>, vector<1x16xf32>,
      %parallel_loop3A_953 = vector.shape_cast %parallel_loop3A_952 : vector<1x16xf32> to vector<16xf32>
      %parallel_loop3A_954 = arith.index_cast %parallel_loop3A_946 : i32 to index
      %parallel_loop3A_955 = arith.index_cast %parallel_loop3A_949 : i32 to index
      %parallel_loop3A_956 = tpu.vector_load %arg10[%parallel_loop3A_954, %parallel_loop3A_955] {strides = array<i32>} : memref<16x1024xf32, #tpu.memory_space<vmem>>, vector<1x16xf32>,
      %parallel_loop3A_957 = vector.shape_cast %parallel_loop3A_956 : vector<1x16xf32> to vector<16xf32>
      %parallel_loop3A_958 = vector.shape_cast %parallel_loop3A_953 : vector<16xf32> to vector<1x16xf32>
      tpu.vector_store %arg10[%parallel_loop3A_954, %parallel_loop3A_955], %parallel_loop3A_958 {add = true, strides = array<i32>} : memref<16x1024xf32, #tpu.memory_space<vmem>>, vector<1x16xf32>,
    } {sc.loop_unroll_factor = 8 : i64, sc.parallel_access}
    %add3A_577 = arith.constant 8192 : i32
    %add3A_578 = arith.addi %add3A_577, %mul3A_2 : i32
    %add3A_579 = arith.constant 64 : i32
    %add3A_580 = arith.addi %add3A_578, %add3A_579 : i32
    %dma_start3A_581 = arith.constant 0 : i32
    %dma_start3A_582 = tpu.memref_slice %arg4[%add3A_580, %dma_start3A_581] : memref<16384x1024xf32, #tpu.memory_space<hbm>> -> memref<16x1024xf32, #tpu.memory_space<hbm>>
    %dma_start3A_583 = arith.constant 0 : i32
    %dma_start3A_584 = tpu.memref_slice %arg4[%add3A_580, %dma_start3A_583] : memref<16384x1024xf32, #tpu.memory_space<hbm>> -> memref<16x1024xf32, #tpu.memory_space<hbm>>
    tpu.enqueue_dma source(%arg10 : memref<16x1024xf32, #tpu.memory_space<vmem>>) target(%dma_start3A_584 : memref<16x1024xf32, #tpu.memory_space<hbm>>) target_semaphore(%arg22 : memref<!tpu.dma_semaphore, #tpu.memory_space<semaphore_mem>>)
    %dma_wait3A_585 = arith.constant 0 : i32
    %dma_wait3A_586 = tpu.memref_slice %arg2[%add3A_509, %dma_wait3A_585] : memref<16384x1024xf32, #tpu.memory_space<hbm>> -> memref<16x1024xf32, #tpu.memory_space<hbm>>
    %dma_wait3A_587 = arith.constant 0 : i32
    %dma_wait3A_588 = tpu.memref_slice %arg2[%add3A_509, %dma_wait3A_587] : memref<16384x1024xf32, #tpu.memory_space<hbm>> -> memref<16x1024xf32, #tpu.memory_space<hbm>>
    tpu.wait_dma2 semaphore(%arg18 : memref<!tpu.dma_semaphore, #tpu.memory_space<semaphore_mem>>) src(%dma_wait3A_588 : memref<16x1024xf32, #tpu.memory_space<hbm>>) dst(%arg11 : memref<16x1024xf32, #tpu.memory_space<vmem>>)
    %dma_wait3A_589 = arith.constant 0 : i32
    %dma_wait3A_590 = tpu.memref_slice %arg4[%add3A_553, %dma_wait3A_589] : memref<16384x1024xf32, #tpu.memory_space<hbm>> -> memref<16x1024xf32, #tpu.memory_space<hbm>>
    %dma_wait3A_591 = arith.constant 0 : i32
    %dma_wait3A_592 = tpu.memref_slice %arg4[%add3A_553, %dma_wait3A_591] : memref<16384x1024xf32, #tpu.memory_space<hbm>> -> memref<16x1024xf32, #tpu.memory_space<hbm>>
    tpu.wait_dma2 semaphore(%arg21 : memref<!tpu.dma_semaphore, #tpu.memory_space<semaphore_mem>>) src(%arg9 : memref<16x1024xf32, #tpu.memory_space<vmem>>) dst(%dma_wait3A_592 : memref<16x1024xf32, #tpu.memory_space<hbm>>)
    %add3A_593 = arith.constant 8192 : i32
    %add3A_594 = arith.addi %add3A_593, %mul3A_2 : i32
    %add3A_595 = arith.constant 80 : i32
    %add3A_596 = arith.addi %add3A_594, %add3A_595 : i32
    %dma_start3A_597 = arith.constant 0 : i32
    %dma_start3A_598 = tpu.memref_slice %arg2[%add3A_596, %dma_start3A_597] : memref<16384x1024xf32, #tpu.memory_space<hbm>> -> memref<16x1024xf32, #tpu.memory_space<hbm>>
    %dma_start3A_599 = arith.constant 0 : i32
    %dma_start3A_600 = tpu.memref_slice %arg2[%add3A_596, %dma_start3A_599] : memref<16384x1024xf32, #tpu.memory_space<hbm>> -> memref<16x1024xf32, #tpu.memory_space<hbm>>
    tpu.enqueue_dma source(%dma_start3A_600 : memref<16x1024xf32, #tpu.memory_space<hbm>>) target(%arg9 : memref<16x1024xf32, #tpu.memory_space<vmem>>) target_semaphore(%arg16 : memref<!tpu.dma_semaphore, #tpu.memory_space<semaphore_mem>>)
    %parallel_loop3A_601 = arith.constant 0 : i32
    %parallel_loop3A_602 = arith.constant 16384 : i32
    %parallel_loop3A_603 = arith.constant 16 : i32
    scf.for %parallel_loop3A_944 = %parallel_loop3A_601 to %parallel_loop3A_602 step %parallel_loop3A_603  : i32 {
      %parallel_loop3A_945 = arith.constant 10 : i32
      %parallel_loop3A_946 = arith.shrsi %parallel_loop3A_944, %parallel_loop3A_945 : i32
      %parallel_loop3A_947 = arith.constant 1023 : i32
      %parallel_loop3A_948 = arith.andi %parallel_loop3A_944, %parallel_loop3A_947 : i32
      %parallel_loop3A_949 = tpu.assume_multiple %parallel_loop3A_948, 16 : i32
      %parallel_loop3A_950 = arith.index_cast %parallel_loop3A_946 : i32 to index
      %parallel_loop3A_951 = arith.index_cast %parallel_loop3A_949 : i32 to index
      %parallel_loop3A_952 = tpu.vector_load %arg5[%parallel_loop3A_950, %parallel_loop3A_951] {strides = array<i32>} : memref<16x1024xf32, #tpu.memory_space<vmem>>, vector<1x16xf32>,
      %parallel_loop3A_953 = vector.shape_cast %parallel_loop3A_952 : vector<1x16xf32> to vector<16xf32>
      %parallel_loop3A_954 = arith.index_cast %parallel_loop3A_946 : i32 to index
      %parallel_loop3A_955 = arith.index_cast %parallel_loop3A_949 : i32 to index
      %parallel_loop3A_956 = tpu.vector_load %arg11[%parallel_loop3A_954, %parallel_loop3A_955] {strides = array<i32>} : memref<16x1024xf32, #tpu.memory_space<vmem>>, vector<1x16xf32>,
      %parallel_loop3A_957 = vector.shape_cast %parallel_loop3A_956 : vector<1x16xf32> to vector<16xf32>
      %parallel_loop3A_958 = vector.shape_cast %parallel_loop3A_953 : vector<16xf32> to vector<1x16xf32>
      tpu.vector_store %arg11[%parallel_loop3A_954, %parallel_loop3A_955], %parallel_loop3A_958 {add = true, strides = array<i32>} : memref<16x1024xf32, #tpu.memory_space<vmem>>, vector<1x16xf32>,
    } {sc.loop_unroll_factor = 8 : i64, sc.parallel_access}
    %add3A_604 = arith.constant 12288 : i32
    %add3A_605 = arith.addi %add3A_604, %mul3A_2 : i32
    %add3A_606 = arith.constant 64 : i32
    %add3A_607 = arith.addi %add3A_605, %add3A_606 : i32
    %dma_start3A_608 = arith.constant 0 : i32
    %dma_start3A_609 = tpu.memref_slice %arg4[%add3A_607, %dma_start3A_608] : memref<16384x1024xf32, #tpu.memory_space<hbm>> -> memref<16x1024xf32, #tpu.memory_space<hbm>>
    %dma_start3A_610 = arith.constant 0 : i32
    %dma_start3A_611 = tpu.memref_slice %arg4[%add3A_607, %dma_start3A_610] : memref<16384x1024xf32, #tpu.memory_space<hbm>> -> memref<16x1024xf32, #tpu.memory_space<hbm>>
    tpu.enqueue_dma source(%arg11 : memref<16x1024xf32, #tpu.memory_space<vmem>>) target(%dma_start3A_611 : memref<16x1024xf32, #tpu.memory_space<hbm>>) target_semaphore(%arg23 : memref<!tpu.dma_semaphore, #tpu.memory_space<semaphore_mem>>)
    %dma_wait3A_612 = arith.constant 0 : i32
    %dma_wait3A_613 = tpu.memref_slice %arg3[%add3A_526, %dma_wait3A_612] : memref<8192x1024xf32, #tpu.memory_space<hbm>> -> memref<16x1024xf32, #tpu.memory_space<hbm>>
    %dma_wait3A_614 = arith.constant 0 : i32
    %dma_wait3A_615 = tpu.memref_slice %arg3[%add3A_526, %dma_wait3A_614] : memref<8192x1024xf32, #tpu.memory_space<hbm>> -> memref<16x1024xf32, #tpu.memory_space<hbm>>
    tpu.wait_dma2 semaphore(%arg13 : memref<!tpu.dma_semaphore, #tpu.memory_space<semaphore_mem>>) src(%dma_wait3A_615 : memref<16x1024xf32, #tpu.memory_space<hbm>>) dst(%arg6 : memref<16x1024xf32, #tpu.memory_space<vmem>>)
    %dma_wait3A_616 = arith.constant 0 : i32
    %dma_wait3A_617 = tpu.memref_slice %arg2[%add3A_542, %dma_wait3A_616] : memref<16384x1024xf32, #tpu.memory_space<hbm>> -> memref<16x1024xf32, #tpu.memory_space<hbm>>
    %dma_wait3A_618 = arith.constant 0 : i32
    %dma_wait3A_619 = tpu.memref_slice %arg2[%add3A_542, %dma_wait3A_618] : memref<16384x1024xf32, #tpu.memory_space<hbm>> -> memref<16x1024xf32, #tpu.memory_space<hbm>>
    tpu.wait_dma2 semaphore(%arg14 : memref<!tpu.dma_semaphore, #tpu.memory_space<semaphore_mem>>) src(%dma_wait3A_619 : memref<16x1024xf32, #tpu.memory_space<hbm>>) dst(%arg7 : memref<16x1024xf32, #tpu.memory_space<vmem>>)
    %dma_wait3A_620 = arith.constant 0 : i32
    %dma_wait3A_621 = tpu.memref_slice %arg4[%add3A_580, %dma_wait3A_620] : memref<16384x1024xf32, #tpu.memory_space<hbm>> -> memref<16x1024xf32, #tpu.memory_space<hbm>>
    %dma_wait3A_622 = arith.constant 0 : i32
    %dma_wait3A_623 = tpu.memref_slice %arg4[%add3A_580, %dma_wait3A_622] : memref<16384x1024xf32, #tpu.memory_space<hbm>> -> memref<16x1024xf32, #tpu.memory_space<hbm>>
    tpu.wait_dma2 semaphore(%arg22 : memref<!tpu.dma_semaphore, #tpu.memory_space<semaphore_mem>>) src(%arg10 : memref<16x1024xf32, #tpu.memory_space<vmem>>) dst(%dma_wait3A_623 : memref<16x1024xf32, #tpu.memory_space<hbm>>)
    %add3A_624 = arith.constant 12288 : i32
    %add3A_625 = arith.addi %add3A_624, %mul3A_2 : i32
    %add3A_626 = arith.constant 80 : i32
    %add3A_627 = arith.addi %add3A_625, %add3A_626 : i32
    %dma_start3A_628 = arith.constant 0 : i32
    %dma_start3A_629 = tpu.memref_slice %arg2[%add3A_627, %dma_start3A_628] : memref<16384x1024xf32, #tpu.memory_space<hbm>> -> memref<16x1024xf32, #tpu.memory_space<hbm>>
    %dma_start3A_630 = arith.constant 0 : i32
    %dma_start3A_631 = tpu.memref_slice %arg2[%add3A_627, %dma_start3A_630] : memref<16384x1024xf32, #tpu.memory_space<hbm>> -> memref<16x1024xf32, #tpu.memory_space<hbm>>
    tpu.enqueue_dma source(%dma_start3A_631 : memref<16x1024xf32, #tpu.memory_space<hbm>>) target(%arg10 : memref<16x1024xf32, #tpu.memory_space<vmem>>) target_semaphore(%arg17 : memref<!tpu.dma_semaphore, #tpu.memory_space<semaphore_mem>>)
    %parallel_loop3A_632 = arith.constant 0 : i32
    %parallel_loop3A_633 = arith.constant 16384 : i32
    %parallel_loop3A_634 = arith.constant 16 : i32
    scf.for %parallel_loop3A_944 = %parallel_loop3A_632 to %parallel_loop3A_633 step %parallel_loop3A_634  : i32 {
      %parallel_loop3A_945 = arith.constant 10 : i32
      %parallel_loop3A_946 = arith.shrsi %parallel_loop3A_944, %parallel_loop3A_945 : i32
      %parallel_loop3A_947 = arith.constant 1023 : i32
      %parallel_loop3A_948 = arith.andi %parallel_loop3A_944, %parallel_loop3A_947 : i32
      %parallel_loop3A_949 = tpu.assume_multiple %parallel_loop3A_948, 16 : i32
      %parallel_loop3A_950 = arith.index_cast %parallel_loop3A_946 : i32 to index
      %parallel_loop3A_951 = arith.index_cast %parallel_loop3A_949 : i32 to index
      %parallel_loop3A_952 = tpu.vector_load %arg6[%parallel_loop3A_950, %parallel_loop3A_951] {strides = array<i32>} : memref<16x1024xf32, #tpu.memory_space<vmem>>, vector<1x16xf32>,
      %parallel_loop3A_953 = vector.shape_cast %parallel_loop3A_952 : vector<1x16xf32> to vector<16xf32>
      %parallel_loop3A_954 = arith.index_cast %parallel_loop3A_946 : i32 to index
      %parallel_loop3A_955 = arith.index_cast %parallel_loop3A_949 : i32 to index
      %parallel_loop3A_956 = tpu.vector_load %arg7[%parallel_loop3A_954, %parallel_loop3A_955] {strides = array<i32>} : memref<16x1024xf32, #tpu.memory_space<vmem>>, vector<1x16xf32>,
      %parallel_loop3A_957 = vector.shape_cast %parallel_loop3A_956 : vector<1x16xf32> to vector<16xf32>
      %parallel_loop3A_958 = vector.shape_cast %parallel_loop3A_953 : vector<16xf32> to vector<1x16xf32>
      tpu.vector_store %arg7[%parallel_loop3A_954, %parallel_loop3A_955], %parallel_loop3A_958 {add = true, strides = array<i32>} : memref<16x1024xf32, #tpu.memory_space<vmem>>, vector<1x16xf32>,
    } {sc.loop_unroll_factor = 8 : i64, sc.parallel_access}
    %add3A_635 = arith.constant 0 : i32
    %add3A_636 = arith.addi %add3A_635, %mul3A_2 : i32
    %add3A_637 = arith.constant 80 : i32
    %add3A_638 = arith.addi %add3A_636, %add3A_637 : i32
    %dma_start3A_639 = arith.constant 0 : i32
    %dma_start3A_640 = tpu.memref_slice %arg4[%add3A_638, %dma_start3A_639] : memref<16384x1024xf32, #tpu.memory_space<hbm>> -> memref<16x1024xf32, #tpu.memory_space<hbm>>
    %dma_start3A_641 = arith.constant 0 : i32
    %dma_start3A_642 = tpu.memref_slice %arg4[%add3A_638, %dma_start3A_641] : memref<16384x1024xf32, #tpu.memory_space<hbm>> -> memref<16x1024xf32, #tpu.memory_space<hbm>>
    tpu.enqueue_dma source(%arg7 : memref<16x1024xf32, #tpu.memory_space<vmem>>) target(%dma_start3A_642 : memref<16x1024xf32, #tpu.memory_space<hbm>>) target_semaphore(%arg19 : memref<!tpu.dma_semaphore, #tpu.memory_space<semaphore_mem>>)
    %add3A_643 = arith.constant 96 : i32
    %add3A_644 = arith.addi %mul3A_2, %add3A_643 : i32
    %dma_start3A_645 = arith.constant 0 : i32
    %dma_start3A_646 = tpu.memref_slice %arg3[%add3A_644, %dma_start3A_645] : memref<8192x1024xf32, #tpu.memory_space<hbm>> -> memref<16x1024xf32, #tpu.memory_space<hbm>>
    %dma_start3A_647 = arith.constant 0 : i32
    %dma_start3A_648 = tpu.memref_slice %arg3[%add3A_644, %dma_start3A_647] : memref<8192x1024xf32, #tpu.memory_space<hbm>> -> memref<16x1024xf32, #tpu.memory_space<hbm>>
    tpu.enqueue_dma source(%dma_start3A_648 : memref<16x1024xf32, #tpu.memory_space<hbm>>) target(%arg5 : memref<16x1024xf32, #tpu.memory_space<vmem>>) target_semaphore(%arg12 : memref<!tpu.dma_semaphore, #tpu.memory_space<semaphore_mem>>)
    %dma_wait3A_649 = arith.constant 0 : i32
    %dma_wait3A_650 = tpu.memref_slice %arg2[%add3A_569, %dma_wait3A_649] : memref<16384x1024xf32, #tpu.memory_space<hbm>> -> memref<16x1024xf32, #tpu.memory_space<hbm>>
    %dma_wait3A_651 = arith.constant 0 : i32
    %dma_wait3A_652 = tpu.memref_slice %arg2[%add3A_569, %dma_wait3A_651] : memref<16384x1024xf32, #tpu.memory_space<hbm>> -> memref<16x1024xf32, #tpu.memory_space<hbm>>
    tpu.wait_dma2 semaphore(%arg15 : memref<!tpu.dma_semaphore, #tpu.memory_space<semaphore_mem>>) src(%dma_wait3A_652 : memref<16x1024xf32, #tpu.memory_space<hbm>>) dst(%arg8 : memref<16x1024xf32, #tpu.memory_space<vmem>>)
    %dma_wait3A_653 = arith.constant 0 : i32
    %dma_wait3A_654 = tpu.memref_slice %arg4[%add3A_607, %dma_wait3A_653] : memref<16384x1024xf32, #tpu.memory_space<hbm>> -> memref<16x1024xf32, #tpu.memory_space<hbm>>
    %dma_wait3A_655 = arith.constant 0 : i32
    %dma_wait3A_656 = tpu.memref_slice %arg4[%add3A_607, %dma_wait3A_655] : memref<16384x1024xf32, #tpu.memory_space<hbm>> -> memref<16x1024xf32, #tpu.memory_space<hbm>>
    tpu.wait_dma2 semaphore(%arg23 : memref<!tpu.dma_semaphore, #tpu.memory_space<semaphore_mem>>) src(%arg11 : memref<16x1024xf32, #tpu.memory_space<vmem>>) dst(%dma_wait3A_656 : memref<16x1024xf32, #tpu.memory_space<hbm>>)
    %add3A_657 = arith.constant 0 : i32
    %add3A_658 = arith.addi %add3A_657, %mul3A_2 : i32
    %add3A_659 = arith.constant 96 : i32
    %add3A_660 = arith.addi %add3A_658, %add3A_659 : i32
    %dma_start3A_661 = arith.constant 0 : i32
    %dma_start3A_662 = tpu.memref_slice %arg2[%add3A_660, %dma_start3A_661] : memref<16384x1024xf32, #tpu.memory_space<hbm>> -> memref<16x1024xf32, #tpu.memory_space<hbm>>
    %dma_start3A_663 = arith.constant 0 : i32
    %dma_start3A_664 = tpu.memref_slice %arg2[%add3A_660, %dma_start3A_663] : memref<16384x1024xf32, #tpu.memory_space<hbm>> -> memref<16x1024xf32, #tpu.memory_space<hbm>>
    tpu.enqueue_dma source(%dma_start3A_664 : memref<16x1024xf32, #tpu.memory_space<hbm>>) target(%arg11 : memref<16x1024xf32, #tpu.memory_space<vmem>>) target_semaphore(%arg18 : memref<!tpu.dma_semaphore, #tpu.memory_space<semaphore_mem>>)
    %parallel_loop3A_665 = arith.constant 0 : i32
    %parallel_loop3A_666 = arith.constant 16384 : i32
    %parallel_loop3A_667 = arith.constant 16 : i32
    scf.for %parallel_loop3A_944 = %parallel_loop3A_665 to %parallel_loop3A_666 step %parallel_loop3A_667  : i32 {
      %parallel_loop3A_945 = arith.constant 10 : i32
      %parallel_loop3A_946 = arith.shrsi %parallel_loop3A_944, %parallel_loop3A_945 : i32
      %parallel_loop3A_947 = arith.constant 1023 : i32
      %parallel_loop3A_948 = arith.andi %parallel_loop3A_944, %parallel_loop3A_947 : i32
      %parallel_loop3A_949 = tpu.assume_multiple %parallel_loop3A_948, 16 : i32
      %parallel_loop3A_950 = arith.index_cast %parallel_loop3A_946 : i32 to index
      %parallel_loop3A_951 = arith.index_cast %parallel_loop3A_949 : i32 to index
      %parallel_loop3A_952 = tpu.vector_load %arg6[%parallel_loop3A_950, %parallel_loop3A_951] {strides = array<i32>} : memref<16x1024xf32, #tpu.memory_space<vmem>>, vector<1x16xf32>,
      %parallel_loop3A_953 = vector.shape_cast %parallel_loop3A_952 : vector<1x16xf32> to vector<16xf32>
      %parallel_loop3A_954 = arith.index_cast %parallel_loop3A_946 : i32 to index
      %parallel_loop3A_955 = arith.index_cast %parallel_loop3A_949 : i32 to index
      %parallel_loop3A_956 = tpu.vector_load %arg8[%parallel_loop3A_954, %parallel_loop3A_955] {strides = array<i32>} : memref<16x1024xf32, #tpu.memory_space<vmem>>, vector<1x16xf32>,
      %parallel_loop3A_957 = vector.shape_cast %parallel_loop3A_956 : vector<1x16xf32> to vector<16xf32>
      %parallel_loop3A_958 = vector.shape_cast %parallel_loop3A_953 : vector<16xf32> to vector<1x16xf32>
      tpu.vector_store %arg8[%parallel_loop3A_954, %parallel_loop3A_955], %parallel_loop3A_958 {add = true, strides = array<i32>} : memref<16x1024xf32, #tpu.memory_space<vmem>>, vector<1x16xf32>,
    } {sc.loop_unroll_factor = 8 : i64, sc.parallel_access}
    %add3A_668 = arith.constant 4096 : i32
    %add3A_669 = arith.addi %add3A_668, %mul3A_2 : i32
    %add3A_670 = arith.constant 80 : i32
    %add3A_671 = arith.addi %add3A_669, %add3A_670 : i32
    %dma_start3A_672 = arith.constant 0 : i32
    %dma_start3A_673 = tpu.memref_slice %arg4[%add3A_671, %dma_start3A_672] : memref<16384x1024xf32, #tpu.memory_space<hbm>> -> memref<16x1024xf32, #tpu.memory_space<hbm>>
    %dma_start3A_674 = arith.constant 0 : i32
    %dma_start3A_675 = tpu.memref_slice %arg4[%add3A_671, %dma_start3A_674] : memref<16384x1024xf32, #tpu.memory_space<hbm>> -> memref<16x1024xf32, #tpu.memory_space<hbm>>
    tpu.enqueue_dma source(%arg8 : memref<16x1024xf32, #tpu.memory_space<vmem>>) target(%dma_start3A_675 : memref<16x1024xf32, #tpu.memory_space<hbm>>) target_semaphore(%arg20 : memref<!tpu.dma_semaphore, #tpu.memory_space<semaphore_mem>>)
    %dma_wait3A_676 = arith.constant 0 : i32
    %dma_wait3A_677 = tpu.memref_slice %arg2[%add3A_596, %dma_wait3A_676] : memref<16384x1024xf32, #tpu.memory_space<hbm>> -> memref<16x1024xf32, #tpu.memory_space<hbm>>
    %dma_wait3A_678 = arith.constant 0 : i32
    %dma_wait3A_679 = tpu.memref_slice %arg2[%add3A_596, %dma_wait3A_678] : memref<16384x1024xf32, #tpu.memory_space<hbm>> -> memref<16x1024xf32, #tpu.memory_space<hbm>>
    tpu.wait_dma2 semaphore(%arg16 : memref<!tpu.dma_semaphore, #tpu.memory_space<semaphore_mem>>) src(%dma_wait3A_679 : memref<16x1024xf32, #tpu.memory_space<hbm>>) dst(%arg9 : memref<16x1024xf32, #tpu.memory_space<vmem>>)
    %dma_wait3A_680 = arith.constant 0 : i32
    %dma_wait3A_681 = tpu.memref_slice %arg4[%add3A_638, %dma_wait3A_680] : memref<16384x1024xf32, #tpu.memory_space<hbm>> -> memref<16x1024xf32, #tpu.memory_space<hbm>>
    %dma_wait3A_682 = arith.constant 0 : i32
    %dma_wait3A_683 = tpu.memref_slice %arg4[%add3A_638, %dma_wait3A_682] : memref<16384x1024xf32, #tpu.memory_space<hbm>> -> memref<16x1024xf32, #tpu.memory_space<hbm>>
    tpu.wait_dma2 semaphore(%arg19 : memref<!tpu.dma_semaphore, #tpu.memory_space<semaphore_mem>>) src(%arg7 : memref<16x1024xf32, #tpu.memory_space<vmem>>) dst(%dma_wait3A_683 : memref<16x1024xf32, #tpu.memory_space<hbm>>)
    %add3A_684 = arith.constant 4096 : i32
    %add3A_685 = arith.addi %add3A_684, %mul3A_2 : i32
    %add3A_686 = arith.constant 96 : i32
    %add3A_687 = arith.addi %add3A_685, %add3A_686 : i32
    %dma_start3A_688 = arith.constant 0 : i32
    %dma_start3A_689 = tpu.memref_slice %arg2[%add3A_687, %dma_start3A_688] : memref<16384x1024xf32, #tpu.memory_space<hbm>> -> memref<16x1024xf32, #tpu.memory_space<hbm>>
    %dma_start3A_690 = arith.constant 0 : i32
    %dma_start3A_691 = tpu.memref_slice %arg2[%add3A_687, %dma_start3A_690] : memref<16384x1024xf32, #tpu.memory_space<hbm>> -> memref<16x1024xf32, #tpu.memory_space<hbm>>
    tpu.enqueue_dma source(%dma_start3A_691 : memref<16x1024xf32, #tpu.memory_space<hbm>>) target(%arg7 : memref<16x1024xf32, #tpu.memory_space<vmem>>) target_semaphore(%arg14 : memref<!tpu.dma_semaphore, #tpu.memory_space<semaphore_mem>>)
    %parallel_loop3A_692 = arith.constant 0 : i32
    %parallel_loop3A_693 = arith.constant 16384 : i32
    %parallel_loop3A_694 = arith.constant 16 : i32
    scf.for %parallel_loop3A_944 = %parallel_loop3A_692 to %parallel_loop3A_693 step %parallel_loop3A_694  : i32 {
      %parallel_loop3A_945 = arith.constant 10 : i32
      %parallel_loop3A_946 = arith.shrsi %parallel_loop3A_944, %parallel_loop3A_945 : i32
      %parallel_loop3A_947 = arith.constant 1023 : i32
      %parallel_loop3A_948 = arith.andi %parallel_loop3A_944, %parallel_loop3A_947 : i32
      %parallel_loop3A_949 = tpu.assume_multiple %parallel_loop3A_948, 16 : i32
      %parallel_loop3A_950 = arith.index_cast %parallel_loop3A_946 : i32 to index
      %parallel_loop3A_951 = arith.index_cast %parallel_loop3A_949 : i32 to index
      %parallel_loop3A_952 = tpu.vector_load %arg6[%parallel_loop3A_950, %parallel_loop3A_951] {strides = array<i32>} : memref<16x1024xf32, #tpu.memory_space<vmem>>, vector<1x16xf32>,
      %parallel_loop3A_953 = vector.shape_cast %parallel_loop3A_952 : vector<1x16xf32> to vector<16xf32>
      %parallel_loop3A_954 = arith.index_cast %parallel_loop3A_946 : i32 to index
      %parallel_loop3A_955 = arith.index_cast %parallel_loop3A_949 : i32 to index
      %parallel_loop3A_956 = tpu.vector_load %arg9[%parallel_loop3A_954, %parallel_loop3A_955] {strides = array<i32>} : memref<16x1024xf32, #tpu.memory_space<vmem>>, vector<1x16xf32>,
      %parallel_loop3A_957 = vector.shape_cast %parallel_loop3A_956 : vector<1x16xf32> to vector<16xf32>
      %parallel_loop3A_958 = vector.shape_cast %parallel_loop3A_953 : vector<16xf32> to vector<1x16xf32>
      tpu.vector_store %arg9[%parallel_loop3A_954, %parallel_loop3A_955], %parallel_loop3A_958 {add = true, strides = array<i32>} : memref<16x1024xf32, #tpu.memory_space<vmem>>, vector<1x16xf32>,
    } {sc.loop_unroll_factor = 8 : i64, sc.parallel_access}
    %add3A_695 = arith.constant 8192 : i32
    %add3A_696 = arith.addi %add3A_695, %mul3A_2 : i32
    %add3A_697 = arith.constant 80 : i32
    %add3A_698 = arith.addi %add3A_696, %add3A_697 : i32
    %dma_start3A_699 = arith.constant 0 : i32
    %dma_start3A_700 = tpu.memref_slice %arg4[%add3A_698, %dma_start3A_699] : memref<16384x1024xf32, #tpu.memory_space<hbm>> -> memref<16x1024xf32, #tpu.memory_space<hbm>>
    %dma_start3A_701 = arith.constant 0 : i32
    %dma_start3A_702 = tpu.memref_slice %arg4[%add3A_698, %dma_start3A_701] : memref<16384x1024xf32, #tpu.memory_space<hbm>> -> memref<16x1024xf32, #tpu.memory_space<hbm>>
    tpu.enqueue_dma source(%arg9 : memref<16x1024xf32, #tpu.memory_space<vmem>>) target(%dma_start3A_702 : memref<16x1024xf32, #tpu.memory_space<hbm>>) target_semaphore(%arg21 : memref<!tpu.dma_semaphore, #tpu.memory_space<semaphore_mem>>)
    %dma_wait3A_703 = arith.constant 0 : i32
    %dma_wait3A_704 = tpu.memref_slice %arg2[%add3A_627, %dma_wait3A_703] : memref<16384x1024xf32, #tpu.memory_space<hbm>> -> memref<16x1024xf32, #tpu.memory_space<hbm>>
    %dma_wait3A_705 = arith.constant 0 : i32
    %dma_wait3A_706 = tpu.memref_slice %arg2[%add3A_627, %dma_wait3A_705] : memref<16384x1024xf32, #tpu.memory_space<hbm>> -> memref<16x1024xf32, #tpu.memory_space<hbm>>
    tpu.wait_dma2 semaphore(%arg17 : memref<!tpu.dma_semaphore, #tpu.memory_space<semaphore_mem>>) src(%dma_wait3A_706 : memref<16x1024xf32, #tpu.memory_space<hbm>>) dst(%arg10 : memref<16x1024xf32, #tpu.memory_space<vmem>>)
    %dma_wait3A_707 = arith.constant 0 : i32
    %dma_wait3A_708 = tpu.memref_slice %arg4[%add3A_671, %dma_wait3A_707] : memref<16384x1024xf32, #tpu.memory_space<hbm>> -> memref<16x1024xf32, #tpu.memory_space<hbm>>
    %dma_wait3A_709 = arith.constant 0 : i32
    %dma_wait3A_710 = tpu.memref_slice %arg4[%add3A_671, %dma_wait3A_709] : memref<16384x1024xf32, #tpu.memory_space<hbm>> -> memref<16x1024xf32, #tpu.memory_space<hbm>>
    tpu.wait_dma2 semaphore(%arg20 : memref<!tpu.dma_semaphore, #tpu.memory_space<semaphore_mem>>) src(%arg8 : memref<16x1024xf32, #tpu.memory_space<vmem>>) dst(%dma_wait3A_710 : memref<16x1024xf32, #tpu.memory_space<hbm>>)
    %add3A_711 = arith.constant 8192 : i32
    %add3A_712 = arith.addi %add3A_711, %mul3A_2 : i32
    %add3A_713 = arith.constant 96 : i32
    %add3A_714 = arith.addi %add3A_712, %add3A_713 : i32
    %dma_start3A_715 = arith.constant 0 : i32
    %dma_start3A_716 = tpu.memref_slice %arg2[%add3A_714, %dma_start3A_715] : memref<16384x1024xf32, #tpu.memory_space<hbm>> -> memref<16x1024xf32, #tpu.memory_space<hbm>>
    %dma_start3A_717 = arith.constant 0 : i32
    %dma_start3A_718 = tpu.memref_slice %arg2[%add3A_714, %dma_start3A_717] : memref<16384x1024xf32, #tpu.memory_space<hbm>> -> memref<16x1024xf32, #tpu.memory_space<hbm>>
    tpu.enqueue_dma source(%dma_start3A_718 : memref<16x1024xf32, #tpu.memory_space<hbm>>) target(%arg8 : memref<16x1024xf32, #tpu.memory_space<vmem>>) target_semaphore(%arg15 : memref<!tpu.dma_semaphore, #tpu.memory_space<semaphore_mem>>)
    %parallel_loop3A_719 = arith.constant 0 : i32
    %parallel_loop3A_720 = arith.constant 16384 : i32
    %parallel_loop3A_721 = arith.constant 16 : i32
    scf.for %parallel_loop3A_944 = %parallel_loop3A_719 to %parallel_loop3A_720 step %parallel_loop3A_721  : i32 {
      %parallel_loop3A_945 = arith.constant 10 : i32
      %parallel_loop3A_946 = arith.shrsi %parallel_loop3A_944, %parallel_loop3A_945 : i32
      %parallel_loop3A_947 = arith.constant 1023 : i32
      %parallel_loop3A_948 = arith.andi %parallel_loop3A_944, %parallel_loop3A_947 : i32
      %parallel_loop3A_949 = tpu.assume_multiple %parallel_loop3A_948, 16 : i32
      %parallel_loop3A_950 = arith.index_cast %parallel_loop3A_946 : i32 to index
      %parallel_loop3A_951 = arith.index_cast %parallel_loop3A_949 : i32 to index
      %parallel_loop3A_952 = tpu.vector_load %arg6[%parallel_loop3A_950, %parallel_loop3A_951] {strides = array<i32>} : memref<16x1024xf32, #tpu.memory_space<vmem>>, vector<1x16xf32>,
      %parallel_loop3A_953 = vector.shape_cast %parallel_loop3A_952 : vector<1x16xf32> to vector<16xf32>
      %parallel_loop3A_954 = arith.index_cast %parallel_loop3A_946 : i32 to index
      %parallel_loop3A_955 = arith.index_cast %parallel_loop3A_949 : i32 to index
      %parallel_loop3A_956 = tpu.vector_load %arg10[%parallel_loop3A_954, %parallel_loop3A_955] {strides = array<i32>} : memref<16x1024xf32, #tpu.memory_space<vmem>>, vector<1x16xf32>,
      %parallel_loop3A_957 = vector.shape_cast %parallel_loop3A_956 : vector<1x16xf32> to vector<16xf32>
      %parallel_loop3A_958 = vector.shape_cast %parallel_loop3A_953 : vector<16xf32> to vector<1x16xf32>
      tpu.vector_store %arg10[%parallel_loop3A_954, %parallel_loop3A_955], %parallel_loop3A_958 {add = true, strides = array<i32>} : memref<16x1024xf32, #tpu.memory_space<vmem>>, vector<1x16xf32>,
    } {sc.loop_unroll_factor = 8 : i64, sc.parallel_access}
    %add3A_722 = arith.constant 12288 : i32
    %add3A_723 = arith.addi %add3A_722, %mul3A_2 : i32
    %add3A_724 = arith.constant 80 : i32
    %add3A_725 = arith.addi %add3A_723, %add3A_724 : i32
    %dma_start3A_726 = arith.constant 0 : i32
    %dma_start3A_727 = tpu.memref_slice %arg4[%add3A_725, %dma_start3A_726] : memref<16384x1024xf32, #tpu.memory_space<hbm>> -> memref<16x1024xf32, #tpu.memory_space<hbm>>
    %dma_start3A_728 = arith.constant 0 : i32
    %dma_start3A_729 = tpu.memref_slice %arg4[%add3A_725, %dma_start3A_728] : memref<16384x1024xf32, #tpu.memory_space<hbm>> -> memref<16x1024xf32, #tpu.memory_space<hbm>>
    tpu.enqueue_dma source(%arg10 : memref<16x1024xf32, #tpu.memory_space<vmem>>) target(%dma_start3A_729 : memref<16x1024xf32, #tpu.memory_space<hbm>>) target_semaphore(%arg22 : memref<!tpu.dma_semaphore, #tpu.memory_space<semaphore_mem>>)
    %dma_wait3A_730 = arith.constant 0 : i32
    %dma_wait3A_731 = tpu.memref_slice %arg3[%add3A_644, %dma_wait3A_730] : memref<8192x1024xf32, #tpu.memory_space<hbm>> -> memref<16x1024xf32, #tpu.memory_space<hbm>>
    %dma_wait3A_732 = arith.constant 0 : i32
    %dma_wait3A_733 = tpu.memref_slice %arg3[%add3A_644, %dma_wait3A_732] : memref<8192x1024xf32, #tpu.memory_space<hbm>> -> memref<16x1024xf32, #tpu.memory_space<hbm>>
    tpu.wait_dma2 semaphore(%arg12 : memref<!tpu.dma_semaphore, #tpu.memory_space<semaphore_mem>>) src(%dma_wait3A_733 : memref<16x1024xf32, #tpu.memory_space<hbm>>) dst(%arg5 : memref<16x1024xf32, #tpu.memory_space<vmem>>)
    %dma_wait3A_734 = arith.constant 0 : i32
    %dma_wait3A_735 = tpu.memref_slice %arg2[%add3A_660, %dma_wait3A_734] : memref<16384x1024xf32, #tpu.memory_space<hbm>> -> memref<16x1024xf32, #tpu.memory_space<hbm>>
    %dma_wait3A_736 = arith.constant 0 : i32
    %dma_wait3A_737 = tpu.memref_slice %arg2[%add3A_660, %dma_wait3A_736] : memref<16384x1024xf32, #tpu.memory_space<hbm>> -> memref<16x1024xf32, #tpu.memory_space<hbm>>
    tpu.wait_dma2 semaphore(%arg18 : memref<!tpu.dma_semaphore, #tpu.memory_space<semaphore_mem>>) src(%dma_wait3A_737 : memref<16x1024xf32, #tpu.memory_space<hbm>>) dst(%arg11 : memref<16x1024xf32, #tpu.memory_space<vmem>>)
    %dma_wait3A_738 = arith.constant 0 : i32
    %dma_wait3A_739 = tpu.memref_slice %arg4[%add3A_698, %dma_wait3A_738] : memref<16384x1024xf32, #tpu.memory_space<hbm>> -> memref<16x1024xf32, #tpu.memory_space<hbm>>
    %dma_wait3A_740 = arith.constant 0 : i32
    %dma_wait3A_741 = tpu.memref_slice %arg4[%add3A_698, %dma_wait3A_740] : memref<16384x1024xf32, #tpu.memory_space<hbm>> -> memref<16x1024xf32, #tpu.memory_space<hbm>>
    tpu.wait_dma2 semaphore(%arg21 : memref<!tpu.dma_semaphore, #tpu.memory_space<semaphore_mem>>) src(%arg9 : memref<16x1024xf32, #tpu.memory_space<vmem>>) dst(%dma_wait3A_741 : memref<16x1024xf32, #tpu.memory_space<hbm>>)
    %add3A_742 = arith.constant 12288 : i32
    %add3A_743 = arith.addi %add3A_742, %mul3A_2 : i32
    %add3A_744 = arith.constant 96 : i32
    %add3A_745 = arith.addi %add3A_743, %add3A_744 : i32
    %dma_start3A_746 = arith.constant 0 : i32
    %dma_start3A_747 = tpu.memref_slice %arg2[%add3A_745, %dma_start3A_746] : memref<16384x1024xf32, #tpu.memory_space<hbm>> -> memref<16x1024xf32, #tpu.memory_space<hbm>>
    %dma_start3A_748 = arith.constant 0 : i32
    %dma_start3A_749 = tpu.memref_slice %arg2[%add3A_745, %dma_start3A_748] : memref<16384x1024xf32, #tpu.memory_space<hbm>> -> memref<16x1024xf32, #tpu.memory_space<hbm>>
    tpu.enqueue_dma source(%dma_start3A_749 : memref<16x1024xf32, #tpu.memory_space<hbm>>) target(%arg9 : memref<16x1024xf32, #tpu.memory_space<vmem>>) target_semaphore(%arg16 : memref<!tpu.dma_semaphore, #tpu.memory_space<semaphore_mem>>)
    %parallel_loop3A_750 = arith.constant 0 : i32
    %parallel_loop3A_751 = arith.constant 16384 : i32
    %parallel_loop3A_752 = arith.constant 16 : i32
    scf.for %parallel_loop3A_944 = %parallel_loop3A_750 to %parallel_loop3A_751 step %parallel_loop3A_752  : i32 {
      %parallel_loop3A_945 = arith.constant 10 : i32
      %parallel_loop3A_946 = arith.shrsi %parallel_loop3A_944, %parallel_loop3A_945 : i32
      %parallel_loop3A_947 = arith.constant 1023 : i32
      %parallel_loop3A_948 = arith.andi %parallel_loop3A_944, %parallel_loop3A_947 : i32
      %parallel_loop3A_949 = tpu.assume_multiple %parallel_loop3A_948, 16 : i32
      %parallel_loop3A_950 = arith.index_cast %parallel_loop3A_946 : i32 to index
      %parallel_loop3A_951 = arith.index_cast %parallel_loop3A_949 : i32 to index
      %parallel_loop3A_952 = tpu.vector_load %arg5[%parallel_loop3A_950, %parallel_loop3A_951] {strides = array<i32>} : memref<16x1024xf32, #tpu.memory_space<vmem>>, vector<1x16xf32>,
      %parallel_loop3A_953 = vector.shape_cast %parallel_loop3A_952 : vector<1x16xf32> to vector<16xf32>
      %parallel_loop3A_954 = arith.index_cast %parallel_loop3A_946 : i32 to index
      %parallel_loop3A_955 = arith.index_cast %parallel_loop3A_949 : i32 to index
      %parallel_loop3A_956 = tpu.vector_load %arg11[%parallel_loop3A_954, %parallel_loop3A_955] {strides = array<i32>} : memref<16x1024xf32, #tpu.memory_space<vmem>>, vector<1x16xf32>,
      %parallel_loop3A_957 = vector.shape_cast %parallel_loop3A_956 : vector<1x16xf32> to vector<16xf32>
      %parallel_loop3A_958 = vector.shape_cast %parallel_loop3A_953 : vector<16xf32> to vector<1x16xf32>
      tpu.vector_store %arg11[%parallel_loop3A_954, %parallel_loop3A_955], %parallel_loop3A_958 {add = true, strides = array<i32>} : memref<16x1024xf32, #tpu.memory_space<vmem>>, vector<1x16xf32>,
    } {sc.loop_unroll_factor = 8 : i64, sc.parallel_access}
    %add3A_753 = arith.constant 0 : i32
    %add3A_754 = arith.addi %add3A_753, %mul3A_2 : i32
    %add3A_755 = arith.constant 96 : i32
    %add3A_756 = arith.addi %add3A_754, %add3A_755 : i32
    %dma_start3A_757 = arith.constant 0 : i32
    %dma_start3A_758 = tpu.memref_slice %arg4[%add3A_756, %dma_start3A_757] : memref<16384x1024xf32, #tpu.memory_space<hbm>> -> memref<16x1024xf32, #tpu.memory_space<hbm>>
    %dma_start3A_759 = arith.constant 0 : i32
    %dma_start3A_760 = tpu.memref_slice %arg4[%add3A_756, %dma_start3A_759] : memref<16384x1024xf32, #tpu.memory_space<hbm>> -> memref<16x1024xf32, #tpu.memory_space<hbm>>
    tpu.enqueue_dma source(%arg11 : memref<16x1024xf32, #tpu.memory_space<vmem>>) target(%dma_start3A_760 : memref<16x1024xf32, #tpu.memory_space<hbm>>) target_semaphore(%arg23 : memref<!tpu.dma_semaphore, #tpu.memory_space<semaphore_mem>>)
    %add3A_761 = arith.constant 112 : i32
    %add3A_762 = arith.addi %mul3A_2, %add3A_761 : i32
    %dma_start3A_763 = arith.constant 0 : i32
    %dma_start3A_764 = tpu.memref_slice %arg3[%add3A_762, %dma_start3A_763] : memref<8192x1024xf32, #tpu.memory_space<hbm>> -> memref<16x1024xf32, #tpu.memory_space<hbm>>
    %dma_start3A_765 = arith.constant 0 : i32
    %dma_start3A_766 = tpu.memref_slice %arg3[%add3A_762, %dma_start3A_765] : memref<8192x1024xf32, #tpu.memory_space<hbm>> -> memref<16x1024xf32, #tpu.memory_space<hbm>>
    tpu.enqueue_dma source(%dma_start3A_766 : memref<16x1024xf32, #tpu.memory_space<hbm>>) target(%arg6 : memref<16x1024xf32, #tpu.memory_space<vmem>>) target_semaphore(%arg13 : memref<!tpu.dma_semaphore, #tpu.memory_space<semaphore_mem>>)
    %dma_wait3A_767 = arith.constant 0 : i32
    %dma_wait3A_768 = tpu.memref_slice %arg2[%add3A_687, %dma_wait3A_767] : memref<16384x1024xf32, #tpu.memory_space<hbm>> -> memref<16x1024xf32, #tpu.memory_space<hbm>>
    %dma_wait3A_769 = arith.constant 0 : i32
    %dma_wait3A_770 = tpu.memref_slice %arg2[%add3A_687, %dma_wait3A_769] : memref<16384x1024xf32, #tpu.memory_space<hbm>> -> memref<16x1024xf32, #tpu.memory_space<hbm>>
    tpu.wait_dma2 semaphore(%arg14 : memref<!tpu.dma_semaphore, #tpu.memory_space<semaphore_mem>>) src(%dma_wait3A_770 : memref<16x1024xf32, #tpu.memory_space<hbm>>) dst(%arg7 : memref<16x1024xf32, #tpu.memory_space<vmem>>)
    %dma_wait3A_771 = arith.constant 0 : i32
    %dma_wait3A_772 = tpu.memref_slice %arg4[%add3A_725, %dma_wait3A_771] : memref<16384x1024xf32, #tpu.memory_space<hbm>> -> memref<16x1024xf32, #tpu.memory_space<hbm>>
    %dma_wait3A_773 = arith.constant 0 : i32
    %dma_wait3A_774 = tpu.memref_slice %arg4[%add3A_725, %dma_wait3A_773] : memref<16384x1024xf32, #tpu.memory_space<hbm>> -> memref<16x1024xf32, #tpu.memory_space<hbm>>
    tpu.wait_dma2 semaphore(%arg22 : memref<!tpu.dma_semaphore, #tpu.memory_space<semaphore_mem>>) src(%arg10 : memref<16x1024xf32, #tpu.memory_space<vmem>>) dst(%dma_wait3A_774 : memref<16x1024xf32, #tpu.memory_space<hbm>>)
    %add3A_775 = arith.constant 0 : i32
    %add3A_776 = arith.addi %add3A_775, %mul3A_2 : i32
    %add3A_777 = arith.constant 112 : i32
    %add3A_778 = arith.addi %add3A_776, %add3A_777 : i32
    %dma_start3A_779 = arith.constant 0 : i32
    %dma_start3A_780 = tpu.memref_slice %arg2[%add3A_778, %dma_start3A_779] : memref<16384x1024xf32, #tpu.memory_space<hbm>> -> memref<16x1024xf32, #tpu.memory_space<hbm>>
    %dma_start3A_781 = arith.constant 0 : i32
    %dma_start3A_782 = tpu.memref_slice %arg2[%add3A_778, %dma_start3A_781] : memref<16384x1024xf32, #tpu.memory_space<hbm>> -> memref<16x1024xf32, #tpu.memory_space<hbm>>
    tpu.enqueue_dma source(%dma_start3A_782 : memref<16x1024xf32, #tpu.memory_space<hbm>>) target(%arg10 : memref<16x1024xf32, #tpu.memory_space<vmem>>) target_semaphore(%arg17 : memref<!tpu.dma_semaphore, #tpu.memory_space<semaphore_mem>>)
    %parallel_loop3A_783 = arith.constant 0 : i32
    %parallel_loop3A_784 = arith.constant 16384 : i32
    %parallel_loop3A_785 = arith.constant 16 : i32
    scf.for %parallel_loop3A_944 = %parallel_loop3A_783 to %parallel_loop3A_784 step %parallel_loop3A_785  : i32 {
      %parallel_loop3A_945 = arith.constant 10 : i32
      %parallel_loop3A_946 = arith.shrsi %parallel_loop3A_944, %parallel_loop3A_945 : i32
      %parallel_loop3A_947 = arith.constant 1023 : i32
      %parallel_loop3A_948 = arith.andi %parallel_loop3A_944, %parallel_loop3A_947 : i32
      %parallel_loop3A_949 = tpu.assume_multiple %parallel_loop3A_948, 16 : i32
      %parallel_loop3A_950 = arith.index_cast %parallel_loop3A_946 : i32 to index
      %parallel_loop3A_951 = arith.index_cast %parallel_loop3A_949 : i32 to index
      %parallel_loop3A_952 = tpu.vector_load %arg5[%parallel_loop3A_950, %parallel_loop3A_951] {strides = array<i32>} : memref<16x1024xf32, #tpu.memory_space<vmem>>, vector<1x16xf32>,
      %parallel_loop3A_953 = vector.shape_cast %parallel_loop3A_952 : vector<1x16xf32> to vector<16xf32>
      %parallel_loop3A_954 = arith.index_cast %parallel_loop3A_946 : i32 to index
      %parallel_loop3A_955 = arith.index_cast %parallel_loop3A_949 : i32 to index
      %parallel_loop3A_956 = tpu.vector_load %arg7[%parallel_loop3A_954, %parallel_loop3A_955] {strides = array<i32>} : memref<16x1024xf32, #tpu.memory_space<vmem>>, vector<1x16xf32>,
      %parallel_loop3A_957 = vector.shape_cast %parallel_loop3A_956 : vector<1x16xf32> to vector<16xf32>
      %parallel_loop3A_958 = vector.shape_cast %parallel_loop3A_953 : vector<16xf32> to vector<1x16xf32>
      tpu.vector_store %arg7[%parallel_loop3A_954, %parallel_loop3A_955], %parallel_loop3A_958 {add = true, strides = array<i32>} : memref<16x1024xf32, #tpu.memory_space<vmem>>, vector<1x16xf32>,
    } {sc.loop_unroll_factor = 8 : i64, sc.parallel_access}
    %add3A_786 = arith.constant 4096 : i32
    %add3A_787 = arith.addi %add3A_786, %mul3A_2 : i32
    %add3A_788 = arith.constant 96 : i32
    %add3A_789 = arith.addi %add3A_787, %add3A_788 : i32
    %dma_start3A_790 = arith.constant 0 : i32
    %dma_start3A_791 = tpu.memref_slice %arg4[%add3A_789, %dma_start3A_790] : memref<16384x1024xf32, #tpu.memory_space<hbm>> -> memref<16x1024xf32, #tpu.memory_space<hbm>>
    %dma_start3A_792 = arith.constant 0 : i32
    %dma_start3A_793 = tpu.memref_slice %arg4[%add3A_789, %dma_start3A_792] : memref<16384x1024xf32, #tpu.memory_space<hbm>> -> memref<16x1024xf32, #tpu.memory_space<hbm>>
    tpu.enqueue_dma source(%arg7 : memref<16x1024xf32, #tpu.memory_space<vmem>>) target(%dma_start3A_793 : memref<16x1024xf32, #tpu.memory_space<hbm>>) target_semaphore(%arg19 : memref<!tpu.dma_semaphore, #tpu.memory_space<semaphore_mem>>)
    %dma_wait3A_794 = arith.constant 0 : i32
    %dma_wait3A_795 = tpu.memref_slice %arg2[%add3A_714, %dma_wait3A_794] : memref<16384x1024xf32, #tpu.memory_space<hbm>> -> memref<16x1024xf32, #tpu.memory_space<hbm>>
    %dma_wait3A_796 = arith.constant 0 : i32
    %dma_wait3A_797 = tpu.memref_slice %arg2[%add3A_714, %dma_wait3A_796] : memref<16384x1024xf32, #tpu.memory_space<hbm>> -> memref<16x1024xf32, #tpu.memory_space<hbm>>
    tpu.wait_dma2 semaphore(%arg15 : memref<!tpu.dma_semaphore, #tpu.memory_space<semaphore_mem>>) src(%dma_wait3A_797 : memref<16x1024xf32, #tpu.memory_space<hbm>>) dst(%arg8 : memref<16x1024xf32, #tpu.memory_space<vmem>>)
    %dma_wait3A_798 = arith.constant 0 : i32
    %dma_wait3A_799 = tpu.memref_slice %arg4[%add3A_756, %dma_wait3A_798] : memref<16384x1024xf32, #tpu.memory_space<hbm>> -> memref<16x1024xf32, #tpu.memory_space<hbm>>
    %dma_wait3A_800 = arith.constant 0 : i32
    %dma_wait3A_801 = tpu.memref_slice %arg4[%add3A_756, %dma_wait3A_800] : memref<16384x1024xf32, #tpu.memory_space<hbm>> -> memref<16x1024xf32, #tpu.memory_space<hbm>>
    tpu.wait_dma2 semaphore(%arg23 : memref<!tpu.dma_semaphore, #tpu.memory_space<semaphore_mem>>) src(%arg11 : memref<16x1024xf32, #tpu.memory_space<vmem>>) dst(%dma_wait3A_801 : memref<16x1024xf32, #tpu.memory_space<hbm>>)
    %add3A_802 = arith.constant 4096 : i32
    %add3A_803 = arith.addi %add3A_802, %mul3A_2 : i32
    %add3A_804 = arith.constant 112 : i32
    %add3A_805 = arith.addi %add3A_803, %add3A_804 : i32
    %dma_start3A_806 = arith.constant 0 : i32
    %dma_start3A_807 = tpu.memref_slice %arg2[%add3A_805, %dma_start3A_806] : memref<16384x1024xf32, #tpu.memory_space<hbm>> -> memref<16x1024xf32, #tpu.memory_space<hbm>>
    %dma_start3A_808 = arith.constant 0 : i32
    %dma_start3A_809 = tpu.memref_slice %arg2[%add3A_805, %dma_start3A_808] : memref<16384x1024xf32, #tpu.memory_space<hbm>> -> memref<16x1024xf32, #tpu.memory_space<hbm>>
    tpu.enqueue_dma source(%dma_start3A_809 : memref<16x1024xf32, #tpu.memory_space<hbm>>) target(%arg11 : memref<16x1024xf32, #tpu.memory_space<vmem>>) target_semaphore(%arg18 : memref<!tpu.dma_semaphore, #tpu.memory_space<semaphore_mem>>)
    %parallel_loop3A_810 = arith.constant 0 : i32
    %parallel_loop3A_811 = arith.constant 16384 : i32
    %parallel_loop3A_812 = arith.constant 16 : i32
    scf.for %parallel_loop3A_944 = %parallel_loop3A_810 to %parallel_loop3A_811 step %parallel_loop3A_812  : i32 {
      %parallel_loop3A_945 = arith.constant 10 : i32
      %parallel_loop3A_946 = arith.shrsi %parallel_loop3A_944, %parallel_loop3A_945 : i32
      %parallel_loop3A_947 = arith.constant 1023 : i32
      %parallel_loop3A_948 = arith.andi %parallel_loop3A_944, %parallel_loop3A_947 : i32
      %parallel_loop3A_949 = tpu.assume_multiple %parallel_loop3A_948, 16 : i32
      %parallel_loop3A_950 = arith.index_cast %parallel_loop3A_946 : i32 to index
      %parallel_loop3A_951 = arith.index_cast %parallel_loop3A_949 : i32 to index
      %parallel_loop3A_952 = tpu.vector_load %arg5[%parallel_loop3A_950, %parallel_loop3A_951] {strides = array<i32>} : memref<16x1024xf32, #tpu.memory_space<vmem>>, vector<1x16xf32>,
      %parallel_loop3A_953 = vector.shape_cast %parallel_loop3A_952 : vector<1x16xf32> to vector<16xf32>
      %parallel_loop3A_954 = arith.index_cast %parallel_loop3A_946 : i32 to index
      %parallel_loop3A_955 = arith.index_cast %parallel_loop3A_949 : i32 to index
      %parallel_loop3A_956 = tpu.vector_load %arg8[%parallel_loop3A_954, %parallel_loop3A_955] {strides = array<i32>} : memref<16x1024xf32, #tpu.memory_space<vmem>>, vector<1x16xf32>,
      %parallel_loop3A_957 = vector.shape_cast %parallel_loop3A_956 : vector<1x16xf32> to vector<16xf32>
      %parallel_loop3A_958 = vector.shape_cast %parallel_loop3A_953 : vector<16xf32> to vector<1x16xf32>
      tpu.vector_store %arg8[%parallel_loop3A_954, %parallel_loop3A_955], %parallel_loop3A_958 {add = true, strides = array<i32>} : memref<16x1024xf32, #tpu.memory_space<vmem>>, vector<1x16xf32>,
    } {sc.loop_unroll_factor = 8 : i64, sc.parallel_access}
    %add3A_813 = arith.constant 8192 : i32
    %add3A_814 = arith.addi %add3A_813, %mul3A_2 : i32
    %add3A_815 = arith.constant 96 : i32
    %add3A_816 = arith.addi %add3A_814, %add3A_815 : i32
    %dma_start3A_817 = arith.constant 0 : i32
    %dma_start3A_818 = tpu.memref_slice %arg4[%add3A_816, %dma_start3A_817] : memref<16384x1024xf32, #tpu.memory_space<hbm>> -> memref<16x1024xf32, #tpu.memory_space<hbm>>
    %dma_start3A_819 = arith.constant 0 : i32
    %dma_start3A_820 = tpu.memref_slice %arg4[%add3A_816, %dma_start3A_819] : memref<16384x1024xf32, #tpu.memory_space<hbm>> -> memref<16x1024xf32, #tpu.memory_space<hbm>>
    tpu.enqueue_dma source(%arg8 : memref<16x1024xf32, #tpu.memory_space<vmem>>) target(%dma_start3A_820 : memref<16x1024xf32, #tpu.memory_space<hbm>>) target_semaphore(%arg20 : memref<!tpu.dma_semaphore, #tpu.memory_space<semaphore_mem>>)
    %dma_wait3A_821 = arith.constant 0 : i32
    %dma_wait3A_822 = tpu.memref_slice %arg2[%add3A_745, %dma_wait3A_821] : memref<16384x1024xf32, #tpu.memory_space<hbm>> -> memref<16x1024xf32, #tpu.memory_space<hbm>>
    %dma_wait3A_823 = arith.constant 0 : i32
    %dma_wait3A_824 = tpu.memref_slice %arg2[%add3A_745, %dma_wait3A_823] : memref<16384x1024xf32, #tpu.memory_space<hbm>> -> memref<16x1024xf32, #tpu.memory_space<hbm>>
    tpu.wait_dma2 semaphore(%arg16 : memref<!tpu.dma_semaphore, #tpu.memory_space<semaphore_mem>>) src(%dma_wait3A_824 : memref<16x1024xf32, #tpu.memory_space<hbm>>) dst(%arg9 : memref<16x1024xf32, #tpu.memory_space<vmem>>)
    %dma_wait3A_825 = arith.constant 0 : i32
    %dma_wait3A_826 = tpu.memref_slice %arg4[%add3A_789, %dma_wait3A_825] : memref<16384x1024xf32, #tpu.memory_space<hbm>> -> memref<16x1024xf32, #tpu.memory_space<hbm>>
    %dma_wait3A_827 = arith.constant 0 : i32
    %dma_wait3A_828 = tpu.memref_slice %arg4[%add3A_789, %dma_wait3A_827] : memref<16384x1024xf32, #tpu.memory_space<hbm>> -> memref<16x1024xf32, #tpu.memory_space<hbm>>
    tpu.wait_dma2 semaphore(%arg19 : memref<!tpu.dma_semaphore, #tpu.memory_space<semaphore_mem>>) src(%arg7 : memref<16x1024xf32, #tpu.memory_space<vmem>>) dst(%dma_wait3A_828 : memref<16x1024xf32, #tpu.memory_space<hbm>>)
    %add3A_829 = arith.constant 8192 : i32
    %add3A_830 = arith.addi %add3A_829, %mul3A_2 : i32
    %add3A_831 = arith.constant 112 : i32
    %add3A_832 = arith.addi %add3A_830, %add3A_831 : i32
    %dma_start3A_833 = arith.constant 0 : i32
    %dma_start3A_834 = tpu.memref_slice %arg2[%add3A_832, %dma_start3A_833] : memref<16384x1024xf32, #tpu.memory_space<hbm>> -> memref<16x1024xf32, #tpu.memory_space<hbm>>
    %dma_start3A_835 = arith.constant 0 : i32
    %dma_start3A_836 = tpu.memref_slice %arg2[%add3A_832, %dma_start3A_835] : memref<16384x1024xf32, #tpu.memory_space<hbm>> -> memref<16x1024xf32, #tpu.memory_space<hbm>>
    tpu.enqueue_dma source(%dma_start3A_836 : memref<16x1024xf32, #tpu.memory_space<hbm>>) target(%arg7 : memref<16x1024xf32, #tpu.memory_space<vmem>>) target_semaphore(%arg14 : memref<!tpu.dma_semaphore, #tpu.memory_space<semaphore_mem>>)
    %parallel_loop3A_837 = arith.constant 0 : i32
    %parallel_loop3A_838 = arith.constant 16384 : i32
    %parallel_loop3A_839 = arith.constant 16 : i32
    scf.for %parallel_loop3A_944 = %parallel_loop3A_837 to %parallel_loop3A_838 step %parallel_loop3A_839  : i32 {
      %parallel_loop3A_945 = arith.constant 10 : i32
      %parallel_loop3A_946 = arith.shrsi %parallel_loop3A_944, %parallel_loop3A_945 : i32
      %parallel_loop3A_947 = arith.constant 1023 : i32
      %parallel_loop3A_948 = arith.andi %parallel_loop3A_944, %parallel_loop3A_947 : i32
      %parallel_loop3A_949 = tpu.assume_multiple %parallel_loop3A_948, 16 : i32
      %parallel_loop3A_950 = arith.index_cast %parallel_loop3A_946 : i32 to index
      %parallel_loop3A_951 = arith.index_cast %parallel_loop3A_949 : i32 to index
      %parallel_loop3A_952 = tpu.vector_load %arg5[%parallel_loop3A_950, %parallel_loop3A_951] {strides = array<i32>} : memref<16x1024xf32, #tpu.memory_space<vmem>>, vector<1x16xf32>,
      %parallel_loop3A_953 = vector.shape_cast %parallel_loop3A_952 : vector<1x16xf32> to vector<16xf32>
      %parallel_loop3A_954 = arith.index_cast %parallel_loop3A_946 : i32 to index
      %parallel_loop3A_955 = arith.index_cast %parallel_loop3A_949 : i32 to index
      %parallel_loop3A_956 = tpu.vector_load %arg9[%parallel_loop3A_954, %parallel_loop3A_955] {strides = array<i32>} : memref<16x1024xf32, #tpu.memory_space<vmem>>, vector<1x16xf32>,
      %parallel_loop3A_957 = vector.shape_cast %parallel_loop3A_956 : vector<1x16xf32> to vector<16xf32>
      %parallel_loop3A_958 = vector.shape_cast %parallel_loop3A_953 : vector<16xf32> to vector<1x16xf32>
      tpu.vector_store %arg9[%parallel_loop3A_954, %parallel_loop3A_955], %parallel_loop3A_958 {add = true, strides = array<i32>} : memref<16x1024xf32, #tpu.memory_space<vmem>>, vector<1x16xf32>,
    } {sc.loop_unroll_factor = 8 : i64, sc.parallel_access}
    %add3A_840 = arith.constant 12288 : i32
    %add3A_841 = arith.addi %add3A_840, %mul3A_2 : i32
    %add3A_842 = arith.constant 96 : i32
    %add3A_843 = arith.addi %add3A_841, %add3A_842 : i32
    %dma_start3A_844 = arith.constant 0 : i32
    %dma_start3A_845 = tpu.memref_slice %arg4[%add3A_843, %dma_start3A_844] : memref<16384x1024xf32, #tpu.memory_space<hbm>> -> memref<16x1024xf32, #tpu.memory_space<hbm>>
    %dma_start3A_846 = arith.constant 0 : i32
    %dma_start3A_847 = tpu.memref_slice %arg4[%add3A_843, %dma_start3A_846] : memref<16384x1024xf32, #tpu.memory_space<hbm>> -> memref<16x1024xf32, #tpu.memory_space<hbm>>
    tpu.enqueue_dma source(%arg9 : memref<16x1024xf32, #tpu.memory_space<vmem>>) target(%dma_start3A_847 : memref<16x1024xf32, #tpu.memory_space<hbm>>) target_semaphore(%arg21 : memref<!tpu.dma_semaphore, #tpu.memory_space<semaphore_mem>>)
    %dma_wait3A_848 = arith.constant 0 : i32
    %dma_wait3A_849 = tpu.memref_slice %arg3[%add3A_762, %dma_wait3A_848] : memref<8192x1024xf32, #tpu.memory_space<hbm>> -> memref<16x1024xf32, #tpu.memory_space<hbm>>
    %dma_wait3A_850 = arith.constant 0 : i32
    %dma_wait3A_851 = tpu.memref_slice %arg3[%add3A_762, %dma_wait3A_850] : memref<8192x1024xf32, #tpu.memory_space<hbm>> -> memref<16x1024xf32, #tpu.memory_space<hbm>>
    tpu.wait_dma2 semaphore(%arg13 : memref<!tpu.dma_semaphore, #tpu.memory_space<semaphore_mem>>) src(%dma_wait3A_851 : memref<16x1024xf32, #tpu.memory_space<hbm>>) dst(%arg6 : memref<16x1024xf32, #tpu.memory_space<vmem>>)
    %dma_wait3A_852 = arith.constant 0 : i32
    %dma_wait3A_853 = tpu.memref_slice %arg2[%add3A_778, %dma_wait3A_852] : memref<16384x1024xf32, #tpu.memory_space<hbm>> -> memref<16x1024xf32, #tpu.memory_space<hbm>>
    %dma_wait3A_854 = arith.constant 0 : i32
    %dma_wait3A_855 = tpu.memref_slice %arg2[%add3A_778, %dma_wait3A_854] : memref<16384x1024xf32, #tpu.memory_space<hbm>> -> memref<16x1024xf32, #tpu.memory_space<hbm>>
    tpu.wait_dma2 semaphore(%arg17 : memref<!tpu.dma_semaphore, #tpu.memory_space<semaphore_mem>>) src(%dma_wait3A_855 : memref<16x1024xf32, #tpu.memory_space<hbm>>) dst(%arg10 : memref<16x1024xf32, #tpu.memory_space<vmem>>)
    %dma_wait3A_856 = arith.constant 0 : i32
    %dma_wait3A_857 = tpu.memref_slice %arg4[%add3A_816, %dma_wait3A_856] : memref<16384x1024xf32, #tpu.memory_space<hbm>> -> memref<16x1024xf32, #tpu.memory_space<hbm>>
    %dma_wait3A_858 = arith.constant 0 : i32
    %dma_wait3A_859 = tpu.memref_slice %arg4[%add3A_816, %dma_wait3A_858] : memref<16384x1024xf32, #tpu.memory_space<hbm>> -> memref<16x1024xf32, #tpu.memory_space<hbm>>
    tpu.wait_dma2 semaphore(%arg20 : memref<!tpu.dma_semaphore, #tpu.memory_space<semaphore_mem>>) src(%arg8 : memref<16x1024xf32, #tpu.memory_space<vmem>>) dst(%dma_wait3A_859 : memref<16x1024xf32, #tpu.memory_space<hbm>>)
    %add3A_860 = arith.constant 12288 : i32
    %add3A_861 = arith.addi %add3A_860, %mul3A_2 : i32
    %add3A_862 = arith.constant 112 : i32
    %add3A_863 = arith.addi %add3A_861, %add3A_862 : i32
    %dma_start3A_864 = arith.constant 0 : i32
    %dma_start3A_865 = tpu.memref_slice %arg2[%add3A_863, %dma_start3A_864] : memref<16384x1024xf32, #tpu.memory_space<hbm>> -> memref<16x1024xf32, #tpu.memory_space<hbm>>
    %dma_start3A_866 = arith.constant 0 : i32
    %dma_start3A_867 = tpu.memref_slice %arg2[%add3A_863, %dma_start3A_866] : memref<16384x1024xf32, #tpu.memory_space<hbm>> -> memref<16x1024xf32, #tpu.memory_space<hbm>>
    tpu.enqueue_dma source(%dma_start3A_867 : memref<16x1024xf32, #tpu.memory_space<hbm>>) target(%arg8 : memref<16x1024xf32, #tpu.memory_space<vmem>>) target_semaphore(%arg15 : memref<!tpu.dma_semaphore, #tpu.memory_space<semaphore_mem>>)
    %parallel_loop3A_868 = arith.constant 0 : i32
    %parallel_loop3A_869 = arith.constant 16384 : i32
    %parallel_loop3A_870 = arith.constant 16 : i32
    scf.for %parallel_loop3A_944 = %parallel_loop3A_868 to %parallel_loop3A_869 step %parallel_loop3A_870  : i32 {
      %parallel_loop3A_945 = arith.constant 10 : i32
      %parallel_loop3A_946 = arith.shrsi %parallel_loop3A_944, %parallel_loop3A_945 : i32
      %parallel_loop3A_947 = arith.constant 1023 : i32
      %parallel_loop3A_948 = arith.andi %parallel_loop3A_944, %parallel_loop3A_947 : i32
      %parallel_loop3A_949 = tpu.assume_multiple %parallel_loop3A_948, 16 : i32
      %parallel_loop3A_950 = arith.index_cast %parallel_loop3A_946 : i32 to index
      %parallel_loop3A_951 = arith.index_cast %parallel_loop3A_949 : i32 to index
      %parallel_loop3A_952 = tpu.vector_load %arg6[%parallel_loop3A_950, %parallel_loop3A_951] {strides = array<i32>} : memref<16x1024xf32, #tpu.memory_space<vmem>>, vector<1x16xf32>,
      %parallel_loop3A_953 = vector.shape_cast %parallel_loop3A_952 : vector<1x16xf32> to vector<16xf32>
      %parallel_loop3A_954 = arith.index_cast %parallel_loop3A_946 : i32 to index
      %parallel_loop3A_955 = arith.index_cast %parallel_loop3A_949 : i32 to index
      %parallel_loop3A_956 = tpu.vector_load %arg10[%parallel_loop3A_954, %parallel_loop3A_955] {strides = array<i32>} : memref<16x1024xf32, #tpu.memory_space<vmem>>, vector<1x16xf32>,
      %parallel_loop3A_957 = vector.shape_cast %parallel_loop3A_956 : vector<1x16xf32> to vector<16xf32>
      %parallel_loop3A_958 = vector.shape_cast %parallel_loop3A_953 : vector<16xf32> to vector<1x16xf32>
      tpu.vector_store %arg10[%parallel_loop3A_954, %parallel_loop3A_955], %parallel_loop3A_958 {add = true, strides = array<i32>} : memref<16x1024xf32, #tpu.memory_space<vmem>>, vector<1x16xf32>,
    } {sc.loop_unroll_factor = 8 : i64, sc.parallel_access}
    %add3A_871 = arith.constant 0 : i32
    %add3A_872 = arith.addi %add3A_871, %mul3A_2 : i32
    %add3A_873 = arith.constant 112 : i32
    %add3A_874 = arith.addi %add3A_872, %add3A_873 : i32
    %dma_start3A_875 = arith.constant 0 : i32
    %dma_start3A_876 = tpu.memref_slice %arg4[%add3A_874, %dma_start3A_875] : memref<16384x1024xf32, #tpu.memory_space<hbm>> -> memref<16x1024xf32, #tpu.memory_space<hbm>>
    %dma_start3A_877 = arith.constant 0 : i32
    %dma_start3A_878 = tpu.memref_slice %arg4[%add3A_874, %dma_start3A_877] : memref<16384x1024xf32, #tpu.memory_space<hbm>> -> memref<16x1024xf32, #tpu.memory_space<hbm>>
    tpu.enqueue_dma source(%arg10 : memref<16x1024xf32, #tpu.memory_space<vmem>>) target(%dma_start3A_878 : memref<16x1024xf32, #tpu.memory_space<hbm>>) target_semaphore(%arg22 : memref<!tpu.dma_semaphore, #tpu.memory_space<semaphore_mem>>)
    %dma_wait3A_879 = arith.constant 0 : i32
    %dma_wait3A_880 = tpu.memref_slice %arg2[%add3A_805, %dma_wait3A_879] : memref<16384x1024xf32, #tpu.memory_space<hbm>> -> memref<16x1024xf32, #tpu.memory_space<hbm>>
    %dma_wait3A_881 = arith.constant 0 : i32
    %dma_wait3A_882 = tpu.memref_slice %arg2[%add3A_805, %dma_wait3A_881] : memref<16384x1024xf32, #tpu.memory_space<hbm>> -> memref<16x1024xf32, #tpu.memory_space<hbm>>
    tpu.wait_dma2 semaphore(%arg18 : memref<!tpu.dma_semaphore, #tpu.memory_space<semaphore_mem>>) src(%dma_wait3A_882 : memref<16x1024xf32, #tpu.memory_space<hbm>>) dst(%arg11 : memref<16x1024xf32, #tpu.memory_space<vmem>>)
    %parallel_loop3A_883 = arith.constant 0 : i32
    %parallel_loop3A_884 = arith.constant 16384 : i32
    %parallel_loop3A_885 = arith.constant 16 : i32
    scf.for %parallel_loop3A_944 = %parallel_loop3A_883 to %parallel_loop3A_884 step %parallel_loop3A_885  : i32 {
      %parallel_loop3A_945 = arith.constant 10 : i32
      %parallel_loop3A_946 = arith.shrsi %parallel_loop3A_944, %parallel_loop3A_945 : i32
      %parallel_loop3A_947 = arith.constant 1023 : i32
      %parallel_loop3A_948 = arith.andi %parallel_loop3A_944, %parallel_loop3A_947 : i32
      %parallel_loop3A_949 = tpu.assume_multiple %parallel_loop3A_948, 16 : i32
      %parallel_loop3A_950 = arith.index_cast %parallel_loop3A_946 : i32 to index
      %parallel_loop3A_951 = arith.index_cast %parallel_loop3A_949 : i32 to index
      %parallel_loop3A_952 = tpu.vector_load %arg6[%parallel_loop3A_950, %parallel_loop3A_951] {strides = array<i32>} : memref<16x1024xf32, #tpu.memory_space<vmem>>, vector<1x16xf32>,
      %parallel_loop3A_953 = vector.shape_cast %parallel_loop3A_952 : vector<1x16xf32> to vector<16xf32>
      %parallel_loop3A_954 = arith.index_cast %parallel_loop3A_946 : i32 to index
      %parallel_loop3A_955 = arith.index_cast %parallel_loop3A_949 : i32 to index
      %parallel_loop3A_956 = tpu.vector_load %arg11[%parallel_loop3A_954, %parallel_loop3A_955] {strides = array<i32>} : memref<16x1024xf32, #tpu.memory_space<vmem>>, vector<1x16xf32>,
      %parallel_loop3A_957 = vector.shape_cast %parallel_loop3A_956 : vector<1x16xf32> to vector<16xf32>
      %parallel_loop3A_958 = vector.shape_cast %parallel_loop3A_953 : vector<16xf32> to vector<1x16xf32>
      tpu.vector_store %arg11[%parallel_loop3A_954, %parallel_loop3A_955], %parallel_loop3A_958 {add = true, strides = array<i32>} : memref<16x1024xf32, #tpu.memory_space<vmem>>, vector<1x16xf32>,
    } {sc.loop_unroll_factor = 8 : i64, sc.parallel_access}
    %add3A_886 = arith.constant 4096 : i32
    %add3A_887 = arith.addi %add3A_886, %mul3A_2 : i32
    %add3A_888 = arith.constant 112 : i32
    %add3A_889 = arith.addi %add3A_887, %add3A_888 : i32
    %dma_start3A_890 = arith.constant 0 : i32
    %dma_start3A_891 = tpu.memref_slice %arg4[%add3A_889, %dma_start3A_890] : memref<16384x1024xf32, #tpu.memory_space<hbm>> -> memref<16x1024xf32, #tpu.memory_space<hbm>>
    %dma_start3A_892 = arith.constant 0 : i32
    %dma_start3A_893 = tpu.memref_slice %arg4[%add3A_889, %dma_start3A_892] : memref<16384x1024xf32, #tpu.memory_space<hbm>> -> memref<16x1024xf32, #tpu.memory_space<hbm>>
    tpu.enqueue_dma source(%arg11 : memref<16x1024xf32, #tpu.memory_space<vmem>>) target(%dma_start3A_893 : memref<16x1024xf32, #tpu.memory_space<hbm>>) target_semaphore(%arg23 : memref<!tpu.dma_semaphore, #tpu.memory_space<semaphore_mem>>)
    %dma_wait3A_894 = arith.constant 0 : i32
    %dma_wait3A_895 = tpu.memref_slice %arg2[%add3A_832, %dma_wait3A_894] : memref<16384x1024xf32, #tpu.memory_space<hbm>> -> memref<16x1024xf32, #tpu.memory_space<hbm>>
    %dma_wait3A_896 = arith.constant 0 : i32
    %dma_wait3A_897 = tpu.memref_slice %arg2[%add3A_832, %dma_wait3A_896] : memref<16384x1024xf32, #tpu.memory_space<hbm>> -> memref<16x1024xf32, #tpu.memory_space<hbm>>
    tpu.wait_dma2 semaphore(%arg14 : memref<!tpu.dma_semaphore, #tpu.memory_space<semaphore_mem>>) src(%dma_wait3A_897 : memref<16x1024xf32, #tpu.memory_space<hbm>>) dst(%arg7 : memref<16x1024xf32, #tpu.memory_space<vmem>>)
    %parallel_loop3A_898 = arith.constant 0 : i32
    %parallel_loop3A_899 = arith.constant 16384 : i32
    %parallel_loop3A_900 = arith.constant 16 : i32
    scf.for %parallel_loop3A_944 = %parallel_loop3A_898 to %parallel_loop3A_899 step %parallel_loop3A_900  : i32 {
      %parallel_loop3A_945 = arith.constant 10 : i32
      %parallel_loop3A_946 = arith.shrsi %parallel_loop3A_944, %parallel_loop3A_945 : i32
      %parallel_loop3A_947 = arith.constant 1023 : i32
      %parallel_loop3A_948 = arith.andi %parallel_loop3A_944, %parallel_loop3A_947 : i32
      %parallel_loop3A_949 = tpu.assume_multiple %parallel_loop3A_948, 16 : i32
      %parallel_loop3A_950 = arith.index_cast %parallel_loop3A_946 : i32 to index
      %parallel_loop3A_951 = arith.index_cast %parallel_loop3A_949 : i32 to index
      %parallel_loop3A_952 = tpu.vector_load %arg6[%parallel_loop3A_950, %parallel_loop3A_951] {strides = array<i32>} : memref<16x1024xf32, #tpu.memory_space<vmem>>, vector<1x16xf32>,
      %parallel_loop3A_953 = vector.shape_cast %parallel_loop3A_952 : vector<1x16xf32> to vector<16xf32>
      %parallel_loop3A_954 = arith.index_cast %parallel_loop3A_946 : i32 to index
      %parallel_loop3A_955 = arith.index_cast %parallel_loop3A_949 : i32 to index
      %parallel_loop3A_956 = tpu.vector_load %arg7[%parallel_loop3A_954, %parallel_loop3A_955] {strides = array<i32>} : memref<16x1024xf32, #tpu.memory_space<vmem>>, vector<1x16xf32>,
      %parallel_loop3A_957 = vector.shape_cast %parallel_loop3A_956 : vector<1x16xf32> to vector<16xf32>
      %parallel_loop3A_958 = vector.shape_cast %parallel_loop3A_953 : vector<16xf32> to vector<1x16xf32>
      tpu.vector_store %arg7[%parallel_loop3A_954, %parallel_loop3A_955], %parallel_loop3A_958 {add = true, strides = array<i32>} : memref<16x1024xf32, #tpu.memory_space<vmem>>, vector<1x16xf32>,
    } {sc.loop_unroll_factor = 8 : i64, sc.parallel_access}
    %add3A_901 = arith.constant 8192 : i32
    %add3A_902 = arith.addi %add3A_901, %mul3A_2 : i32
    %add3A_903 = arith.constant 112 : i32
    %add3A_904 = arith.addi %add3A_902, %add3A_903 : i32
    %dma_start3A_905 = arith.constant 0 : i32
    %dma_start3A_906 = tpu.memref_slice %arg4[%add3A_904, %dma_start3A_905] : memref<16384x1024xf32, #tpu.memory_space<hbm>> -> memref<16x1024xf32, #tpu.memory_space<hbm>>
    %dma_start3A_907 = arith.constant 0 : i32
    %dma_start3A_908 = tpu.memref_slice %arg4[%add3A_904, %dma_start3A_907] : memref<16384x1024xf32, #tpu.memory_space<hbm>> -> memref<16x1024xf32, #tpu.memory_space<hbm>>
    tpu.enqueue_dma source(%arg7 : memref<16x1024xf32, #tpu.memory_space<vmem>>) target(%dma_start3A_908 : memref<16x1024xf32, #tpu.memory_space<hbm>>) target_semaphore(%arg19 : memref<!tpu.dma_semaphore, #tpu.memory_space<semaphore_mem>>)
    %dma_wait3A_909 = arith.constant 0 : i32
    %dma_wait3A_910 = tpu.memref_slice %arg2[%add3A_863, %dma_wait3A_909] : memref<16384x1024xf32, #tpu.memory_space<hbm>> -> memref<16x1024xf32, #tpu.memory_space<hbm>>
    %dma_wait3A_911 = arith.constant 0 : i32
    %dma_wait3A_912 = tpu.memref_slice %arg2[%add3A_863, %dma_wait3A_911] : memref<16384x1024xf32, #tpu.memory_space<hbm>> -> memref<16x1024xf32, #tpu.memory_space<hbm>>
    tpu.wait_dma2 semaphore(%arg15 : memref<!tpu.dma_semaphore, #tpu.memory_space<semaphore_mem>>) src(%dma_wait3A_912 : memref<16x1024xf32, #tpu.memory_space<hbm>>) dst(%arg8 : memref<16x1024xf32, #tpu.memory_space<vmem>>)
    %parallel_loop3A_913 = arith.constant 0 : i32
    %parallel_loop3A_914 = arith.constant 16384 : i32
    %parallel_loop3A_915 = arith.constant 16 : i32
    scf.for %parallel_loop3A_944 = %parallel_loop3A_913 to %parallel_loop3A_914 step %parallel_loop3A_915  : i32 {
      %parallel_loop3A_945 = arith.constant 10 : i32
      %parallel_loop3A_946 = arith.shrsi %parallel_loop3A_944, %parallel_loop3A_945 : i32
      %parallel_loop3A_947 = arith.constant 1023 : i32
      %parallel_loop3A_948 = arith.andi %parallel_loop3A_944, %parallel_loop3A_947 : i32
      %parallel_loop3A_949 = tpu.assume_multiple %parallel_loop3A_948, 16 : i32
      %parallel_loop3A_950 = arith.index_cast %parallel_loop3A_946 : i32 to index
      %parallel_loop3A_951 = arith.index_cast %parallel_loop3A_949 : i32 to index
      %parallel_loop3A_952 = tpu.vector_load %arg6[%parallel_loop3A_950, %parallel_loop3A_951] {strides = array<i32>} : memref<16x1024xf32, #tpu.memory_space<vmem>>, vector<1x16xf32>,
      %parallel_loop3A_953 = vector.shape_cast %parallel_loop3A_952 : vector<1x16xf32> to vector<16xf32>
      %parallel_loop3A_954 = arith.index_cast %parallel_loop3A_946 : i32 to index
      %parallel_loop3A_955 = arith.index_cast %parallel_loop3A_949 : i32 to index
      %parallel_loop3A_956 = tpu.vector_load %arg8[%parallel_loop3A_954, %parallel_loop3A_955] {strides = array<i32>} : memref<16x1024xf32, #tpu.memory_space<vmem>>, vector<1x16xf32>,
      %parallel_loop3A_957 = vector.shape_cast %parallel_loop3A_956 : vector<1x16xf32> to vector<16xf32>
      %parallel_loop3A_958 = vector.shape_cast %parallel_loop3A_953 : vector<16xf32> to vector<1x16xf32>
      tpu.vector_store %arg8[%parallel_loop3A_954, %parallel_loop3A_955], %parallel_loop3A_958 {add = true, strides = array<i32>} : memref<16x1024xf32, #tpu.memory_space<vmem>>, vector<1x16xf32>,
    } {sc.loop_unroll_factor = 8 : i64, sc.parallel_access}
    %add3A_916 = arith.constant 12288 : i32
    %add3A_917 = arith.addi %add3A_916, %mul3A_2 : i32
    %add3A_918 = arith.constant 112 : i32
    %add3A_919 = arith.addi %add3A_917, %add3A_918 : i32
    %dma_start3A_920 = arith.constant 0 : i32
    %dma_start3A_921 = tpu.memref_slice %arg4[%add3A_919, %dma_start3A_920] : memref<16384x1024xf32, #tpu.memory_space<hbm>> -> memref<16x1024xf32, #tpu.memory_space<hbm>>
    %dma_start3A_922 = arith.constant 0 : i32
    %dma_start3A_923 = tpu.memref_slice %arg4[%add3A_919, %dma_start3A_922] : memref<16384x1024xf32, #tpu.memory_space<hbm>> -> memref<16x1024xf32, #tpu.memory_space<hbm>>
    tpu.enqueue_dma source(%arg8 : memref<16x1024xf32, #tpu.memory_space<vmem>>) target(%dma_start3A_923 : memref<16x1024xf32, #tpu.memory_space<hbm>>) target_semaphore(%arg20 : memref<!tpu.dma_semaphore, #tpu.memory_space<semaphore_mem>>)
    %dma_wait3A_924 = arith.constant 0 : i32
    %dma_wait3A_925 = tpu.memref_slice %arg4[%add3A_904, %dma_wait3A_924] : memref<16384x1024xf32, #tpu.memory_space<hbm>> -> memref<16x1024xf32, #tpu.memory_space<hbm>>
    %dma_wait3A_926 = arith.constant 0 : i32
    %dma_wait3A_927 = tpu.memref_slice %arg4[%add3A_904, %dma_wait3A_926] : memref<16384x1024xf32, #tpu.memory_space<hbm>> -> memref<16x1024xf32, #tpu.memory_space<hbm>>
    tpu.wait_dma2 semaphore(%arg19 : memref<!tpu.dma_semaphore, #tpu.memory_space<semaphore_mem>>) src(%arg7 : memref<16x1024xf32, #tpu.memory_space<vmem>>) dst(%dma_wait3A_927 : memref<16x1024xf32, #tpu.memory_space<hbm>>)
    %dma_wait3A_928 = arith.constant 0 : i32
    %dma_wait3A_929 = tpu.memref_slice %arg4[%add3A_919, %dma_wait3A_928] : memref<16384x1024xf32, #tpu.memory_space<hbm>> -> memref<16x1024xf32, #tpu.memory_space<hbm>>
    %dma_wait3A_930 = arith.constant 0 : i32
    %dma_wait3A_931 = tpu.memref_slice %arg4[%add3A_919, %dma_wait3A_930] : memref<16384x1024xf32, #tpu.memory_space<hbm>> -> memref<16x1024xf32, #tpu.memory_space<hbm>>
    tpu.wait_dma2 semaphore(%arg20 : memref<!tpu.dma_semaphore, #tpu.memory_space<semaphore_mem>>) src(%arg8 : memref<16x1024xf32, #tpu.memory_space<vmem>>) dst(%dma_wait3A_931 : memref<16x1024xf32, #tpu.memory_space<hbm>>)
    %dma_wait3A_932 = arith.constant 0 : i32
    %dma_wait3A_933 = tpu.memref_slice %arg4[%add3A_843, %dma_wait3A_932] : memref<16384x1024xf32, #tpu.memory_space<hbm>> -> memref<16x1024xf32, #tpu.memory_space<hbm>>
    %dma_wait3A_934 = arith.constant 0 : i32
    %dma_wait3A_935 = tpu.memref_slice %arg4[%add3A_843, %dma_wait3A_934] : memref<16384x1024xf32, #tpu.memory_space<hbm>> -> memref<16x1024xf32, #tpu.memory_space<hbm>>
    tpu.wait_dma2 semaphore(%arg21 : memref<!tpu.dma_semaphore, #tpu.memory_space<semaphore_mem>>) src(%arg9 : memref<16x1024xf32, #tpu.memory_space<vmem>>) dst(%dma_wait3A_935 : memref<16x1024xf32, #tpu.memory_space<hbm>>)
    %dma_wait3A_936 = arith.constant 0 : i32
    %dma_wait3A_937 = tpu.memref_slice %arg4[%add3A_874, %dma_wait3A_936] : memref<16384x1024xf32, #tpu.memory_space<hbm>> -> memref<16x1024xf32, #tpu.memory_space<hbm>>
    %dma_wait3A_938 = arith.constant 0 : i32
    %dma_wait3A_939 = tpu.memref_slice %arg4[%add3A_874, %dma_wait3A_938] : memref<16384x1024xf32, #tpu.memory_space<hbm>> -> memref<16x1024xf32, #tpu.memory_space<hbm>>
    tpu.wait_dma2 semaphore(%arg22 : memref<!tpu.dma_semaphore, #tpu.memory_space<semaphore_mem>>) src(%arg10 : memref<16x1024xf32, #tpu.memory_space<vmem>>) dst(%dma_wait3A_939 : memref<16x1024xf32, #tpu.memory_space<hbm>>)
    %dma_wait3A_940 = arith.constant 0 : i32
    %dma_wait3A_941 = tpu.memref_slice %arg4[%add3A_889, %dma_wait3A_940] : memref<16384x1024xf32, #tpu.memory_space<hbm>> -> memref<16x1024xf32, #tpu.memory_space<hbm>>
    %dma_wait3A_942 = arith.constant 0 : i32
    %dma_wait3A_943 = tpu.memref_slice %arg4[%add3A_889, %dma_wait3A_942] : memref<16384x1024xf32, #tpu.memory_space<hbm>> -> memref<16x1024xf32, #tpu.memory_space<hbm>>
    tpu.wait_dma2 semaphore(%arg23 : memref<!tpu.dma_semaphore, #tpu.memory_space<semaphore_mem>>) src(%arg11 : memref<16x1024xf32, #tpu.memory_space<vmem>>) dst(%dma_wait3A_943 : memref<16x1024xf32, #tpu.memory_space<hbm>>)
    return
  }
}

</mosaic_0001>

<sc_bundles>
// kernel: kernel.3.cloned.1.call-start
scs
__scs_entry_jumppad:
0x0: {  	(pc) =	sbr.rel $0x88, $3  }
0x1: {  	(tag) =	ssettag $0x0;
	lr =	simm.s32 $0x1  }
0x2: {  	[smem:$0x3F9F] =	sst lr;
	_ =	strace $0xD0000000  }
0x3: {  	_ = 	snop  }
0x4: {  	_ = 	snop  }
0x5: {  	_ = 	snop  }
0x6: {  	_ = 	snop  }
0x7: {  	_ = 	snop  }
__scs_overlays_trampoline_lowered:
0x8: {  	[smem:$0x3FAE] =	sst s0  }
0x9: {  	[smem:$0x3FAF] =	sst s1  }
0xa: {  	[smem:$0x3FB0] =	sst s2  }
0xb: {  	[smem:$0x3FB1] =	sst s3  }
0xc: {  	[smem:$0x3FB2] =	sst s4  }
0xd: {  	[smem:$0x3FB3] =	sst s5  }
0xe: {  	[smem:$0x3FB4] =	sst s6  }
0xf: {  	[smem:$0x3FB5] =	sst s7  }
0x10: {  	[smem:$0x3FB6] =	sst s8  }
0x11: {  	[smem:$0x3FB7] =	sst s9;
	s0 =	simm.s32 @!p0 $0x0  }
0x12: {  	s1 =	sld [smem:$0x3F9D];
	s0 =	simm.s32 @p0 $0x1  }
0x13: {  	[smem:$0x3FB8] =	sst s0;
	s0 =	simm.s32 @!p1 $0x0  }
0x14: {  	s2 =	sld [smem:$0x3F9C];
	s0 =	simm.s32 @p1 $0x1  }
0x15: {  	[smem:$0x3FB9] =	sst s0;
	s0 =	simm.s32 @!p2 $0x0  }
0x16: {  	s3 =	sld [smem:$0x3FDB];
	s0 =	simm.s32 @p2 $0x1  }
0x17: {  	s4 =	simm.s32 $0x1BF5;
	[smem:$0x3FBB] =	sst s0  }
0x18: {  	s0 =	sld [smem:$0x3F9E];
	_ =	swait.ge [sflag:s4], $0x0  }
0x19: {  	s7 =	sld [smem:$0x3F9F]  }
0x1a: {  	s8 =	sadd.s32 $0xFFFFE003, lr  }
0x1b: {  	s9 =	sadd.s32 $0xFFFFFEF7, lr;
	s5 =	simm.s32 $0xFFFFFFFF;
	p2 =	slt.u32 s8, $0xFFFFF086  }
0x1c: {  	p1 =	slt.u32 s9, $0xF7A;
	s5 =	simm.s32 @!p2 $0x0  }
0x1d: {  	s5 =	simm.s32 @p1 $0x1;
	p0 =	seq.s32 s7, s2  }
0x1e: {  	s7 =	smul.u32 @!p0 $0xF7A, s2;
	p2 =	seq.s32 @!p0 s5, $0x0  }
0x1f: {  	s9 =	smul.u32 $0xF7A, s1;
	s8 =	simm.s32 @!p0 $0x1BF5;
	p2 =	por !p2, p0  }
0x20: {  	[sflag:s8] =	ssyncset.s32 @!p0 $0xFFFFF086;
	s6 =	sadd.s32 @!p0 s3, s7;
	s7 =	simm.s32 @!p0 $0x108  }
0x21: {  	s3 =	sadd.s32 s3, s9;
	s6 =	sadd.s32 @!p0 $0x88, s6;
	s7 =	simm.s32 @p2 $0x1082  }
0x22: {  	[simem:s7], [sflag:s8] =	dma.local @!p0 [hbm:s6], $0xF7A  }
0x23: {  	s9 =	sor.u32 $0xD0000000, s2;
	s6 =	simm.s32 $0x108;
	_ =	swait.ge @!p0 [sflag:s8], $0x0  }
0x24: {  	s3 =	sadd.s32 $0x88, s3;
	s6 =	simm.s32 @!p1 $0x1082;
	[sflag:s4] =	ssyncset.s32 $0xFFFFF086  }
0x25: {  	[simem:s6], [sflag:s4] =	dma.local [hbm:s3], $0xF7A  }
0x26: {  	[smem:$0x3F9F] =	sst s1;
	(tag) =	ssettag s2;
	_ =	strace s9  }
0x27: {  	s1 =	sld [smem:$0x3FAF]  }
0x28: {  	s2 =	sld [smem:$0x3FB0]  }
0x29: {  	s4 =	sld [smem:$0x3FB2]  }
0x2a: {  	p0 =	seq.s32 s5, $0x0;
	s5 =	sld [smem:$0x3FB3]  }
0x2b: {  	s6 =	sld [smem:$0x3FB4]  }
0x2c: {  	s7 =	sld [smem:$0x3FB5]  }
0x2d: {  	s3 =	simm.s32 $0x108;
	s8 =	sld [smem:$0x3FB6]  }
0x2e: {  	s3 =	simm.s32 @!p0 $0x1082;
	s9 =	sld [smem:$0x3FB7]  }
0x2f: {  	lr =	sadd.s32 s0, s3;
	s0 =	sld [smem:$0x3FAE]  }
0x30: {  	s3 =	sld [smem:$0x3FB1]  }
0x31: {  	[smem:$0x3FBA] =	sst s10  }
0x32: {  	s10 =	sld [smem:$0x3FB8];
	_ =	sdelay $0x3  }
0x33: {  	p0 =	seq.s32 s10, $0x1;
	s10 =	sld [smem:$0x3FBA];
	_ =	sdelay $0x3  }
0x34: {  	[smem:$0x3FBA] =	sst s10  }
0x35: {  	s10 =	sld [smem:$0x3FB9];
	_ =	sdelay $0x3  }
0x36: {  	p1 =	seq.s32 s10, $0x1;
	s10 =	sld [smem:$0x3FBA];
	_ =	sdelay $0x3  }
0x37: {  	[smem:$0x3FBA] =	sst s10  }
0x38: {  	s10 =	sld [smem:$0x3FBB]  }
0x39: {  	_ = 	snop;
	(pc) =	sbr.ind lr, $3  }
0x3a: {  	_ = 	snop  }
0x3b: {  	_ = 	snop  }
0x3c: {  	p2 =	seq.s32 s10, $0x1;
	s10 =	sld [smem:$0x3FBA]  }
0x3d: {  	_ =	shalt  }
0x3e: {  	_ =	shalt  }
0x3f: {  	_ =	shalt  }
0x40: {  	_ =	shalt  }
0x41: {  	_ =	shalt  }
0x42: {  	_ =	shalt  }
0x43: {  	_ =	shalt  }
0x44: {  	_ =	shalt  }
0x45: {  	_ =	shalt  }
0x46: {  	_ =	shalt  }
0x47: {  	_ =	shalt  }
0x48: {  	_ =	shalt  }
0x49: {  	_ =	shalt  }
0x4a: {  	_ =	shalt  }
0x4b: {  	_ =	shalt  }
0x4c: {  	_ =	shalt  }
0x4d: {  	_ =	shalt  }
0x4e: {  	_ =	shalt  }
0x4f: {  	_ =	shalt  }
0x50: {  	_ =	shalt  }
0x51: {  	_ =	shalt  }
0x52: {  	_ =	shalt  }
0x53: {  	_ =	shalt  }
0x54: {  	_ =	shalt  }
0x55: {  	_ =	shalt  }
0x56: {  	_ =	shalt  }
0x57: {  	_ =	shalt  }
0x58: {  	_ =	shalt  }
0x59: {  	_ =	shalt  }
0x5a: {  	_ =	shalt  }
0x5b: {  	_ =	shalt  }
0x5c: {  	_ =	shalt  }
0x5d: {  	_ =	shalt  }
0x5e: {  	_ =	shalt  }
0x5f: {  	_ =	shalt  }
0x60: {  	_ =	shalt  }
0x61: {  	_ =	shalt  }
0x62: {  	_ =	shalt  }
0x63: {  	_ =	shalt  }
0x64: {  	_ =	shalt  }
0x65: {  	_ =	shalt  }
0x66: {  	_ =	shalt  }
0x67: {  	_ =	shalt  }
0x68: {  	_ =	shalt  }
0x69: {  	_ =	shalt  }
0x6a: {  	_ =	shalt  }
0x6b: {  	_ =	shalt  }
0x6c: {  	_ =	shalt  }
0x6d: {  	_ =	shalt  }
0x6e: {  	_ =	shalt  }
0x6f: {  	_ =	shalt  }
0x70: {  	_ =	shalt  }
0x71: {  	_ =	shalt  }
0x72: {  	_ =	shalt  }
0x73: {  	_ =	shalt  }
0x74: {  	_ =	shalt  }
0x75: {  	_ =	shalt  }
0x76: {  	_ =	shalt  }
0x77: {  	_ =	shalt  }
0x78: {  	_ =	shalt  }
0x79: {  	_ =	shalt  }
0x7a: {  	_ =	shalt  }
0x7b: {  	_ =	shalt  }
0x7c: {  	_ =	shalt  }
0x7d: {  	_ =	shalt  }
0x7e: {  	_ =	shalt  }
0x7f: {  	_ =	shalt  }
0x80: {  	_ =	shalt  }
0x81: {  	_ =	shalt  }
0x82: {  	_ =	shalt  }
0x83: {  	_ =	shalt  }
0x84: {  	_ =	shalt  }
0x85: {  	_ =	shalt  }
0x86: {  	_ =	shalt  }
0x87: {  	_ =	shalt  }
.Lfunc_end0:
.L_simem_size_0:
called_computation_lowered:
.L_overlay_start_0:
0x88: {  	s2 =	sld [smem:$0x3FD9]  }
0x89: {  	s3 =	sld [smem:$0x3FFE];
	_ =	sdelay $0x1  }
0x8a: {  	s1 =	srdreg.scid  }
0x8b: {  	s0 =	sand.u32 $0x1, s1  }
0x8c: {  	s18 =	sshll.u32 s0, $0xA;
	s2 =	sadd.s32 s3, s2  }
0x8d: {  	s2 =	sadd.s32 s2, s18  }
0x8e: {  	[smem:$0x3FC6] =	sst s2  }
0x8f: {  	_ = 	snop  }
0x90: {  	s2 =	sld [smem:$0x3FC9]  }
0x91: {  	s19 =	sld [smem:$0x3FC8]  }
0x92: {  	s4 =	sld [smem:$0x3FD0];
	(tm) =	ssettm $0x1  }
0x93: {  	s5 =	sld [smem:$0x3FFB];
	_ =	sdelay $0x3  }
0x94: {  	_ =	strace s5  }
0x95: {  	s5 =	sld [smem:$0x3FFC];
	_ =	sdelay $0x3  }
0x96: {  	_ =	strace s5  }
0x97: {  	s5 =	sld [smem:$0x3FFD];
	_ =	sdelay $0x3  }
0x98: {  	_ =	strace s5  }
0x99: {  	_ =	strace $0x8FFFFFFF  }
0x9a: {  	s20 =	sld [smem:$0x3FDB];
	_ =	sdelay $0x1  }
0x9b: {  	s6 =	simm.s32 $_scs_section_size  }
0x9c: {  	s7 =	simm.s32 $_size__tile_overlayer_lowered;
	s8 =	simm.s32 $_tile_overlayer_lowered  }
0x9d: {  	s23 =	simm.s32 $0x1BFF;
	s22 =	sshll.u32 s8, $0x1;
	s5 =	sadd.s32 s6, s20  }
0x9e: {  	s9 =	simm.s32 $0x0;
	s21 =	sshll.u32 s7, $0x1;
	s7 =	sadd.s32 s22, s5  }
0x9f: {  	[timem:s9], [sflag:s23] =	dma.local [hbm:s7], s21  }
0xa0: {  	_ =	swait.ge [sflag:s23], s21  }
0xa1: {  	s6 =	ssub.s32 $0x0, s21;
	[sflag:s23] =	ssyncset.done $0x0  }
0xa2: {  	[sflag:s23] =	ssyncadd.s32 s6;
	_ =	sdelay $0x1  }
0xa3: {  	s24 =	simm.s32 $0x1B8B  }
0xa4: {  	_ =	swait.ge [sflag:s24], $0x1  }
0xa5: {  	[sflag:s24] =	ssyncset.done $0x0  }
0xa6: {  	s25 =	simm.s32 $0x1B8E;
	[sflag:s24] =	ssyncadd.s32 $0xFFFFFFFF  }
0xa7: {  	s26 =	simm.s32 $execute0_lowered;
	[smem:$0x3FD2] =	sst s25  }
0xa8: {  	s6 =	sshll.u32 s26, $0x1;
	_ =	strace $0x80000046;
	[dreg:$0x1] =	wrdreg $0xFFFFFFFF  }
0xa9: {  	s28 =	simm.s32 $_size_execute0_lowered;
	s5 =	sadd.s32 s5, s6;
	[dreg:$0x0] =	wrdreg $0x0  }
0xaa: {  	s6 =	sshll.u32 s28, $0x1;
	[dreg:$0x2] =	wrdreg s5  }
0xab: {  	[dreg:$0x3] =	wrdreg s6  }
0xac: {  	[dreg:$0x4] =	wrdreg $0xC0  }
0xad: {  	_ =	task [dreg:s9], $0x5FFFF  }
0xae: {  	[dreg:$0x1] =	wrdreg $0xFFFFFFFF  }
0xaf: {  	[dreg:$0x0] =	wrdreg $0x60  }
0xb0: {  	[dreg:$0x2] =	wrdreg s2  }
0xb1: {  	[dreg:$0x3] =	wrdreg s19  }
0xb2: {  	[dreg:$0x4] =	wrdreg s4  }
0xb3: {  	[dreg:$0x5] =	wrdreg $0x9  }
0xb4: {  	_ =	task.clear_ibuf [dreg:s9], $0x6FFFF;
	_ =	strace $0x90000046  }
0xb5: {  	s29 =	simm.s32 $0x9;
	_ =	strace $0x80000048  }
0xb6: {  	_ =	swait.ge [sflag:s29], $0x1  }
0xb7: {  	[sflag:s29] =	ssyncadd.s32 $0xFFFFFFFF  }
0xb8: {  	_ =	strace $0x90000048  }
0xb9: {  	_ =	sfence  }
0xba: {  	s30 =	sld [smem:$0x0];
	_ =	sdelay $0x2  }
0xbb: {  	s31 =	sshll.u32 s1, $0xD;
	s1 =	sshrl.u32 s1, $0x2  }
0xbc: {  	s3 =	sand.u32 $0x4000, s31;
	s1 =	sadd.s32 s1, s30  }
0xbd: {  	s0 =	sor.u32 s3, s0;
	s1 =	sshll.u32 s1, $0x11  }
0xbe: {  	s0 =	sor.u32 s1, s0  }
0xbf: {  	s0 =	sadd.s32 $0x8F2B, s0  }
0xc0: {  	[sflag:s0] =	ssyncadd.remote.s32 $0x1  }
0xc1: {  	_ =	sfence.sel $0xFFFF  }
0xc2: {  	[dreg:$0x0] =	wrdreg $0xFFFFFFFF;
	(pc) =	sbr.abs _section_cstart, $3  }
0xc3: {  	[dreg:$0x1] =	wrdreg $0xFFFFFFFF  }
0xc4: {  	_ =	task.clear_ibuf [dreg:s9], $0x2FFFF;
	_ =	strace $0x9FFFFFFF  }
0xc5: {  	(tm) =	ssettm $0x7FFFFFFF  }
tec
execute0_lowered:
.L_overlay_start_1:
0x0: {  	(tag) =	ssettag $0x1  }
0x1: {  	s1 =	srdreg.scid  }
0x2: {  	s0 =	rddreg [dreg:$0x0];
	s2 =	stileid.u32;
	s1 =	sand.u32 $0x1, s1  }
0x3: {  	s4 =	rddreg [dreg:$0x1];
	s3 =	sshll.u32 s2, $0xF;
	s5 =	sshll.u32 s1, $0xE  }
0x4: {  	s2 =	rddreg [dreg:$0x2];
	s6 =	sor.u32 s5, s3  }
0x5: {  	s7 =	ssub.s32 $0x2, s1;
	s1 =	simm.s32 $0x0;
	s5 =	sor.u32 $0x80000, s6  }
0x6: {  	[smem:$0x7FF] =	sst s1;
	s24 =	sor.u32 $0x100000, s6;
	s23 =	sadd.s32 s0, s5  }
0x7: {  	s8 =	sor.u32 $0x180000, s6;
	s10 =	sadd.s32 s0, s24;
	[dreg:$0x4] =	wrdreg s23  }
0x8: {  	s9 =	sor.u32 $0x800, s6;
	s25 =	sadd.s32 s0, s8;
	[dreg:$0x5] =	wrdreg s10  }
0x9: {  	s26 =	sadd.s32 s4, s9;
	[dreg:$0x6] =	wrdreg s25  }
0xa: {  	s22 =	sshrl.u32 s7, $0x1;
	s11 =	sadd.s32 s0, s9;
	[dreg:$0x7] =	wrdreg s26  }
0xb: {  	s12 =	sor.u32 $0x80800, s6;
	s5 =	sadd.s32 s2, s5;
	[dreg:$0x8] =	wrdreg s11  }
0xc: {  	s3 =	ssub.s32 s7, s22;
	s13 =	sadd.s32 s0, s12;
	[dreg:$0x9] =	wrdreg s5  }
0xd: {  	s14 =	sor.u32 $0x100800, s6;
	s7 =	sadd.s32 s2, s24;
	[dreg:$0xa] =	wrdreg s13  }
0xe: {  	s15 =	sadd.s32 s0, s14;
	[dreg:$0xb] =	wrdreg s7  }
0xf: {  	s16 =	sor.u32 $0x180800, s6;
	s8 =	sadd.s32 s2, s8;
	[dreg:$0xc] =	wrdreg s15  }
0x10: {  	s17 =	sadd.s32 s0, s16;
	[dreg:$0xd] =	wrdreg s8  }
0x11: {  	s18 =	sor.u32 $0x1000, s6;
	s9 =	sadd.s32 s2, s9;
	[dreg:$0xe] =	wrdreg s17  }
0x12: {  	s19 =	sadd.s32 s4, s18;
	[dreg:$0xf] =	wrdreg s9  }
0x13: {  	s20 =	sadd.s32 s0, s18;
	[dreg:$0x10] =	wrdreg s19  }
0x14: {  	s21 =	sor.u32 $0x81000, s6;
	s22 =	sadd.s32 s2, s16;
	[dreg:$0x11] =	wrdreg s20  }
0x15: {  	s24 =	sadd.s32 s0, s21;
	[dreg:$0x14] =	wrdreg s22  }
0x16: {  	s5 =	sadd.s32 s2, s12;
	[dreg:$0x16] =	wrdreg s24  }
0x17: {  	s7 =	sadd.s32 s2, s14;
	[dreg:$0x12] =	wrdreg s5  }
0x18: {  	s23 =	sadd.s32 s2, s18;
	[dreg:$0x13] =	wrdreg s7  }
0x19: {  	s25 =	sor.u32 $0x101000, s6;
	[dreg:$0x15] =	wrdreg s23;
	s5 =	sadd.s32 s2, s21  }
0x1a: {  	s26 =	sadd.s32 s0, s25;
	[dreg:$0x17] =	wrdreg s5  }
0x1b: {  	s8 =	sor.u32 $0x181000, s6;
	s7 =	sadd.s32 s2, s25;
	[dreg:$0x18] =	wrdreg s26  }
0x1c: {  	s10 =	sor.u32 $0x1800, s6;
	s9 =	sadd.s32 s0, s8;
	[dreg:$0x19] =	wrdreg s7  }
0x1d: {  	s11 =	sadd.s32 s4, s10;
	[dreg:$0x1a] =	wrdreg s9  }
0x1e: {  	s12 =	sadd.s32 s0, s10;
	[dreg:$0x1c] =	wrdreg s11  }
0x1f: {  	s14 =	sor.u32 $0x81800, s6;
	s13 =	sadd.s32 s2, s10;
	[dreg:$0x1d] =	wrdreg s12  }
0x20: {  	s15 =	sor.u32 $0x101800, s6;
	s16 =	sadd.s32 s0, s14;
	[dreg:$0x1e] =	wrdreg s13  }
0x21: {  	s17 =	sadd.s32 s0, s15;
	[dreg:$0x1f] =	wrdreg s16  }
0x22: {  	s19 =	sor.u32 $0x181800, s6;
	s18 =	sadd.s32 s2, s15;
	[smem:$0x7D2] =	sst s17  }
0x23: {  	s20 =	sor.u32 $0x2000, s6;
	s21 =	sadd.s32 s0, s19;
	[smem:$0x7D3] =	sst s18  }
0x24: {  	s22 =	sadd.s32 s4, s20;
	[smem:$0x7D4] =	sst s21  }
0x25: {  	s23 =	sadd.s32 s0, s20;
	[smem:$0x7D6] =	sst s22  }
0x26: {  	s24 =	sadd.s32 s2, s20;
	[smem:$0x7D7] =	sst s23  }
0x27: {  	s25 =	sor.u32 $0x82000, s6;
	s5 =	sadd.s32 s2, s8;
	[smem:$0x7D8] =	sst s24  }
0x28: {  	s10 =	sor.u32 $0x182000, s6;
	s26 =	sadd.s32 s0, s25;
	[dreg:$0x1b] =	wrdreg s5  }
0x29: {  	s15 =	sor.u32 $0x82800, s6;
	s11 =	sadd.s32 s0, s10;
	[smem:$0x7D9] =	sst s26  }
0x2a: {  	s16 =	sadd.s32 s0, s15;
	[smem:$0x7DD] =	sst s11  }
0x2b: {  	s7 =	sadd.s32 s2, s15;
	[smem:$0x7E2] =	sst s16  }
0x2c: {  	s15 =	sadd.s32 s0, s6;
	[smem:$0x7E3] =	sst s7  }
0x2d: {  	s8 =	sor.u32 $0x102000, s6;
	s5 =	sadd.s32 s2, s14;
	[smem:$0x7F3] =	sst s15  }
0x2e: {  	s12 =	sor.u32 $0x2800, s6;
	s9 =	sadd.s32 s0, s8;
	[smem:$0x7D1] =	sst s5  }
0x2f: {  	s13 =	sadd.s32 s4, s12;
	[smem:$0x7DB] =	sst s9  }
0x30: {  	s17 =	sor.u32 $0x102800, s6;
	s14 =	sadd.s32 s0, s12;
	[smem:$0x7DF] =	sst s13  }
0x31: {  	s21 =	sor.u32 $0x3000, s6;
	s18 =	sadd.s32 s0, s17;
	[smem:$0x7E0] =	sst s14  }
0x32: {  	s22 =	sadd.s32 s4, s21;
	[smem:$0x7E4] =	sst s18  }
0x33: {  	s23 =	sadd.s32 s0, s21;
	[smem:$0x7E8] =	sst s22  }
0x34: {  	s26 =	sadd.s32 s4, s6;
	[smem:$0x7E9] =	sst s23  }
0x35: {  	s24 =	sor.u32 $0x83000, s6;
	s5 =	sadd.s32 s2, s19;
	[smem:$0x7EB] =	sst s26  }
0x36: {  	s11 =	sor.u32 $0x183000, s6;
	s9 =	sadd.s32 s2, s24;
	[smem:$0x7D5] =	sst s5  }
0x37: {  	s13 =	sadd.s32 s0, s11;
	[smem:$0x7EE] =	sst s9  }
0x38: {  	s16 =	sor.u32 $0x83800, s6;
	s14 =	sadd.s32 s2, s11;
	[smem:$0x7F1] =	sst s13  }
0x39: {  	s28 =	simm.s32 $0x9;
	s23 =	sadd.s32 s2, s16;
	[smem:$0x7F2] =	sst s14  }
0x3a: {  	s19 =	sor.u32 $0x182800, s6;
	s5 =	sadd.s32 s2, s25;
	[smem:$0x7FA] =	sst s23  }
0x3b: {  	s29 =	simm.s32 $0x2;
	s20 =	sadd.s32 s0, s19;
	[smem:$0x7DA] =	sst s5  }
0x3c: {  	s30 =	simm.s32 $0x7;
	s7 =	sadd.s32 s2, s19;
	[smem:$0x7E6] =	sst s20  }
0x3d: {  	s25 =	sor.u32 $0x3800, s6;
	s5 =	sadd.s32 s2, s8;
	[smem:$0x7E7] =	sst s7  }
0x3e: {  	s31 =	simm.s32 $0xA;
	s4 =	sadd.s32 s4, s25;
	[smem:$0x7DC] =	sst s5  }
0x3f: {  	s15 =	simm.s32 $0x8000;
	s8 =	sadd.s32 s0, s24;
	[smem:$0x7EC] =	sst s4  }
0x40: {  	s18 =	sor.u32 $0x103800, s6;
	s19 =	sadd.s32 s0, s25;
	[smem:$0x7ED] =	sst s8  }
0x41: {  	s26 =	smax.u32 s3, $0x1;
	s20 =	sadd.s32 s0, s16;
	[smem:$0x7F5] =	sst s19  }
0x42: {  	s3 =	simm.s32 $0x0;
	s22 =	sadd.s32 s2, s25;
	[smem:$0x7F6] =	sst s20  }
0x43: {  	s23 =	simm.s32 $0x18000;
	s24 =	sadd.s32 s2, s18;
	[smem:$0x7F9] =	sst s22  }
0x44: {  	s16 =	simm.s32 $0xC000;
	s5 =	sadd.s32 s2, s10;
	[smem:$0x7FB] =	sst s24  }
0x45: {  	s10 =	sor.u32 $0x103000, s6;
	[smem:$0x7DE] =	sst s5;
	s5 =	sadd.s32 s2, s12  }
0x46: {  	s19 =	simm.s32 $0x3;
	s12 =	sadd.s32 s0, s10;
	[smem:$0x7E1] =	sst s5  }
0x47: {  	s20 =	simm.s32 $0x14000;
	s4 =	sadd.s32 s2, s10;
	[smem:$0x7EF] =	sst s12  }
0x48: {  	s22 =	simm.s32 $0x4;
	s5 =	sadd.s32 s2, s17;
	[smem:$0x7F0] =	sst s4  }
0x49: {  	s24 =	simm.s32 $0x5;
	s17 =	sadd.s32 s2, s6;
	[smem:$0x7E5] =	sst s5  }
0x4a: {  	s6 =	sor.u32 $0x183800, s6;
	s5 =	sadd.s32 s2, s21;
	[smem:$0x7F4] =	sst s17  }
0x4b: {  	s21 =	sadd.s32 s0, s18;
	s0 =	sadd.s32 s0, s6;
	[smem:$0x7EA] =	sst s5  }
0x4c: {  	s25 =	sadd.s32 s2, s6;
	s17 =	simm.s32 $0x10000;
	[smem:$0x7F7] =	sst s21  }
0x4d: {  	s18 =	simm.s32 $0x1;
	s2 =	simm.s32 $0xC;
	[smem:$0x7F8] =	sst s0  }
0x4e: {  	[smem:$0x7FC] =	sst s25;
	s25 =	simm.s32 $0x8;
	s0 =	simm.s32 $0xB  }
0x4f: {  	_ =	strace $0x80000047;
	[smem:$0x7FD] =	sst s26;
	s26 =	simm.s32 $0x6  }
.LBB2_1:
0x50: {  	s4 =	sld [smem:$0x7EB];
	_ =	sdelay $0x1  }
0x51: {  	s10 =	sld [smem:$0x7F3]  }
0x52: {  	[tilespmem:s1], [sflag:$0x1] =	stream.linear.gather [hbm4b:s4+s1], $0x4000, $0x38;
	[tilespmem:$0x1C000] =	vst v63  }
0x53: {  	_ = 	snop  }
0x54: {  	[tilespmem:s15], [sflag:$0x3] =	stream.linear.gather [hbm4b:s10+s1], $0x4000, $0x38;
	[tilespmem:$0x1C000] =	vst v63  }
0x55: {  	s11 =	rddreg [dreg:$0x4]  }
0x56: {  	[tilespmem:s16], [sflag:$0x4] =	stream.linear.gather [hbm4b:s11+s1], $0x4000, $0x38;
	[tilespmem:$0x1C000] =	vst v63  }
0x57: {  	s12 =	rddreg [dreg:$0x5]  }
0x58: {  	[tilespmem:s17], [sflag:$0x5] =	stream.linear.gather [hbm4b:s12+s1], $0x4000, $0x38;
	[tilespmem:$0x1C000] =	vst v63  }
0x59: {  	_ =	swait.ge [sflag:s18], $0x4000  }
0x5a: {  	[sflag:s18] =	ssyncset.done $0x0  }
0x5b: {  	s4 =	simm.s32 $0x0;
	[sflag:s18] =	ssyncadd.s32 $0xFFFFC000  }
0x5c: {  	s6 =	sand.u32 $0x1C00, s1;
	s5 =	sand.u32 $0x2000, s4;
	_ =	swait.ge [sflag:s19], $0x4000  }
0x5d: {  	s14 =	sand.u32 $0x380, s1;
	s5 =	sor.u32 s5, s6;
	[sflag:s19] =	ssyncset.done $0x0  }
0x5e: {  	s5 =	sor.u32 s14, s5;
	s13 =	rddreg [dreg:$0x6];
	[sflag:s19] =	ssyncadd.s32 $0xFFFFC000  }
0x5f: {  	[tilespmem:s20], [sflag:$0x6] =	stream.linear.gather [hbm4b:s13+s1], $0x4000, $0x38;
	[tilespmem:$0x1C000] =	vst v63  }
0x60: {  	v0 =	vld [tilespmem:s5+$0x70]  }
0x61: {  	v4 =	vld [tilespmem:s5+$0x0]  }
0x62: {  	v5 =	vld [tilespmem:s5+$0x10]  }
0x63: {  	v6 =	vld [tilespmem:s5+$0x20]  }
0x64: {  	v2 =	vld [tilespmem:s5+$0x30]  }
0x65: {  	v3 =	vld [tilespmem:s5+$0x40]  }
0x66: {  	s6 =	sor.u32 $0x8070, s5;
	v1 =	vld [tilespmem:s5+$0x60]  }
0x67: {  	[tilespmem:s6+$0x0] =	vst.add.f32.msk $0xffff, v0  }
0x68: {  	s21 =	sor.u32 $0x8000, s5;
	v0 =	vld [tilespmem:s5+$0x50]  }
0x69: {  	s8 =	sor.u32 $0x8010, s5;
	s11 =	sor.u32 $0x8020, s5;
	[tilespmem:s21+$0x0] =	vst.add.f32.msk $0xffff, v4  }
0x6a: {  	s10 =	sor.u32 $0x8030, s5;
	s9 =	sor.u32 $0x8040, s5;
	s7 =	sor.u32 $0x8050, s5;
	[tilespmem:s8+$0x0] =	vst.add.f32.msk $0xffff, v5  }
0x6b: {  	s8 =	sor.u32 $0x8060, s5;
	[tilespmem:s11+$0x0] =	vst.add.f32.msk $0xffff, v6;
	s5 =	simm.s32 $0x0;
	s6 =	simm.s32 $0x0  }
.LBB2_2:
0x6c: {  	s4 =	sadd.s32 $0x80, s4;
	[tilespmem:s10+$0x0] =	vst.add.f32.msk $0xffff, v2;
	s5 =	sadd.s32 $0x400, s5  }
0x6d: {  	s6 =	sadd.s32 $0x10, s6;
	s10 =	sand.u32 $0x2000, s4;
	s11 =	sand.u32 $0x1C00, s5;
	[tilespmem:s9+$0x0] =	vst.add.f32.msk $0xffff, v3  }
0x6e: {  	p0 =	slt.u32 s4, $0x3F80;
	s9 =	sor.u32 s10, s11;
	s10 =	sand.u32 $0x380, s6;
	[tilespmem:s7+$0x0] =	vst.add.f32.msk $0xffff, v0  }
0x6f: {  	s11 =	sor.u32 s10, s9;
	[tilespmem:s8+$0x0] =	vst.add.f32.msk $0xffff, v1  }
0x70: {  	s12 =	sor.u32 $0x8000, s11;
	s13 =	sor.u32 $0x8010, s11;
	s14 =	sor.u32 $0x8020, s11;
	v0 =	vld [tilespmem:s11+$0x70]  }
0x71: {  	s10 =	sor.u32 $0x8030, s11;
	s9 =	sor.u32 $0x8040, s11;
	s7 =	sor.u32 $0x8050, s11;
	v4 =	vld [tilespmem:s11+$0x0]  }
0x72: {  	s8 =	sor.u32 $0x8060, s11;
	v5 =	vld [tilespmem:s11+$0x10]  }
0x73: {  	v6 =	vld [tilespmem:s11+$0x20]  }
0x74: {  	s21 =	sor.u32 $0x8070, s11;
	v2 =	vld [tilespmem:s11+$0x30]  }
0x75: {  	[tilespmem:s21+$0x0] =	vst.add.f32.msk $0xffff, v0  }
0x76: {  	v3 =	vld [tilespmem:s11+$0x40]  }
.Ltmp0:
0x77: {  	v0 =	vld [tilespmem:s11+$0x50];
	(pc) =	sbr.rel @p0 .LBB2_2-.Ltmp0, $4  }
0x78: {  	v1 =	vld [tilespmem:s11+$0x60]  }
0x79: {  	[tilespmem:s12+$0x0] =	vst.add.f32.msk $0xffff, v4  }
0x7a: {  	[tilespmem:s13+$0x0] =	vst.add.f32.msk $0xffff, v5  }
0x7b: {  	[tilespmem:s14+$0x0] =	vst.add.f32.msk $0xffff, v6  }
0x7c: {  	[tilespmem:s10+$0x0] =	vst.add.f32.msk $0xffff, v2  }
0x7d: {  	[tilespmem:s9+$0x0] =	vst.add.f32.msk $0xffff, v3  }
0x7e: {  	[tilespmem:s7+$0x0] =	vst.add.f32.msk $0xffff, v0  }
0x7f: {  	[tilespmem:s8+$0x0] =	vst.add.f32.msk $0xffff, v1  }
0x80: {  	s5 =	sld [smem:$0x7F4];
	_ =	sdelay $0x1  }
0x81: {  	s4 =	simm.s32 $0x0  }
0x82: {  	[hbm4b:s5+s4] =	stream.linear.scatter [tilespmem:s15], [sflag:$0x8], $0x4000, $0x38;
	[tilespmem:$0x1C000] =	vst v63  }
0x83: {  	s6 =	simm.s32 $0x4000;
	s9 =	rddreg [dreg:$0x7];
	s5 =	simm.s32 $0x0  }
0x84: {  	[tilespmem:s6], [sflag:$0x2] =	stream.linear.gather [hbm4b:s9+s4], $0x4000, $0x38;
	[tilespmem:$0x1C000] =	vst v63  }
0x85: {  	s12 =	sand.u32 $0x1C00, s4;
	s11 =	sand.u32 $0x2000, s5;
	_ =	swait.ge [sflag:s22], $0x4000  }
0x86: {  	s13 =	sand.u32 $0x380, s4;
	s6 =	sor.u32 s11, s12;
	[sflag:s22] =	ssyncset.done $0x0  }
0x87: {  	s6 =	sor.u32 s13, s6;
	s10 =	rddreg [dreg:$0x8];
	[sflag:s22] =	ssyncadd.s32 $0xFFFFC000  }
0x88: {  	[tilespmem:s23], [sflag:$0x7] =	stream.linear.gather [hbm4b:s10+s4], $0x4000, $0x38;
	[tilespmem:$0x1C000] =	vst v63  }
0x89: {  	v0 =	vld [tilespmem:s6+$0x70]  }
0x8a: {  	v4 =	vld [tilespmem:s6+$0x0]  }
0x8b: {  	v5 =	vld [tilespmem:s6+$0x10]  }
0x8c: {  	v6 =	vld [tilespmem:s6+$0x20]  }
0x8d: {  	v2 =	vld [tilespmem:s6+$0x30]  }
0x8e: {  	v3 =	vld [tilespmem:s6+$0x40]  }
0x8f: {  	s7 =	sor.u32 $0xC070, s6;
	v1 =	vld [tilespmem:s6+$0x60]  }
0x90: {  	[tilespmem:s7+$0x0] =	vst.add.f32.msk $0xffff, v0  }
0x91: {  	s14 =	sor.u32 $0xC000, s6;
	v0 =	vld [tilespmem:s6+$0x50]  }
0x92: {  	s21 =	sor.u32 $0xC010, s6;
	[tilespmem:s14+$0x0] =	vst.add.f32.msk $0xffff, v4  }
0x93: {  	s11 =	sor.u32 $0xC020, s6;
	s9 =	sor.u32 $0xC040, s6;
	s8 =	sor.u32 $0xC060, s6;
	[tilespmem:s21+$0x0] =	vst.add.f32.msk $0xffff, v5  }
0x94: {  	s10 =	sor.u32 $0xC030, s6;
	s7 =	sor.u32 $0xC050, s6;
	[tilespmem:s11+$0x0] =	vst.add.f32.msk $0xffff, v6;
	s6 =	simm.s32 $0x0  }
.LBB2_4:
0x95: {  	s5 =	sadd.s32 $0x80, s5;
	[tilespmem:s10+$0x0] =	vst.add.f32.msk $0xffff, v2;
	s4 =	sadd.s32 $0x400, s4  }
0x96: {  	s6 =	sadd.s32 $0x10, s6;
	s10 =	sand.u32 $0x2000, s5;
	s11 =	sand.u32 $0x1C00, s4;
	[tilespmem:s9+$0x0] =	vst.add.f32.msk $0xffff, v3  }
0x97: {  	p0 =	slt.u32 s5, $0x3F80;
	s9 =	sor.u32 s10, s11;
	s10 =	sand.u32 $0x380, s6;
	[tilespmem:s7+$0x0] =	vst.add.f32.msk $0xffff, v0  }
0x98: {  	s11 =	sor.u32 s10, s9;
	[tilespmem:s8+$0x0] =	vst.add.f32.msk $0xffff, v1  }
0x99: {  	s12 =	sor.u32 $0xC000, s11;
	s13 =	sor.u32 $0xC010, s11;
	s14 =	sor.u32 $0xC020, s11;
	v0 =	vld [tilespmem:s11+$0x70]  }
0x9a: {  	s10 =	sor.u32 $0xC030, s11;
	s9 =	sor.u32 $0xC040, s11;
	s7 =	sor.u32 $0xC050, s11;
	v4 =	vld [tilespmem:s11+$0x0]  }
0x9b: {  	s8 =	sor.u32 $0xC060, s11;
	v5 =	vld [tilespmem:s11+$0x10]  }
0x9c: {  	v6 =	vld [tilespmem:s11+$0x20]  }
0x9d: {  	s21 =	sor.u32 $0xC070, s11;
	v2 =	vld [tilespmem:s11+$0x30]  }
0x9e: {  	[tilespmem:s21+$0x0] =	vst.add.f32.msk $0xffff, v0  }
0x9f: {  	v3 =	vld [tilespmem:s11+$0x40]  }
.Ltmp1:
0xa0: {  	v0 =	vld [tilespmem:s11+$0x50];
	(pc) =	sbr.rel @p0 .LBB2_4-.Ltmp1, $4  }
0xa1: {  	v1 =	vld [tilespmem:s11+$0x60]  }
0xa2: {  	[tilespmem:s12+$0x0] =	vst.add.f32.msk $0xffff, v4  }
0xa3: {  	[tilespmem:s13+$0x0] =	vst.add.f32.msk $0xffff, v5  }
0xa4: {  	[tilespmem:s14+$0x0] =	vst.add.f32.msk $0xffff, v6  }
0xa5: {  	[tilespmem:s10+$0x0] =	vst.add.f32.msk $0xffff, v2  }
0xa6: {  	[tilespmem:s9+$0x0] =	vst.add.f32.msk $0xffff, v3  }
0xa7: {  	[tilespmem:s7+$0x0] =	vst.add.f32.msk $0xffff, v0  }
0xa8: {  	[tilespmem:s8+$0x0] =	vst.add.f32.msk $0xffff, v1  }
0xa9: {  	s4 =	simm.s32 $0x0;
	s5 =	rddreg [dreg:$0x9]  }
0xaa: {  	[hbm4b:s5+s4] =	stream.linear.scatter [tilespmem:s16], [sflag:$0x9], $0x4000, $0x38;
	[tilespmem:$0x1C000] =	vst v63  }
0xab: {  	_ =	swait.ge [sflag:s24], $0x4000  }
0xac: {  	[sflag:s24] =	ssyncset.done $0x0  }
0xad: {  	s5 =	simm.s32 $0x0;
	[sflag:s24] =	ssyncadd.s32 $0xFFFFC000  }
0xae: {  	s12 =	sand.u32 $0x1C00, s4;
	s6 =	sand.u32 $0x2000, s5;
	_ =	swait.ge [sflag:s25], $0x4000  }
0xaf: {  	s13 =	sand.u32 $0x380, s4;
	s6 =	sor.u32 s6, s12;
	[sflag:s25] =	ssyncset.done $0x0  }
0xb0: {  	s6 =	sor.u32 s13, s6;
	s11 =	rddreg [dreg:$0xa];
	[sflag:s25] =	ssyncadd.s32 $0xFFFFC000  }
0xb1: {  	[tilespmem:s15], [sflag:$0x3] =	stream.linear.gather [hbm4b:s11+s4], $0x4000, $0x38;
	[tilespmem:$0x1C000] =	vst v63  }
0xb2: {  	v0 =	vld [tilespmem:s6+$0x70]  }
0xb3: {  	v4 =	vld [tilespmem:s6+$0x0]  }
0xb4: {  	v5 =	vld [tilespmem:s6+$0x10]  }
0xb5: {  	v6 =	vld [tilespmem:s6+$0x20]  }
0xb6: {  	v2 =	vld [tilespmem:s6+$0x30]  }
0xb7: {  	v3 =	vld [tilespmem:s6+$0x40]  }
0xb8: {  	s7 =	sor.u32 $0x10070, s6;
	v1 =	vld [tilespmem:s6+$0x60]  }
0xb9: {  	[tilespmem:s7+$0x0] =	vst.add.f32.msk $0xffff, v0  }
0xba: {  	s14 =	sor.u32 $0x10000, s6;
	v0 =	vld [tilespmem:s6+$0x50]  }
0xbb: {  	s21 =	sor.u32 $0x10010, s6;
	[tilespmem:s14+$0x0] =	vst.add.f32.msk $0xffff, v4  }
0xbc: {  	s10 =	sor.u32 $0x10030, s6;
	s9 =	sor.u32 $0x10040, s6;
	s11 =	sor.u32 $0x10020, s6;
	[tilespmem:s21+$0x0] =	vst.add.f32.msk $0xffff, v5  }
0xbd: {  	s8 =	sor.u32 $0x10060, s6;
	s7 =	sor.u32 $0x10050, s6;
	[tilespmem:s11+$0x0] =	vst.add.f32.msk $0xffff, v6;
	s6 =	simm.s32 $0x0  }
.LBB2_6:
0xbe: {  	s5 =	sadd.s32 $0x80, s5;
	[tilespmem:s10+$0x0] =	vst.add.f32.msk $0xffff, v2;
	s4 =	sadd.s32 $0x400, s4  }
0xbf: {  	s6 =	sadd.s32 $0x10, s6;
	s10 =	sand.u32 $0x2000, s5;
	s11 =	sand.u32 $0x1C00, s4;
	[tilespmem:s9+$0x0] =	vst.add.f32.msk $0xffff, v3  }
0xc0: {  	p0 =	slt.u32 s5, $0x3F80;
	s9 =	sor.u32 s10, s11;
	s10 =	sand.u32 $0x380, s6;
	[tilespmem:s7+$0x0] =	vst.add.f32.msk $0xffff, v0  }
0xc1: {  	s11 =	sor.u32 s10, s9;
	[tilespmem:s8+$0x0] =	vst.add.f32.msk $0xffff, v1  }
0xc2: {  	s12 =	sor.u32 $0x10000, s11;
	s13 =	sor.u32 $0x10010, s11;
	s14 =	sor.u32 $0x10020, s11;
	v0 =	vld [tilespmem:s11+$0x70]  }
0xc3: {  	s10 =	sor.u32 $0x10030, s11;
	s9 =	sor.u32 $0x10040, s11;
	s7 =	sor.u32 $0x10050, s11;
	v4 =	vld [tilespmem:s11+$0x0]  }
0xc4: {  	s8 =	sor.u32 $0x10060, s11;
	v5 =	vld [tilespmem:s11+$0x10]  }
0xc5: {  	v6 =	vld [tilespmem:s11+$0x20]  }
0xc6: {  	s21 =	sor.u32 $0x10070, s11;
	v2 =	vld [tilespmem:s11+$0x30]  }
0xc7: {  	[tilespmem:s21+$0x0] =	vst.add.f32.msk $0xffff, v0  }
0xc8: {  	v3 =	vld [tilespmem:s11+$0x40]  }
.Ltmp2:
0xc9: {  	v0 =	vld [tilespmem:s11+$0x50];
	(pc) =	sbr.rel @p0 .LBB2_6-.Ltmp2, $4  }
0xca: {  	v1 =	vld [tilespmem:s11+$0x60]  }
0xcb: {  	[tilespmem:s12+$0x0] =	vst.add.f32.msk $0xffff, v4  }
0xcc: {  	[tilespmem:s13+$0x0] =	vst.add.f32.msk $0xffff, v5  }
0xcd: {  	[tilespmem:s14+$0x0] =	vst.add.f32.msk $0xffff, v6  }
0xce: {  	[tilespmem:s10+$0x0] =	vst.add.f32.msk $0xffff, v2  }
0xcf: {  	[tilespmem:s9+$0x0] =	vst.add.f32.msk $0xffff, v3  }
0xd0: {  	[tilespmem:s7+$0x0] =	vst.add.f32.msk $0xffff, v0  }
0xd1: {  	[tilespmem:s8+$0x0] =	vst.add.f32.msk $0xffff, v1  }
0xd2: {  	s4 =	simm.s32 $0x0;
	s5 =	rddreg [dreg:$0xb]  }
0xd3: {  	[hbm4b:s5+s4] =	stream.linear.scatter [tilespmem:s17], [sflag:$0xA], $0x4000, $0x38;
	[tilespmem:$0x1C000] =	vst v63  }
0xd4: {  	_ =	swait.ge [sflag:s26], $0x4000  }
0xd5: {  	[sflag:s26] =	ssyncset.done $0x0  }
0xd6: {  	s5 =	simm.s32 $0x0;
	[sflag:s26] =	ssyncadd.s32 $0xFFFFC000  }
0xd7: {  	s12 =	sand.u32 $0x1C00, s4;
	s6 =	sand.u32 $0x2000, s5;
	_ =	swait.ge [sflag:s28], $0x4000  }
0xd8: {  	s13 =	sand.u32 $0x380, s4;
	s6 =	sor.u32 s6, s12;
	[sflag:s28] =	ssyncset.done $0x0  }
0xd9: {  	s6 =	sor.u32 s13, s6;
	s11 =	rddreg [dreg:$0xc];
	[sflag:s28] =	ssyncadd.s32 $0xFFFFC000  }
0xda: {  	[tilespmem:s16], [sflag:$0x4] =	stream.linear.gather [hbm4b:s11+s4], $0x4000, $0x38;
	[tilespmem:$0x1C000] =	vst v63  }
0xdb: {  	v0 =	vld [tilespmem:s6+$0x70]  }
0xdc: {  	v4 =	vld [tilespmem:s6+$0x0]  }
0xdd: {  	v5 =	vld [tilespmem:s6+$0x10]  }
0xde: {  	v6 =	vld [tilespmem:s6+$0x20]  }
0xdf: {  	v2 =	vld [tilespmem:s6+$0x30]  }
0xe0: {  	v3 =	vld [tilespmem:s6+$0x40]  }
0xe1: {  	s7 =	sor.u32 $0x14070, s6;
	v1 =	vld [tilespmem:s6+$0x60]  }
0xe2: {  	[tilespmem:s7+$0x0] =	vst.add.f32.msk $0xffff, v0  }
0xe3: {  	s14 =	sor.u32 $0x14000, s6;
	v0 =	vld [tilespmem:s6+$0x50]  }
0xe4: {  	s21 =	sor.u32 $0x14010, s6;
	[tilespmem:s14+$0x0] =	vst.add.f32.msk $0xffff, v4  }
0xe5: {  	s10 =	sor.u32 $0x14030, s6;
	s9 =	sor.u32 $0x14040, s6;
	s11 =	sor.u32 $0x14020, s6;
	[tilespmem:s21+$0x0] =	vst.add.f32.msk $0xffff, v5  }
0xe6: {  	s8 =	sor.u32 $0x14060, s6;
	s7 =	sor.u32 $0x14050, s6;
	[tilespmem:s11+$0x0] =	vst.add.f32.msk $0xffff, v6;
	s6 =	simm.s32 $0x0  }
.LBB2_8:
0xe7: {  	s5 =	sadd.s32 $0x80, s5;
	[tilespmem:s10+$0x0] =	vst.add.f32.msk $0xffff, v2;
	s4 =	sadd.s32 $0x400, s4  }
0xe8: {  	s6 =	sadd.s32 $0x10, s6;
	s10 =	sand.u32 $0x2000, s5;
	s11 =	sand.u32 $0x1C00, s4;
	[tilespmem:s9+$0x0] =	vst.add.f32.msk $0xffff, v3  }
0xe9: {  	p0 =	slt.u32 s5, $0x3F80;
	s9 =	sor.u32 s10, s11;
	s10 =	sand.u32 $0x380, s6;
	[tilespmem:s7+$0x0] =	vst.add.f32.msk $0xffff, v0  }
0xea: {  	s11 =	sor.u32 s10, s9;
	[tilespmem:s8+$0x0] =	vst.add.f32.msk $0xffff, v1  }
0xeb: {  	s12 =	sor.u32 $0x14000, s11;
	s13 =	sor.u32 $0x14010, s11;
	s14 =	sor.u32 $0x14020, s11;
	v0 =	vld [tilespmem:s11+$0x70]  }
0xec: {  	s10 =	sor.u32 $0x14030, s11;
	s9 =	sor.u32 $0x14040, s11;
	s7 =	sor.u32 $0x14050, s11;
	v4 =	vld [tilespmem:s11+$0x0]  }
0xed: {  	s8 =	sor.u32 $0x14060, s11;
	v5 =	vld [tilespmem:s11+$0x10]  }
0xee: {  	v6 =	vld [tilespmem:s11+$0x20]  }
0xef: {  	s21 =	sor.u32 $0x14070, s11;
	v2 =	vld [tilespmem:s11+$0x30]  }
0xf0: {  	[tilespmem:s21+$0x0] =	vst.add.f32.msk $0xffff, v0  }
0xf1: {  	v3 =	vld [tilespmem:s11+$0x40]  }
.Ltmp3:
0xf2: {  	v0 =	vld [tilespmem:s11+$0x50];
	(pc) =	sbr.rel @p0 .LBB2_8-.Ltmp3, $4  }
0xf3: {  	v1 =	vld [tilespmem:s11+$0x60]  }
0xf4: {  	[tilespmem:s12+$0x0] =	vst.add.f32.msk $0xffff, v4  }
0xf5: {  	[tilespmem:s13+$0x0] =	vst.add.f32.msk $0xffff, v5  }
0xf6: {  	[tilespmem:s14+$0x0] =	vst.add.f32.msk $0xffff, v6  }
0xf7: {  	[tilespmem:s10+$0x0] =	vst.add.f32.msk $0xffff, v2  }
0xf8: {  	[tilespmem:s9+$0x0] =	vst.add.f32.msk $0xffff, v3  }
0xf9: {  	[tilespmem:s7+$0x0] =	vst.add.f32.msk $0xffff, v0  }
0xfa: {  	[tilespmem:s8+$0x0] =	vst.add.f32.msk $0xffff, v1  }
0xfb: {  	s4 =	simm.s32 $0x0;
	s5 =	rddreg [dreg:$0xd]  }
0xfc: {  	[hbm4b:s5+s4] =	stream.linear.scatter [tilespmem:s20], [sflag:$0xB], $0x4000, $0x38;
	[tilespmem:$0x1C000] =	vst v63  }
0xfd: {  	_ =	swait.ge [sflag:s29], $0x4000  }
0xfe: {  	[sflag:s29] =	ssyncset.done $0x0  }
0xff: {  	[sflag:s29] =	ssyncadd.s32 $0xFFFFC000  }
0x100: {  	_ =	swait.ge [sflag:s30], $0x4000  }
0x101: {  	[sflag:s30] =	ssyncset.done $0x0  }
0x102: {  	s5 =	simm.s32 $0x0;
	[sflag:s30] =	ssyncadd.s32 $0xFFFFC000  }
0x103: {  	s12 =	sand.u32 $0x1C00, s4;
	s6 =	sand.u32 $0x2000, s5;
	_ =	swait.ge [sflag:s31], $0x4000  }
0x104: {  	s13 =	sand.u32 $0x380, s4;
	s6 =	sor.u32 s6, s12;
	[sflag:s31] =	ssyncset.done $0x0  }
0x105: {  	s6 =	sor.u32 s13, s6;
	s11 =	rddreg [dreg:$0xe];
	[sflag:s31] =	ssyncadd.s32 $0xFFFFC000  }
0x106: {  	[tilespmem:s17], [sflag:$0x5] =	stream.linear.gather [hbm4b:s11+s4], $0x4000, $0x38;
	[tilespmem:$0x1C000] =	vst v63  }
0x107: {  	v0 =	vld [tilespmem:s6+$0x4070]  }
0x108: {  	v4 =	vld [tilespmem:s6+$0x4000]  }
0x109: {  	v5 =	vld [tilespmem:s6+$0x4010]  }
0x10a: {  	v6 =	vld [tilespmem:s6+$0x4020]  }
0x10b: {  	v2 =	vld [tilespmem:s6+$0x4030]  }
0x10c: {  	v3 =	vld [tilespmem:s6+$0x4040]  }
0x10d: {  	s7 =	sor.u32 $0x18070, s6;
	v1 =	vld [tilespmem:s6+$0x4060]  }
0x10e: {  	[tilespmem:s7+$0x0] =	vst.add.f32.msk $0xffff, v0  }
0x10f: {  	s14 =	sor.u32 $0x18000, s6;
	v0 =	vld [tilespmem:s6+$0x4050]  }
0x110: {  	s21 =	sor.u32 $0x18010, s6;
	[tilespmem:s14+$0x0] =	vst.add.f32.msk $0xffff, v4  }
0x111: {  	s10 =	sor.u32 $0x18030, s6;
	s9 =	sor.u32 $0x18040, s6;
	s11 =	sor.u32 $0x18020, s6;
	[tilespmem:s21+$0x0] =	vst.add.f32.msk $0xffff, v5  }
0x112: {  	s8 =	sor.u32 $0x18060, s6;
	s7 =	sor.u32 $0x18050, s6;
	[tilespmem:s11+$0x0] =	vst.add.f32.msk $0xffff, v6;
	s6 =	simm.s32 $0x0  }
.LBB2_10:
0x113: {  	s5 =	sadd.s32 $0x80, s5;
	[tilespmem:s10+$0x0] =	vst.add.f32.msk $0xffff, v2;
	s4 =	sadd.s32 $0x400, s4  }
0x114: {  	s6 =	sadd.s32 $0x10, s6;
	s10 =	sand.u32 $0x2000, s5;
	s11 =	sand.u32 $0x1C00, s4;
	[tilespmem:s9+$0x0] =	vst.add.f32.msk $0xffff, v3  }
0x115: {  	p0 =	slt.u32 s5, $0x3F80;
	s9 =	sor.u32 s10, s11;
	s10 =	sand.u32 $0x380, s6;
	[tilespmem:s7+$0x0] =	vst.add.f32.msk $0xffff, v0  }
0x116: {  	s11 =	sor.u32 s10, s9;
	[tilespmem:s8+$0x0] =	vst.add.f32.msk $0xffff, v1  }
0x117: {  	s12 =	sor.u32 $0x18000, s11;
	s13 =	sor.u32 $0x18010, s11;
	s14 =	sor.u32 $0x18020, s11;
	v0 =	vld [tilespmem:s11+$0x4070]  }
0x118: {  	s10 =	sor.u32 $0x18030, s11;
	s9 =	sor.u32 $0x18040, s11;
	s7 =	sor.u32 $0x18050, s11;
	v4 =	vld [tilespmem:s11+$0x4000]  }
0x119: {  	s8 =	sor.u32 $0x18060, s11;
	v5 =	vld [tilespmem:s11+$0x4010]  }
0x11a: {  	v6 =	vld [tilespmem:s11+$0x4020]  }
0x11b: {  	s21 =	sor.u32 $0x18070, s11;
	v2 =	vld [tilespmem:s11+$0x4030]  }
0x11c: {  	[tilespmem:s21+$0x0] =	vst.add.f32.msk $0xffff, v0  }
0x11d: {  	v3 =	vld [tilespmem:s11+$0x4040]  }
.Ltmp4:
0x11e: {  	v0 =	vld [tilespmem:s11+$0x4050];
	(pc) =	sbr.rel @p0 .LBB2_10-.Ltmp4, $4  }
0x11f: {  	v1 =	vld [tilespmem:s11+$0x4060]  }
0x120: {  	[tilespmem:s12+$0x0] =	vst.add.f32.msk $0xffff, v4  }
0x121: {  	[tilespmem:s13+$0x0] =	vst.add.f32.msk $0xffff, v5  }
0x122: {  	[tilespmem:s14+$0x0] =	vst.add.f32.msk $0xffff, v6  }
0x123: {  	[tilespmem:s10+$0x0] =	vst.add.f32.msk $0xffff, v2  }
0x124: {  	[tilespmem:s9+$0x0] =	vst.add.f32.msk $0xffff, v3  }
0x125: {  	[tilespmem:s7+$0x0] =	vst.add.f32.msk $0xffff, v0  }
0x126: {  	[tilespmem:s8+$0x0] =	vst.add.f32.msk $0xffff, v1  }
0x127: {  	s4 =	simm.s32 $0x0;
	s5 =	rddreg [dreg:$0xf]  }
0x128: {  	[hbm4b:s5+s4] =	stream.linear.scatter [tilespmem:s23], [sflag:$0xC], $0x4000, $0x38;
	[tilespmem:$0x1C000] =	vst v63  }
0x129: {  	s10 =	rddreg [dreg:$0x10]  }
0x12a: {  	[tilespmem:s4], [sflag:$0x1] =	stream.linear.gather [hbm4b:s10+s4], $0x4000, $0x38;
	[tilespmem:$0x1C000] =	vst v63  }
0x12b: {  	_ =	swait.ge [sflag:s19], $0x4000  }
0x12c: {  	[sflag:s19] =	ssyncset.done $0x0  }
0x12d: {  	s5 =	simm.s32 $0x0;
	[sflag:s19] =	ssyncadd.s32 $0xFFFFC000  }
0x12e: {  	s12 =	sand.u32 $0x1C00, s4;
	s6 =	sand.u32 $0x2000, s5;
	_ =	swait.ge [sflag:s0], $0x4000  }
0x12f: {  	s13 =	sand.u32 $0x380, s4;
	s6 =	sor.u32 s6, s12;
	[sflag:s0] =	ssyncset.done $0x0  }
0x130: {  	s6 =	sor.u32 s13, s6;
	s11 =	rddreg [dreg:$0x11];
	[sflag:s0] =	ssyncadd.s32 $0xFFFFC000  }
0x131: {  	[tilespmem:s20], [sflag:$0x6] =	stream.linear.gather [hbm4b:s11+s4], $0x4000, $0x38;
	[tilespmem:$0x1C000] =	vst v63  }
0x132: {  	v0 =	vld [tilespmem:s6+$0x4070]  }
0x133: {  	v4 =	vld [tilespmem:s6+$0x4000]  }
0x134: {  	v5 =	vld [tilespmem:s6+$0x4010]  }
0x135: {  	v6 =	vld [tilespmem:s6+$0x4020]  }
0x136: {  	v2 =	vld [tilespmem:s6+$0x4030]  }
0x137: {  	v3 =	vld [tilespmem:s6+$0x4040]  }
0x138: {  	s7 =	sor.u32 $0x8070, s6;
	v1 =	vld [tilespmem:s6+$0x4060]  }
0x139: {  	[tilespmem:s7+$0x0] =	vst.add.f32.msk $0xffff, v0  }
0x13a: {  	s14 =	sor.u32 $0x8000, s6;
	v0 =	vld [tilespmem:s6+$0x4050]  }
0x13b: {  	s21 =	sor.u32 $0x8010, s6;
	[tilespmem:s14+$0x0] =	vst.add.f32.msk $0xffff, v4  }
0x13c: {  	s10 =	sor.u32 $0x8030, s6;
	s9 =	sor.u32 $0x8040, s6;
	s11 =	sor.u32 $0x8020, s6;
	[tilespmem:s21+$0x0] =	vst.add.f32.msk $0xffff, v5  }
0x13d: {  	s8 =	sor.u32 $0x8060, s6;
	s7 =	sor.u32 $0x8050, s6;
	[tilespmem:s11+$0x0] =	vst.add.f32.msk $0xffff, v6;
	s6 =	simm.s32 $0x0  }
.LBB2_12:
0x13e: {  	s5 =	sadd.s32 $0x80, s5;
	[tilespmem:s10+$0x0] =	vst.add.f32.msk $0xffff, v2;
	s4 =	sadd.s32 $0x400, s4  }
0x13f: {  	s6 =	sadd.s32 $0x10, s6;
	s10 =	sand.u32 $0x2000, s5;
	s11 =	sand.u32 $0x1C00, s4;
	[tilespmem:s9+$0x0] =	vst.add.f32.msk $0xffff, v3  }
0x140: {  	p0 =	slt.u32 s5, $0x3F80;
	s9 =	sor.u32 s10, s11;
	s10 =	sand.u32 $0x380, s6;
	[tilespmem:s7+$0x0] =	vst.add.f32.msk $0xffff, v0  }
0x141: {  	s11 =	sor.u32 s10, s9;
	[tilespmem:s8+$0x0] =	vst.add.f32.msk $0xffff, v1  }
0x142: {  	s12 =	sor.u32 $0x8000, s11;
	s13 =	sor.u32 $0x8010, s11;
	s14 =	sor.u32 $0x8020, s11;
	v0 =	vld [tilespmem:s11+$0x4070]  }
0x143: {  	s10 =	sor.u32 $0x8030, s11;
	s9 =	sor.u32 $0x8040, s11;
	s7 =	sor.u32 $0x8050, s11;
	v4 =	vld [tilespmem:s11+$0x4000]  }
0x144: {  	s8 =	sor.u32 $0x8060, s11;
	v5 =	vld [tilespmem:s11+$0x4010]  }
0x145: {  	v6 =	vld [tilespmem:s11+$0x4020]  }
0x146: {  	s21 =	sor.u32 $0x8070, s11;
	v2 =	vld [tilespmem:s11+$0x4030]  }
0x147: {  	[tilespmem:s21+$0x0] =	vst.add.f32.msk $0xffff, v0  }
0x148: {  	v3 =	vld [tilespmem:s11+$0x4040]  }
.Ltmp5:
0x149: {  	v0 =	vld [tilespmem:s11+$0x4050];
	(pc) =	sbr.rel @p0 .LBB2_12-.Ltmp5, $4  }
0x14a: {  	v1 =	vld [tilespmem:s11+$0x4060]  }
0x14b: {  	[tilespmem:s12+$0x0] =	vst.add.f32.msk $0xffff, v4  }
0x14c: {  	[tilespmem:s13+$0x0] =	vst.add.f32.msk $0xffff, v5  }
0x14d: {  	[tilespmem:s14+$0x0] =	vst.add.f32.msk $0xffff, v6  }
0x14e: {  	[tilespmem:s10+$0x0] =	vst.add.f32.msk $0xffff, v2  }
0x14f: {  	[tilespmem:s9+$0x0] =	vst.add.f32.msk $0xffff, v3  }
0x150: {  	[tilespmem:s7+$0x0] =	vst.add.f32.msk $0xffff, v0  }
0x151: {  	[tilespmem:s8+$0x0] =	vst.add.f32.msk $0xffff, v1  }
0x152: {  	s4 =	simm.s32 $0x0;
	s5 =	rddreg [dreg:$0x12]  }
0x153: {  	[hbm4b:s5+s4] =	stream.linear.scatter [tilespmem:s15], [sflag:$0x8], $0x4000, $0x38;
	[tilespmem:$0x1C000] =	vst v63  }
0x154: {  	_ =	swait.ge [sflag:s22], $0x4000  }
0x155: {  	[sflag:s22] =	ssyncset.done $0x0  }
0x156: {  	s5 =	simm.s32 $0x0;
	[sflag:s22] =	ssyncadd.s32 $0xFFFFC000  }
0x157: {  	s12 =	sand.u32 $0x1C00, s4;
	s6 =	sand.u32 $0x2000, s5;
	_ =	swait.ge [sflag:s2], $0x4000  }
0x158: {  	s13 =	sand.u32 $0x380, s4;
	s6 =	sor.u32 s6, s12;
	[sflag:s2] =	ssyncset.done $0x0  }
0x159: {  	s6 =	sor.u32 s13, s6;
	s11 =	rddreg [dreg:$0x16];
	[sflag:s2] =	ssyncadd.s32 $0xFFFFC000  }
0x15a: {  	[tilespmem:s23], [sflag:$0x7] =	stream.linear.gather [hbm4b:s11+s4], $0x4000, $0x38;
	[tilespmem:$0x1C000] =	vst v63  }
0x15b: {  	v0 =	vld [tilespmem:s6+$0x4070]  }
0x15c: {  	v4 =	vld [tilespmem:s6+$0x4000]  }
0x15d: {  	v5 =	vld [tilespmem:s6+$0x4010]  }
0x15e: {  	v6 =	vld [tilespmem:s6+$0x4020]  }
0x15f: {  	v2 =	vld [tilespmem:s6+$0x4030]  }
0x160: {  	v3 =	vld [tilespmem:s6+$0x4040]  }
0x161: {  	s7 =	sor.u32 $0xC070, s6;
	v1 =	vld [tilespmem:s6+$0x4060]  }
0x162: {  	[tilespmem:s7+$0x0] =	vst.add.f32.msk $0xffff, v0  }
0x163: {  	s14 =	sor.u32 $0xC000, s6;
	v0 =	vld [tilespmem:s6+$0x4050]  }
0x164: {  	s21 =	sor.u32 $0xC010, s6;
	[tilespmem:s14+$0x0] =	vst.add.f32.msk $0xffff, v4  }
0x165: {  	s10 =	sor.u32 $0xC030, s6;
	s9 =	sor.u32 $0xC040, s6;
	s11 =	sor.u32 $0xC020, s6;
	[tilespmem:s21+$0x0] =	vst.add.f32.msk $0xffff, v5  }
0x166: {  	s8 =	sor.u32 $0xC060, s6;
	s7 =	sor.u32 $0xC050, s6;
	[tilespmem:s11+$0x0] =	vst.add.f32.msk $0xffff, v6;
	s6 =	simm.s32 $0x0  }
.LBB2_14:
0x167: {  	s5 =	sadd.s32 $0x80, s5;
	[tilespmem:s10+$0x0] =	vst.add.f32.msk $0xffff, v2;
	s4 =	sadd.s32 $0x400, s4  }
0x168: {  	s6 =	sadd.s32 $0x10, s6;
	s10 =	sand.u32 $0x2000, s5;
	s11 =	sand.u32 $0x1C00, s4;
	[tilespmem:s9+$0x0] =	vst.add.f32.msk $0xffff, v3  }
0x169: {  	p0 =	slt.u32 s5, $0x3F80;
	s9 =	sor.u32 s10, s11;
	s10 =	sand.u32 $0x380, s6;
	[tilespmem:s7+$0x0] =	vst.add.f32.msk $0xffff, v0  }
0x16a: {  	s11 =	sor.u32 s10, s9;
	[tilespmem:s8+$0x0] =	vst.add.f32.msk $0xffff, v1  }
0x16b: {  	s12 =	sor.u32 $0xC000, s11;
	s13 =	sor.u32 $0xC010, s11;
	s14 =	sor.u32 $0xC020, s11;
	v0 =	vld [tilespmem:s11+$0x4070]  }
0x16c: {  	s10 =	sor.u32 $0xC030, s11;
	s9 =	sor.u32 $0xC040, s11;
	s7 =	sor.u32 $0xC050, s11;
	v4 =	vld [tilespmem:s11+$0x4000]  }
0x16d: {  	s8 =	sor.u32 $0xC060, s11;
	v5 =	vld [tilespmem:s11+$0x4010]  }
0x16e: {  	v6 =	vld [tilespmem:s11+$0x4020]  }
0x16f: {  	s21 =	sor.u32 $0xC070, s11;
	v2 =	vld [tilespmem:s11+$0x4030]  }
0x170: {  	[tilespmem:s21+$0x0] =	vst.add.f32.msk $0xffff, v0  }
0x171: {  	v3 =	vld [tilespmem:s11+$0x4040]  }
.Ltmp6:
0x172: {  	v0 =	vld [tilespmem:s11+$0x4050];
	(pc) =	sbr.rel @p0 .LBB2_14-.Ltmp6, $4  }
0x173: {  	v1 =	vld [tilespmem:s11+$0x4060]  }
0x174: {  	[tilespmem:s12+$0x0] =	vst.add.f32.msk $0xffff, v4  }
0x175: {  	[tilespmem:s13+$0x0] =	vst.add.f32.msk $0xffff, v5  }
0x176: {  	[tilespmem:s14+$0x0] =	vst.add.f32.msk $0xffff, v6  }
0x177: {  	[tilespmem:s10+$0x0] =	vst.add.f32.msk $0xffff, v2  }
0x178: {  	[tilespmem:s9+$0x0] =	vst.add.f32.msk $0xffff, v3  }
0x179: {  	[tilespmem:s7+$0x0] =	vst.add.f32.msk $0xffff, v0  }
0x17a: {  	[tilespmem:s8+$0x0] =	vst.add.f32.msk $0xffff, v1  }
0x17b: {  	s4 =	simm.s32 $0x0;
	s5 =	rddreg [dreg:$0x13]  }
0x17c: {  	[hbm4b:s5+s4] =	stream.linear.scatter [tilespmem:s16], [sflag:$0x9], $0x4000, $0x38;
	[tilespmem:$0x1C000] =	vst v63  }
0x17d: {  	_ =	swait.ge [sflag:s24], $0x4000  }
0x17e: {  	[sflag:s24] =	ssyncset.done $0x0  }
0x17f: {  	s5 =	simm.s32 $0x0;
	[sflag:s24] =	ssyncadd.s32 $0xFFFFC000  }
0x180: {  	s12 =	sand.u32 $0x1C00, s4;
	s6 =	sand.u32 $0x2000, s5;
	_ =	swait.ge [sflag:s25], $0x4000  }
0x181: {  	s13 =	sand.u32 $0x380, s4;
	s6 =	sor.u32 s6, s12;
	[sflag:s25] =	ssyncset.done $0x0  }
0x182: {  	s6 =	sor.u32 s13, s6;
	s11 =	rddreg [dreg:$0x18];
	[sflag:s25] =	ssyncadd.s32 $0xFFFFC000  }
0x183: {  	[tilespmem:s15], [sflag:$0x3] =	stream.linear.gather [hbm4b:s11+s4], $0x4000, $0x38;
	[tilespmem:$0x1C000] =	vst v63  }
0x184: {  	v0 =	vld [tilespmem:s6+$0x4070]  }
0x185: {  	v4 =	vld [tilespmem:s6+$0x4000]  }
0x186: {  	v5 =	vld [tilespmem:s6+$0x4010]  }
0x187: {  	v6 =	vld [tilespmem:s6+$0x4020]  }
0x188: {  	v2 =	vld [tilespmem:s6+$0x4030]  }
0x189: {  	v3 =	vld [tilespmem:s6+$0x4040]  }
0x18a: {  	s7 =	sor.u32 $0x10070, s6;
	v1 =	vld [tilespmem:s6+$0x4060]  }
0x18b: {  	[tilespmem:s7+$0x0] =	vst.add.f32.msk $0xffff, v0  }
0x18c: {  	s14 =	sor.u32 $0x10000, s6;
	v0 =	vld [tilespmem:s6+$0x4050]  }
0x18d: {  	s21 =	sor.u32 $0x10010, s6;
	[tilespmem:s14+$0x0] =	vst.add.f32.msk $0xffff, v4  }
0x18e: {  	s10 =	sor.u32 $0x10030, s6;
	s9 =	sor.u32 $0x10040, s6;
	s11 =	sor.u32 $0x10020, s6;
	[tilespmem:s21+$0x0] =	vst.add.f32.msk $0xffff, v5  }
0x18f: {  	s8 =	sor.u32 $0x10060, s6;
	s7 =	sor.u32 $0x10050, s6;
	[tilespmem:s11+$0x0] =	vst.add.f32.msk $0xffff, v6;
	s6 =	simm.s32 $0x0  }
.LBB2_16:
0x190: {  	s5 =	sadd.s32 $0x80, s5;
	[tilespmem:s10+$0x0] =	vst.add.f32.msk $0xffff, v2;
	s4 =	sadd.s32 $0x400, s4  }
0x191: {  	s6 =	sadd.s32 $0x10, s6;
	s10 =	sand.u32 $0x2000, s5;
	s11 =	sand.u32 $0x1C00, s4;
	[tilespmem:s9+$0x0] =	vst.add.f32.msk $0xffff, v3  }
0x192: {  	p0 =	slt.u32 s5, $0x3F80;
	s9 =	sor.u32 s10, s11;
	s10 =	sand.u32 $0x380, s6;
	[tilespmem:s7+$0x0] =	vst.add.f32.msk $0xffff, v0  }
0x193: {  	s11 =	sor.u32 s10, s9;
	[tilespmem:s8+$0x0] =	vst.add.f32.msk $0xffff, v1  }
0x194: {  	s12 =	sor.u32 $0x10000, s11;
	s13 =	sor.u32 $0x10010, s11;
	s14 =	sor.u32 $0x10020, s11;
	v0 =	vld [tilespmem:s11+$0x4070]  }
0x195: {  	s10 =	sor.u32 $0x10030, s11;
	s9 =	sor.u32 $0x10040, s11;
	s7 =	sor.u32 $0x10050, s11;
	v4 =	vld [tilespmem:s11+$0x4000]  }
0x196: {  	s8 =	sor.u32 $0x10060, s11;
	v5 =	vld [tilespmem:s11+$0x4010]  }
0x197: {  	v6 =	vld [tilespmem:s11+$0x4020]  }
0x198: {  	s21 =	sor.u32 $0x10070, s11;
	v2 =	vld [tilespmem:s11+$0x4030]  }
0x199: {  	[tilespmem:s21+$0x0] =	vst.add.f32.msk $0xffff, v0  }
0x19a: {  	v3 =	vld [tilespmem:s11+$0x4040]  }
.Ltmp7:
0x19b: {  	v0 =	vld [tilespmem:s11+$0x4050];
	(pc) =	sbr.rel @p0 .LBB2_16-.Ltmp7, $4  }
0x19c: {  	v1 =	vld [tilespmem:s11+$0x4060]  }
0x19d: {  	[tilespmem:s12+$0x0] =	vst.add.f32.msk $0xffff, v4  }
0x19e: {  	[tilespmem:s13+$0x0] =	vst.add.f32.msk $0xffff, v5  }
0x19f: {  	[tilespmem:s14+$0x0] =	vst.add.f32.msk $0xffff, v6  }
0x1a0: {  	[tilespmem:s10+$0x0] =	vst.add.f32.msk $0xffff, v2  }
0x1a1: {  	[tilespmem:s9+$0x0] =	vst.add.f32.msk $0xffff, v3  }
0x1a2: {  	[tilespmem:s7+$0x0] =	vst.add.f32.msk $0xffff, v0  }
0x1a3: {  	[tilespmem:s8+$0x0] =	vst.add.f32.msk $0xffff, v1  }
0x1a4: {  	s4 =	simm.s32 $0x0;
	s5 =	rddreg [dreg:$0x14]  }
0x1a5: {  	[hbm4b:s5+s4] =	stream.linear.scatter [tilespmem:s17], [sflag:$0xA], $0x4000, $0x38;
	[tilespmem:$0x1C000] =	vst v63  }
0x1a6: {  	_ =	swait.ge [sflag:s18], $0x4000  }
0x1a7: {  	[sflag:s18] =	ssyncset.done $0x0  }
0x1a8: {  	[sflag:s18] =	ssyncadd.s32 $0xFFFFC000  }
0x1a9: {  	_ =	swait.ge [sflag:s26], $0x4000  }
0x1aa: {  	[sflag:s26] =	ssyncset.done $0x0  }
0x1ab: {  	s5 =	simm.s32 $0x0;
	[sflag:s26] =	ssyncadd.s32 $0xFFFFC000  }
0x1ac: {  	s12 =	sand.u32 $0x1C00, s4;
	s6 =	sand.u32 $0x2000, s5;
	_ =	swait.ge [sflag:s28], $0x4000  }
0x1ad: {  	s13 =	sand.u32 $0x380, s4;
	s6 =	sor.u32 s6, s12;
	[sflag:s28] =	ssyncset.done $0x0  }
0x1ae: {  	s6 =	sor.u32 s13, s6;
	s11 =	rddreg [dreg:$0x1a];
	[sflag:s28] =	ssyncadd.s32 $0xFFFFC000  }
0x1af: {  	[tilespmem:s16], [sflag:$0x4] =	stream.linear.gather [hbm4b:s11+s4], $0x4000, $0x38;
	[tilespmem:$0x1C000] =	vst v63  }
0x1b0: {  	v0 =	vld [tilespmem:s6+$0x70]  }
0x1b1: {  	v4 =	vld [tilespmem:s6+$0x0]  }
0x1b2: {  	v5 =	vld [tilespmem:s6+$0x10]  }
0x1b3: {  	v6 =	vld [tilespmem:s6+$0x20]  }
0x1b4: {  	v2 =	vld [tilespmem:s6+$0x30]  }
0x1b5: {  	v3 =	vld [tilespmem:s6+$0x40]  }
0x1b6: {  	s7 =	sor.u32 $0x14070, s6;
	v1 =	vld [tilespmem:s6+$0x60]  }
0x1b7: {  	[tilespmem:s7+$0x0] =	vst.add.f32.msk $0xffff, v0  }
0x1b8: {  	s14 =	sor.u32 $0x14000, s6;
	v0 =	vld [tilespmem:s6+$0x50]  }
0x1b9: {  	s21 =	sor.u32 $0x14010, s6;
	[tilespmem:s14+$0x0] =	vst.add.f32.msk $0xffff, v4  }
0x1ba: {  	s10 =	sor.u32 $0x14030, s6;
	s9 =	sor.u32 $0x14040, s6;
	s11 =	sor.u32 $0x14020, s6;
	[tilespmem:s21+$0x0] =	vst.add.f32.msk $0xffff, v5  }
0x1bb: {  	s8 =	sor.u32 $0x14060, s6;
	s7 =	sor.u32 $0x14050, s6;
	[tilespmem:s11+$0x0] =	vst.add.f32.msk $0xffff, v6;
	s6 =	simm.s32 $0x0  }
.LBB2_18:
0x1bc: {  	s5 =	sadd.s32 $0x80, s5;
	[tilespmem:s10+$0x0] =	vst.add.f32.msk $0xffff, v2;
	s4 =	sadd.s32 $0x400, s4  }
0x1bd: {  	s6 =	sadd.s32 $0x10, s6;
	s10 =	sand.u32 $0x2000, s5;
	s11 =	sand.u32 $0x1C00, s4;
	[tilespmem:s9+$0x0] =	vst.add.f32.msk $0xffff, v3  }
0x1be: {  	p0 =	slt.u32 s5, $0x3F80;
	s9 =	sor.u32 s10, s11;
	s10 =	sand.u32 $0x380, s6;
	[tilespmem:s7+$0x0] =	vst.add.f32.msk $0xffff, v0  }
0x1bf: {  	s11 =	sor.u32 s10, s9;
	[tilespmem:s8+$0x0] =	vst.add.f32.msk $0xffff, v1  }
0x1c0: {  	s12 =	sor.u32 $0x14000, s11;
	s13 =	sor.u32 $0x14010, s11;
	s14 =	sor.u32 $0x14020, s11;
	v0 =	vld [tilespmem:s11+$0x70]  }
0x1c1: {  	s10 =	sor.u32 $0x14030, s11;
	s9 =	sor.u32 $0x14040, s11;
	s7 =	sor.u32 $0x14050, s11;
	v4 =	vld [tilespmem:s11+$0x0]  }
0x1c2: {  	s8 =	sor.u32 $0x14060, s11;
	v5 =	vld [tilespmem:s11+$0x10]  }
0x1c3: {  	v6 =	vld [tilespmem:s11+$0x20]  }
0x1c4: {  	s21 =	sor.u32 $0x14070, s11;
	v2 =	vld [tilespmem:s11+$0x30]  }
0x1c5: {  	[tilespmem:s21+$0x0] =	vst.add.f32.msk $0xffff, v0  }
0x1c6: {  	v3 =	vld [tilespmem:s11+$0x40]  }
.Ltmp8:
0x1c7: {  	v0 =	vld [tilespmem:s11+$0x50];
	(pc) =	sbr.rel @p0 .LBB2_18-.Ltmp8, $4  }
0x1c8: {  	v1 =	vld [tilespmem:s11+$0x60]  }
0x1c9: {  	[tilespmem:s12+$0x0] =	vst.add.f32.msk $0xffff, v4  }
0x1ca: {  	[tilespmem:s13+$0x0] =	vst.add.f32.msk $0xffff, v5  }
0x1cb: {  	[tilespmem:s14+$0x0] =	vst.add.f32.msk $0xffff, v6  }
0x1cc: {  	[tilespmem:s10+$0x0] =	vst.add.f32.msk $0xffff, v2  }
0x1cd: {  	[tilespmem:s9+$0x0] =	vst.add.f32.msk $0xffff, v3  }
0x1ce: {  	[tilespmem:s7+$0x0] =	vst.add.f32.msk $0xffff, v0  }
0x1cf: {  	[tilespmem:s8+$0x0] =	vst.add.f32.msk $0xffff, v1  }
0x1d0: {  	s4 =	simm.s32 $0x0;
	s5 =	rddreg [dreg:$0x15]  }
0x1d1: {  	[hbm4b:s5+s4] =	stream.linear.scatter [tilespmem:s20], [sflag:$0xB], $0x4000, $0x38;
	[tilespmem:$0x1C000] =	vst v63  }
0x1d2: {  	s6 =	simm.s32 $0x4000;
	s9 =	rddreg [dreg:$0x1c]  }
0x1d3: {  	[tilespmem:s6], [sflag:$0x2] =	stream.linear.gather [hbm4b:s9+s4], $0x4000, $0x38;
	[tilespmem:$0x1C000] =	vst v63  }
0x1d4: {  	_ =	swait.ge [sflag:s30], $0x4000  }
0x1d5: {  	[sflag:s30] =	ssyncset.done $0x0  }
0x1d6: {  	s5 =	simm.s32 $0x0;
	[sflag:s30] =	ssyncadd.s32 $0xFFFFC000  }
0x1d7: {  	s12 =	sand.u32 $0x1C00, s4;
	s11 =	sand.u32 $0x2000, s5;
	_ =	swait.ge [sflag:s31], $0x4000  }
0x1d8: {  	s13 =	sand.u32 $0x380, s4;
	s6 =	sor.u32 s11, s12;
	[sflag:s31] =	ssyncset.done $0x0  }
0x1d9: {  	s6 =	sor.u32 s13, s6;
	s10 =	rddreg [dreg:$0x1d];
	[sflag:s31] =	ssyncadd.s32 $0xFFFFC000  }
0x1da: {  	[tilespmem:s17], [sflag:$0x5] =	stream.linear.gather [hbm4b:s10+s4], $0x4000, $0x38;
	[tilespmem:$0x1C000] =	vst v63  }
0x1db: {  	v0 =	vld [tilespmem:s6+$0x70]  }
0x1dc: {  	v4 =	vld [tilespmem:s6+$0x0]  }
0x1dd: {  	v5 =	vld [tilespmem:s6+$0x10]  }
0x1de: {  	v6 =	vld [tilespmem:s6+$0x20]  }
0x1df: {  	v2 =	vld [tilespmem:s6+$0x30]  }
0x1e0: {  	v3 =	vld [tilespmem:s6+$0x40]  }
0x1e1: {  	s7 =	sor.u32 $0x18070, s6;
	v1 =	vld [tilespmem:s6+$0x60]  }
0x1e2: {  	[tilespmem:s7+$0x0] =	vst.add.f32.msk $0xffff, v0  }
0x1e3: {  	s14 =	sor.u32 $0x18000, s6;
	v0 =	vld [tilespmem:s6+$0x50]  }
0x1e4: {  	s21 =	sor.u32 $0x18010, s6;
	[tilespmem:s14+$0x0] =	vst.add.f32.msk $0xffff, v4  }
0x1e5: {  	s11 =	sor.u32 $0x18020, s6;
	s9 =	sor.u32 $0x18040, s6;
	s8 =	sor.u32 $0x18060, s6;
	[tilespmem:s21+$0x0] =	vst.add.f32.msk $0xffff, v5  }
0x1e6: {  	s10 =	sor.u32 $0x18030, s6;
	s7 =	sor.u32 $0x18050, s6;
	[tilespmem:s11+$0x0] =	vst.add.f32.msk $0xffff, v6;
	s6 =	simm.s32 $0x0  }
.LBB2_20:
0x1e7: {  	s5 =	sadd.s32 $0x80, s5;
	[tilespmem:s10+$0x0] =	vst.add.f32.msk $0xffff, v2;
	s4 =	sadd.s32 $0x400, s4  }
0x1e8: {  	s6 =	sadd.s32 $0x10, s6;
	s10 =	sand.u32 $0x2000, s5;
	s11 =	sand.u32 $0x1C00, s4;
	[tilespmem:s9+$0x0] =	vst.add.f32.msk $0xffff, v3  }
0x1e9: {  	p0 =	slt.u32 s5, $0x3F80;
	s9 =	sor.u32 s10, s11;
	s10 =	sand.u32 $0x380, s6;
	[tilespmem:s7+$0x0] =	vst.add.f32.msk $0xffff, v0  }
0x1ea: {  	s11 =	sor.u32 s10, s9;
	[tilespmem:s8+$0x0] =	vst.add.f32.msk $0xffff, v1  }
0x1eb: {  	s12 =	sor.u32 $0x18000, s11;
	s13 =	sor.u32 $0x18010, s11;
	s14 =	sor.u32 $0x18020, s11;
	v0 =	vld [tilespmem:s11+$0x70]  }
0x1ec: {  	s10 =	sor.u32 $0x18030, s11;
	s9 =	sor.u32 $0x18040, s11;
	s7 =	sor.u32 $0x18050, s11;
	v4 =	vld [tilespmem:s11+$0x0]  }
0x1ed: {  	s8 =	sor.u32 $0x18060, s11;
	v5 =	vld [tilespmem:s11+$0x10]  }
0x1ee: {  	v6 =	vld [tilespmem:s11+$0x20]  }
0x1ef: {  	s21 =	sor.u32 $0x18070, s11;
	v2 =	vld [tilespmem:s11+$0x30]  }
0x1f0: {  	[tilespmem:s21+$0x0] =	vst.add.f32.msk $0xffff, v0  }
0x1f1: {  	v3 =	vld [tilespmem:s11+$0x40]  }
.Ltmp9:
0x1f2: {  	v0 =	vld [tilespmem:s11+$0x50];
	(pc) =	sbr.rel @p0 .LBB2_20-.Ltmp9, $4  }
0x1f3: {  	v1 =	vld [tilespmem:s11+$0x60]  }
0x1f4: {  	[tilespmem:s12+$0x0] =	vst.add.f32.msk $0xffff, v4  }
0x1f5: {  	[tilespmem:s13+$0x0] =	vst.add.f32.msk $0xffff, v5  }
0x1f6: {  	[tilespmem:s14+$0x0] =	vst.add.f32.msk $0xffff, v6  }
0x1f7: {  	[tilespmem:s10+$0x0] =	vst.add.f32.msk $0xffff, v2  }
0x1f8: {  	[tilespmem:s9+$0x0] =	vst.add.f32.msk $0xffff, v3  }
0x1f9: {  	[tilespmem:s7+$0x0] =	vst.add.f32.msk $0xffff, v0  }
0x1fa: {  	[tilespmem:s8+$0x0] =	vst.add.f32.msk $0xffff, v1  }
0x1fb: {  	s4 =	simm.s32 $0x0;
	s5 =	rddreg [dreg:$0x17]  }
0x1fc: {  	[hbm4b:s5+s4] =	stream.linear.scatter [tilespmem:s23], [sflag:$0xC], $0x4000, $0x38;
	[tilespmem:$0x1C000] =	vst v63  }
0x1fd: {  	_ =	swait.ge [sflag:s19], $0x4000  }
0x1fe: {  	[sflag:s19] =	ssyncset.done $0x0  }
0x1ff: {  	s5 =	simm.s32 $0x0;
	[sflag:s19] =	ssyncadd.s32 $0xFFFFC000  }
0x200: {  	s12 =	sand.u32 $0x1C00, s4;
	s6 =	sand.u32 $0x2000, s5;
	_ =	swait.ge [sflag:s0], $0x4000  }
0x201: {  	s13 =	sand.u32 $0x380, s4;
	s6 =	sor.u32 s6, s12;
	[sflag:s0] =	ssyncset.done $0x0  }
0x202: {  	s6 =	sor.u32 s13, s6;
	s11 =	rddreg [dreg:$0x1f];
	[sflag:s0] =	ssyncadd.s32 $0xFFFFC000  }
0x203: {  	[tilespmem:s20], [sflag:$0x6] =	stream.linear.gather [hbm4b:s11+s4], $0x4000, $0x38;
	[tilespmem:$0x1C000] =	vst v63  }
0x204: {  	v0 =	vld [tilespmem:s6+$0x70]  }
0x205: {  	v4 =	vld [tilespmem:s6+$0x0]  }
0x206: {  	v5 =	vld [tilespmem:s6+$0x10]  }
0x207: {  	v6 =	vld [tilespmem:s6+$0x20]  }
0x208: {  	v2 =	vld [tilespmem:s6+$0x30]  }
0x209: {  	v3 =	vld [tilespmem:s6+$0x40]  }
0x20a: {  	s7 =	sor.u32 $0x8070, s6;
	v1 =	vld [tilespmem:s6+$0x60]  }
0x20b: {  	[tilespmem:s7+$0x0] =	vst.add.f32.msk $0xffff, v0  }
0x20c: {  	s14 =	sor.u32 $0x8000, s6;
	v0 =	vld [tilespmem:s6+$0x50]  }
0x20d: {  	s21 =	sor.u32 $0x8010, s6;
	[tilespmem:s14+$0x0] =	vst.add.f32.msk $0xffff, v4  }
0x20e: {  	s10 =	sor.u32 $0x8030, s6;
	s9 =	sor.u32 $0x8040, s6;
	s11 =	sor.u32 $0x8020, s6;
	[tilespmem:s21+$0x0] =	vst.add.f32.msk $0xffff, v5  }
0x20f: {  	s8 =	sor.u32 $0x8060, s6;
	s7 =	sor.u32 $0x8050, s6;
	[tilespmem:s11+$0x0] =	vst.add.f32.msk $0xffff, v6;
	s6 =	simm.s32 $0x0  }
.LBB2_22:
0x210: {  	s5 =	sadd.s32 $0x80, s5;
	[tilespmem:s10+$0x0] =	vst.add.f32.msk $0xffff, v2;
	s4 =	sadd.s32 $0x400, s4  }
0x211: {  	s6 =	sadd.s32 $0x10, s6;
	s10 =	sand.u32 $0x2000, s5;
	s11 =	sand.u32 $0x1C00, s4;
	[tilespmem:s9+$0x0] =	vst.add.f32.msk $0xffff, v3  }
0x212: {  	p0 =	slt.u32 s5, $0x3F80;
	s9 =	sor.u32 s10, s11;
	s10 =	sand.u32 $0x380, s6;
	[tilespmem:s7+$0x0] =	vst.add.f32.msk $0xffff, v0  }
0x213: {  	s11 =	sor.u32 s10, s9;
	[tilespmem:s8+$0x0] =	vst.add.f32.msk $0xffff, v1  }
0x214: {  	s12 =	sor.u32 $0x8000, s11;
	s13 =	sor.u32 $0x8010, s11;
	s14 =	sor.u32 $0x8020, s11;
	v0 =	vld [tilespmem:s11+$0x70]  }
0x215: {  	s10 =	sor.u32 $0x8030, s11;
	s9 =	sor.u32 $0x8040, s11;
	s7 =	sor.u32 $0x8050, s11;
	v4 =	vld [tilespmem:s11+$0x0]  }
0x216: {  	s8 =	sor.u32 $0x8060, s11;
	v5 =	vld [tilespmem:s11+$0x10]  }
0x217: {  	v6 =	vld [tilespmem:s11+$0x20]  }
0x218: {  	s21 =	sor.u32 $0x8070, s11;
	v2 =	vld [tilespmem:s11+$0x30]  }
0x219: {  	[tilespmem:s21+$0x0] =	vst.add.f32.msk $0xffff, v0  }
0x21a: {  	v3 =	vld [tilespmem:s11+$0x40]  }
.Ltmp10:
0x21b: {  	v0 =	vld [tilespmem:s11+$0x50];
	(pc) =	sbr.rel @p0 .LBB2_22-.Ltmp10, $4  }
0x21c: {  	v1 =	vld [tilespmem:s11+$0x60]  }
0x21d: {  	[tilespmem:s12+$0x0] =	vst.add.f32.msk $0xffff, v4  }
0x21e: {  	[tilespmem:s13+$0x0] =	vst.add.f32.msk $0xffff, v5  }
0x21f: {  	[tilespmem:s14+$0x0] =	vst.add.f32.msk $0xffff, v6  }
0x220: {  	[tilespmem:s10+$0x0] =	vst.add.f32.msk $0xffff, v2  }
0x221: {  	[tilespmem:s9+$0x0] =	vst.add.f32.msk $0xffff, v3  }
0x222: {  	[tilespmem:s7+$0x0] =	vst.add.f32.msk $0xffff, v0  }
0x223: {  	[tilespmem:s8+$0x0] =	vst.add.f32.msk $0xffff, v1  }
0x224: {  	s4 =	simm.s32 $0x0;
	s5 =	rddreg [dreg:$0x19]  }
0x225: {  	[hbm4b:s5+s4] =	stream.linear.scatter [tilespmem:s15], [sflag:$0x8], $0x4000, $0x38;
	[tilespmem:$0x1C000] =	vst v63  }
0x226: {  	_ =	swait.ge [sflag:s22], $0x4000  }
0x227: {  	[sflag:s22] =	ssyncset.done $0x0  }
0x228: {  	[sflag:s22] =	ssyncadd.s32 $0xFFFFC000  }
0x229: {  	s5 =	simm.s32 $0x0;
	_ =	swait.ge [sflag:s2], $0x4000  }
0x22a: {  	s12 =	sand.u32 $0x1C00, s4;
	s6 =	sand.u32 $0x2000, s5;
	s11 =	sld [smem:$0x7D2]  }
0x22b: {  	s13 =	sand.u32 $0x380, s4;
	s6 =	sor.u32 s6, s12;
	[sflag:s2] =	ssyncset.done $0x0  }
0x22c: {  	s6 =	sor.u32 s13, s6;
	[sflag:s2] =	ssyncadd.s32 $0xFFFFC000  }
0x22d: {  	[tilespmem:s23], [sflag:$0x7] =	stream.linear.gather [hbm4b:s11+s4], $0x4000, $0x38;
	[tilespmem:$0x1C000] =	vst v63  }
0x22e: {  	v0 =	vld [tilespmem:s6+$0x70]  }
0x22f: {  	v4 =	vld [tilespmem:s6+$0x0]  }
0x230: {  	v5 =	vld [tilespmem:s6+$0x10]  }
0x231: {  	v6 =	vld [tilespmem:s6+$0x20]  }
0x232: {  	v2 =	vld [tilespmem:s6+$0x30]  }
0x233: {  	v3 =	vld [tilespmem:s6+$0x40]  }
0x234: {  	s7 =	sor.u32 $0xC070, s6;
	v1 =	vld [tilespmem:s6+$0x60]  }
0x235: {  	[tilespmem:s7+$0x0] =	vst.add.f32.msk $0xffff, v0  }
0x236: {  	s14 =	sor.u32 $0xC000, s6;
	v0 =	vld [tilespmem:s6+$0x50]  }
0x237: {  	s21 =	sor.u32 $0xC010, s6;
	[tilespmem:s14+$0x0] =	vst.add.f32.msk $0xffff, v4  }
0x238: {  	s10 =	sor.u32 $0xC030, s6;
	s9 =	sor.u32 $0xC040, s6;
	s11 =	sor.u32 $0xC020, s6;
	[tilespmem:s21+$0x0] =	vst.add.f32.msk $0xffff, v5  }
0x239: {  	s8 =	sor.u32 $0xC060, s6;
	s7 =	sor.u32 $0xC050, s6;
	[tilespmem:s11+$0x0] =	vst.add.f32.msk $0xffff, v6;
	s6 =	simm.s32 $0x0  }
.LBB2_24:
0x23a: {  	s5 =	sadd.s32 $0x80, s5;
	[tilespmem:s10+$0x0] =	vst.add.f32.msk $0xffff, v2;
	s4 =	sadd.s32 $0x400, s4  }
0x23b: {  	s6 =	sadd.s32 $0x10, s6;
	s10 =	sand.u32 $0x2000, s5;
	s11 =	sand.u32 $0x1C00, s4;
	[tilespmem:s9+$0x0] =	vst.add.f32.msk $0xffff, v3  }
0x23c: {  	p0 =	slt.u32 s5, $0x3F80;
	s9 =	sor.u32 s10, s11;
	s10 =	sand.u32 $0x380, s6;
	[tilespmem:s7+$0x0] =	vst.add.f32.msk $0xffff, v0  }
0x23d: {  	s11 =	sor.u32 s10, s9;
	[tilespmem:s8+$0x0] =	vst.add.f32.msk $0xffff, v1  }
0x23e: {  	s12 =	sor.u32 $0xC000, s11;
	s13 =	sor.u32 $0xC010, s11;
	s14 =	sor.u32 $0xC020, s11;
	v0 =	vld [tilespmem:s11+$0x70]  }
0x23f: {  	s10 =	sor.u32 $0xC030, s11;
	s9 =	sor.u32 $0xC040, s11;
	s7 =	sor.u32 $0xC050, s11;
	v4 =	vld [tilespmem:s11+$0x0]  }
0x240: {  	s8 =	sor.u32 $0xC060, s11;
	v5 =	vld [tilespmem:s11+$0x10]  }
0x241: {  	v6 =	vld [tilespmem:s11+$0x20]  }
0x242: {  	s21 =	sor.u32 $0xC070, s11;
	v2 =	vld [tilespmem:s11+$0x30]  }
0x243: {  	[tilespmem:s21+$0x0] =	vst.add.f32.msk $0xffff, v0  }
0x244: {  	v3 =	vld [tilespmem:s11+$0x40]  }
.Ltmp11:
0x245: {  	v0 =	vld [tilespmem:s11+$0x50];
	(pc) =	sbr.rel @p0 .LBB2_24-.Ltmp11, $4  }
0x246: {  	v1 =	vld [tilespmem:s11+$0x60]  }
0x247: {  	[tilespmem:s12+$0x0] =	vst.add.f32.msk $0xffff, v4  }
0x248: {  	[tilespmem:s13+$0x0] =	vst.add.f32.msk $0xffff, v5  }
0x249: {  	[tilespmem:s14+$0x0] =	vst.add.f32.msk $0xffff, v6  }
0x24a: {  	[tilespmem:s10+$0x0] =	vst.add.f32.msk $0xffff, v2  }
0x24b: {  	[tilespmem:s9+$0x0] =	vst.add.f32.msk $0xffff, v3  }
0x24c: {  	[tilespmem:s7+$0x0] =	vst.add.f32.msk $0xffff, v0  }
0x24d: {  	[tilespmem:s8+$0x0] =	vst.add.f32.msk $0xffff, v1  }
0x24e: {  	s4 =	simm.s32 $0x0;
	s5 =	rddreg [dreg:$0x1b]  }
0x24f: {  	[hbm4b:s5+s4] =	stream.linear.scatter [tilespmem:s16], [sflag:$0x9], $0x4000, $0x38;
	[tilespmem:$0x1C000] =	vst v63  }
0x250: {  	_ =	swait.ge [sflag:s29], $0x4000  }
0x251: {  	[sflag:s29] =	ssyncset.done $0x0  }
0x252: {  	[sflag:s29] =	ssyncadd.s32 $0xFFFFC000  }
0x253: {  	_ =	swait.ge [sflag:s24], $0x4000  }
0x254: {  	[sflag:s24] =	ssyncset.done $0x0  }
0x255: {  	[sflag:s24] =	ssyncadd.s32 $0xFFFFC000  }
0x256: {  	s5 =	simm.s32 $0x0;
	_ =	swait.ge [sflag:s25], $0x4000  }
0x257: {  	s12 =	sand.u32 $0x1C00, s4;
	s6 =	sand.u32 $0x2000, s5;
	s11 =	sld [smem:$0x7D4]  }
0x258: {  	s13 =	sand.u32 $0x380, s4;
	s6 =	sor.u32 s6, s12;
	[sflag:s25] =	ssyncset.done $0x0  }
0x259: {  	s6 =	sor.u32 s13, s6;
	[sflag:s25] =	ssyncadd.s32 $0xFFFFC000  }
0x25a: {  	[tilespmem:s15], [sflag:$0x3] =	stream.linear.gather [hbm4b:s11+s4], $0x4000, $0x38;
	[tilespmem:$0x1C000] =	vst v63  }
0x25b: {  	v0 =	vld [tilespmem:s6+$0x4070]  }
0x25c: {  	v4 =	vld [tilespmem:s6+$0x4000]  }
0x25d: {  	v5 =	vld [tilespmem:s6+$0x4010]  }
0x25e: {  	v6 =	vld [tilespmem:s6+$0x4020]  }
0x25f: {  	v2 =	vld [tilespmem:s6+$0x4030]  }
0x260: {  	v3 =	vld [tilespmem:s6+$0x4040]  }
0x261: {  	s7 =	sor.u32 $0x10070, s6;
	v1 =	vld [tilespmem:s6+$0x4060]  }
0x262: {  	[tilespmem:s7+$0x0] =	vst.add.f32.msk $0xffff, v0  }
0x263: {  	s14 =	sor.u32 $0x10000, s6;
	v0 =	vld [tilespmem:s6+$0x4050]  }
0x264: {  	s21 =	sor.u32 $0x10010, s6;
	[tilespmem:s14+$0x0] =	vst.add.f32.msk $0xffff, v4  }
0x265: {  	s10 =	sor.u32 $0x10030, s6;
	s9 =	sor.u32 $0x10040, s6;
	s11 =	sor.u32 $0x10020, s6;
	[tilespmem:s21+$0x0] =	vst.add.f32.msk $0xffff, v5  }
0x266: {  	s8 =	sor.u32 $0x10060, s6;
	s7 =	sor.u32 $0x10050, s6;
	[tilespmem:s11+$0x0] =	vst.add.f32.msk $0xffff, v6;
	s6 =	simm.s32 $0x0  }
.LBB2_26:
0x267: {  	s5 =	sadd.s32 $0x80, s5;
	[tilespmem:s10+$0x0] =	vst.add.f32.msk $0xffff, v2;
	s4 =	sadd.s32 $0x400, s4  }
0x268: {  	s6 =	sadd.s32 $0x10, s6;
	s10 =	sand.u32 $0x2000, s5;
	s11 =	sand.u32 $0x1C00, s4;
	[tilespmem:s9+$0x0] =	vst.add.f32.msk $0xffff, v3  }
0x269: {  	p0 =	slt.u32 s5, $0x3F80;
	s9 =	sor.u32 s10, s11;
	s10 =	sand.u32 $0x380, s6;
	[tilespmem:s7+$0x0] =	vst.add.f32.msk $0xffff, v0  }
0x26a: {  	s11 =	sor.u32 s10, s9;
	[tilespmem:s8+$0x0] =	vst.add.f32.msk $0xffff, v1  }
0x26b: {  	s12 =	sor.u32 $0x10000, s11;
	s13 =	sor.u32 $0x10010, s11;
	s14 =	sor.u32 $0x10020, s11;
	v0 =	vld [tilespmem:s11+$0x4070]  }
0x26c: {  	s10 =	sor.u32 $0x10030, s11;
	s9 =	sor.u32 $0x10040, s11;
	s7 =	sor.u32 $0x10050, s11;
	v4 =	vld [tilespmem:s11+$0x4000]  }
0x26d: {  	s8 =	sor.u32 $0x10060, s11;
	v5 =	vld [tilespmem:s11+$0x4010]  }
0x26e: {  	v6 =	vld [tilespmem:s11+$0x4020]  }
0x26f: {  	s21 =	sor.u32 $0x10070, s11;
	v2 =	vld [tilespmem:s11+$0x4030]  }
0x270: {  	[tilespmem:s21+$0x0] =	vst.add.f32.msk $0xffff, v0  }
0x271: {  	v3 =	vld [tilespmem:s11+$0x4040]  }
.Ltmp12:
0x272: {  	v0 =	vld [tilespmem:s11+$0x4050];
	(pc) =	sbr.rel @p0 .LBB2_26-.Ltmp12, $4  }
0x273: {  	v1 =	vld [tilespmem:s11+$0x4060]  }
0x274: {  	[tilespmem:s12+$0x0] =	vst.add.f32.msk $0xffff, v4  }
0x275: {  	[tilespmem:s13+$0x0] =	vst.add.f32.msk $0xffff, v5  }
0x276: {  	[tilespmem:s14+$0x0] =	vst.add.f32.msk $0xffff, v6  }
0x277: {  	[tilespmem:s10+$0x0] =	vst.add.f32.msk $0xffff, v2  }
0x278: {  	[tilespmem:s9+$0x0] =	vst.add.f32.msk $0xffff, v3  }
0x279: {  	[tilespmem:s7+$0x0] =	vst.add.f32.msk $0xffff, v0  }
0x27a: {  	[tilespmem:s8+$0x0] =	vst.add.f32.msk $0xffff, v1  }
0x27b: {  	s5 =	rddreg [dreg:$0x1e]  }
0x27c: {  	s4 =	simm.s32 $0x0;
	s10 =	sld [smem:$0x7D6]  }
0x27d: {  	[hbm4b:s5+s4] =	stream.linear.scatter [tilespmem:s17], [sflag:$0xA], $0x4000, $0x38;
	[tilespmem:$0x1C000] =	vst v63  }
0x27e: {  	_ = 	snop  }
0x27f: {  	[tilespmem:s4], [sflag:$0x1] =	stream.linear.gather [hbm4b:s10+s4], $0x4000, $0x38;
	[tilespmem:$0x1C000] =	vst v63  }
0x280: {  	_ =	swait.ge [sflag:s26], $0x4000  }
0x281: {  	[sflag:s26] =	ssyncset.done $0x0  }
0x282: {  	[sflag:s26] =	ssyncadd.s32 $0xFFFFC000  }
0x283: {  	s5 =	simm.s32 $0x0;
	_ =	swait.ge [sflag:s28], $0x4000  }
0x284: {  	s12 =	sand.u32 $0x1C00, s4;
	s6 =	sand.u32 $0x2000, s5;
	s11 =	sld [smem:$0x7D7]  }
0x285: {  	s13 =	sand.u32 $0x380, s4;
	s6 =	sor.u32 s6, s12;
	[sflag:s28] =	ssyncset.done $0x0  }
0x286: {  	s6 =	sor.u32 s13, s6;
	[sflag:s28] =	ssyncadd.s32 $0xFFFFC000  }
0x287: {  	[tilespmem:s16], [sflag:$0x4] =	stream.linear.gather [hbm4b:s11+s4], $0x4000, $0x38;
	[tilespmem:$0x1C000] =	vst v63  }
0x288: {  	v0 =	vld [tilespmem:s6+$0x4070]  }
0x289: {  	v4 =	vld [tilespmem:s6+$0x4000]  }
0x28a: {  	v5 =	vld [tilespmem:s6+$0x4010]  }
0x28b: {  	v6 =	vld [tilespmem:s6+$0x4020]  }
0x28c: {  	v2 =	vld [tilespmem:s6+$0x4030]  }
0x28d: {  	v3 =	vld [tilespmem:s6+$0x4040]  }
0x28e: {  	s7 =	sor.u32 $0x14070, s6;
	v1 =	vld [tilespmem:s6+$0x4060]  }
0x28f: {  	[tilespmem:s7+$0x0] =	vst.add.f32.msk $0xffff, v0  }
0x290: {  	s14 =	sor.u32 $0x14000, s6;
	v0 =	vld [tilespmem:s6+$0x4050]  }
0x291: {  	s21 =	sor.u32 $0x14010, s6;
	[tilespmem:s14+$0x0] =	vst.add.f32.msk $0xffff, v4  }
0x292: {  	s10 =	sor.u32 $0x14030, s6;
	s9 =	sor.u32 $0x14040, s6;
	s11 =	sor.u32 $0x14020, s6;
	[tilespmem:s21+$0x0] =	vst.add.f32.msk $0xffff, v5  }
0x293: {  	s8 =	sor.u32 $0x14060, s6;
	s7 =	sor.u32 $0x14050, s6;
	[tilespmem:s11+$0x0] =	vst.add.f32.msk $0xffff, v6;
	s6 =	simm.s32 $0x0  }
.LBB2_28:
0x294: {  	s5 =	sadd.s32 $0x80, s5;
	[tilespmem:s10+$0x0] =	vst.add.f32.msk $0xffff, v2;
	s4 =	sadd.s32 $0x400, s4  }
0x295: {  	s6 =	sadd.s32 $0x10, s6;
	s10 =	sand.u32 $0x2000, s5;
	s11 =	sand.u32 $0x1C00, s4;
	[tilespmem:s9+$0x0] =	vst.add.f32.msk $0xffff, v3  }
0x296: {  	p0 =	slt.u32 s5, $0x3F80;
	s9 =	sor.u32 s10, s11;
	s10 =	sand.u32 $0x380, s6;
	[tilespmem:s7+$0x0] =	vst.add.f32.msk $0xffff, v0  }
0x297: {  	s11 =	sor.u32 s10, s9;
	[tilespmem:s8+$0x0] =	vst.add.f32.msk $0xffff, v1  }
0x298: {  	s12 =	sor.u32 $0x14000, s11;
	s13 =	sor.u32 $0x14010, s11;
	s14 =	sor.u32 $0x14020, s11;
	v0 =	vld [tilespmem:s11+$0x4070]  }
0x299: {  	s10 =	sor.u32 $0x14030, s11;
	s9 =	sor.u32 $0x14040, s11;
	s7 =	sor.u32 $0x14050, s11;
	v4 =	vld [tilespmem:s11+$0x4000]  }
0x29a: {  	s8 =	sor.u32 $0x14060, s11;
	v5 =	vld [tilespmem:s11+$0x4010]  }
0x29b: {  	v6 =	vld [tilespmem:s11+$0x4020]  }
0x29c: {  	s21 =	sor.u32 $0x14070, s11;
	v2 =	vld [tilespmem:s11+$0x4030]  }
0x29d: {  	[tilespmem:s21+$0x0] =	vst.add.f32.msk $0xffff, v0  }
0x29e: {  	v3 =	vld [tilespmem:s11+$0x4040]  }
.Ltmp13:
0x29f: {  	v0 =	vld [tilespmem:s11+$0x4050];
	(pc) =	sbr.rel @p0 .LBB2_28-.Ltmp13, $4  }
0x2a0: {  	v1 =	vld [tilespmem:s11+$0x4060]  }
0x2a1: {  	[tilespmem:s12+$0x0] =	vst.add.f32.msk $0xffff, v4  }
0x2a2: {  	[tilespmem:s13+$0x0] =	vst.add.f32.msk $0xffff, v5  }
0x2a3: {  	[tilespmem:s14+$0x0] =	vst.add.f32.msk $0xffff, v6  }
0x2a4: {  	[tilespmem:s10+$0x0] =	vst.add.f32.msk $0xffff, v2  }
0x2a5: {  	[tilespmem:s9+$0x0] =	vst.add.f32.msk $0xffff, v3  }
0x2a6: {  	[tilespmem:s7+$0x0] =	vst.add.f32.msk $0xffff, v0  }
0x2a7: {  	[tilespmem:s8+$0x0] =	vst.add.f32.msk $0xffff, v1  }
0x2a8: {  	s5 =	sld [smem:$0x7D1];
	_ =	sdelay $0x1  }
0x2a9: {  	s4 =	simm.s32 $0x0  }
0x2aa: {  	[hbm4b:s5+s4] =	stream.linear.scatter [tilespmem:s20], [sflag:$0xB], $0x4000, $0x38;
	[tilespmem:$0x1C000] =	vst v63  }
0x2ab: {  	_ =	swait.ge [sflag:s30], $0x4000  }
0x2ac: {  	[sflag:s30] =	ssyncset.done $0x0  }
0x2ad: {  	[sflag:s30] =	ssyncadd.s32 $0xFFFFC000  }
0x2ae: {  	s5 =	simm.s32 $0x0;
	_ =	swait.ge [sflag:s31], $0x4000  }
0x2af: {  	s12 =	sand.u32 $0x1C00, s4;
	s6 =	sand.u32 $0x2000, s5;
	s11 =	sld [smem:$0x7D9]  }
0x2b0: {  	s13 =	sand.u32 $0x380, s4;
	s6 =	sor.u32 s6, s12;
	[sflag:s31] =	ssyncset.done $0x0  }
0x2b1: {  	s6 =	sor.u32 s13, s6;
	[sflag:s31] =	ssyncadd.s32 $0xFFFFC000  }
0x2b2: {  	[tilespmem:s17], [sflag:$0x5] =	stream.linear.gather [hbm4b:s11+s4], $0x4000, $0x38;
	[tilespmem:$0x1C000] =	vst v63  }
0x2b3: {  	v0 =	vld [tilespmem:s6+$0x4070]  }
0x2b4: {  	v4 =	vld [tilespmem:s6+$0x4000]  }
0x2b5: {  	v5 =	vld [tilespmem:s6+$0x4010]  }
0x2b6: {  	v6 =	vld [tilespmem:s6+$0x4020]  }
0x2b7: {  	v2 =	vld [tilespmem:s6+$0x4030]  }
0x2b8: {  	v3 =	vld [tilespmem:s6+$0x4040]  }
0x2b9: {  	s7 =	sor.u32 $0x18070, s6;
	v1 =	vld [tilespmem:s6+$0x4060]  }
0x2ba: {  	[tilespmem:s7+$0x0] =	vst.add.f32.msk $0xffff, v0  }
0x2bb: {  	s14 =	sor.u32 $0x18000, s6;
	v0 =	vld [tilespmem:s6+$0x4050]  }
0x2bc: {  	s21 =	sor.u32 $0x18010, s6;
	[tilespmem:s14+$0x0] =	vst.add.f32.msk $0xffff, v4  }
0x2bd: {  	s10 =	sor.u32 $0x18030, s6;
	s9 =	sor.u32 $0x18040, s6;
	s11 =	sor.u32 $0x18020, s6;
	[tilespmem:s21+$0x0] =	vst.add.f32.msk $0xffff, v5  }
0x2be: {  	s8 =	sor.u32 $0x18060, s6;
	s7 =	sor.u32 $0x18050, s6;
	[tilespmem:s11+$0x0] =	vst.add.f32.msk $0xffff, v6;
	s6 =	simm.s32 $0x0  }
.LBB2_30:
0x2bf: {  	s5 =	sadd.s32 $0x80, s5;
	[tilespmem:s10+$0x0] =	vst.add.f32.msk $0xffff, v2;
	s4 =	sadd.s32 $0x400, s4  }
0x2c0: {  	s6 =	sadd.s32 $0x10, s6;
	s10 =	sand.u32 $0x2000, s5;
	s11 =	sand.u32 $0x1C00, s4;
	[tilespmem:s9+$0x0] =	vst.add.f32.msk $0xffff, v3  }
0x2c1: {  	p0 =	slt.u32 s5, $0x3F80;
	s9 =	sor.u32 s10, s11;
	s10 =	sand.u32 $0x380, s6;
	[tilespmem:s7+$0x0] =	vst.add.f32.msk $0xffff, v0  }
0x2c2: {  	s11 =	sor.u32 s10, s9;
	[tilespmem:s8+$0x0] =	vst.add.f32.msk $0xffff, v1  }
0x2c3: {  	s12 =	sor.u32 $0x18000, s11;
	s13 =	sor.u32 $0x18010, s11;
	s14 =	sor.u32 $0x18020, s11;
	v0 =	vld [tilespmem:s11+$0x4070]  }
0x2c4: {  	s10 =	sor.u32 $0x18030, s11;
	s9 =	sor.u32 $0x18040, s11;
	s7 =	sor.u32 $0x18050, s11;
	v4 =	vld [tilespmem:s11+$0x4000]  }
0x2c5: {  	s8 =	sor.u32 $0x18060, s11;
	v5 =	vld [tilespmem:s11+$0x4010]  }
0x2c6: {  	v6 =	vld [tilespmem:s11+$0x4020]  }
0x2c7: {  	s21 =	sor.u32 $0x18070, s11;
	v2 =	vld [tilespmem:s11+$0x4030]  }
0x2c8: {  	[tilespmem:s21+$0x0] =	vst.add.f32.msk $0xffff, v0  }
0x2c9: {  	v3 =	vld [tilespmem:s11+$0x4040]  }
.Ltmp14:
0x2ca: {  	v0 =	vld [tilespmem:s11+$0x4050];
	(pc) =	sbr.rel @p0 .LBB2_30-.Ltmp14, $4  }
0x2cb: {  	v1 =	vld [tilespmem:s11+$0x4060]  }
0x2cc: {  	[tilespmem:s12+$0x0] =	vst.add.f32.msk $0xffff, v4  }
0x2cd: {  	[tilespmem:s13+$0x0] =	vst.add.f32.msk $0xffff, v5  }
0x2ce: {  	[tilespmem:s14+$0x0] =	vst.add.f32.msk $0xffff, v6  }
0x2cf: {  	[tilespmem:s10+$0x0] =	vst.add.f32.msk $0xffff, v2  }
0x2d0: {  	[tilespmem:s9+$0x0] =	vst.add.f32.msk $0xffff, v3  }
0x2d1: {  	[tilespmem:s7+$0x0] =	vst.add.f32.msk $0xffff, v0  }
0x2d2: {  	[tilespmem:s8+$0x0] =	vst.add.f32.msk $0xffff, v1  }
0x2d3: {  	s5 =	sld [smem:$0x7D3];
	_ =	sdelay $0x1  }
0x2d4: {  	s4 =	simm.s32 $0x0  }
0x2d5: {  	[hbm4b:s5+s4] =	stream.linear.scatter [tilespmem:s23], [sflag:$0xC], $0x4000, $0x38;
	[tilespmem:$0x1C000] =	vst v63  }
0x2d6: {  	_ =	swait.ge [sflag:s19], $0x4000  }
0x2d7: {  	[sflag:s19] =	ssyncset.done $0x0  }
0x2d8: {  	[sflag:s19] =	ssyncadd.s32 $0xFFFFC000  }
0x2d9: {  	s5 =	simm.s32 $0x0;
	_ =	swait.ge [sflag:s0], $0x4000  }
0x2da: {  	s12 =	sand.u32 $0x1C00, s4;
	s6 =	sand.u32 $0x2000, s5;
	s11 =	sld [smem:$0x7DB]  }
0x2db: {  	s13 =	sand.u32 $0x380, s4;
	s6 =	sor.u32 s6, s12;
	[sflag:s0] =	ssyncset.done $0x0  }
0x2dc: {  	s6 =	sor.u32 s13, s6;
	[sflag:s0] =	ssyncadd.s32 $0xFFFFC000  }
0x2dd: {  	[tilespmem:s20], [sflag:$0x6] =	stream.linear.gather [hbm4b:s11+s4], $0x4000, $0x38;
	[tilespmem:$0x1C000] =	vst v63  }
0x2de: {  	v0 =	vld [tilespmem:s6+$0x4070]  }
0x2df: {  	v4 =	vld [tilespmem:s6+$0x4000]  }
0x2e0: {  	v5 =	vld [tilespmem:s6+$0x4010]  }
0x2e1: {  	v6 =	vld [tilespmem:s6+$0x4020]  }
0x2e2: {  	v2 =	vld [tilespmem:s6+$0x4030]  }
0x2e3: {  	v3 =	vld [tilespmem:s6+$0x4040]  }
0x2e4: {  	s7 =	sor.u32 $0x8070, s6;
	v1 =	vld [tilespmem:s6+$0x4060]  }
0x2e5: {  	[tilespmem:s7+$0x0] =	vst.add.f32.msk $0xffff, v0  }
0x2e6: {  	s14 =	sor.u32 $0x8000, s6;
	v0 =	vld [tilespmem:s6+$0x4050]  }
0x2e7: {  	s21 =	sor.u32 $0x8010, s6;
	[tilespmem:s14+$0x0] =	vst.add.f32.msk $0xffff, v4  }
0x2e8: {  	s10 =	sor.u32 $0x8030, s6;
	s9 =	sor.u32 $0x8040, s6;
	s11 =	sor.u32 $0x8020, s6;
	[tilespmem:s21+$0x0] =	vst.add.f32.msk $0xffff, v5  }
0x2e9: {  	s8 =	sor.u32 $0x8060, s6;
	s7 =	sor.u32 $0x8050, s6;
	[tilespmem:s11+$0x0] =	vst.add.f32.msk $0xffff, v6;
	s6 =	simm.s32 $0x0  }
.LBB2_32:
0x2ea: {  	s5 =	sadd.s32 $0x80, s5;
	[tilespmem:s10+$0x0] =	vst.add.f32.msk $0xffff, v2;
	s4 =	sadd.s32 $0x400, s4  }
0x2eb: {  	s6 =	sadd.s32 $0x10, s6;
	s10 =	sand.u32 $0x2000, s5;
	s11 =	sand.u32 $0x1C00, s4;
	[tilespmem:s9+$0x0] =	vst.add.f32.msk $0xffff, v3  }
0x2ec: {  	p0 =	slt.u32 s5, $0x3F80;
	s9 =	sor.u32 s10, s11;
	s10 =	sand.u32 $0x380, s6;
	[tilespmem:s7+$0x0] =	vst.add.f32.msk $0xffff, v0  }
0x2ed: {  	s11 =	sor.u32 s10, s9;
	[tilespmem:s8+$0x0] =	vst.add.f32.msk $0xffff, v1  }
0x2ee: {  	s12 =	sor.u32 $0x8000, s11;
	s13 =	sor.u32 $0x8010, s11;
	s14 =	sor.u32 $0x8020, s11;
	v0 =	vld [tilespmem:s11+$0x4070]  }
0x2ef: {  	s10 =	sor.u32 $0x8030, s11;
	s9 =	sor.u32 $0x8040, s11;
	s7 =	sor.u32 $0x8050, s11;
	v4 =	vld [tilespmem:s11+$0x4000]  }
0x2f0: {  	s8 =	sor.u32 $0x8060, s11;
	v5 =	vld [tilespmem:s11+$0x4010]  }
0x2f1: {  	v6 =	vld [tilespmem:s11+$0x4020]  }
0x2f2: {  	s21 =	sor.u32 $0x8070, s11;
	v2 =	vld [tilespmem:s11+$0x4030]  }
0x2f3: {  	[tilespmem:s21+$0x0] =	vst.add.f32.msk $0xffff, v0  }
0x2f4: {  	v3 =	vld [tilespmem:s11+$0x4040]  }
.Ltmp15:
0x2f5: {  	v0 =	vld [tilespmem:s11+$0x4050];
	(pc) =	sbr.rel @p0 .LBB2_32-.Ltmp15, $4  }
0x2f6: {  	v1 =	vld [tilespmem:s11+$0x4060]  }
0x2f7: {  	[tilespmem:s12+$0x0] =	vst.add.f32.msk $0xffff, v4  }
0x2f8: {  	[tilespmem:s13+$0x0] =	vst.add.f32.msk $0xffff, v5  }
0x2f9: {  	[tilespmem:s14+$0x0] =	vst.add.f32.msk $0xffff, v6  }
0x2fa: {  	[tilespmem:s10+$0x0] =	vst.add.f32.msk $0xffff, v2  }
0x2fb: {  	[tilespmem:s9+$0x0] =	vst.add.f32.msk $0xffff, v3  }
0x2fc: {  	[tilespmem:s7+$0x0] =	vst.add.f32.msk $0xffff, v0  }
0x2fd: {  	[tilespmem:s8+$0x0] =	vst.add.f32.msk $0xffff, v1  }
0x2fe: {  	s5 =	sld [smem:$0x7D5];
	_ =	sdelay $0x1  }
0x2ff: {  	s4 =	simm.s32 $0x0  }
0x300: {  	[hbm4b:s5+s4] =	stream.linear.scatter [tilespmem:s15], [sflag:$0x8], $0x4000, $0x38;
	[tilespmem:$0x1C000] =	vst v63  }
0x301: {  	_ =	swait.ge [sflag:s18], $0x4000  }
0x302: {  	[sflag:s18] =	ssyncset.done $0x0  }
0x303: {  	[sflag:s18] =	ssyncadd.s32 $0xFFFFC000  }
0x304: {  	_ =	swait.ge [sflag:s22], $0x4000  }
0x305: {  	[sflag:s22] =	ssyncset.done $0x0  }
0x306: {  	[sflag:s22] =	ssyncadd.s32 $0xFFFFC000  }
0x307: {  	s5 =	simm.s32 $0x0;
	_ =	swait.ge [sflag:s2], $0x4000  }
0x308: {  	s12 =	sand.u32 $0x1C00, s4;
	s6 =	sand.u32 $0x2000, s5;
	s11 =	sld [smem:$0x7DD]  }
0x309: {  	s13 =	sand.u32 $0x380, s4;
	s6 =	sor.u32 s6, s12;
	[sflag:s2] =	ssyncset.done $0x0  }
0x30a: {  	s6 =	sor.u32 s13, s6;
	[sflag:s2] =	ssyncadd.s32 $0xFFFFC000  }
0x30b: {  	[tilespmem:s23], [sflag:$0x7] =	stream.linear.gather [hbm4b:s11+s4], $0x4000, $0x38;
	[tilespmem:$0x1C000] =	vst v63  }
0x30c: {  	v0 =	vld [tilespmem:s6+$0x70]  }
0x30d: {  	v4 =	vld [tilespmem:s6+$0x0]  }
0x30e: {  	v5 =	vld [tilespmem:s6+$0x10]  }
0x30f: {  	v6 =	vld [tilespmem:s6+$0x20]  }
0x310: {  	v2 =	vld [tilespmem:s6+$0x30]  }
0x311: {  	v3 =	vld [tilespmem:s6+$0x40]  }
0x312: {  	s7 =	sor.u32 $0xC070, s6;
	v1 =	vld [tilespmem:s6+$0x60]  }
0x313: {  	[tilespmem:s7+$0x0] =	vst.add.f32.msk $0xffff, v0  }
0x314: {  	s14 =	sor.u32 $0xC000, s6;
	v0 =	vld [tilespmem:s6+$0x50]  }
0x315: {  	s21 =	sor.u32 $0xC010, s6;
	[tilespmem:s14+$0x0] =	vst.add.f32.msk $0xffff, v4  }
0x316: {  	s10 =	sor.u32 $0xC030, s6;
	s9 =	sor.u32 $0xC040, s6;
	s11 =	sor.u32 $0xC020, s6;
	[tilespmem:s21+$0x0] =	vst.add.f32.msk $0xffff, v5  }
0x317: {  	s8 =	sor.u32 $0xC060, s6;
	s7 =	sor.u32 $0xC050, s6;
	[tilespmem:s11+$0x0] =	vst.add.f32.msk $0xffff, v6;
	s6 =	simm.s32 $0x0  }
.LBB2_34:
0x318: {  	s5 =	sadd.s32 $0x80, s5;
	[tilespmem:s10+$0x0] =	vst.add.f32.msk $0xffff, v2;
	s4 =	sadd.s32 $0x400, s4  }
0x319: {  	s6 =	sadd.s32 $0x10, s6;
	s10 =	sand.u32 $0x2000, s5;
	s11 =	sand.u32 $0x1C00, s4;
	[tilespmem:s9+$0x0] =	vst.add.f32.msk $0xffff, v3  }
0x31a: {  	p0 =	slt.u32 s5, $0x3F80;
	s9 =	sor.u32 s10, s11;
	s10 =	sand.u32 $0x380, s6;
	[tilespmem:s7+$0x0] =	vst.add.f32.msk $0xffff, v0  }
0x31b: {  	s11 =	sor.u32 s10, s9;
	[tilespmem:s8+$0x0] =	vst.add.f32.msk $0xffff, v1  }
0x31c: {  	s12 =	sor.u32 $0xC000, s11;
	s13 =	sor.u32 $0xC010, s11;
	s14 =	sor.u32 $0xC020, s11;
	v0 =	vld [tilespmem:s11+$0x70]  }
0x31d: {  	s10 =	sor.u32 $0xC030, s11;
	s9 =	sor.u32 $0xC040, s11;
	s7 =	sor.u32 $0xC050, s11;
	v4 =	vld [tilespmem:s11+$0x0]  }
0x31e: {  	s8 =	sor.u32 $0xC060, s11;
	v5 =	vld [tilespmem:s11+$0x10]  }
0x31f: {  	v6 =	vld [tilespmem:s11+$0x20]  }
0x320: {  	s21 =	sor.u32 $0xC070, s11;
	v2 =	vld [tilespmem:s11+$0x30]  }
0x321: {  	[tilespmem:s21+$0x0] =	vst.add.f32.msk $0xffff, v0  }
0x322: {  	v3 =	vld [tilespmem:s11+$0x40]  }
.Ltmp16:
0x323: {  	v0 =	vld [tilespmem:s11+$0x50];
	(pc) =	sbr.rel @p0 .LBB2_34-.Ltmp16, $4  }
0x324: {  	v1 =	vld [tilespmem:s11+$0x60]  }
0x325: {  	[tilespmem:s12+$0x0] =	vst.add.f32.msk $0xffff, v4  }
0x326: {  	[tilespmem:s13+$0x0] =	vst.add.f32.msk $0xffff, v5  }
0x327: {  	[tilespmem:s14+$0x0] =	vst.add.f32.msk $0xffff, v6  }
0x328: {  	[tilespmem:s10+$0x0] =	vst.add.f32.msk $0xffff, v2  }
0x329: {  	[tilespmem:s9+$0x0] =	vst.add.f32.msk $0xffff, v3  }
0x32a: {  	[tilespmem:s7+$0x0] =	vst.add.f32.msk $0xffff, v0  }
0x32b: {  	[tilespmem:s8+$0x0] =	vst.add.f32.msk $0xffff, v1  }
0x32c: {  	s5 =	sld [smem:$0x7D8];
	_ =	sdelay $0x1  }
0x32d: {  	s4 =	simm.s32 $0x0;
	s9 =	sld [smem:$0x7DF]  }
0x32e: {  	[hbm4b:s5+s4] =	stream.linear.scatter [tilespmem:s16], [sflag:$0x9], $0x4000, $0x38;
	[tilespmem:$0x1C000] =	vst v63  }
0x32f: {  	s6 =	simm.s32 $0x4000  }
0x330: {  	[tilespmem:s6], [sflag:$0x2] =	stream.linear.gather [hbm4b:s9+s4], $0x4000, $0x38;
	[tilespmem:$0x1C000] =	vst v63  }
0x331: {  	_ =	swait.ge [sflag:s24], $0x4000  }
0x332: {  	[sflag:s24] =	ssyncset.done $0x0  }
0x333: {  	[sflag:s24] =	ssyncadd.s32 $0xFFFFC000  }
0x334: {  	s5 =	simm.s32 $0x0;
	_ =	swait.ge [sflag:s25], $0x4000  }
0x335: {  	s12 =	sand.u32 $0x1C00, s4;
	s11 =	sand.u32 $0x2000, s5;
	s10 =	sld [smem:$0x7E0]  }
0x336: {  	s13 =	sand.u32 $0x380, s4;
	s6 =	sor.u32 s11, s12;
	[sflag:s25] =	ssyncset.done $0x0  }
0x337: {  	s6 =	sor.u32 s13, s6;
	[sflag:s25] =	ssyncadd.s32 $0xFFFFC000  }
0x338: {  	[tilespmem:s15], [sflag:$0x3] =	stream.linear.gather [hbm4b:s10+s4], $0x4000, $0x38;
	[tilespmem:$0x1C000] =	vst v63  }
0x339: {  	v0 =	vld [tilespmem:s6+$0x70]  }
0x33a: {  	v4 =	vld [tilespmem:s6+$0x0]  }
0x33b: {  	v5 =	vld [tilespmem:s6+$0x10]  }
0x33c: {  	v6 =	vld [tilespmem:s6+$0x20]  }
0x33d: {  	v2 =	vld [tilespmem:s6+$0x30]  }
0x33e: {  	v3 =	vld [tilespmem:s6+$0x40]  }
0x33f: {  	s7 =	sor.u32 $0x10070, s6;
	v1 =	vld [tilespmem:s6+$0x60]  }
0x340: {  	[tilespmem:s7+$0x0] =	vst.add.f32.msk $0xffff, v0  }
0x341: {  	s14 =	sor.u32 $0x10000, s6;
	v0 =	vld [tilespmem:s6+$0x50]  }
0x342: {  	s21 =	sor.u32 $0x10010, s6;
	[tilespmem:s14+$0x0] =	vst.add.f32.msk $0xffff, v4  }
0x343: {  	s11 =	sor.u32 $0x10020, s6;
	s9 =	sor.u32 $0x10040, s6;
	s8 =	sor.u32 $0x10060, s6;
	[tilespmem:s21+$0x0] =	vst.add.f32.msk $0xffff, v5  }
0x344: {  	s10 =	sor.u32 $0x10030, s6;
	s7 =	sor.u32 $0x10050, s6;
	[tilespmem:s11+$0x0] =	vst.add.f32.msk $0xffff, v6;
	s6 =	simm.s32 $0x0  }
.LBB2_36:
0x345: {  	s5 =	sadd.s32 $0x80, s5;
	[tilespmem:s10+$0x0] =	vst.add.f32.msk $0xffff, v2;
	s4 =	sadd.s32 $0x400, s4  }
0x346: {  	s6 =	sadd.s32 $0x10, s6;
	s10 =	sand.u32 $0x2000, s5;
	s11 =	sand.u32 $0x1C00, s4;
	[tilespmem:s9+$0x0] =	vst.add.f32.msk $0xffff, v3  }
0x347: {  	p0 =	slt.u32 s5, $0x3F80;
	s9 =	sor.u32 s10, s11;
	s10 =	sand.u32 $0x380, s6;
	[tilespmem:s7+$0x0] =	vst.add.f32.msk $0xffff, v0  }
0x348: {  	s11 =	sor.u32 s10, s9;
	[tilespmem:s8+$0x0] =	vst.add.f32.msk $0xffff, v1  }
0x349: {  	s12 =	sor.u32 $0x10000, s11;
	s13 =	sor.u32 $0x10010, s11;
	s14 =	sor.u32 $0x10020, s11;
	v0 =	vld [tilespmem:s11+$0x70]  }
0x34a: {  	s10 =	sor.u32 $0x10030, s11;
	s9 =	sor.u32 $0x10040, s11;
	s7 =	sor.u32 $0x10050, s11;
	v4 =	vld [tilespmem:s11+$0x0]  }
0x34b: {  	s8 =	sor.u32 $0x10060, s11;
	v5 =	vld [tilespmem:s11+$0x10]  }
0x34c: {  	v6 =	vld [tilespmem:s11+$0x20]  }
0x34d: {  	s21 =	sor.u32 $0x10070, s11;
	v2 =	vld [tilespmem:s11+$0x30]  }
0x34e: {  	[tilespmem:s21+$0x0] =	vst.add.f32.msk $0xffff, v0  }
0x34f: {  	v3 =	vld [tilespmem:s11+$0x40]  }
.Ltmp17:
0x350: {  	v0 =	vld [tilespmem:s11+$0x50];
	(pc) =	sbr.rel @p0 .LBB2_36-.Ltmp17, $4  }
0x351: {  	v1 =	vld [tilespmem:s11+$0x60]  }
0x352: {  	[tilespmem:s12+$0x0] =	vst.add.f32.msk $0xffff, v4  }
0x353: {  	[tilespmem:s13+$0x0] =	vst.add.f32.msk $0xffff, v5  }
0x354: {  	[tilespmem:s14+$0x0] =	vst.add.f32.msk $0xffff, v6  }
0x355: {  	[tilespmem:s10+$0x0] =	vst.add.f32.msk $0xffff, v2  }
0x356: {  	[tilespmem:s9+$0x0] =	vst.add.f32.msk $0xffff, v3  }
0x357: {  	[tilespmem:s7+$0x0] =	vst.add.f32.msk $0xffff, v0  }
0x358: {  	[tilespmem:s8+$0x0] =	vst.add.f32.msk $0xffff, v1  }
0x359: {  	s5 =	sld [smem:$0x7DA];
	_ =	sdelay $0x1  }
0x35a: {  	s4 =	simm.s32 $0x0  }
0x35b: {  	[hbm4b:s5+s4] =	stream.linear.scatter [tilespmem:s17], [sflag:$0xA], $0x4000, $0x38;
	[tilespmem:$0x1C000] =	vst v63  }
0x35c: {  	_ =	swait.ge [sflag:s26], $0x4000  }
0x35d: {  	[sflag:s26] =	ssyncset.done $0x0  }
0x35e: {  	[sflag:s26] =	ssyncadd.s32 $0xFFFFC000  }
0x35f: {  	s5 =	simm.s32 $0x0;
	_ =	swait.ge [sflag:s28], $0x4000  }
0x360: {  	s12 =	sand.u32 $0x1C00, s4;
	s6 =	sand.u32 $0x2000, s5;
	s11 =	sld [smem:$0x7E2]  }
0x361: {  	s13 =	sand.u32 $0x380, s4;
	s6 =	sor.u32 s6, s12;
	[sflag:s28] =	ssyncset.done $0x0  }
0x362: {  	s6 =	sor.u32 s13, s6;
	[sflag:s28] =	ssyncadd.s32 $0xFFFFC000  }
0x363: {  	[tilespmem:s16], [sflag:$0x4] =	stream.linear.gather [hbm4b:s11+s4], $0x4000, $0x38;
	[tilespmem:$0x1C000] =	vst v63  }
0x364: {  	v0 =	vld [tilespmem:s6+$0x70]  }
0x365: {  	v4 =	vld [tilespmem:s6+$0x0]  }
0x366: {  	v5 =	vld [tilespmem:s6+$0x10]  }
0x367: {  	v6 =	vld [tilespmem:s6+$0x20]  }
0x368: {  	v2 =	vld [tilespmem:s6+$0x30]  }
0x369: {  	v3 =	vld [tilespmem:s6+$0x40]  }
0x36a: {  	s7 =	sor.u32 $0x14070, s6;
	v1 =	vld [tilespmem:s6+$0x60]  }
0x36b: {  	[tilespmem:s7+$0x0] =	vst.add.f32.msk $0xffff, v0  }
0x36c: {  	s14 =	sor.u32 $0x14000, s6;
	v0 =	vld [tilespmem:s6+$0x50]  }
0x36d: {  	s21 =	sor.u32 $0x14010, s6;
	[tilespmem:s14+$0x0] =	vst.add.f32.msk $0xffff, v4  }
0x36e: {  	s10 =	sor.u32 $0x14030, s6;
	s9 =	sor.u32 $0x14040, s6;
	s11 =	sor.u32 $0x14020, s6;
	[tilespmem:s21+$0x0] =	vst.add.f32.msk $0xffff, v5  }
0x36f: {  	s8 =	sor.u32 $0x14060, s6;
	s7 =	sor.u32 $0x14050, s6;
	[tilespmem:s11+$0x0] =	vst.add.f32.msk $0xffff, v6;
	s6 =	simm.s32 $0x0  }
.LBB2_38:
0x370: {  	s5 =	sadd.s32 $0x80, s5;
	[tilespmem:s10+$0x0] =	vst.add.f32.msk $0xffff, v2;
	s4 =	sadd.s32 $0x400, s4  }
0x371: {  	s6 =	sadd.s32 $0x10, s6;
	s10 =	sand.u32 $0x2000, s5;
	s11 =	sand.u32 $0x1C00, s4;
	[tilespmem:s9+$0x0] =	vst.add.f32.msk $0xffff, v3  }
0x372: {  	p0 =	slt.u32 s5, $0x3F80;
	s9 =	sor.u32 s10, s11;
	s10 =	sand.u32 $0x380, s6;
	[tilespmem:s7+$0x0] =	vst.add.f32.msk $0xffff, v0  }
0x373: {  	s11 =	sor.u32 s10, s9;
	[tilespmem:s8+$0x0] =	vst.add.f32.msk $0xffff, v1  }
0x374: {  	s12 =	sor.u32 $0x14000, s11;
	s13 =	sor.u32 $0x14010, s11;
	s14 =	sor.u32 $0x14020, s11;
	v0 =	vld [tilespmem:s11+$0x70]  }
0x375: {  	s10 =	sor.u32 $0x14030, s11;
	s9 =	sor.u32 $0x14040, s11;
	s7 =	sor.u32 $0x14050, s11;
	v4 =	vld [tilespmem:s11+$0x0]  }
0x376: {  	s8 =	sor.u32 $0x14060, s11;
	v5 =	vld [tilespmem:s11+$0x10]  }
0x377: {  	v6 =	vld [tilespmem:s11+$0x20]  }
0x378: {  	s21 =	sor.u32 $0x14070, s11;
	v2 =	vld [tilespmem:s11+$0x30]  }
0x379: {  	[tilespmem:s21+$0x0] =	vst.add.f32.msk $0xffff, v0  }
0x37a: {  	v3 =	vld [tilespmem:s11+$0x40]  }
.Ltmp18:
0x37b: {  	v0 =	vld [tilespmem:s11+$0x50];
	(pc) =	sbr.rel @p0 .LBB2_38-.Ltmp18, $4  }
0x37c: {  	v1 =	vld [tilespmem:s11+$0x60]  }
0x37d: {  	[tilespmem:s12+$0x0] =	vst.add.f32.msk $0xffff, v4  }
0x37e: {  	[tilespmem:s13+$0x0] =	vst.add.f32.msk $0xffff, v5  }
0x37f: {  	[tilespmem:s14+$0x0] =	vst.add.f32.msk $0xffff, v6  }
0x380: {  	[tilespmem:s10+$0x0] =	vst.add.f32.msk $0xffff, v2  }
0x381: {  	[tilespmem:s9+$0x0] =	vst.add.f32.msk $0xffff, v3  }
0x382: {  	[tilespmem:s7+$0x0] =	vst.add.f32.msk $0xffff, v0  }
0x383: {  	[tilespmem:s8+$0x0] =	vst.add.f32.msk $0xffff, v1  }
0x384: {  	s5 =	sld [smem:$0x7DC];
	_ =	sdelay $0x1  }
0x385: {  	s4 =	simm.s32 $0x0  }
0x386: {  	[hbm4b:s5+s4] =	stream.linear.scatter [tilespmem:s20], [sflag:$0xB], $0x4000, $0x38;
	[tilespmem:$0x1C000] =	vst v63  }
0x387: {  	_ =	swait.ge [sflag:s30], $0x4000  }
0x388: {  	[sflag:s30] =	ssyncset.done $0x0  }
0x389: {  	[sflag:s30] =	ssyncadd.s32 $0xFFFFC000  }
0x38a: {  	s5 =	simm.s32 $0x0;
	_ =	swait.ge [sflag:s31], $0x4000  }
0x38b: {  	s12 =	sand.u32 $0x1C00, s4;
	s6 =	sand.u32 $0x2000, s5;
	s11 =	sld [smem:$0x7E4]  }
0x38c: {  	s13 =	sand.u32 $0x380, s4;
	s6 =	sor.u32 s6, s12;
	[sflag:s31] =	ssyncset.done $0x0  }
0x38d: {  	s6 =	sor.u32 s13, s6;
	[sflag:s31] =	ssyncadd.s32 $0xFFFFC000  }
0x38e: {  	[tilespmem:s17], [sflag:$0x5] =	stream.linear.gather [hbm4b:s11+s4], $0x4000, $0x38;
	[tilespmem:$0x1C000] =	vst v63  }
0x38f: {  	v0 =	vld [tilespmem:s6+$0x70]  }
0x390: {  	v4 =	vld [tilespmem:s6+$0x0]  }
0x391: {  	v5 =	vld [tilespmem:s6+$0x10]  }
0x392: {  	v6 =	vld [tilespmem:s6+$0x20]  }
0x393: {  	v2 =	vld [tilespmem:s6+$0x30]  }
0x394: {  	v3 =	vld [tilespmem:s6+$0x40]  }
0x395: {  	s7 =	sor.u32 $0x18070, s6;
	v1 =	vld [tilespmem:s6+$0x60]  }
0x396: {  	[tilespmem:s7+$0x0] =	vst.add.f32.msk $0xffff, v0  }
0x397: {  	s14 =	sor.u32 $0x18000, s6;
	v0 =	vld [tilespmem:s6+$0x50]  }
0x398: {  	s21 =	sor.u32 $0x18010, s6;
	[tilespmem:s14+$0x0] =	vst.add.f32.msk $0xffff, v4  }
0x399: {  	s10 =	sor.u32 $0x18030, s6;
	s9 =	sor.u32 $0x18040, s6;
	s11 =	sor.u32 $0x18020, s6;
	[tilespmem:s21+$0x0] =	vst.add.f32.msk $0xffff, v5  }
0x39a: {  	s8 =	sor.u32 $0x18060, s6;
	s7 =	sor.u32 $0x18050, s6;
	[tilespmem:s11+$0x0] =	vst.add.f32.msk $0xffff, v6;
	s6 =	simm.s32 $0x0  }
.LBB2_40:
0x39b: {  	s5 =	sadd.s32 $0x80, s5;
	[tilespmem:s10+$0x0] =	vst.add.f32.msk $0xffff, v2;
	s4 =	sadd.s32 $0x400, s4  }
0x39c: {  	s6 =	sadd.s32 $0x10, s6;
	s10 =	sand.u32 $0x2000, s5;
	s11 =	sand.u32 $0x1C00, s4;
	[tilespmem:s9+$0x0] =	vst.add.f32.msk $0xffff, v3  }
0x39d: {  	p0 =	slt.u32 s5, $0x3F80;
	s9 =	sor.u32 s10, s11;
	s10 =	sand.u32 $0x380, s6;
	[tilespmem:s7+$0x0] =	vst.add.f32.msk $0xffff, v0  }
0x39e: {  	s11 =	sor.u32 s10, s9;
	[tilespmem:s8+$0x0] =	vst.add.f32.msk $0xffff, v1  }
0x39f: {  	s12 =	sor.u32 $0x18000, s11;
	s13 =	sor.u32 $0x18010, s11;
	s14 =	sor.u32 $0x18020, s11;
	v0 =	vld [tilespmem:s11+$0x70]  }
0x3a0: {  	s10 =	sor.u32 $0x18030, s11;
	s9 =	sor.u32 $0x18040, s11;
	s7 =	sor.u32 $0x18050, s11;
	v4 =	vld [tilespmem:s11+$0x0]  }
0x3a1: {  	s8 =	sor.u32 $0x18060, s11;
	v5 =	vld [tilespmem:s11+$0x10]  }
0x3a2: {  	v6 =	vld [tilespmem:s11+$0x20]  }
0x3a3: {  	s21 =	sor.u32 $0x18070, s11;
	v2 =	vld [tilespmem:s11+$0x30]  }
0x3a4: {  	[tilespmem:s21+$0x0] =	vst.add.f32.msk $0xffff, v0  }
0x3a5: {  	v3 =	vld [tilespmem:s11+$0x40]  }
.Ltmp19:
0x3a6: {  	v0 =	vld [tilespmem:s11+$0x50];
	(pc) =	sbr.rel @p0 .LBB2_40-.Ltmp19, $4  }
0x3a7: {  	v1 =	vld [tilespmem:s11+$0x60]  }
0x3a8: {  	[tilespmem:s12+$0x0] =	vst.add.f32.msk $0xffff, v4  }
0x3a9: {  	[tilespmem:s13+$0x0] =	vst.add.f32.msk $0xffff, v5  }
0x3aa: {  	[tilespmem:s14+$0x0] =	vst.add.f32.msk $0xffff, v6  }
0x3ab: {  	[tilespmem:s10+$0x0] =	vst.add.f32.msk $0xffff, v2  }
0x3ac: {  	[tilespmem:s9+$0x0] =	vst.add.f32.msk $0xffff, v3  }
0x3ad: {  	[tilespmem:s7+$0x0] =	vst.add.f32.msk $0xffff, v0  }
0x3ae: {  	[tilespmem:s8+$0x0] =	vst.add.f32.msk $0xffff, v1  }
0x3af: {  	s5 =	sld [smem:$0x7DE];
	_ =	sdelay $0x1  }
0x3b0: {  	s4 =	simm.s32 $0x0  }
0x3b1: {  	[hbm4b:s5+s4] =	stream.linear.scatter [tilespmem:s23], [sflag:$0xC], $0x4000, $0x38;
	[tilespmem:$0x1C000] =	vst v63  }
0x3b2: {  	_ =	swait.ge [sflag:s29], $0x4000  }
0x3b3: {  	[sflag:s29] =	ssyncset.done $0x0  }
0x3b4: {  	[sflag:s29] =	ssyncadd.s32 $0xFFFFC000  }
0x3b5: {  	_ =	swait.ge [sflag:s19], $0x4000  }
0x3b6: {  	[sflag:s19] =	ssyncset.done $0x0  }
0x3b7: {  	[sflag:s19] =	ssyncadd.s32 $0xFFFFC000  }
0x3b8: {  	s5 =	simm.s32 $0x0;
	_ =	swait.ge [sflag:s0], $0x4000  }
0x3b9: {  	s12 =	sand.u32 $0x1C00, s4;
	s6 =	sand.u32 $0x2000, s5;
	s11 =	sld [smem:$0x7E6]  }
0x3ba: {  	s13 =	sand.u32 $0x380, s4;
	s6 =	sor.u32 s6, s12;
	[sflag:s0] =	ssyncset.done $0x0  }
0x3bb: {  	s6 =	sor.u32 s13, s6;
	[sflag:s0] =	ssyncadd.s32 $0xFFFFC000  }
0x3bc: {  	[tilespmem:s20], [sflag:$0x6] =	stream.linear.gather [hbm4b:s11+s4], $0x4000, $0x38;
	[tilespmem:$0x1C000] =	vst v63  }
0x3bd: {  	v0 =	vld [tilespmem:s6+$0x4070]  }
0x3be: {  	v4 =	vld [tilespmem:s6+$0x4000]  }
0x3bf: {  	v5 =	vld [tilespmem:s6+$0x4010]  }
0x3c0: {  	v6 =	vld [tilespmem:s6+$0x4020]  }
0x3c1: {  	v2 =	vld [tilespmem:s6+$0x4030]  }
0x3c2: {  	v3 =	vld [tilespmem:s6+$0x4040]  }
0x3c3: {  	s7 =	sor.u32 $0x8070, s6;
	v1 =	vld [tilespmem:s6+$0x4060]  }
0x3c4: {  	[tilespmem:s7+$0x0] =	vst.add.f32.msk $0xffff, v0  }
0x3c5: {  	s14 =	sor.u32 $0x8000, s6;
	v0 =	vld [tilespmem:s6+$0x4050]  }
0x3c6: {  	s21 =	sor.u32 $0x8010, s6;
	[tilespmem:s14+$0x0] =	vst.add.f32.msk $0xffff, v4  }
0x3c7: {  	s10 =	sor.u32 $0x8030, s6;
	s9 =	sor.u32 $0x8040, s6;
	s11 =	sor.u32 $0x8020, s6;
	[tilespmem:s21+$0x0] =	vst.add.f32.msk $0xffff, v5  }
0x3c8: {  	s8 =	sor.u32 $0x8060, s6;
	s7 =	sor.u32 $0x8050, s6;
	[tilespmem:s11+$0x0] =	vst.add.f32.msk $0xffff, v6;
	s6 =	simm.s32 $0x0  }
.LBB2_42:
0x3c9: {  	s5 =	sadd.s32 $0x80, s5;
	[tilespmem:s10+$0x0] =	vst.add.f32.msk $0xffff, v2;
	s4 =	sadd.s32 $0x400, s4  }
0x3ca: {  	s6 =	sadd.s32 $0x10, s6;
	s10 =	sand.u32 $0x2000, s5;
	s11 =	sand.u32 $0x1C00, s4;
	[tilespmem:s9+$0x0] =	vst.add.f32.msk $0xffff, v3  }
0x3cb: {  	p0 =	slt.u32 s5, $0x3F80;
	s9 =	sor.u32 s10, s11;
	s10 =	sand.u32 $0x380, s6;
	[tilespmem:s7+$0x0] =	vst.add.f32.msk $0xffff, v0  }
0x3cc: {  	s11 =	sor.u32 s10, s9;
	[tilespmem:s8+$0x0] =	vst.add.f32.msk $0xffff, v1  }
0x3cd: {  	s12 =	sor.u32 $0x8000, s11;
	s13 =	sor.u32 $0x8010, s11;
	s14 =	sor.u32 $0x8020, s11;
	v0 =	vld [tilespmem:s11+$0x4070]  }
0x3ce: {  	s10 =	sor.u32 $0x8030, s11;
	s9 =	sor.u32 $0x8040, s11;
	s7 =	sor.u32 $0x8050, s11;
	v4 =	vld [tilespmem:s11+$0x4000]  }
0x3cf: {  	s8 =	sor.u32 $0x8060, s11;
	v5 =	vld [tilespmem:s11+$0x4010]  }
0x3d0: {  	v6 =	vld [tilespmem:s11+$0x4020]  }
0x3d1: {  	s21 =	sor.u32 $0x8070, s11;
	v2 =	vld [tilespmem:s11+$0x4030]  }
0x3d2: {  	[tilespmem:s21+$0x0] =	vst.add.f32.msk $0xffff, v0  }
0x3d3: {  	v3 =	vld [tilespmem:s11+$0x4040]  }
.Ltmp20:
0x3d4: {  	v0 =	vld [tilespmem:s11+$0x4050];
	(pc) =	sbr.rel @p0 .LBB2_42-.Ltmp20, $4  }
0x3d5: {  	v1 =	vld [tilespmem:s11+$0x4060]  }
0x3d6: {  	[tilespmem:s12+$0x0] =	vst.add.f32.msk $0xffff, v4  }
0x3d7: {  	[tilespmem:s13+$0x0] =	vst.add.f32.msk $0xffff, v5  }
0x3d8: {  	[tilespmem:s14+$0x0] =	vst.add.f32.msk $0xffff, v6  }
0x3d9: {  	[tilespmem:s10+$0x0] =	vst.add.f32.msk $0xffff, v2  }
0x3da: {  	[tilespmem:s9+$0x0] =	vst.add.f32.msk $0xffff, v3  }
0x3db: {  	[tilespmem:s7+$0x0] =	vst.add.f32.msk $0xffff, v0  }
0x3dc: {  	[tilespmem:s8+$0x0] =	vst.add.f32.msk $0xffff, v1  }
0x3dd: {  	s5 =	sld [smem:$0x7E1];
	_ =	sdelay $0x1  }
0x3de: {  	s4 =	simm.s32 $0x0;
	s10 =	sld [smem:$0x7E8]  }
0x3df: {  	[hbm4b:s5+s4] =	stream.linear.scatter [tilespmem:s15], [sflag:$0x8], $0x4000, $0x38;
	[tilespmem:$0x1C000] =	vst v63  }
0x3e0: {  	_ = 	snop  }
0x3e1: {  	[tilespmem:s4], [sflag:$0x1] =	stream.linear.gather [hbm4b:s10+s4], $0x4000, $0x38;
	[tilespmem:$0x1C000] =	vst v63  }
0x3e2: {  	_ =	swait.ge [sflag:s22], $0x4000  }
0x3e3: {  	[sflag:s22] =	ssyncset.done $0x0  }
0x3e4: {  	[sflag:s22] =	ssyncadd.s32 $0xFFFFC000  }
0x3e5: {  	s5 =	simm.s32 $0x0;
	_ =	swait.ge [sflag:s2], $0x4000  }
0x3e6: {  	s12 =	sand.u32 $0x1C00, s4;
	s6 =	sand.u32 $0x2000, s5;
	s11 =	sld [smem:$0x7E9]  }
0x3e7: {  	s13 =	sand.u32 $0x380, s4;
	s6 =	sor.u32 s6, s12;
	[sflag:s2] =	ssyncset.done $0x0  }
0x3e8: {  	s6 =	sor.u32 s13, s6;
	[sflag:s2] =	ssyncadd.s32 $0xFFFFC000  }
0x3e9: {  	[tilespmem:s23], [sflag:$0x7] =	stream.linear.gather [hbm4b:s11+s4], $0x4000, $0x38;
	[tilespmem:$0x1C000] =	vst v63  }
0x3ea: {  	v0 =	vld [tilespmem:s6+$0x4070]  }
0x3eb: {  	v4 =	vld [tilespmem:s6+$0x4000]  }
0x3ec: {  	v5 =	vld [tilespmem:s6+$0x4010]  }
0x3ed: {  	v6 =	vld [tilespmem:s6+$0x4020]  }
0x3ee: {  	v2 =	vld [tilespmem:s6+$0x4030]  }
0x3ef: {  	v3 =	vld [tilespmem:s6+$0x4040]  }
0x3f0: {  	s7 =	sor.u32 $0xC070, s6;
	v1 =	vld [tilespmem:s6+$0x4060]  }
0x3f1: {  	[tilespmem:s7+$0x0] =	vst.add.f32.msk $0xffff, v0  }
0x3f2: {  	s14 =	sor.u32 $0xC000, s6;
	v0 =	vld [tilespmem:s6+$0x4050]  }
0x3f3: {  	s21 =	sor.u32 $0xC010, s6;
	[tilespmem:s14+$0x0] =	vst.add.f32.msk $0xffff, v4  }
0x3f4: {  	s10 =	sor.u32 $0xC030, s6;
	s9 =	sor.u32 $0xC040, s6;
	s11 =	sor.u32 $0xC020, s6;
	[tilespmem:s21+$0x0] =	vst.add.f32.msk $0xffff, v5  }
0x3f5: {  	s8 =	sor.u32 $0xC060, s6;
	s7 =	sor.u32 $0xC050, s6;
	[tilespmem:s11+$0x0] =	vst.add.f32.msk $0xffff, v6;
	s6 =	simm.s32 $0x0  }
.LBB2_44:
0x3f6: {  	s5 =	sadd.s32 $0x80, s5;
	[tilespmem:s10+$0x0] =	vst.add.f32.msk $0xffff, v2;
	s4 =	sadd.s32 $0x400, s4  }
0x3f7: {  	s6 =	sadd.s32 $0x10, s6;
	s10 =	sand.u32 $0x2000, s5;
	s11 =	sand.u32 $0x1C00, s4;
	[tilespmem:s9+$0x0] =	vst.add.f32.msk $0xffff, v3  }
0x3f8: {  	p0 =	slt.u32 s5, $0x3F80;
	s9 =	sor.u32 s10, s11;
	s10 =	sand.u32 $0x380, s6;
	[tilespmem:s7+$0x0] =	vst.add.f32.msk $0xffff, v0  }
0x3f9: {  	s11 =	sor.u32 s10, s9;
	[tilespmem:s8+$0x0] =	vst.add.f32.msk $0xffff, v1  }
0x3fa: {  	s12 =	sor.u32 $0xC000, s11;
	s13 =	sor.u32 $0xC010, s11;
	s14 =	sor.u32 $0xC020, s11;
	v0 =	vld [tilespmem:s11+$0x4070]  }
0x3fb: {  	s10 =	sor.u32 $0xC030, s11;
	s9 =	sor.u32 $0xC040, s11;
	s7 =	sor.u32 $0xC050, s11;
	v4 =	vld [tilespmem:s11+$0x4000]  }
0x3fc: {  	s8 =	sor.u32 $0xC060, s11;
	v5 =	vld [tilespmem:s11+$0x4010]  }
0x3fd: {  	v6 =	vld [tilespmem:s11+$0x4020]  }
0x3fe: {  	s21 =	sor.u32 $0xC070, s11;
	v2 =	vld [tilespmem:s11+$0x4030]  }
0x3ff: {  	[tilespmem:s21+$0x0] =	vst.add.f32.msk $0xffff, v0  }
0x400: {  	v3 =	vld [tilespmem:s11+$0x4040]  }
.Ltmp21:
0x401: {  	v0 =	vld [tilespmem:s11+$0x4050];
	(pc) =	sbr.rel @p0 .LBB2_44-.Ltmp21, $4  }
0x402: {  	v1 =	vld [tilespmem:s11+$0x4060]  }
0x403: {  	[tilespmem:s12+$0x0] =	vst.add.f32.msk $0xffff, v4  }
0x404: {  	[tilespmem:s13+$0x0] =	vst.add.f32.msk $0xffff, v5  }
0x405: {  	[tilespmem:s14+$0x0] =	vst.add.f32.msk $0xffff, v6  }
0x406: {  	[tilespmem:s10+$0x0] =	vst.add.f32.msk $0xffff, v2  }
0x407: {  	[tilespmem:s9+$0x0] =	vst.add.f32.msk $0xffff, v3  }
0x408: {  	[tilespmem:s7+$0x0] =	vst.add.f32.msk $0xffff, v0  }
0x409: {  	[tilespmem:s8+$0x0] =	vst.add.f32.msk $0xffff, v1  }
0x40a: {  	s5 =	sld [smem:$0x7E3];
	_ =	sdelay $0x1  }
0x40b: {  	s4 =	simm.s32 $0x0  }
0x40c: {  	[hbm4b:s5+s4] =	stream.linear.scatter [tilespmem:s16], [sflag:$0x9], $0x4000, $0x38;
	[tilespmem:$0x1C000] =	vst v63  }
0x40d: {  	_ =	swait.ge [sflag:s24], $0x4000  }
0x40e: {  	[sflag:s24] =	ssyncset.done $0x0  }
0x40f: {  	[sflag:s24] =	ssyncadd.s32 $0xFFFFC000  }
0x410: {  	s5 =	simm.s32 $0x0;
	_ =	swait.ge [sflag:s25], $0x4000  }
0x411: {  	s12 =	sand.u32 $0x1C00, s4;
	s6 =	sand.u32 $0x2000, s5;
	s11 =	sld [smem:$0x7ED]  }
0x412: {  	s13 =	sand.u32 $0x380, s4;
	s6 =	sor.u32 s6, s12;
	[sflag:s25] =	ssyncset.done $0x0  }
0x413: {  	s6 =	sor.u32 s13, s6;
	[sflag:s25] =	ssyncadd.s32 $0xFFFFC000  }
0x414: {  	[tilespmem:s15], [sflag:$0x3] =	stream.linear.gather [hbm4b:s11+s4], $0x4000, $0x38;
	[tilespmem:$0x1C000] =	vst v63  }
0x415: {  	v0 =	vld [tilespmem:s6+$0x4070]  }
0x416: {  	v4 =	vld [tilespmem:s6+$0x4000]  }
0x417: {  	v5 =	vld [tilespmem:s6+$0x4010]  }
0x418: {  	v6 =	vld [tilespmem:s6+$0x4020]  }
0x419: {  	v2 =	vld [tilespmem:s6+$0x4030]  }
0x41a: {  	v3 =	vld [tilespmem:s6+$0x4040]  }
0x41b: {  	s7 =	sor.u32 $0x10070, s6;
	v1 =	vld [tilespmem:s6+$0x4060]  }
0x41c: {  	[tilespmem:s7+$0x0] =	vst.add.f32.msk $0xffff, v0  }
0x41d: {  	s14 =	sor.u32 $0x10000, s6;
	v0 =	vld [tilespmem:s6+$0x4050]  }
0x41e: {  	s21 =	sor.u32 $0x10010, s6;
	[tilespmem:s14+$0x0] =	vst.add.f32.msk $0xffff, v4  }
0x41f: {  	s10 =	sor.u32 $0x10030, s6;
	s9 =	sor.u32 $0x10040, s6;
	s11 =	sor.u32 $0x10020, s6;
	[tilespmem:s21+$0x0] =	vst.add.f32.msk $0xffff, v5  }
0x420: {  	s8 =	sor.u32 $0x10060, s6;
	s7 =	sor.u32 $0x10050, s6;
	[tilespmem:s11+$0x0] =	vst.add.f32.msk $0xffff, v6;
	s6 =	simm.s32 $0x0  }
.LBB2_46:
0x421: {  	s5 =	sadd.s32 $0x80, s5;
	[tilespmem:s10+$0x0] =	vst.add.f32.msk $0xffff, v2;
	s4 =	sadd.s32 $0x400, s4  }
0x422: {  	s6 =	sadd.s32 $0x10, s6;
	s10 =	sand.u32 $0x2000, s5;
	s11 =	sand.u32 $0x1C00, s4;
	[tilespmem:s9+$0x0] =	vst.add.f32.msk $0xffff, v3  }
0x423: {  	p0 =	slt.u32 s5, $0x3F80;
	s9 =	sor.u32 s10, s11;
	s10 =	sand.u32 $0x380, s6;
	[tilespmem:s7+$0x0] =	vst.add.f32.msk $0xffff, v0  }
0x424: {  	s11 =	sor.u32 s10, s9;
	[tilespmem:s8+$0x0] =	vst.add.f32.msk $0xffff, v1  }
0x425: {  	s12 =	sor.u32 $0x10000, s11;
	s13 =	sor.u32 $0x10010, s11;
	s14 =	sor.u32 $0x10020, s11;
	v0 =	vld [tilespmem:s11+$0x4070]  }
0x426: {  	s10 =	sor.u32 $0x10030, s11;
	s9 =	sor.u32 $0x10040, s11;
	s7 =	sor.u32 $0x10050, s11;
	v4 =	vld [tilespmem:s11+$0x4000]  }
0x427: {  	s8 =	sor.u32 $0x10060, s11;
	v5 =	vld [tilespmem:s11+$0x4010]  }
0x428: {  	v6 =	vld [tilespmem:s11+$0x4020]  }
0x429: {  	s21 =	sor.u32 $0x10070, s11;
	v2 =	vld [tilespmem:s11+$0x4030]  }
0x42a: {  	[tilespmem:s21+$0x0] =	vst.add.f32.msk $0xffff, v0  }
0x42b: {  	v3 =	vld [tilespmem:s11+$0x4040]  }
.Ltmp22:
0x42c: {  	v0 =	vld [tilespmem:s11+$0x4050];
	(pc) =	sbr.rel @p0 .LBB2_46-.Ltmp22, $4  }
0x42d: {  	v1 =	vld [tilespmem:s11+$0x4060]  }
0x42e: {  	[tilespmem:s12+$0x0] =	vst.add.f32.msk $0xffff, v4  }
0x42f: {  	[tilespmem:s13+$0x0] =	vst.add.f32.msk $0xffff, v5  }
0x430: {  	[tilespmem:s14+$0x0] =	vst.add.f32.msk $0xffff, v6  }
0x431: {  	[tilespmem:s10+$0x0] =	vst.add.f32.msk $0xffff, v2  }
0x432: {  	[tilespmem:s9+$0x0] =	vst.add.f32.msk $0xffff, v3  }
0x433: {  	[tilespmem:s7+$0x0] =	vst.add.f32.msk $0xffff, v0  }
0x434: {  	[tilespmem:s8+$0x0] =	vst.add.f32.msk $0xffff, v1  }
0x435: {  	s5 =	sld [smem:$0x7E5];
	_ =	sdelay $0x1  }
0x436: {  	s4 =	simm.s32 $0x0  }
0x437: {  	[hbm4b:s5+s4] =	stream.linear.scatter [tilespmem:s17], [sflag:$0xA], $0x4000, $0x38;
	[tilespmem:$0x1C000] =	vst v63  }
0x438: {  	_ =	swait.ge [sflag:s26], $0x4000  }
0x439: {  	[sflag:s26] =	ssyncset.done $0x0  }
0x43a: {  	[sflag:s26] =	ssyncadd.s32 $0xFFFFC000  }
0x43b: {  	s5 =	simm.s32 $0x0;
	_ =	swait.ge [sflag:s28], $0x4000  }
0x43c: {  	s12 =	sand.u32 $0x1C00, s4;
	s6 =	sand.u32 $0x2000, s5;
	s11 =	sld [smem:$0x7EF]  }
0x43d: {  	s13 =	sand.u32 $0x380, s4;
	s6 =	sor.u32 s6, s12;
	[sflag:s28] =	ssyncset.done $0x0  }
0x43e: {  	s6 =	sor.u32 s13, s6;
	[sflag:s28] =	ssyncadd.s32 $0xFFFFC000  }
0x43f: {  	[tilespmem:s16], [sflag:$0x4] =	stream.linear.gather [hbm4b:s11+s4], $0x4000, $0x38;
	[tilespmem:$0x1C000] =	vst v63  }
0x440: {  	v0 =	vld [tilespmem:s6+$0x4070]  }
0x441: {  	v4 =	vld [tilespmem:s6+$0x4000]  }
0x442: {  	v5 =	vld [tilespmem:s6+$0x4010]  }
0x443: {  	v6 =	vld [tilespmem:s6+$0x4020]  }
0x444: {  	v2 =	vld [tilespmem:s6+$0x4030]  }
0x445: {  	v3 =	vld [tilespmem:s6+$0x4040]  }
0x446: {  	s7 =	sor.u32 $0x14070, s6;
	v1 =	vld [tilespmem:s6+$0x4060]  }
0x447: {  	[tilespmem:s7+$0x0] =	vst.add.f32.msk $0xffff, v0  }
0x448: {  	s14 =	sor.u32 $0x14000, s6;
	v0 =	vld [tilespmem:s6+$0x4050]  }
0x449: {  	s21 =	sor.u32 $0x14010, s6;
	[tilespmem:s14+$0x0] =	vst.add.f32.msk $0xffff, v4  }
0x44a: {  	s10 =	sor.u32 $0x14030, s6;
	s9 =	sor.u32 $0x14040, s6;
	s11 =	sor.u32 $0x14020, s6;
	[tilespmem:s21+$0x0] =	vst.add.f32.msk $0xffff, v5  }
0x44b: {  	s8 =	sor.u32 $0x14060, s6;
	s7 =	sor.u32 $0x14050, s6;
	[tilespmem:s11+$0x0] =	vst.add.f32.msk $0xffff, v6;
	s6 =	simm.s32 $0x0  }
.LBB2_48:
0x44c: {  	s5 =	sadd.s32 $0x80, s5;
	[tilespmem:s10+$0x0] =	vst.add.f32.msk $0xffff, v2;
	s4 =	sadd.s32 $0x400, s4  }
0x44d: {  	s6 =	sadd.s32 $0x10, s6;
	s10 =	sand.u32 $0x2000, s5;
	s11 =	sand.u32 $0x1C00, s4;
	[tilespmem:s9+$0x0] =	vst.add.f32.msk $0xffff, v3  }
0x44e: {  	p0 =	slt.u32 s5, $0x3F80;
	s9 =	sor.u32 s10, s11;
	s10 =	sand.u32 $0x380, s6;
	[tilespmem:s7+$0x0] =	vst.add.f32.msk $0xffff, v0  }
0x44f: {  	s11 =	sor.u32 s10, s9;
	[tilespmem:s8+$0x0] =	vst.add.f32.msk $0xffff, v1  }
0x450: {  	s12 =	sor.u32 $0x14000, s11;
	s13 =	sor.u32 $0x14010, s11;
	s14 =	sor.u32 $0x14020, s11;
	v0 =	vld [tilespmem:s11+$0x4070]  }
0x451: {  	s10 =	sor.u32 $0x14030, s11;
	s9 =	sor.u32 $0x14040, s11;
	s7 =	sor.u32 $0x14050, s11;
	v4 =	vld [tilespmem:s11+$0x4000]  }
0x452: {  	s8 =	sor.u32 $0x14060, s11;
	v5 =	vld [tilespmem:s11+$0x4010]  }
0x453: {  	v6 =	vld [tilespmem:s11+$0x4020]  }
0x454: {  	s21 =	sor.u32 $0x14070, s11;
	v2 =	vld [tilespmem:s11+$0x4030]  }
0x455: {  	[tilespmem:s21+$0x0] =	vst.add.f32.msk $0xffff, v0  }
0x456: {  	v3 =	vld [tilespmem:s11+$0x4040]  }
.Ltmp23:
0x457: {  	v0 =	vld [tilespmem:s11+$0x4050];
	(pc) =	sbr.rel @p0 .LBB2_48-.Ltmp23, $4  }
0x458: {  	v1 =	vld [tilespmem:s11+$0x4060]  }
0x459: {  	[tilespmem:s12+$0x0] =	vst.add.f32.msk $0xffff, v4  }
0x45a: {  	[tilespmem:s13+$0x0] =	vst.add.f32.msk $0xffff, v5  }
0x45b: {  	[tilespmem:s14+$0x0] =	vst.add.f32.msk $0xffff, v6  }
0x45c: {  	[tilespmem:s10+$0x0] =	vst.add.f32.msk $0xffff, v2  }
0x45d: {  	[tilespmem:s9+$0x0] =	vst.add.f32.msk $0xffff, v3  }
0x45e: {  	[tilespmem:s7+$0x0] =	vst.add.f32.msk $0xffff, v0  }
0x45f: {  	[tilespmem:s8+$0x0] =	vst.add.f32.msk $0xffff, v1  }
0x460: {  	s5 =	sld [smem:$0x7E7];
	_ =	sdelay $0x1  }
0x461: {  	s4 =	simm.s32 $0x0  }
0x462: {  	[hbm4b:s5+s4] =	stream.linear.scatter [tilespmem:s20], [sflag:$0xB], $0x4000, $0x38;
	[tilespmem:$0x1C000] =	vst v63  }
0x463: {  	_ =	swait.ge [sflag:s18], $0x4000  }
0x464: {  	[sflag:s18] =	ssyncset.done $0x0  }
0x465: {  	[sflag:s18] =	ssyncadd.s32 $0xFFFFC000  }
0x466: {  	_ =	swait.ge [sflag:s30], $0x4000  }
0x467: {  	[sflag:s30] =	ssyncset.done $0x0  }
0x468: {  	[sflag:s30] =	ssyncadd.s32 $0xFFFFC000  }
0x469: {  	s5 =	simm.s32 $0x0;
	_ =	swait.ge [sflag:s31], $0x4000  }
0x46a: {  	s12 =	sand.u32 $0x1C00, s4;
	s6 =	sand.u32 $0x2000, s5;
	s11 =	sld [smem:$0x7F1]  }
0x46b: {  	s13 =	sand.u32 $0x380, s4;
	s6 =	sor.u32 s6, s12;
	[sflag:s31] =	ssyncset.done $0x0  }
0x46c: {  	s6 =	sor.u32 s13, s6;
	[sflag:s31] =	ssyncadd.s32 $0xFFFFC000  }
0x46d: {  	[tilespmem:s17], [sflag:$0x5] =	stream.linear.gather [hbm4b:s11+s4], $0x4000, $0x38;
	[tilespmem:$0x1C000] =	vst v63  }
0x46e: {  	v0 =	vld [tilespmem:s6+$0x70]  }
0x46f: {  	v4 =	vld [tilespmem:s6+$0x0]  }
0x470: {  	v5 =	vld [tilespmem:s6+$0x10]  }
0x471: {  	v6 =	vld [tilespmem:s6+$0x20]  }
0x472: {  	v2 =	vld [tilespmem:s6+$0x30]  }
0x473: {  	v3 =	vld [tilespmem:s6+$0x40]  }
0x474: {  	s7 =	sor.u32 $0x18070, s6;
	v1 =	vld [tilespmem:s6+$0x60]  }
0x475: {  	[tilespmem:s7+$0x0] =	vst.add.f32.msk $0xffff, v0  }
0x476: {  	s14 =	sor.u32 $0x18000, s6;
	v0 =	vld [tilespmem:s6+$0x50]  }
0x477: {  	s21 =	sor.u32 $0x18010, s6;
	[tilespmem:s14+$0x0] =	vst.add.f32.msk $0xffff, v4  }
0x478: {  	s10 =	sor.u32 $0x18030, s6;
	s9 =	sor.u32 $0x18040, s6;
	s11 =	sor.u32 $0x18020, s6;
	[tilespmem:s21+$0x0] =	vst.add.f32.msk $0xffff, v5  }
0x479: {  	s8 =	sor.u32 $0x18060, s6;
	s7 =	sor.u32 $0x18050, s6;
	[tilespmem:s11+$0x0] =	vst.add.f32.msk $0xffff, v6;
	s6 =	simm.s32 $0x0  }
.LBB2_50:
0x47a: {  	s5 =	sadd.s32 $0x80, s5;
	[tilespmem:s10+$0x0] =	vst.add.f32.msk $0xffff, v2;
	s4 =	sadd.s32 $0x400, s4  }
0x47b: {  	s6 =	sadd.s32 $0x10, s6;
	s10 =	sand.u32 $0x2000, s5;
	s11 =	sand.u32 $0x1C00, s4;
	[tilespmem:s9+$0x0] =	vst.add.f32.msk $0xffff, v3  }
0x47c: {  	p0 =	slt.u32 s5, $0x3F80;
	s9 =	sor.u32 s10, s11;
	s10 =	sand.u32 $0x380, s6;
	[tilespmem:s7+$0x0] =	vst.add.f32.msk $0xffff, v0  }
0x47d: {  	s11 =	sor.u32 s10, s9;
	[tilespmem:s8+$0x0] =	vst.add.f32.msk $0xffff, v1  }
0x47e: {  	s12 =	sor.u32 $0x18000, s11;
	s13 =	sor.u32 $0x18010, s11;
	s14 =	sor.u32 $0x18020, s11;
	v0 =	vld [tilespmem:s11+$0x70]  }
0x47f: {  	s10 =	sor.u32 $0x18030, s11;
	s9 =	sor.u32 $0x18040, s11;
	s7 =	sor.u32 $0x18050, s11;
	v4 =	vld [tilespmem:s11+$0x0]  }
0x480: {  	s8 =	sor.u32 $0x18060, s11;
	v5 =	vld [tilespmem:s11+$0x10]  }
0x481: {  	v6 =	vld [tilespmem:s11+$0x20]  }
0x482: {  	s21 =	sor.u32 $0x18070, s11;
	v2 =	vld [tilespmem:s11+$0x30]  }
0x483: {  	[tilespmem:s21+$0x0] =	vst.add.f32.msk $0xffff, v0  }
0x484: {  	v3 =	vld [tilespmem:s11+$0x40]  }
.Ltmp24:
0x485: {  	v0 =	vld [tilespmem:s11+$0x50];
	(pc) =	sbr.rel @p0 .LBB2_50-.Ltmp24, $4  }
0x486: {  	v1 =	vld [tilespmem:s11+$0x60]  }
0x487: {  	[tilespmem:s12+$0x0] =	vst.add.f32.msk $0xffff, v4  }
0x488: {  	[tilespmem:s13+$0x0] =	vst.add.f32.msk $0xffff, v5  }
0x489: {  	[tilespmem:s14+$0x0] =	vst.add.f32.msk $0xffff, v6  }
0x48a: {  	[tilespmem:s10+$0x0] =	vst.add.f32.msk $0xffff, v2  }
0x48b: {  	[tilespmem:s9+$0x0] =	vst.add.f32.msk $0xffff, v3  }
0x48c: {  	[tilespmem:s7+$0x0] =	vst.add.f32.msk $0xffff, v0  }
0x48d: {  	[tilespmem:s8+$0x0] =	vst.add.f32.msk $0xffff, v1  }
0x48e: {  	s5 =	sld [smem:$0x7EA];
	_ =	sdelay $0x1  }
0x48f: {  	s4 =	simm.s32 $0x0;
	s9 =	sld [smem:$0x7EC]  }
0x490: {  	[hbm4b:s5+s4] =	stream.linear.scatter [tilespmem:s23], [sflag:$0xC], $0x4000, $0x38;
	[tilespmem:$0x1C000] =	vst v63  }
0x491: {  	s6 =	simm.s32 $0x4000  }
0x492: {  	[tilespmem:s6], [sflag:$0x2] =	stream.linear.gather [hbm4b:s9+s4], $0x4000, $0x38;
	[tilespmem:$0x1C000] =	vst v63  }
0x493: {  	_ =	swait.ge [sflag:s19], $0x4000  }
0x494: {  	[sflag:s19] =	ssyncset.done $0x0  }
0x495: {  	[sflag:s19] =	ssyncadd.s32 $0xFFFFC000  }
0x496: {  	s5 =	simm.s32 $0x0;
	_ =	swait.ge [sflag:s0], $0x4000  }
0x497: {  	s12 =	sand.u32 $0x1C00, s4;
	s11 =	sand.u32 $0x2000, s5;
	s10 =	sld [smem:$0x7F5]  }
0x498: {  	s13 =	sand.u32 $0x380, s4;
	s6 =	sor.u32 s11, s12;
	[sflag:s0] =	ssyncset.done $0x0  }
0x499: {  	s6 =	sor.u32 s13, s6;
	[sflag:s0] =	ssyncadd.s32 $0xFFFFC000  }
0x49a: {  	[tilespmem:s20], [sflag:$0x6] =	stream.linear.gather [hbm4b:s10+s4], $0x4000, $0x38;
	[tilespmem:$0x1C000] =	vst v63  }
0x49b: {  	v0 =	vld [tilespmem:s6+$0x70]  }
0x49c: {  	v4 =	vld [tilespmem:s6+$0x0]  }
0x49d: {  	v5 =	vld [tilespmem:s6+$0x10]  }
0x49e: {  	v6 =	vld [tilespmem:s6+$0x20]  }
0x49f: {  	v2 =	vld [tilespmem:s6+$0x30]  }
0x4a0: {  	v3 =	vld [tilespmem:s6+$0x40]  }
0x4a1: {  	s7 =	sor.u32 $0x8070, s6;
	v1 =	vld [tilespmem:s6+$0x60]  }
0x4a2: {  	[tilespmem:s7+$0x0] =	vst.add.f32.msk $0xffff, v0  }
0x4a3: {  	s14 =	sor.u32 $0x8000, s6;
	v0 =	vld [tilespmem:s6+$0x50]  }
0x4a4: {  	s21 =	sor.u32 $0x8010, s6;
	[tilespmem:s14+$0x0] =	vst.add.f32.msk $0xffff, v4  }
0x4a5: {  	s11 =	sor.u32 $0x8020, s6;
	s9 =	sor.u32 $0x8040, s6;
	s8 =	sor.u32 $0x8060, s6;
	[tilespmem:s21+$0x0] =	vst.add.f32.msk $0xffff, v5  }
0x4a6: {  	s10 =	sor.u32 $0x8030, s6;
	s7 =	sor.u32 $0x8050, s6;
	[tilespmem:s11+$0x0] =	vst.add.f32.msk $0xffff, v6;
	s6 =	simm.s32 $0x0  }
.LBB2_52:
0x4a7: {  	s5 =	sadd.s32 $0x80, s5;
	[tilespmem:s10+$0x0] =	vst.add.f32.msk $0xffff, v2;
	s4 =	sadd.s32 $0x400, s4  }
0x4a8: {  	s6 =	sadd.s32 $0x10, s6;
	s10 =	sand.u32 $0x2000, s5;
	s11 =	sand.u32 $0x1C00, s4;
	[tilespmem:s9+$0x0] =	vst.add.f32.msk $0xffff, v3  }
0x4a9: {  	p0 =	slt.u32 s5, $0x3F80;
	s9 =	sor.u32 s10, s11;
	s10 =	sand.u32 $0x380, s6;
	[tilespmem:s7+$0x0] =	vst.add.f32.msk $0xffff, v0  }
0x4aa: {  	s11 =	sor.u32 s10, s9;
	[tilespmem:s8+$0x0] =	vst.add.f32.msk $0xffff, v1  }
0x4ab: {  	s12 =	sor.u32 $0x8000, s11;
	s13 =	sor.u32 $0x8010, s11;
	s14 =	sor.u32 $0x8020, s11;
	v0 =	vld [tilespmem:s11+$0x70]  }
0x4ac: {  	s10 =	sor.u32 $0x8030, s11;
	s9 =	sor.u32 $0x8040, s11;
	s7 =	sor.u32 $0x8050, s11;
	v4 =	vld [tilespmem:s11+$0x0]  }
0x4ad: {  	s8 =	sor.u32 $0x8060, s11;
	v5 =	vld [tilespmem:s11+$0x10]  }
0x4ae: {  	v6 =	vld [tilespmem:s11+$0x20]  }
0x4af: {  	s21 =	sor.u32 $0x8070, s11;
	v2 =	vld [tilespmem:s11+$0x30]  }
0x4b0: {  	[tilespmem:s21+$0x0] =	vst.add.f32.msk $0xffff, v0  }
0x4b1: {  	v3 =	vld [tilespmem:s11+$0x40]  }
.Ltmp25:
0x4b2: {  	v0 =	vld [tilespmem:s11+$0x50];
	(pc) =	sbr.rel @p0 .LBB2_52-.Ltmp25, $4  }
0x4b3: {  	v1 =	vld [tilespmem:s11+$0x60]  }
0x4b4: {  	[tilespmem:s12+$0x0] =	vst.add.f32.msk $0xffff, v4  }
0x4b5: {  	[tilespmem:s13+$0x0] =	vst.add.f32.msk $0xffff, v5  }
0x4b6: {  	[tilespmem:s14+$0x0] =	vst.add.f32.msk $0xffff, v6  }
0x4b7: {  	[tilespmem:s10+$0x0] =	vst.add.f32.msk $0xffff, v2  }
0x4b8: {  	[tilespmem:s9+$0x0] =	vst.add.f32.msk $0xffff, v3  }
0x4b9: {  	[tilespmem:s7+$0x0] =	vst.add.f32.msk $0xffff, v0  }
0x4ba: {  	[tilespmem:s8+$0x0] =	vst.add.f32.msk $0xffff, v1  }
0x4bb: {  	s5 =	sld [smem:$0x7EE];
	_ =	sdelay $0x1  }
0x4bc: {  	s4 =	simm.s32 $0x0  }
0x4bd: {  	[hbm4b:s5+s4] =	stream.linear.scatter [tilespmem:s15], [sflag:$0x8], $0x4000, $0x38;
	[tilespmem:$0x1C000] =	vst v63  }
0x4be: {  	_ =	swait.ge [sflag:s22], $0x4000  }
0x4bf: {  	[sflag:s22] =	ssyncset.done $0x0  }
0x4c0: {  	[sflag:s22] =	ssyncadd.s32 $0xFFFFC000  }
0x4c1: {  	s5 =	simm.s32 $0x0;
	_ =	swait.ge [sflag:s2], $0x4000  }
0x4c2: {  	s12 =	sand.u32 $0x1C00, s4;
	s6 =	sand.u32 $0x2000, s5;
	s11 =	sld [smem:$0x7F6]  }
0x4c3: {  	s13 =	sand.u32 $0x380, s4;
	s6 =	sor.u32 s6, s12;
	[sflag:s2] =	ssyncset.done $0x0  }
0x4c4: {  	s6 =	sor.u32 s13, s6;
	[sflag:s2] =	ssyncadd.s32 $0xFFFFC000  }
0x4c5: {  	[tilespmem:s23], [sflag:$0x7] =	stream.linear.gather [hbm4b:s11+s4], $0x4000, $0x38;
	[tilespmem:$0x1C000] =	vst v63  }
0x4c6: {  	v0 =	vld [tilespmem:s6+$0x70]  }
0x4c7: {  	v4 =	vld [tilespmem:s6+$0x0]  }
0x4c8: {  	v5 =	vld [tilespmem:s6+$0x10]  }
0x4c9: {  	v6 =	vld [tilespmem:s6+$0x20]  }
0x4ca: {  	v2 =	vld [tilespmem:s6+$0x30]  }
0x4cb: {  	v3 =	vld [tilespmem:s6+$0x40]  }
0x4cc: {  	s7 =	sor.u32 $0xC070, s6;
	v1 =	vld [tilespmem:s6+$0x60]  }
0x4cd: {  	[tilespmem:s7+$0x0] =	vst.add.f32.msk $0xffff, v0  }
0x4ce: {  	s14 =	sor.u32 $0xC000, s6;
	v0 =	vld [tilespmem:s6+$0x50]  }
0x4cf: {  	s21 =	sor.u32 $0xC010, s6;
	[tilespmem:s14+$0x0] =	vst.add.f32.msk $0xffff, v4  }
0x4d0: {  	s10 =	sor.u32 $0xC030, s6;
	s9 =	sor.u32 $0xC040, s6;
	s11 =	sor.u32 $0xC020, s6;
	[tilespmem:s21+$0x0] =	vst.add.f32.msk $0xffff, v5  }
0x4d1: {  	s8 =	sor.u32 $0xC060, s6;
	s7 =	sor.u32 $0xC050, s6;
	[tilespmem:s11+$0x0] =	vst.add.f32.msk $0xffff, v6;
	s6 =	simm.s32 $0x0  }
.LBB2_54:
0x4d2: {  	s5 =	sadd.s32 $0x80, s5;
	[tilespmem:s10+$0x0] =	vst.add.f32.msk $0xffff, v2;
	s4 =	sadd.s32 $0x400, s4  }
0x4d3: {  	s6 =	sadd.s32 $0x10, s6;
	s10 =	sand.u32 $0x2000, s5;
	s11 =	sand.u32 $0x1C00, s4;
	[tilespmem:s9+$0x0] =	vst.add.f32.msk $0xffff, v3  }
0x4d4: {  	p0 =	slt.u32 s5, $0x3F80;
	s9 =	sor.u32 s10, s11;
	s10 =	sand.u32 $0x380, s6;
	[tilespmem:s7+$0x0] =	vst.add.f32.msk $0xffff, v0  }
0x4d5: {  	s11 =	sor.u32 s10, s9;
	[tilespmem:s8+$0x0] =	vst.add.f32.msk $0xffff, v1  }
0x4d6: {  	s12 =	sor.u32 $0xC000, s11;
	s13 =	sor.u32 $0xC010, s11;
	s14 =	sor.u32 $0xC020, s11;
	v0 =	vld [tilespmem:s11+$0x70]  }
0x4d7: {  	s10 =	sor.u32 $0xC030, s11;
	s9 =	sor.u32 $0xC040, s11;
	s7 =	sor.u32 $0xC050, s11;
	v4 =	vld [tilespmem:s11+$0x0]  }
0x4d8: {  	s8 =	sor.u32 $0xC060, s11;
	v5 =	vld [tilespmem:s11+$0x10]  }
0x4d9: {  	v6 =	vld [tilespmem:s11+$0x20]  }
0x4da: {  	s21 =	sor.u32 $0xC070, s11;
	v2 =	vld [tilespmem:s11+$0x30]  }
0x4db: {  	[tilespmem:s21+$0x0] =	vst.add.f32.msk $0xffff, v0  }
0x4dc: {  	v3 =	vld [tilespmem:s11+$0x40]  }
.Ltmp26:
0x4dd: {  	v0 =	vld [tilespmem:s11+$0x50];
	(pc) =	sbr.rel @p0 .LBB2_54-.Ltmp26, $4  }
0x4de: {  	v1 =	vld [tilespmem:s11+$0x60]  }
0x4df: {  	[tilespmem:s12+$0x0] =	vst.add.f32.msk $0xffff, v4  }
0x4e0: {  	[tilespmem:s13+$0x0] =	vst.add.f32.msk $0xffff, v5  }
0x4e1: {  	[tilespmem:s14+$0x0] =	vst.add.f32.msk $0xffff, v6  }
0x4e2: {  	[tilespmem:s10+$0x0] =	vst.add.f32.msk $0xffff, v2  }
0x4e3: {  	[tilespmem:s9+$0x0] =	vst.add.f32.msk $0xffff, v3  }
0x4e4: {  	[tilespmem:s7+$0x0] =	vst.add.f32.msk $0xffff, v0  }
0x4e5: {  	[tilespmem:s8+$0x0] =	vst.add.f32.msk $0xffff, v1  }
0x4e6: {  	s5 =	sld [smem:$0x7F0];
	_ =	sdelay $0x1  }
0x4e7: {  	s4 =	simm.s32 $0x0  }
0x4e8: {  	[hbm4b:s5+s4] =	stream.linear.scatter [tilespmem:s16], [sflag:$0x9], $0x4000, $0x38;
	[tilespmem:$0x1C000] =	vst v63  }
0x4e9: {  	_ =	swait.ge [sflag:s24], $0x4000  }
0x4ea: {  	[sflag:s24] =	ssyncset.done $0x0  }
0x4eb: {  	[sflag:s24] =	ssyncadd.s32 $0xFFFFC000  }
0x4ec: {  	s5 =	simm.s32 $0x0;
	_ =	swait.ge [sflag:s25], $0x4000  }
0x4ed: {  	s12 =	sand.u32 $0x1C00, s4;
	s6 =	sand.u32 $0x2000, s5;
	s11 =	sld [smem:$0x7F7]  }
0x4ee: {  	s13 =	sand.u32 $0x380, s4;
	s6 =	sor.u32 s6, s12;
	[sflag:s25] =	ssyncset.done $0x0  }
0x4ef: {  	s6 =	sor.u32 s13, s6;
	[sflag:s25] =	ssyncadd.s32 $0xFFFFC000  }
0x4f0: {  	[tilespmem:s15], [sflag:$0x3] =	stream.linear.gather [hbm4b:s11+s4], $0x4000, $0x38;
	[tilespmem:$0x1C000] =	vst v63  }
0x4f1: {  	v0 =	vld [tilespmem:s6+$0x70]  }
0x4f2: {  	v4 =	vld [tilespmem:s6+$0x0]  }
0x4f3: {  	v5 =	vld [tilespmem:s6+$0x10]  }
0x4f4: {  	v6 =	vld [tilespmem:s6+$0x20]  }
0x4f5: {  	v2 =	vld [tilespmem:s6+$0x30]  }
0x4f6: {  	v3 =	vld [tilespmem:s6+$0x40]  }
0x4f7: {  	s7 =	sor.u32 $0x10070, s6;
	v1 =	vld [tilespmem:s6+$0x60]  }
0x4f8: {  	[tilespmem:s7+$0x0] =	vst.add.f32.msk $0xffff, v0  }
0x4f9: {  	s14 =	sor.u32 $0x10000, s6;
	v0 =	vld [tilespmem:s6+$0x50]  }
0x4fa: {  	s21 =	sor.u32 $0x10010, s6;
	[tilespmem:s14+$0x0] =	vst.add.f32.msk $0xffff, v4  }
0x4fb: {  	s10 =	sor.u32 $0x10030, s6;
	s9 =	sor.u32 $0x10040, s6;
	s11 =	sor.u32 $0x10020, s6;
	[tilespmem:s21+$0x0] =	vst.add.f32.msk $0xffff, v5  }
0x4fc: {  	s8 =	sor.u32 $0x10060, s6;
	s7 =	sor.u32 $0x10050, s6;
	[tilespmem:s11+$0x0] =	vst.add.f32.msk $0xffff, v6;
	s6 =	simm.s32 $0x0  }
.LBB2_56:
0x4fd: {  	s5 =	sadd.s32 $0x80, s5;
	[tilespmem:s10+$0x0] =	vst.add.f32.msk $0xffff, v2;
	s4 =	sadd.s32 $0x400, s4  }
0x4fe: {  	s6 =	sadd.s32 $0x10, s6;
	s10 =	sand.u32 $0x2000, s5;
	s11 =	sand.u32 $0x1C00, s4;
	[tilespmem:s9+$0x0] =	vst.add.f32.msk $0xffff, v3  }
0x4ff: {  	p0 =	slt.u32 s5, $0x3F80;
	s9 =	sor.u32 s10, s11;
	s10 =	sand.u32 $0x380, s6;
	[tilespmem:s7+$0x0] =	vst.add.f32.msk $0xffff, v0  }
0x500: {  	s11 =	sor.u32 s10, s9;
	[tilespmem:s8+$0x0] =	vst.add.f32.msk $0xffff, v1  }
0x501: {  	s12 =	sor.u32 $0x10000, s11;
	s13 =	sor.u32 $0x10010, s11;
	s14 =	sor.u32 $0x10020, s11;
	v0 =	vld [tilespmem:s11+$0x70]  }
0x502: {  	s10 =	sor.u32 $0x10030, s11;
	s9 =	sor.u32 $0x10040, s11;
	s7 =	sor.u32 $0x10050, s11;
	v4 =	vld [tilespmem:s11+$0x0]  }
0x503: {  	s8 =	sor.u32 $0x10060, s11;
	v5 =	vld [tilespmem:s11+$0x10]  }
0x504: {  	v6 =	vld [tilespmem:s11+$0x20]  }
0x505: {  	s21 =	sor.u32 $0x10070, s11;
	v2 =	vld [tilespmem:s11+$0x30]  }
0x506: {  	[tilespmem:s21+$0x0] =	vst.add.f32.msk $0xffff, v0  }
0x507: {  	v3 =	vld [tilespmem:s11+$0x40]  }
.Ltmp27:
0x508: {  	v0 =	vld [tilespmem:s11+$0x50];
	(pc) =	sbr.rel @p0 .LBB2_56-.Ltmp27, $4  }
0x509: {  	v1 =	vld [tilespmem:s11+$0x60]  }
0x50a: {  	[tilespmem:s12+$0x0] =	vst.add.f32.msk $0xffff, v4  }
0x50b: {  	[tilespmem:s13+$0x0] =	vst.add.f32.msk $0xffff, v5  }
0x50c: {  	[tilespmem:s14+$0x0] =	vst.add.f32.msk $0xffff, v6  }
0x50d: {  	[tilespmem:s10+$0x0] =	vst.add.f32.msk $0xffff, v2  }
0x50e: {  	[tilespmem:s9+$0x0] =	vst.add.f32.msk $0xffff, v3  }
0x50f: {  	[tilespmem:s7+$0x0] =	vst.add.f32.msk $0xffff, v0  }
0x510: {  	[tilespmem:s8+$0x0] =	vst.add.f32.msk $0xffff, v1  }
0x511: {  	s5 =	sld [smem:$0x7F2];
	_ =	sdelay $0x1  }
0x512: {  	s4 =	simm.s32 $0x0  }
0x513: {  	[hbm4b:s5+s4] =	stream.linear.scatter [tilespmem:s17], [sflag:$0xA], $0x4000, $0x38;
	[tilespmem:$0x1C000] =	vst v63  }
0x514: {  	_ =	swait.ge [sflag:s29], $0x4000  }
0x515: {  	[sflag:s29] =	ssyncset.done $0x0  }
0x516: {  	[sflag:s29] =	ssyncadd.s32 $0xFFFFC000  }
0x517: {  	_ =	swait.ge [sflag:s26], $0x4000  }
0x518: {  	[sflag:s26] =	ssyncset.done $0x0  }
0x519: {  	[sflag:s26] =	ssyncadd.s32 $0xFFFFC000  }
0x51a: {  	s5 =	simm.s32 $0x0;
	_ =	swait.ge [sflag:s28], $0x4000  }
0x51b: {  	s12 =	sand.u32 $0x1C00, s4;
	s6 =	sand.u32 $0x2000, s5;
	s11 =	sld [smem:$0x7F8]  }
0x51c: {  	s13 =	sand.u32 $0x380, s4;
	s6 =	sor.u32 s6, s12;
	[sflag:s28] =	ssyncset.done $0x0  }
0x51d: {  	s6 =	sor.u32 s13, s6;
	[sflag:s28] =	ssyncadd.s32 $0xFFFFC000  }
0x51e: {  	[tilespmem:s16], [sflag:$0x4] =	stream.linear.gather [hbm4b:s11+s4], $0x4000, $0x38;
	[tilespmem:$0x1C000] =	vst v63  }
0x51f: {  	v0 =	vld [tilespmem:s6+$0x4070]  }
0x520: {  	v4 =	vld [tilespmem:s6+$0x4000]  }
0x521: {  	v5 =	vld [tilespmem:s6+$0x4010]  }
0x522: {  	v6 =	vld [tilespmem:s6+$0x4020]  }
0x523: {  	v2 =	vld [tilespmem:s6+$0x4030]  }
0x524: {  	v3 =	vld [tilespmem:s6+$0x4040]  }
0x525: {  	s7 =	sor.u32 $0x14070, s6;
	v1 =	vld [tilespmem:s6+$0x4060]  }
0x526: {  	[tilespmem:s7+$0x0] =	vst.add.f32.msk $0xffff, v0  }
0x527: {  	s14 =	sor.u32 $0x14000, s6;
	v0 =	vld [tilespmem:s6+$0x4050]  }
0x528: {  	s21 =	sor.u32 $0x14010, s6;
	[tilespmem:s14+$0x0] =	vst.add.f32.msk $0xffff, v4  }
0x529: {  	s10 =	sor.u32 $0x14030, s6;
	s9 =	sor.u32 $0x14040, s6;
	s11 =	sor.u32 $0x14020, s6;
	[tilespmem:s21+$0x0] =	vst.add.f32.msk $0xffff, v5  }
0x52a: {  	s8 =	sor.u32 $0x14060, s6;
	s7 =	sor.u32 $0x14050, s6;
	[tilespmem:s11+$0x0] =	vst.add.f32.msk $0xffff, v6;
	s6 =	simm.s32 $0x0  }
.LBB2_58:
0x52b: {  	s5 =	sadd.s32 $0x80, s5;
	[tilespmem:s10+$0x0] =	vst.add.f32.msk $0xffff, v2;
	s4 =	sadd.s32 $0x400, s4  }
0x52c: {  	s6 =	sadd.s32 $0x10, s6;
	s10 =	sand.u32 $0x2000, s5;
	s11 =	sand.u32 $0x1C00, s4;
	[tilespmem:s9+$0x0] =	vst.add.f32.msk $0xffff, v3  }
0x52d: {  	p0 =	slt.u32 s5, $0x3F80;
	s9 =	sor.u32 s10, s11;
	s10 =	sand.u32 $0x380, s6;
	[tilespmem:s7+$0x0] =	vst.add.f32.msk $0xffff, v0  }
0x52e: {  	s11 =	sor.u32 s10, s9;
	[tilespmem:s8+$0x0] =	vst.add.f32.msk $0xffff, v1  }
0x52f: {  	s12 =	sor.u32 $0x14000, s11;
	s13 =	sor.u32 $0x14010, s11;
	s14 =	sor.u32 $0x14020, s11;
	v0 =	vld [tilespmem:s11+$0x4070]  }
0x530: {  	s10 =	sor.u32 $0x14030, s11;
	s9 =	sor.u32 $0x14040, s11;
	s7 =	sor.u32 $0x14050, s11;
	v4 =	vld [tilespmem:s11+$0x4000]  }
0x531: {  	s8 =	sor.u32 $0x14060, s11;
	v5 =	vld [tilespmem:s11+$0x4010]  }
0x532: {  	v6 =	vld [tilespmem:s11+$0x4020]  }
0x533: {  	s21 =	sor.u32 $0x14070, s11;
	v2 =	vld [tilespmem:s11+$0x4030]  }
0x534: {  	[tilespmem:s21+$0x0] =	vst.add.f32.msk $0xffff, v0  }
0x535: {  	v3 =	vld [tilespmem:s11+$0x4040]  }
.Ltmp28:
0x536: {  	v0 =	vld [tilespmem:s11+$0x4050];
	(pc) =	sbr.rel @p0 .LBB2_58-.Ltmp28, $4  }
0x537: {  	v1 =	vld [tilespmem:s11+$0x4060]  }
0x538: {  	[tilespmem:s12+$0x0] =	vst.add.f32.msk $0xffff, v4  }
0x539: {  	[tilespmem:s13+$0x0] =	vst.add.f32.msk $0xffff, v5  }
0x53a: {  	[tilespmem:s14+$0x0] =	vst.add.f32.msk $0xffff, v6  }
0x53b: {  	[tilespmem:s10+$0x0] =	vst.add.f32.msk $0xffff, v2  }
0x53c: {  	[tilespmem:s9+$0x0] =	vst.add.f32.msk $0xffff, v3  }
0x53d: {  	[tilespmem:s7+$0x0] =	vst.add.f32.msk $0xffff, v0  }
0x53e: {  	[tilespmem:s8+$0x0] =	vst.add.f32.msk $0xffff, v1  }
0x53f: {  	s5 =	sld [smem:$0x7F9];
	_ =	sdelay $0x1  }
0x540: {  	s4 =	simm.s32 $0x0  }
0x541: {  	[hbm4b:s5+s4] =	stream.linear.scatter [tilespmem:s20], [sflag:$0xB], $0x4000, $0x38;
	[tilespmem:$0x1C000] =	vst v63  }
0x542: {  	s5 =	simm.s32 $0x0  }
0x543: {  	s12 =	sand.u32 $0x1C00, s4;
	_ =	swait.ge [sflag:s30], $0x4000;
	s6 =	sand.u32 $0x2000, s5  }
0x544: {  	s13 =	sand.u32 $0x380, s4;
	[sflag:s30] =	ssyncset.done $0x0;
	s6 =	sor.u32 s6, s12  }
0x545: {  	[sflag:s30] =	ssyncadd.s32 $0xFFFFC000;
	s6 =	sor.u32 s13, s6  }
0x546: {  	v0 =	vld [tilespmem:s6+$0x4070]  }
0x547: {  	v4 =	vld [tilespmem:s6+$0x4000]  }
0x548: {  	v5 =	vld [tilespmem:s6+$0x4010]  }
0x549: {  	v6 =	vld [tilespmem:s6+$0x4020]  }
0x54a: {  	v2 =	vld [tilespmem:s6+$0x4030]  }
0x54b: {  	v3 =	vld [tilespmem:s6+$0x4040]  }
0x54c: {  	s7 =	sor.u32 $0x18070, s6;
	v1 =	vld [tilespmem:s6+$0x4060]  }
0x54d: {  	[tilespmem:s7+$0x0] =	vst.add.f32.msk $0xffff, v0  }
0x54e: {  	s14 =	sor.u32 $0x18000, s6;
	v0 =	vld [tilespmem:s6+$0x4050]  }
0x54f: {  	s21 =	sor.u32 $0x18010, s6;
	[tilespmem:s14+$0x0] =	vst.add.f32.msk $0xffff, v4  }
0x550: {  	s11 =	sor.u32 $0x18020, s6;
	s10 =	sor.u32 $0x18030, s6;
	s9 =	sor.u32 $0x18040, s6;
	[tilespmem:s21+$0x0] =	vst.add.f32.msk $0xffff, v5  }
0x551: {  	s8 =	sor.u32 $0x18060, s6;
	s7 =	sor.u32 $0x18050, s6;
	[tilespmem:s11+$0x0] =	vst.add.f32.msk $0xffff, v6;
	s6 =	simm.s32 $0x0  }
.LBB2_60:
0x552: {  	s5 =	sadd.s32 $0x80, s5;
	[tilespmem:s10+$0x0] =	vst.add.f32.msk $0xffff, v2;
	s4 =	sadd.s32 $0x400, s4  }
0x553: {  	s6 =	sadd.s32 $0x10, s6;
	s10 =	sand.u32 $0x2000, s5;
	s11 =	sand.u32 $0x1C00, s4;
	[tilespmem:s9+$0x0] =	vst.add.f32.msk $0xffff, v3  }
0x554: {  	p0 =	slt.u32 s5, $0x3F80;
	s9 =	sor.u32 s10, s11;
	s10 =	sand.u32 $0x380, s6;
	[tilespmem:s7+$0x0] =	vst.add.f32.msk $0xffff, v0  }
0x555: {  	s11 =	sor.u32 s10, s9;
	[tilespmem:s8+$0x0] =	vst.add.f32.msk $0xffff, v1  }
0x556: {  	s12 =	sor.u32 $0x18000, s11;
	s13 =	sor.u32 $0x18010, s11;
	s14 =	sor.u32 $0x18020, s11;
	v0 =	vld [tilespmem:s11+$0x4070]  }
0x557: {  	s10 =	sor.u32 $0x18030, s11;
	s9 =	sor.u32 $0x18040, s11;
	s7 =	sor.u32 $0x18050, s11;
	v4 =	vld [tilespmem:s11+$0x4000]  }
0x558: {  	s8 =	sor.u32 $0x18060, s11;
	v5 =	vld [tilespmem:s11+$0x4010]  }
0x559: {  	v6 =	vld [tilespmem:s11+$0x4020]  }
0x55a: {  	s21 =	sor.u32 $0x18070, s11;
	v2 =	vld [tilespmem:s11+$0x4030]  }
0x55b: {  	[tilespmem:s21+$0x0] =	vst.add.f32.msk $0xffff, v0  }
0x55c: {  	v3 =	vld [tilespmem:s11+$0x4040]  }
.Ltmp29:
0x55d: {  	v0 =	vld [tilespmem:s11+$0x4050];
	(pc) =	sbr.rel @p0 .LBB2_60-.Ltmp29, $4  }
0x55e: {  	v1 =	vld [tilespmem:s11+$0x4060]  }
0x55f: {  	[tilespmem:s12+$0x0] =	vst.add.f32.msk $0xffff, v4  }
0x560: {  	[tilespmem:s13+$0x0] =	vst.add.f32.msk $0xffff, v5  }
0x561: {  	[tilespmem:s14+$0x0] =	vst.add.f32.msk $0xffff, v6  }
0x562: {  	[tilespmem:s10+$0x0] =	vst.add.f32.msk $0xffff, v2  }
0x563: {  	[tilespmem:s9+$0x0] =	vst.add.f32.msk $0xffff, v3  }
0x564: {  	[tilespmem:s7+$0x0] =	vst.add.f32.msk $0xffff, v0  }
0x565: {  	[tilespmem:s8+$0x0] =	vst.add.f32.msk $0xffff, v1  }
0x566: {  	s5 =	sld [smem:$0x7FA];
	_ =	sdelay $0x1  }
0x567: {  	s4 =	simm.s32 $0x0  }
0x568: {  	[hbm4b:s5+s4] =	stream.linear.scatter [tilespmem:s23], [sflag:$0xC], $0x4000, $0x38;
	[tilespmem:$0x1C000] =	vst v63  }
0x569: {  	s5 =	simm.s32 $0x0  }
0x56a: {  	s12 =	sand.u32 $0x1C00, s4;
	_ =	swait.ge [sflag:s19], $0x4000;
	s6 =	sand.u32 $0x2000, s5  }
0x56b: {  	s13 =	sand.u32 $0x380, s4;
	[sflag:s19] =	ssyncset.done $0x0;
	s6 =	sor.u32 s6, s12  }
0x56c: {  	[sflag:s19] =	ssyncadd.s32 $0xFFFFC000;
	s6 =	sor.u32 s13, s6  }
0x56d: {  	v0 =	vld [tilespmem:s6+$0x4070]  }
0x56e: {  	v4 =	vld [tilespmem:s6+$0x4000]  }
0x56f: {  	v5 =	vld [tilespmem:s6+$0x4010]  }
0x570: {  	v6 =	vld [tilespmem:s6+$0x4020]  }
0x571: {  	v2 =	vld [tilespmem:s6+$0x4030]  }
0x572: {  	v3 =	vld [tilespmem:s6+$0x4040]  }
0x573: {  	s7 =	sor.u32 $0x8070, s6;
	v1 =	vld [tilespmem:s6+$0x4060]  }
0x574: {  	[tilespmem:s7+$0x0] =	vst.add.f32.msk $0xffff, v0  }
0x575: {  	s14 =	sor.u32 $0x8000, s6;
	v0 =	vld [tilespmem:s6+$0x4050]  }
0x576: {  	s21 =	sor.u32 $0x8010, s6;
	[tilespmem:s14+$0x0] =	vst.add.f32.msk $0xffff, v4  }
0x577: {  	s11 =	sor.u32 $0x8020, s6;
	s10 =	sor.u32 $0x8030, s6;
	s9 =	sor.u32 $0x8040, s6;
	[tilespmem:s21+$0x0] =	vst.add.f32.msk $0xffff, v5  }
0x578: {  	s8 =	sor.u32 $0x8060, s6;
	s7 =	sor.u32 $0x8050, s6;
	[tilespmem:s11+$0x0] =	vst.add.f32.msk $0xffff, v6;
	s6 =	simm.s32 $0x0  }
.LBB2_62:
0x579: {  	s5 =	sadd.s32 $0x80, s5;
	[tilespmem:s10+$0x0] =	vst.add.f32.msk $0xffff, v2;
	s4 =	sadd.s32 $0x400, s4  }
0x57a: {  	s6 =	sadd.s32 $0x10, s6;
	s10 =	sand.u32 $0x2000, s5;
	s11 =	sand.u32 $0x1C00, s4;
	[tilespmem:s9+$0x0] =	vst.add.f32.msk $0xffff, v3  }
0x57b: {  	p0 =	slt.u32 s5, $0x3F80;
	s9 =	sor.u32 s10, s11;
	s10 =	sand.u32 $0x380, s6;
	[tilespmem:s7+$0x0] =	vst.add.f32.msk $0xffff, v0  }
0x57c: {  	s11 =	sor.u32 s10, s9;
	[tilespmem:s8+$0x0] =	vst.add.f32.msk $0xffff, v1  }
0x57d: {  	s12 =	sor.u32 $0x8000, s11;
	s13 =	sor.u32 $0x8010, s11;
	s14 =	sor.u32 $0x8020, s11;
	v0 =	vld [tilespmem:s11+$0x4070]  }
0x57e: {  	s10 =	sor.u32 $0x8030, s11;
	s9 =	sor.u32 $0x8040, s11;
	s7 =	sor.u32 $0x8050, s11;
	v4 =	vld [tilespmem:s11+$0x4000]  }
0x57f: {  	s8 =	sor.u32 $0x8060, s11;
	v5 =	vld [tilespmem:s11+$0x4010]  }
0x580: {  	v6 =	vld [tilespmem:s11+$0x4020]  }
0x581: {  	s21 =	sor.u32 $0x8070, s11;
	v2 =	vld [tilespmem:s11+$0x4030]  }
0x582: {  	[tilespmem:s21+$0x0] =	vst.add.f32.msk $0xffff, v0  }
0x583: {  	v3 =	vld [tilespmem:s11+$0x4040]  }
.Ltmp30:
0x584: {  	v0 =	vld [tilespmem:s11+$0x4050];
	(pc) =	sbr.rel @p0 .LBB2_62-.Ltmp30, $4  }
0x585: {  	v1 =	vld [tilespmem:s11+$0x4060]  }
0x586: {  	[tilespmem:s12+$0x0] =	vst.add.f32.msk $0xffff, v4  }
0x587: {  	[tilespmem:s13+$0x0] =	vst.add.f32.msk $0xffff, v5  }
0x588: {  	[tilespmem:s14+$0x0] =	vst.add.f32.msk $0xffff, v6  }
0x589: {  	[tilespmem:s10+$0x0] =	vst.add.f32.msk $0xffff, v2  }
0x58a: {  	[tilespmem:s9+$0x0] =	vst.add.f32.msk $0xffff, v3  }
0x58b: {  	[tilespmem:s7+$0x0] =	vst.add.f32.msk $0xffff, v0  }
0x58c: {  	[tilespmem:s8+$0x0] =	vst.add.f32.msk $0xffff, v1  }
0x58d: {  	s5 =	sld [smem:$0x7FB];
	_ =	sdelay $0x1  }
0x58e: {  	s4 =	simm.s32 $0x0  }
0x58f: {  	[hbm4b:s5+s4] =	stream.linear.scatter [tilespmem:s15], [sflag:$0x8], $0x4000, $0x38;
	[tilespmem:$0x1C000] =	vst v63  }
0x590: {  	s5 =	simm.s32 $0x0  }
0x591: {  	s12 =	sand.u32 $0x1C00, s4;
	_ =	swait.ge [sflag:s22], $0x4000;
	s6 =	sand.u32 $0x2000, s5  }
0x592: {  	s13 =	sand.u32 $0x380, s4;
	[sflag:s22] =	ssyncset.done $0x0;
	s6 =	sor.u32 s6, s12  }
0x593: {  	[sflag:s22] =	ssyncadd.s32 $0xFFFFC000;
	s6 =	sor.u32 s13, s6  }
0x594: {  	v0 =	vld [tilespmem:s6+$0x4070]  }
0x595: {  	v4 =	vld [tilespmem:s6+$0x4000]  }
0x596: {  	v5 =	vld [tilespmem:s6+$0x4010]  }
0x597: {  	v6 =	vld [tilespmem:s6+$0x4020]  }
0x598: {  	v2 =	vld [tilespmem:s6+$0x4030]  }
0x599: {  	v3 =	vld [tilespmem:s6+$0x4040]  }
0x59a: {  	s7 =	sor.u32 $0xC070, s6;
	v1 =	vld [tilespmem:s6+$0x4060]  }
0x59b: {  	[tilespmem:s7+$0x0] =	vst.add.f32.msk $0xffff, v0  }
0x59c: {  	s14 =	sor.u32 $0xC000, s6;
	v0 =	vld [tilespmem:s6+$0x4050]  }
0x59d: {  	s21 =	sor.u32 $0xC010, s6;
	[tilespmem:s14+$0x0] =	vst.add.f32.msk $0xffff, v4  }
0x59e: {  	s11 =	sor.u32 $0xC020, s6;
	s10 =	sor.u32 $0xC030, s6;
	s9 =	sor.u32 $0xC040, s6;
	[tilespmem:s21+$0x0] =	vst.add.f32.msk $0xffff, v5  }
0x59f: {  	s8 =	sor.u32 $0xC060, s6;
	s7 =	sor.u32 $0xC050, s6;
	[tilespmem:s11+$0x0] =	vst.add.f32.msk $0xffff, v6;
	s6 =	simm.s32 $0x0  }
.LBB2_64:
0x5a0: {  	s5 =	sadd.s32 $0x80, s5;
	[tilespmem:s10+$0x0] =	vst.add.f32.msk $0xffff, v2;
	s4 =	sadd.s32 $0x400, s4  }
0x5a1: {  	s6 =	sadd.s32 $0x10, s6;
	s10 =	sand.u32 $0x2000, s5;
	s11 =	sand.u32 $0x1C00, s4;
	[tilespmem:s9+$0x0] =	vst.add.f32.msk $0xffff, v3  }
0x5a2: {  	p0 =	slt.u32 s5, $0x3F80;
	s9 =	sor.u32 s10, s11;
	s10 =	sand.u32 $0x380, s6;
	[tilespmem:s7+$0x0] =	vst.add.f32.msk $0xffff, v0  }
0x5a3: {  	s11 =	sor.u32 s10, s9;
	[tilespmem:s8+$0x0] =	vst.add.f32.msk $0xffff, v1  }
0x5a4: {  	s12 =	sor.u32 $0xC000, s11;
	s13 =	sor.u32 $0xC010, s11;
	s14 =	sor.u32 $0xC020, s11;
	v0 =	vld [tilespmem:s11+$0x4070]  }
0x5a5: {  	s10 =	sor.u32 $0xC030, s11;
	s9 =	sor.u32 $0xC040, s11;
	s7 =	sor.u32 $0xC050, s11;
	v4 =	vld [tilespmem:s11+$0x4000]  }
0x5a6: {  	s8 =	sor.u32 $0xC060, s11;
	v5 =	vld [tilespmem:s11+$0x4010]  }
0x5a7: {  	v6 =	vld [tilespmem:s11+$0x4020]  }
0x5a8: {  	s21 =	sor.u32 $0xC070, s11;
	v2 =	vld [tilespmem:s11+$0x4030]  }
0x5a9: {  	[tilespmem:s21+$0x0] =	vst.add.f32.msk $0xffff, v0  }
0x5aa: {  	v3 =	vld [tilespmem:s11+$0x4040]  }
.Ltmp31:
0x5ab: {  	v0 =	vld [tilespmem:s11+$0x4050];
	(pc) =	sbr.rel @p0 .LBB2_64-.Ltmp31, $4  }
0x5ac: {  	v1 =	vld [tilespmem:s11+$0x4060]  }
0x5ad: {  	[tilespmem:s12+$0x0] =	vst.add.f32.msk $0xffff, v4  }
0x5ae: {  	[tilespmem:s13+$0x0] =	vst.add.f32.msk $0xffff, v5  }
0x5af: {  	[tilespmem:s14+$0x0] =	vst.add.f32.msk $0xffff, v6  }
0x5b0: {  	[tilespmem:s10+$0x0] =	vst.add.f32.msk $0xffff, v2  }
0x5b1: {  	[tilespmem:s9+$0x0] =	vst.add.f32.msk $0xffff, v3  }
0x5b2: {  	[tilespmem:s7+$0x0] =	vst.add.f32.msk $0xffff, v0  }
0x5b3: {  	[tilespmem:s8+$0x0] =	vst.add.f32.msk $0xffff, v1  }
0x5b4: {  	s4 =	sld [smem:$0x7FC];
	_ =	sdelay $0x2  }
0x5b5: {  	[hbm4b:s4+s1] =	stream.linear.scatter [tilespmem:s16], [sflag:$0x9], $0x4000, $0x38;
	[tilespmem:$0x1C000] =	vst v63  }
0x5b6: {  	_ =	swait.ge [sflag:s25], $0x4000  }
0x5b7: {  	[sflag:s25] =	ssyncset.done $0x0  }
0x5b8: {  	[sflag:s25] =	ssyncadd.s32 $0xFFFFC000  }
0x5b9: {  	_ =	swait.ge [sflag:s28], $0x4000  }
0x5ba: {  	[sflag:s28] =	ssyncset.done $0x0  }
0x5bb: {  	[sflag:s28] =	ssyncadd.s32 $0xFFFFC000  }
0x5bc: {  	_ =	swait.ge [sflag:s31], $0x4000  }
0x5bd: {  	[sflag:s31] =	ssyncset.done $0x0  }
0x5be: {  	[sflag:s31] =	ssyncadd.s32 $0xFFFFC000  }
0x5bf: {  	_ =	swait.ge [sflag:s0], $0x4000  }
0x5c0: {  	[sflag:s0] =	ssyncset.done $0x0  }
0x5c1: {  	[sflag:s0] =	ssyncadd.s32 $0xFFFFC000  }
0x5c2: {  	_ =	swait.ge [sflag:s2], $0x4000  }
0x5c3: {  	s21 =	sld [smem:$0x7FD];
	_ =	sdelay $0x1  }
0x5c4: {  	s3 =	sadd.s32 $0x1, s3  }
0x5c5: {  	p0 =	sne.s32 s3, s21  }
.Ltmp32:
0x5c6: {  	_ = 	snop;
	(pc) =	sbr.rel @p0 .LBB2_1-.Ltmp32, $3  }
0x5c7: {  	_ =	sdelay $0x1  }
0x5c8: {  	[sflag:s2] =	ssyncset.done $0x0  }
0x5c9: {  	[sflag:s2] =	ssyncadd.s32 $0xFFFFC000  }
0x5ca: {  	_ =	sfence.sel $0x180000  }
0x5cb: {  	[bflag:$0x0] =	sbarrier.arrive $0xFFFF  }
0x5cc: {  	_ =	strace $0x90000047  }
0x5cd: {  	s0 =	stileid.u32;
	[bflag:$0x2] =	sbarrier.arrive $0xFFFF  }
0x5ce: {  	p0 =	sne.s32 s0, $0x0;
	s0 =	rddreg [dreg:$0x3]  }
0x5cf: {  	s0 =	sadd.s32 @!p0 $0x100000, s0  }
0x5d0: {  	[sflag:s0] =	ssyncadd.tile.s32 @!p0 $0x1;
	_ =	shalt  }
.Lfunc_end2:
_tile_overlayer_lowered:
.L_overlay_start_2:
0x5d1: {  	(tag) =	ssettag $0x2  }
0x5d2: {  	s0 =	rddreg [dreg:$0x0];
	s2 =	stileid.u32  }
0x5d3: {  	s1 =	rddreg [dreg:$0x1];
	p0 =	sne.s32 s2, $0x0  }
0x5d4: {  	s3 =	rddreg [dreg:$0x2];
	[bflag:$0x3] =	sbarrier.arrive $0xFFFF;
	s2 =	simm.s32 @!p0 $0x1C0D  }
0x5d5: {  	[timem:s3], [sflag:s2] =	dma.local @!p0 [hbm:s0], s1  }
0x5d6: {  	s0 =	simm.s32 @!p0 $0xD  }
0x5d7: {  	_ =	swait.ge @!p0 [sflag:s0], s1  }
0x5d8: {  	s1 =	ssub.s32 @!p0 $0x0, s1;
	[sflag:s0] =	ssyncset.done @!p0 $0x0  }
0x5d9: {  	[sflag:s0] =	ssyncadd.s32 @!p0 s1  }
0x5da: {  	[bflag:$0x3] =	sbarrier.arrive $0xFFFF  }
0x5db: {  	_ =	shalt  }

</sc_bundles>
